<compile_context>
chip_gen: v7x
topology: tpu7x:2x2x1
jax: 0.10.2.dev20260603
libtpu: 0.0.44.dev20260713+nightly
codegen_flags: <defaults>
</compile_context>

<pallas_src>
import functools

import jax
import jax.numpy as jnp
from jax import lax
from jax.experimental import pallas as pl
from jax.experimental.pallas import tpu as pltpu
from jax.experimental.pallas import tpu_sc as plsc

NC = 2
NS = 16
L = 16
NW = NC * NS

G = 128
EMBED = 64
PAIR = 2 * EMBED
XCOLS = 2944
NBLK = 17
SPLIT = NBLK * XCOLS


def _pack_body(ua_ref, ub_ref, ma_ref, mb_ref, pu_ref, pm_ref):
  r = lax.broadcasted_iota(jnp.int32, (PAIR, PAIR), 0)
  c = lax.broadcasted_iota(jnp.int32, (PAIR, PAIR), 1)
  eye = (r == c).astype(jnp.bfloat16)
  dn = (((0,), (0,)), ((), ()))

  def t(x):
    h = x.astype(jnp.bfloat16)
    r1 = x - h.astype(jnp.float32)
    m = r1.astype(jnp.bfloat16)
    lo = (r1 - m.astype(jnp.float32)).astype(jnp.bfloat16)
    ph = lax.dot_general(h, eye, dn, preferred_element_type=jnp.float32)
    pm = lax.dot_general(m, eye, dn, preferred_element_type=jnp.float32)
    pl_ = lax.dot_general(lo, eye, dn, preferred_element_type=jnp.float32)
    return (ph + pm) + pl_

  pu_ref[...] = t(jnp.concatenate([ua_ref[...], ub_ref[...]], axis=0))
  pm_ref[...] = t(jnp.concatenate([ma_ref[...], mb_ref[...]], axis=0))


def _tc_pack(ue_t, me_t):
  lo = pl.BlockSpec((EMBED, XCOLS), lambda b: (0, b))
  hi = pl.BlockSpec((EMBED, XCOLS), lambda b: (0, b + NBLK))
  out = pl.BlockSpec((XCOLS, PAIR), lambda b: (b, 0))
  return pl.pallas_call(
      _pack_body,
      grid=(NBLK,),
      in_specs=[lo, hi, lo, hi],
      out_specs=[out, out],
      out_shape=[jax.ShapeDtypeStruct((SPLIT, PAIR), jnp.float32)] * 2,
  )(ue_t, ue_t, me_t, me_t)


def _sc_gather_dot(idxv, pu64, pm64, ub_flat, mb_flat, batch):
  chunk = batch // NW
  nsplit = chunk // G
  mesh = plsc.VectorSubcoreMesh(core_axis_name="c", subcore_axis_name="s")

  @functools.partial(
      pl.kernel,
      out_type=(
          jax.ShapeDtypeStruct((NW, L), jnp.float32),
          jax.ShapeDtypeStruct((batch // G, G), jnp.float32)
      ),
      mesh=mesh,
      compiler_params=pltpu.CompilerParams(use_tc_tiling_on_sc=False),
      scratch_types=[
          pltpu.VMEM((nsplit, G), jnp.int32),
          pltpu.VMEM((nsplit, G), jnp.int32),
          pltpu.VMEM((nsplit, G), jnp.int32),
          pltpu.VMEM((nsplit, G), jnp.int32),
          pltpu.VMEM((chunk, EMBED), jnp.float32),
          pltpu.VMEM((2, G, EMBED), jnp.float32),
          pltpu.VMEM((nsplit, G), jnp.float32),
          pltpu.VMEM((nsplit, G), jnp.float32),
          pltpu.VMEM((L,), jnp.float32),
          pltpu.SemaphoreType.DMA,
          pltpu.SemaphoreType.DMA,
          pltpu.SemaphoreType.DMA,
      ],
  )
  def k1(idx_hbm, pu_hbm, pm_hbm, ub_hbm, mb_hbm,
         part_hbm, bsum_hbm,
         uidx_v, midx_v, urow_v, mrow_v, urows_v, mrows_v, ubv, mbv, accv,
         sem_u, sem_m, sem_b):
    wid = lax.axis_index("s") * NC + lax.axis_index("c")
    row0 = wid * nsplit
    pltpu.sync_copy(idx_hbm.at[pl.ds(row0, nsplit), 0], uidx_v)
    pltpu.sync_copy(idx_hbm.at[pl.ds(row0, nsplit), 1], midx_v)

    for j in range(nsplit):
      for s in range(G // L):
        sl = pl.ds(s * L, L)
        u = uidx_v[j, sl]
        urow_v[j, sl] = 2 * u - jnp.where(u >= SPLIT, 2 * SPLIT - 1, 0)
        m = midx_v[j, sl]
        mrow_v[j, sl] = 2 * m - jnp.where(m >= SPLIT, 2 * SPLIT - 1, 0)

    u_copies = [
        pltpu.async_copy(pu_hbm.at[urow_v.at[j]],
                         urows_v.at[pl.ds(j * G, G)], sem_u)
        for j in range(nsplit)
    ]

    def gather_m(j, buf):
      return pltpu.async_copy(pm_hbm.at[mrow_v.at[j]], mrows_v.at[buf], sem_m)

    pend = gather_m(0, 0)
    bias_copies = []
    for j in range(nsplit):
      bias_copies.append(pltpu.async_copy(
          ub_hbm.at[uidx_v.at[j]], ubv.at[j], sem_b))
      bias_copies.append(pltpu.async_copy(
          mb_hbm.at[midx_v.at[j]], mbv.at[j], sem_b))

    zero = jnp.zeros((L,), jnp.float32)
    acc = (zero, zero, zero, zero)
    for j in range(nsplit):
      buf = j % 2
      u_copies[j].wait()
      pend.wait()
      if j + 1 < nsplit:
        pend = gather_m(j + 1, (j + 1) % 2)

      def dot_body(i, accs):
        a0, a1, a2, a3 = accs
        a0 = a0 + (urows_v[j * G + i, pl.ds(0, L)]
                   * mrows_v[buf, i, pl.ds(0, L)])
        a1 = a1 + (urows_v[j * G + i, pl.ds(L, L)]
                   * mrows_v[buf, i, pl.ds(L, L)])
        a2 = a2 + (urows_v[j * G + i, pl.ds(2 * L, L)]
                   * mrows_v[buf, i, pl.ds(2 * L, L)])
        a3 = a3 + (urows_v[j * G + i, pl.ds(3 * L, L)]
                   * mrows_v[buf, i, pl.ds(3 * L, L)])
        return (a0, a1, a2, a3)

      acc = lax.fori_loop(0, G, dot_body, acc, unroll=4)

    for c in bias_copies:
      c.wait()
    for j in range(nsplit):
      for s in range(G // L):
        sl = pl.ds(s * L, L)
        ubv[j, sl] = ubv[j, sl] + mbv[j, sl]
    pltpu.sync_copy(ubv, bsum_hbm.at[pl.ds(row0, nsplit)])

    accv[...] = (acc[0] + acc[1]) + (acc[2] + acc[3])
    pltpu.sync_copy(accv, part_hbm.at[wid])

  return k1(idxv, pu64, pm64, ub_flat, mb_flat)


def _tc_finish(part_ref, bsum_ref, out_ref):
  s = jnp.sum(part_ref[...])
  out_ref[...] = jax.nn.sigmoid(bsum_ref[...] + s)


def kernel(inputs, user_embedding, user_bias, movie_embedding, movie_bias):
  batch = inputs.shape[0]
  idxv = inputs.reshape(batch // G, G, 2).transpose(0, 2, 1)
  ub_flat = user_bias.reshape(-1)
  mb_flat = movie_bias.reshape(-1)

  pu, pm = _tc_pack(user_embedding.T, movie_embedding.T)
  pu64 = pu.reshape(2 * SPLIT, EMBED)
  pm64 = pm.reshape(2 * SPLIT, EMBED)

  partials, bsum = _sc_gather_dot(
      idxv, pu64, pm64, ub_flat, mb_flat, batch)

  out = pl.pallas_call(
      _tc_finish,
      out_shape=jax.ShapeDtypeStruct(bsum.shape, jnp.float32),
  )(partials, bsum)
  return out.reshape(batch, 1)

# --- scband reference (transcript-rebuilt; emitter-appended) ---
"""Pipeline reference for scband-recommender-net-65008624993049 (READ-ONLY COPY).

The authoritative reference and input builder live on the scoring server;
editing this copy changes nothing except your own understanding.
"""

import jax, jax.numpy as jnp
import numpy as np

NUM_USERS = 100000
NUM_MOVIES = 100000
EMBED = 64
BATCH = 16384

def setup_inputs(seed: int = 0) -> dict:
    key = jax.random.key(seed)
    k_idx, k_ue, k_me, k_ub, k_mb = jax.random.split(key, 5)
    inputs = jax.random.randint(k_idx, (BATCH, 2), 0, NUM_USERS, dtype=jnp.int32)
    # he_normal init: std = sqrt(2 / fan_in); Keras Embedding fan_in = num_rows per he_normal semantics,
    # but a simple scaled normal is faithful enough for numerics.
    user_embedding = jax.random.normal(k_ue, (NUM_USERS, EMBED), dtype=jnp.float32) * jnp.sqrt(2.0 / EMBED)
    movie_embedding = jax.random.normal(k_me, (NUM_MOVIES, EMBED), dtype=jnp.float32) * jnp.sqrt(2.0 / EMBED)
    user_bias = jax.random.normal(k_ub, (NUM_USERS, 1), dtype=jnp.float32) * 0.01
    movie_bias = jax.random.normal(k_mb, (NUM_MOVIES, 1), dtype=jnp.float32) * 0.01
    return {
        "inputs": inputs,
        "user_embedding": user_embedding,
        "user_bias": user_bias,
        "movie_embedding": movie_embedding,
        "movie_bias": movie_bias,
    }

def reference(inputs, user_embedding, user_bias, movie_embedding, movie_bias):
    # Faithful translation of RecommenderNet.call
    user_vector = jnp.take(user_embedding, inputs[:, 0], axis=0)      # [B, D]
    user_b = jnp.take(user_bias, inputs[:, 0], axis=0)                # [B, 1]
    movie_vector = jnp.take(movie_embedding, inputs[:, 1], axis=0)    # [B, D]
    movie_b = jnp.take(movie_bias, inputs[:, 1], axis=0)              # [B, 1]
    # tf.tensordot(a, b, 2) contracts the last 2 axes of a with the first 2 of b -> scalar
    dot_user_movie = jnp.tensordot(user_vector, movie_vector, axes=2)
    x = dot_user_movie + user_b + movie_b                              # broadcasts scalar -> [B, 1]
    return jax.nn.sigmoid(x)

if __name__ == "__main__":
    import jax
    _d = setup_inputs()
    print(jax.jit(kernel)(*tuple(_d.values())))

</pallas_src>

<mosaic_0001>
#map = affine_map<(d0, d1) -> (0, 0, 0)>
#map1 = affine_map<(d0, d1) -> (0, 0)>
#map2 = affine_map<(d0, d1) -> (0)>
module attributes {stable_mosaic.version = 14 : i64} {
  func.func @k1(%arg0: i32, %arg1: i32, %arg2: memref<128x2x128xi32, #tpu.memory_space<hbm>>, %arg3: memref<100096x64xf32, #tpu.memory_space<hbm>>, %arg4: memref<100096x64xf32, #tpu.memory_space<hbm>>, %arg5: memref<100000xf32, #tpu.memory_space<hbm>>, %arg6: memref<100000xf32, #tpu.memory_space<hbm>>, %arg7: memref<32x16xf32, #tpu.memory_space<hbm>>, %arg8: memref<128x128xf32, #tpu.memory_space<hbm>>, %arg9: memref<4x128xi32, #tpu.memory_space<vmem>>, %arg10: memref<4x128xi32, #tpu.memory_space<vmem>>, %arg11: memref<4x128xi32, #tpu.memory_space<vmem>>, %arg12: memref<4x128xi32, #tpu.memory_space<vmem>>, %arg13: memref<512x64xf32, #tpu.memory_space<vmem>>, %arg14: memref<2x128x64xf32, #tpu.memory_space<vmem>>, %arg15: memref<4x128xf32, #tpu.memory_space<vmem>>, %arg16: memref<4x128xf32, #tpu.memory_space<vmem>>, %arg17: memref<16xf32, #tpu.memory_space<vmem>>, %arg18: memref<!tpu.dma_semaphore, #tpu.memory_space<semaphore_mem>>, %arg19: memref<!tpu.dma_semaphore, #tpu.memory_space<semaphore_mem>>, %arg20: memref<!tpu.dma_semaphore, #tpu.memory_space<semaphore_mem>>) attributes {dimension_semantics = [#tpu.dimension_semantics<core_parallel>, #tpu.dimension_semantics<subcore_parallel>], iteration_bounds = array<i64: 2, 16>, scalar_prefetch = 0 : i64, scratch_operands = 12 : i64, tpu.core_type = #tpu.core_type<sc_vector_subcore>, window_params = [{transform_indices = #map}, {transform_indices = #map1}, {transform_indices = #map1}, {transform_indices = #map2}, {transform_indices = #map2}, {transform_indices = #map1}, {transform_indices = #map1}]} {
    %mul3A = arith.constant 2 : i32
    %mul3A_0 = arith.muli %arg1, %mul3A : i32
    %add3A = arith.addi %mul3A_0, %arg0 : i32
    %mul3A_1 = arith.constant 4 : i32
    %mul3A_2 = arith.muli %add3A, %mul3A_1 : i32
    %run_scoped3A = arith.constant 0 : i32
    "tpu.region"() ({
      %run_scoped3A_2379 = tpu.sem_alloc : memref<!tpu.dma_semaphore, #tpu.memory_space<semaphore_mem>>
      %dma_start3A_2380 = arith.constant 0 : i32
      %dma_start3A_2381 = tpu.memref_slice %arg2[%mul3A_2, %run_scoped3A, %dma_start3A_2380] : memref<128x2x128xi32, #tpu.memory_space<hbm>> -> memref<4x1x128xi32, #tpu.memory_space<hbm>>
      %dma_start3A_2382 = tpu.memref_squeeze %dma_start3A_2381 : memref<4x1x128xi32, #tpu.memory_space<hbm>> -> memref<4x128xi32, #tpu.memory_space<hbm>>
      %dma_start3A_2383 = arith.constant 0 : i32
      %dma_start3A_2384 = tpu.memref_slice %arg2[%mul3A_2, %run_scoped3A, %dma_start3A_2383] : memref<128x2x128xi32, #tpu.memory_space<hbm>> -> memref<4x1x128xi32, #tpu.memory_space<hbm>>
      %dma_start3A_2385 = tpu.memref_squeeze %dma_start3A_2384 : memref<4x1x128xi32, #tpu.memory_space<hbm>> -> memref<4x128xi32, #tpu.memory_space<hbm>>
      tpu.enqueue_dma source(%dma_start3A_2385 : memref<4x128xi32, #tpu.memory_space<hbm>>) target(%arg9 : memref<4x128xi32, #tpu.memory_space<vmem>>) target_semaphore(%run_scoped3A_2379 : memref<!tpu.dma_semaphore, #tpu.memory_space<semaphore_mem>>)
      %dma_wait3A_2386 = arith.constant 0 : i32
      %dma_wait3A_2387 = tpu.memref_slice %arg2[%mul3A_2, %run_scoped3A, %dma_wait3A_2386] : memref<128x2x128xi32, #tpu.memory_space<hbm>> -> memref<4x1x128xi32, #tpu.memory_space<hbm>>
      %dma_wait3A_2388 = tpu.memref_squeeze %dma_wait3A_2387 : memref<4x1x128xi32, #tpu.memory_space<hbm>> -> memref<4x128xi32, #tpu.memory_space<hbm>>
      %dma_wait3A_2389 = arith.constant 0 : i32
      %dma_wait3A_2390 = tpu.memref_slice %arg2[%mul3A_2, %run_scoped3A, %dma_wait3A_2389] : memref<128x2x128xi32, #tpu.memory_space<hbm>> -> memref<4x1x128xi32, #tpu.memory_space<hbm>>
      %dma_wait3A_2391 = tpu.memref_squeeze %dma_wait3A_2390 : memref<4x1x128xi32, #tpu.memory_space<hbm>> -> memref<4x128xi32, #tpu.memory_space<hbm>>
      tpu.wait_dma2 semaphore(%run_scoped3A_2379 : memref<!tpu.dma_semaphore, #tpu.memory_space<semaphore_mem>>) src(%dma_wait3A_2391 : memref<4x128xi32, #tpu.memory_space<hbm>>) dst(%arg9 : memref<4x128xi32, #tpu.memory_space<vmem>>)
      tpu.yield
    }) : () -> ()
    %run_scoped3A_3 = arith.constant 1 : i32
    "tpu.region"() ({
      %run_scoped3A_2379 = tpu.sem_alloc : memref<!tpu.dma_semaphore, #tpu.memory_space<semaphore_mem>>
      %dma_start3A_2380 = arith.constant 0 : i32
      %dma_start3A_2381 = tpu.memref_slice %arg2[%mul3A_2, %run_scoped3A_3, %dma_start3A_2380] : memref<128x2x128xi32, #tpu.memory_space<hbm>> -> memref<4x1x128xi32, #tpu.memory_space<hbm>>
      %dma_start3A_2382 = tpu.memref_squeeze %dma_start3A_2381 : memref<4x1x128xi32, #tpu.memory_space<hbm>> -> memref<4x128xi32, #tpu.memory_space<hbm>>
      %dma_start3A_2383 = arith.constant 0 : i32
      %dma_start3A_2384 = tpu.memref_slice %arg2[%mul3A_2, %run_scoped3A_3, %dma_start3A_2383] : memref<128x2x128xi32, #tpu.memory_space<hbm>> -> memref<4x1x128xi32, #tpu.memory_space<hbm>>
      %dma_start3A_2385 = tpu.memref_squeeze %dma_start3A_2384 : memref<4x1x128xi32, #tpu.memory_space<hbm>> -> memref<4x128xi32, #tpu.memory_space<hbm>>
      tpu.enqueue_dma source(%dma_start3A_2385 : memref<4x128xi32, #tpu.memory_space<hbm>>) target(%arg10 : memref<4x128xi32, #tpu.memory_space<vmem>>) target_semaphore(%run_scoped3A_2379 : memref<!tpu.dma_semaphore, #tpu.memory_space<semaphore_mem>>)
      %dma_wait3A_2386 = arith.constant 0 : i32
      %dma_wait3A_2387 = tpu.memref_slice %arg2[%mul3A_2, %run_scoped3A_3, %dma_wait3A_2386] : memref<128x2x128xi32, #tpu.memory_space<hbm>> -> memref<4x1x128xi32, #tpu.memory_space<hbm>>
      %dma_wait3A_2388 = tpu.memref_squeeze %dma_wait3A_2387 : memref<4x1x128xi32, #tpu.memory_space<hbm>> -> memref<4x128xi32, #tpu.memory_space<hbm>>
      %dma_wait3A_2389 = arith.constant 0 : i32
      %dma_wait3A_2390 = tpu.memref_slice %arg2[%mul3A_2, %run_scoped3A_3, %dma_wait3A_2389] : memref<128x2x128xi32, #tpu.memory_space<hbm>> -> memref<4x1x128xi32, #tpu.memory_space<hbm>>
      %dma_wait3A_2391 = tpu.memref_squeeze %dma_wait3A_2390 : memref<4x1x128xi32, #tpu.memory_space<hbm>> -> memref<4x128xi32, #tpu.memory_space<hbm>>
      tpu.wait_dma2 semaphore(%run_scoped3A_2379 : memref<!tpu.dma_semaphore, #tpu.memory_space<semaphore_mem>>) src(%dma_wait3A_2391 : memref<4x128xi32, #tpu.memory_space<hbm>>) dst(%arg10 : memref<4x128xi32, #tpu.memory_space<vmem>>)
      tpu.yield
    }) : () -> ()
    %get3A = arith.constant 0 : i32
    %get3A_4 = arith.index_cast %get3A : i32 to index
    %get3A_5 = arith.constant 0 : index
    %get3A_6 = tpu.vector_load %arg9[%get3A_4, %get3A_5] {strides = array<i32>} : memref<4x128xi32, #tpu.memory_space<vmem>>, vector<1x16xi32>,
    %get3A_7 = vector.shape_cast %get3A_6 : vector<1x16xi32> to vector<16xi32>
    %mul3A_8 = arith.constant 2 : i32
    %mul3A_9 = vector.broadcast %mul3A_8 : i32 to vector<16xi32>
    %mul3A_10 = arith.muli %mul3A_9, %get3A_7 : vector<16xi32>
    %ge3A = arith.constant 50048 : i32
    %ge3A_11 = vector.broadcast %ge3A : i32 to vector<16xi32>
    %ge3A_12 = arith.cmpi sge, %get3A_7, %ge3A_11 : vector<16xi32>
    %jit3A = arith.constant 100095 : i32
    %jit3A_13 = arith.constant 0 : i32
    %broadcast_in_dim3A = vector.broadcast %jit3A : i32 to vector<16xi32>
    %broadcast_in_dim3A_14 = vector.broadcast %jit3A_13 : i32 to vector<16xi32>
    %select_n3A = arith.select %ge3A_12, %broadcast_in_dim3A, %broadcast_in_dim3A_14 : vector<16xi1>, vector<16xi32>
    %sub3A = arith.subi %mul3A_10, %select_n3A : vector<16xi32>
    %swap3A = arith.constant 0 : i32
    %swap3A_15 = arith.index_cast %swap3A : i32 to index
    %swap3A_16 = arith.constant 0 : index
    %swap3A_17 = tpu.vector_load %arg11[%swap3A_15, %swap3A_16] {strides = array<i32>} : memref<4x128xi32, #tpu.memory_space<vmem>>, vector<1x16xi32>,
    %swap3A_18 = vector.shape_cast %swap3A_17 : vector<1x16xi32> to vector<16xi32>
    %swap3A_19 = vector.shape_cast %sub3A : vector<16xi32> to vector<1x16xi32>
    tpu.vector_store %arg11[%swap3A_15, %swap3A_16], %swap3A_19 {strides = array<i32>} : memref<4x128xi32, #tpu.memory_space<vmem>>, vector<1x16xi32>,
    %get3A_20 = arith.constant 0 : i32
    %get3A_21 = arith.index_cast %get3A_20 : i32 to index
    %get3A_22 = arith.constant 0 : index
    %get3A_23 = tpu.vector_load %arg10[%get3A_21, %get3A_22] {strides = array<i32>} : memref<4x128xi32, #tpu.memory_space<vmem>>, vector<1x16xi32>,
    %get3A_24 = vector.shape_cast %get3A_23 : vector<1x16xi32> to vector<16xi32>
    %mul3A_25 = arith.constant 2 : i32
    %mul3A_26 = vector.broadcast %mul3A_25 : i32 to vector<16xi32>
    %mul3A_27 = arith.muli %mul3A_26, %get3A_24 : vector<16xi32>
    %ge3A_28 = arith.constant 50048 : i32
    %ge3A_29 = vector.broadcast %ge3A_28 : i32 to vector<16xi32>
    %ge3A_30 = arith.cmpi sge, %get3A_24, %ge3A_29 : vector<16xi32>
    %jit3A_31 = arith.constant 100095 : i32
    %jit3A_32 = arith.constant 0 : i32
    %broadcast_in_dim3A_33 = vector.broadcast %jit3A_31 : i32 to vector<16xi32>
    %broadcast_in_dim3A_34 = vector.broadcast %jit3A_32 : i32 to vector<16xi32>
    %select_n3A_35 = arith.select %ge3A_30, %broadcast_in_dim3A_33, %broadcast_in_dim3A_34 : vector<16xi1>, vector<16xi32>
    %sub3A_36 = arith.subi %mul3A_27, %select_n3A_35 : vector<16xi32>
    %swap3A_37 = arith.constant 0 : i32
    %swap3A_38 = arith.index_cast %swap3A_37 : i32 to index
    %swap3A_39 = arith.constant 0 : index
    %swap3A_40 = tpu.vector_load %arg12[%swap3A_38, %swap3A_39] {strides = array<i32>} : memref<4x128xi32, #tpu.memory_space<vmem>>, vector<1x16xi32>,
    %swap3A_41 = vector.shape_cast %swap3A_40 : vector<1x16xi32> to vector<16xi32>
    %swap3A_42 = vector.shape_cast %sub3A_36 : vector<16xi32> to vector<1x16xi32>
    tpu.vector_store %arg12[%swap3A_38, %swap3A_39], %swap3A_42 {strides = array<i32>} : memref<4x128xi32, #tpu.memory_space<vmem>>, vector<1x16xi32>,
    %get3A_43 = arith.constant 0 : i32
    %get3A_44 = arith.index_cast %get3A_43 : i32 to index
    %get3A_45 = arith.constant 16 : index
    %get3A_46 = tpu.vector_load %arg9[%get3A_44, %get3A_45] {strides = array<i32>} : memref<4x128xi32, #tpu.memory_space<vmem>>, vector<1x16xi32>,
    %get3A_47 = vector.shape_cast %get3A_46 : vector<1x16xi32> to vector<16xi32>
    %mul3A_48 = arith.constant 2 : i32
    %mul3A_49 = vector.broadcast %mul3A_48 : i32 to vector<16xi32>
    %mul3A_50 = arith.muli %mul3A_49, %get3A_47 : vector<16xi32>
    %ge3A_51 = arith.constant 50048 : i32
    %ge3A_52 = vector.broadcast %ge3A_51 : i32 to vector<16xi32>
    %ge3A_53 = arith.cmpi sge, %get3A_47, %ge3A_52 : vector<16xi32>
    %jit3A_54 = arith.constant 100095 : i32
    %jit3A_55 = arith.constant 0 : i32
    %broadcast_in_dim3A_56 = vector.broadcast %jit3A_54 : i32 to vector<16xi32>
    %broadcast_in_dim3A_57 = vector.broadcast %jit3A_55 : i32 to vector<16xi32>
    %select_n3A_58 = arith.select %ge3A_53, %broadcast_in_dim3A_56, %broadcast_in_dim3A_57 : vector<16xi1>, vector<16xi32>
    %sub3A_59 = arith.subi %mul3A_50, %select_n3A_58 : vector<16xi32>
    %swap3A_60 = arith.constant 0 : i32
    %swap3A_61 = arith.index_cast %swap3A_60 : i32 to index
    %swap3A_62 = arith.constant 16 : index
    %swap3A_63 = tpu.vector_load %arg11[%swap3A_61, %swap3A_62] {strides = array<i32>} : memref<4x128xi32, #tpu.memory_space<vmem>>, vector<1x16xi32>,
    %swap3A_64 = vector.shape_cast %swap3A_63 : vector<1x16xi32> to vector<16xi32>
    %swap3A_65 = vector.shape_cast %sub3A_59 : vector<16xi32> to vector<1x16xi32>
    tpu.vector_store %arg11[%swap3A_61, %swap3A_62], %swap3A_65 {strides = array<i32>} : memref<4x128xi32, #tpu.memory_space<vmem>>, vector<1x16xi32>,
    %get3A_66 = arith.constant 0 : i32
    %get3A_67 = arith.index_cast %get3A_66 : i32 to index
    %get3A_68 = arith.constant 16 : index
    %get3A_69 = tpu.vector_load %arg10[%get3A_67, %get3A_68] {strides = array<i32>} : memref<4x128xi32, #tpu.memory_space<vmem>>, vector<1x16xi32>,
    %get3A_70 = vector.shape_cast %get3A_69 : vector<1x16xi32> to vector<16xi32>
    %mul3A_71 = arith.constant 2 : i32
    %mul3A_72 = vector.broadcast %mul3A_71 : i32 to vector<16xi32>
    %mul3A_73 = arith.muli %mul3A_72, %get3A_70 : vector<16xi32>
    %ge3A_74 = arith.constant 50048 : i32
    %ge3A_75 = vector.broadcast %ge3A_74 : i32 to vector<16xi32>
    %ge3A_76 = arith.cmpi sge, %get3A_70, %ge3A_75 : vector<16xi32>
    %jit3A_77 = arith.constant 100095 : i32
    %jit3A_78 = arith.constant 0 : i32
    %broadcast_in_dim3A_79 = vector.broadcast %jit3A_77 : i32 to vector<16xi32>
    %broadcast_in_dim3A_80 = vector.broadcast %jit3A_78 : i32 to vector<16xi32>
    %select_n3A_81 = arith.select %ge3A_76, %broadcast_in_dim3A_79, %broadcast_in_dim3A_80 : vector<16xi1>, vector<16xi32>
    %sub3A_82 = arith.subi %mul3A_73, %select_n3A_81 : vector<16xi32>
    %swap3A_83 = arith.constant 0 : i32
    %swap3A_84 = arith.index_cast %swap3A_83 : i32 to index
    %swap3A_85 = arith.constant 16 : index
    %swap3A_86 = tpu.vector_load %arg12[%swap3A_84, %swap3A_85] {strides = array<i32>} : memref<4x128xi32, #tpu.memory_space<vmem>>, vector<1x16xi32>,
    %swap3A_87 = vector.shape_cast %swap3A_86 : vector<1x16xi32> to vector<16xi32>
    %swap3A_88 = vector.shape_cast %sub3A_82 : vector<16xi32> to vector<1x16xi32>
    tpu.vector_store %arg12[%swap3A_84, %swap3A_85], %swap3A_88 {strides = array<i32>} : memref<4x128xi32, #tpu.memory_space<vmem>>, vector<1x16xi32>,
    %get3A_89 = arith.constant 0 : i32
    %get3A_90 = arith.index_cast %get3A_89 : i32 to index
    %get3A_91 = arith.constant 32 : index
    %get3A_92 = tpu.vector_load %arg9[%get3A_90, %get3A_91] {strides = array<i32>} : memref<4x128xi32, #tpu.memory_space<vmem>>, vector<1x16xi32>,
    %get3A_93 = vector.shape_cast %get3A_92 : vector<1x16xi32> to vector<16xi32>
    %mul3A_94 = arith.constant 2 : i32
    %mul3A_95 = vector.broadcast %mul3A_94 : i32 to vector<16xi32>
    %mul3A_96 = arith.muli %mul3A_95, %get3A_93 : vector<16xi32>
    %ge3A_97 = arith.constant 50048 : i32
    %ge3A_98 = vector.broadcast %ge3A_97 : i32 to vector<16xi32>
    %ge3A_99 = arith.cmpi sge, %get3A_93, %ge3A_98 : vector<16xi32>
    %jit3A_100 = arith.constant 100095 : i32
    %jit3A_101 = arith.constant 0 : i32
    %broadcast_in_dim3A_102 = vector.broadcast %jit3A_100 : i32 to vector<16xi32>
    %broadcast_in_dim3A_103 = vector.broadcast %jit3A_101 : i32 to vector<16xi32>
    %select_n3A_104 = arith.select %ge3A_99, %broadcast_in_dim3A_102, %broadcast_in_dim3A_103 : vector<16xi1>, vector<16xi32>
    %sub3A_105 = arith.subi %mul3A_96, %select_n3A_104 : vector<16xi32>
    %swap3A_106 = arith.constant 0 : i32
    %swap3A_107 = arith.index_cast %swap3A_106 : i32 to index
    %swap3A_108 = arith.constant 32 : index
    %swap3A_109 = tpu.vector_load %arg11[%swap3A_107, %swap3A_108] {strides = array<i32>} : memref<4x128xi32, #tpu.memory_space<vmem>>, vector<1x16xi32>,
    %swap3A_110 = vector.shape_cast %swap3A_109 : vector<1x16xi32> to vector<16xi32>
    %swap3A_111 = vector.shape_cast %sub3A_105 : vector<16xi32> to vector<1x16xi32>
    tpu.vector_store %arg11[%swap3A_107, %swap3A_108], %swap3A_111 {strides = array<i32>} : memref<4x128xi32, #tpu.memory_space<vmem>>, vector<1x16xi32>,
    %get3A_112 = arith.constant 0 : i32
    %get3A_113 = arith.index_cast %get3A_112 : i32 to index
    %get3A_114 = arith.constant 32 : index
    %get3A_115 = tpu.vector_load %arg10[%get3A_113, %get3A_114] {strides = array<i32>} : memref<4x128xi32, #tpu.memory_space<vmem>>, vector<1x16xi32>,
    %get3A_116 = vector.shape_cast %get3A_115 : vector<1x16xi32> to vector<16xi32>
    %mul3A_117 = arith.constant 2 : i32
    %mul3A_118 = vector.broadcast %mul3A_117 : i32 to vector<16xi32>
    %mul3A_119 = arith.muli %mul3A_118, %get3A_116 : vector<16xi32>
    %ge3A_120 = arith.constant 50048 : i32
    %ge3A_121 = vector.broadcast %ge3A_120 : i32 to vector<16xi32>
    %ge3A_122 = arith.cmpi sge, %get3A_116, %ge3A_121 : vector<16xi32>
    %jit3A_123 = arith.constant 100095 : i32
    %jit3A_124 = arith.constant 0 : i32
    %broadcast_in_dim3A_125 = vector.broadcast %jit3A_123 : i32 to vector<16xi32>
    %broadcast_in_dim3A_126 = vector.broadcast %jit3A_124 : i32 to vector<16xi32>
    %select_n3A_127 = arith.select %ge3A_122, %broadcast_in_dim3A_125, %broadcast_in_dim3A_126 : vector<16xi1>, vector<16xi32>
    %sub3A_128 = arith.subi %mul3A_119, %select_n3A_127 : vector<16xi32>
    %swap3A_129 = arith.constant 0 : i32
    %swap3A_130 = arith.index_cast %swap3A_129 : i32 to index
    %swap3A_131 = arith.constant 32 : index
    %swap3A_132 = tpu.vector_load %arg12[%swap3A_130, %swap3A_131] {strides = array<i32>} : memref<4x128xi32, #tpu.memory_space<vmem>>, vector<1x16xi32>,
    %swap3A_133 = vector.shape_cast %swap3A_132 : vector<1x16xi32> to vector<16xi32>
    %swap3A_134 = vector.shape_cast %sub3A_128 : vector<16xi32> to vector<1x16xi32>
    tpu.vector_store %arg12[%swap3A_130, %swap3A_131], %swap3A_134 {strides = array<i32>} : memref<4x128xi32, #tpu.memory_space<vmem>>, vector<1x16xi32>,
    %get3A_135 = arith.constant 0 : i32
    %get3A_136 = arith.index_cast %get3A_135 : i32 to index
    %get3A_137 = arith.constant 48 : index
    %get3A_138 = tpu.vector_load %arg9[%get3A_136, %get3A_137] {strides = array<i32>} : memref<4x128xi32, #tpu.memory_space<vmem>>, vector<1x16xi32>,
    %get3A_139 = vector.shape_cast %get3A_138 : vector<1x16xi32> to vector<16xi32>
    %mul3A_140 = arith.constant 2 : i32
    %mul3A_141 = vector.broadcast %mul3A_140 : i32 to vector<16xi32>
    %mul3A_142 = arith.muli %mul3A_141, %get3A_139 : vector<16xi32>
    %ge3A_143 = arith.constant 50048 : i32
    %ge3A_144 = vector.broadcast %ge3A_143 : i32 to vector<16xi32>
    %ge3A_145 = arith.cmpi sge, %get3A_139, %ge3A_144 : vector<16xi32>
    %jit3A_146 = arith.constant 100095 : i32
    %jit3A_147 = arith.constant 0 : i32
    %broadcast_in_dim3A_148 = vector.broadcast %jit3A_146 : i32 to vector<16xi32>
    %broadcast_in_dim3A_149 = vector.broadcast %jit3A_147 : i32 to vector<16xi32>
    %select_n3A_150 = arith.select %ge3A_145, %broadcast_in_dim3A_148, %broadcast_in_dim3A_149 : vector<16xi1>, vector<16xi32>
    %sub3A_151 = arith.subi %mul3A_142, %select_n3A_150 : vector<16xi32>
    %swap3A_152 = arith.constant 0 : i32
    %swap3A_153 = arith.index_cast %swap3A_152 : i32 to index
    %swap3A_154 = arith.constant 48 : index
    %swap3A_155 = tpu.vector_load %arg11[%swap3A_153, %swap3A_154] {strides = array<i32>} : memref<4x128xi32, #tpu.memory_space<vmem>>, vector<1x16xi32>,
    %swap3A_156 = vector.shape_cast %swap3A_155 : vector<1x16xi32> to vector<16xi32>
    %swap3A_157 = vector.shape_cast %sub3A_151 : vector<16xi32> to vector<1x16xi32>
    tpu.vector_store %arg11[%swap3A_153, %swap3A_154], %swap3A_157 {strides = array<i32>} : memref<4x128xi32, #tpu.memory_space<vmem>>, vector<1x16xi32>,
    %get3A_158 = arith.constant 0 : i32
    %get3A_159 = arith.index_cast %get3A_158 : i32 to index
    %get3A_160 = arith.constant 48 : index
    %get3A_161 = tpu.vector_load %arg10[%get3A_159, %get3A_160] {strides = array<i32>} : memref<4x128xi32, #tpu.memory_space<vmem>>, vector<1x16xi32>,
    %get3A_162 = vector.shape_cast %get3A_161 : vector<1x16xi32> to vector<16xi32>
    %mul3A_163 = arith.constant 2 : i32
    %mul3A_164 = vector.broadcast %mul3A_163 : i32 to vector<16xi32>
    %mul3A_165 = arith.muli %mul3A_164, %get3A_162 : vector<16xi32>
    %ge3A_166 = arith.constant 50048 : i32
    %ge3A_167 = vector.broadcast %ge3A_166 : i32 to vector<16xi32>
    %ge3A_168 = arith.cmpi sge, %get3A_162, %ge3A_167 : vector<16xi32>
    %jit3A_169 = arith.constant 100095 : i32
    %jit3A_170 = arith.constant 0 : i32
    %broadcast_in_dim3A_171 = vector.broadcast %jit3A_169 : i32 to vector<16xi32>
    %broadcast_in_dim3A_172 = vector.broadcast %jit3A_170 : i32 to vector<16xi32>
    %select_n3A_173 = arith.select %ge3A_168, %broadcast_in_dim3A_171, %broadcast_in_dim3A_172 : vector<16xi1>, vector<16xi32>
    %sub3A_174 = arith.subi %mul3A_165, %select_n3A_173 : vector<16xi32>
    %swap3A_175 = arith.constant 0 : i32
    %swap3A_176 = arith.index_cast %swap3A_175 : i32 to index
    %swap3A_177 = arith.constant 48 : index
    %swap3A_178 = tpu.vector_load %arg12[%swap3A_176, %swap3A_177] {strides = array<i32>} : memref<4x128xi32, #tpu.memory_space<vmem>>, vector<1x16xi32>,
    %swap3A_179 = vector.shape_cast %swap3A_178 : vector<1x16xi32> to vector<16xi32>
    %swap3A_180 = vector.shape_cast %sub3A_174 : vector<16xi32> to vector<1x16xi32>
    tpu.vector_store %arg12[%swap3A_176, %swap3A_177], %swap3A_180 {strides = array<i32>} : memref<4x128xi32, #tpu.memory_space<vmem>>, vector<1x16xi32>,
    %get3A_181 = arith.constant 0 : i32
    %get3A_182 = arith.index_cast %get3A_181 : i32 to index
    %get3A_183 = arith.constant 64 : index
    %get3A_184 = tpu.vector_load %arg9[%get3A_182, %get3A_183] {strides = array<i32>} : memref<4x128xi32, #tpu.memory_space<vmem>>, vector<1x16xi32>,
    %get3A_185 = vector.shape_cast %get3A_184 : vector<1x16xi32> to vector<16xi32>
    %mul3A_186 = arith.constant 2 : i32
    %mul3A_187 = vector.broadcast %mul3A_186 : i32 to vector<16xi32>
    %mul3A_188 = arith.muli %mul3A_187, %get3A_185 : vector<16xi32>
    %ge3A_189 = arith.constant 50048 : i32
    %ge3A_190 = vector.broadcast %ge3A_189 : i32 to vector<16xi32>
    %ge3A_191 = arith.cmpi sge, %get3A_185, %ge3A_190 : vector<16xi32>
    %jit3A_192 = arith.constant 100095 : i32
    %jit3A_193 = arith.constant 0 : i32
    %broadcast_in_dim3A_194 = vector.broadcast %jit3A_192 : i32 to vector<16xi32>
    %broadcast_in_dim3A_195 = vector.broadcast %jit3A_193 : i32 to vector<16xi32>
    %select_n3A_196 = arith.select %ge3A_191, %broadcast_in_dim3A_194, %broadcast_in_dim3A_195 : vector<16xi1>, vector<16xi32>
    %sub3A_197 = arith.subi %mul3A_188, %select_n3A_196 : vector<16xi32>
    %swap3A_198 = arith.constant 0 : i32
    %swap3A_199 = arith.index_cast %swap3A_198 : i32 to index
    %swap3A_200 = arith.constant 64 : index
    %swap3A_201 = tpu.vector_load %arg11[%swap3A_199, %swap3A_200] {strides = array<i32>} : memref<4x128xi32, #tpu.memory_space<vmem>>, vector<1x16xi32>,
    %swap3A_202 = vector.shape_cast %swap3A_201 : vector<1x16xi32> to vector<16xi32>
    %swap3A_203 = vector.shape_cast %sub3A_197 : vector<16xi32> to vector<1x16xi32>
    tpu.vector_store %arg11[%swap3A_199, %swap3A_200], %swap3A_203 {strides = array<i32>} : memref<4x128xi32, #tpu.memory_space<vmem>>, vector<1x16xi32>,
    %get3A_204 = arith.constant 0 : i32
    %get3A_205 = arith.index_cast %get3A_204 : i32 to index
    %get3A_206 = arith.constant 64 : index
    %get3A_207 = tpu.vector_load %arg10[%get3A_205, %get3A_206] {strides = array<i32>} : memref<4x128xi32, #tpu.memory_space<vmem>>, vector<1x16xi32>,
    %get3A_208 = vector.shape_cast %get3A_207 : vector<1x16xi32> to vector<16xi32>
    %mul3A_209 = arith.constant 2 : i32
    %mul3A_210 = vector.broadcast %mul3A_209 : i32 to vector<16xi32>
    %mul3A_211 = arith.muli %mul3A_210, %get3A_208 : vector<16xi32>
    %ge3A_212 = arith.constant 50048 : i32
    %ge3A_213 = vector.broadcast %ge3A_212 : i32 to vector<16xi32>
    %ge3A_214 = arith.cmpi sge, %get3A_208, %ge3A_213 : vector<16xi32>
    %jit3A_215 = arith.constant 100095 : i32
    %jit3A_216 = arith.constant 0 : i32
    %broadcast_in_dim3A_217 = vector.broadcast %jit3A_215 : i32 to vector<16xi32>
    %broadcast_in_dim3A_218 = vector.broadcast %jit3A_216 : i32 to vector<16xi32>
    %select_n3A_219 = arith.select %ge3A_214, %broadcast_in_dim3A_217, %broadcast_in_dim3A_218 : vector<16xi1>, vector<16xi32>
    %sub3A_220 = arith.subi %mul3A_211, %select_n3A_219 : vector<16xi32>
    %swap3A_221 = arith.constant 0 : i32
    %swap3A_222 = arith.index_cast %swap3A_221 : i32 to index
    %swap3A_223 = arith.constant 64 : index
    %swap3A_224 = tpu.vector_load %arg12[%swap3A_222, %swap3A_223] {strides = array<i32>} : memref<4x128xi32, #tpu.memory_space<vmem>>, vector<1x16xi32>,
    %swap3A_225 = vector.shape_cast %swap3A_224 : vector<1x16xi32> to vector<16xi32>
    %swap3A_226 = vector.shape_cast %sub3A_220 : vector<16xi32> to vector<1x16xi32>
    tpu.vector_store %arg12[%swap3A_222, %swap3A_223], %swap3A_226 {strides = array<i32>} : memref<4x128xi32, #tpu.memory_space<vmem>>, vector<1x16xi32>,
    %get3A_227 = arith.constant 0 : i32
    %get3A_228 = arith.index_cast %get3A_227 : i32 to index
    %get3A_229 = arith.constant 80 : index
    %get3A_230 = tpu.vector_load %arg9[%get3A_228, %get3A_229] {strides = array<i32>} : memref<4x128xi32, #tpu.memory_space<vmem>>, vector<1x16xi32>,
    %get3A_231 = vector.shape_cast %get3A_230 : vector<1x16xi32> to vector<16xi32>
    %mul3A_232 = arith.constant 2 : i32
    %mul3A_233 = vector.broadcast %mul3A_232 : i32 to vector<16xi32>
    %mul3A_234 = arith.muli %mul3A_233, %get3A_231 : vector<16xi32>
    %ge3A_235 = arith.constant 50048 : i32
    %ge3A_236 = vector.broadcast %ge3A_235 : i32 to vector<16xi32>
    %ge3A_237 = arith.cmpi sge, %get3A_231, %ge3A_236 : vector<16xi32>
    %jit3A_238 = arith.constant 100095 : i32
    %jit3A_239 = arith.constant 0 : i32
    %broadcast_in_dim3A_240 = vector.broadcast %jit3A_238 : i32 to vector<16xi32>
    %broadcast_in_dim3A_241 = vector.broadcast %jit3A_239 : i32 to vector<16xi32>
    %select_n3A_242 = arith.select %ge3A_237, %broadcast_in_dim3A_240, %broadcast_in_dim3A_241 : vector<16xi1>, vector<16xi32>
    %sub3A_243 = arith.subi %mul3A_234, %select_n3A_242 : vector<16xi32>
    %swap3A_244 = arith.constant 0 : i32
    %swap3A_245 = arith.index_cast %swap3A_244 : i32 to index
    %swap3A_246 = arith.constant 80 : index
    %swap3A_247 = tpu.vector_load %arg11[%swap3A_245, %swap3A_246] {strides = array<i32>} : memref<4x128xi32, #tpu.memory_space<vmem>>, vector<1x16xi32>,
    %swap3A_248 = vector.shape_cast %swap3A_247 : vector<1x16xi32> to vector<16xi32>
    %swap3A_249 = vector.shape_cast %sub3A_243 : vector<16xi32> to vector<1x16xi32>
    tpu.vector_store %arg11[%swap3A_245, %swap3A_246], %swap3A_249 {strides = array<i32>} : memref<4x128xi32, #tpu.memory_space<vmem>>, vector<1x16xi32>,
    %get3A_250 = arith.constant 0 : i32
    %get3A_251 = arith.index_cast %get3A_250 : i32 to index
    %get3A_252 = arith.constant 80 : index
    %get3A_253 = tpu.vector_load %arg10[%get3A_251, %get3A_252] {strides = array<i32>} : memref<4x128xi32, #tpu.memory_space<vmem>>, vector<1x16xi32>,
    %get3A_254 = vector.shape_cast %get3A_253 : vector<1x16xi32> to vector<16xi32>
    %mul3A_255 = arith.constant 2 : i32
    %mul3A_256 = vector.broadcast %mul3A_255 : i32 to vector<16xi32>
    %mul3A_257 = arith.muli %mul3A_256, %get3A_254 : vector<16xi32>
    %ge3A_258 = arith.constant 50048 : i32
    %ge3A_259 = vector.broadcast %ge3A_258 : i32 to vector<16xi32>
    %ge3A_260 = arith.cmpi sge, %get3A_254, %ge3A_259 : vector<16xi32>
    %jit3A_261 = arith.constant 100095 : i32
    %jit3A_262 = arith.constant 0 : i32
    %broadcast_in_dim3A_263 = vector.broadcast %jit3A_261 : i32 to vector<16xi32>
    %broadcast_in_dim3A_264 = vector.broadcast %jit3A_262 : i32 to vector<16xi32>
    %select_n3A_265 = arith.select %ge3A_260, %broadcast_in_dim3A_263, %broadcast_in_dim3A_264 : vector<16xi1>, vector<16xi32>
    %sub3A_266 = arith.subi %mul3A_257, %select_n3A_265 : vector<16xi32>
    %swap3A_267 = arith.constant 0 : i32
    %swap3A_268 = arith.index_cast %swap3A_267 : i32 to index
    %swap3A_269 = arith.constant 80 : index
    %swap3A_270 = tpu.vector_load %arg12[%swap3A_268, %swap3A_269] {strides = array<i32>} : memref<4x128xi32, #tpu.memory_space<vmem>>, vector<1x16xi32>,
    %swap3A_271 = vector.shape_cast %swap3A_270 : vector<1x16xi32> to vector<16xi32>
    %swap3A_272 = vector.shape_cast %sub3A_266 : vector<16xi32> to vector<1x16xi32>
    tpu.vector_store %arg12[%swap3A_268, %swap3A_269], %swap3A_272 {strides = array<i32>} : memref<4x128xi32, #tpu.memory_space<vmem>>, vector<1x16xi32>,
    %get3A_273 = arith.constant 0 : i32
    %get3A_274 = arith.index_cast %get3A_273 : i32 to index
    %get3A_275 = arith.constant 96 : index
    %get3A_276 = tpu.vector_load %arg9[%get3A_274, %get3A_275] {strides = array<i32>} : memref<4x128xi32, #tpu.memory_space<vmem>>, vector<1x16xi32>,
    %get3A_277 = vector.shape_cast %get3A_276 : vector<1x16xi32> to vector<16xi32>
    %mul3A_278 = arith.constant 2 : i32
    %mul3A_279 = vector.broadcast %mul3A_278 : i32 to vector<16xi32>
    %mul3A_280 = arith.muli %mul3A_279, %get3A_277 : vector<16xi32>
    %ge3A_281 = arith.constant 50048 : i32
    %ge3A_282 = vector.broadcast %ge3A_281 : i32 to vector<16xi32>
    %ge3A_283 = arith.cmpi sge, %get3A_277, %ge3A_282 : vector<16xi32>
    %jit3A_284 = arith.constant 100095 : i32
    %jit3A_285 = arith.constant 0 : i32
    %broadcast_in_dim3A_286 = vector.broadcast %jit3A_284 : i32 to vector<16xi32>
    %broadcast_in_dim3A_287 = vector.broadcast %jit3A_285 : i32 to vector<16xi32>
    %select_n3A_288 = arith.select %ge3A_283, %broadcast_in_dim3A_286, %broadcast_in_dim3A_287 : vector<16xi1>, vector<16xi32>
    %sub3A_289 = arith.subi %mul3A_280, %select_n3A_288 : vector<16xi32>
    %swap3A_290 = arith.constant 0 : i32
    %swap3A_291 = arith.index_cast %swap3A_290 : i32 to index
    %swap3A_292 = arith.constant 96 : index
    %swap3A_293 = tpu.vector_load %arg11[%swap3A_291, %swap3A_292] {strides = array<i32>} : memref<4x128xi32, #tpu.memory_space<vmem>>, vector<1x16xi32>,
    %swap3A_294 = vector.shape_cast %swap3A_293 : vector<1x16xi32> to vector<16xi32>
    %swap3A_295 = vector.shape_cast %sub3A_289 : vector<16xi32> to vector<1x16xi32>
    tpu.vector_store %arg11[%swap3A_291, %swap3A_292], %swap3A_295 {strides = array<i32>} : memref<4x128xi32, #tpu.memory_space<vmem>>, vector<1x16xi32>,
    %get3A_296 = arith.constant 0 : i32
    %get3A_297 = arith.index_cast %get3A_296 : i32 to index
    %get3A_298 = arith.constant 96 : index
    %get3A_299 = tpu.vector_load %arg10[%get3A_297, %get3A_298] {strides = array<i32>} : memref<4x128xi32, #tpu.memory_space<vmem>>, vector<1x16xi32>,
    %get3A_300 = vector.shape_cast %get3A_299 : vector<1x16xi32> to vector<16xi32>
    %mul3A_301 = arith.constant 2 : i32
    %mul3A_302 = vector.broadcast %mul3A_301 : i32 to vector<16xi32>
    %mul3A_303 = arith.muli %mul3A_302, %get3A_300 : vector<16xi32>
    %ge3A_304 = arith.constant 50048 : i32
    %ge3A_305 = vector.broadcast %ge3A_304 : i32 to vector<16xi32>
    %ge3A_306 = arith.cmpi sge, %get3A_300, %ge3A_305 : vector<16xi32>
    %jit3A_307 = arith.constant 100095 : i32
    %jit3A_308 = arith.constant 0 : i32
    %broadcast_in_dim3A_309 = vector.broadcast %jit3A_307 : i32 to vector<16xi32>
    %broadcast_in_dim3A_310 = vector.broadcast %jit3A_308 : i32 to vector<16xi32>
    %select_n3A_311 = arith.select %ge3A_306, %broadcast_in_dim3A_309, %broadcast_in_dim3A_310 : vector<16xi1>, vector<16xi32>
    %sub3A_312 = arith.subi %mul3A_303, %select_n3A_311 : vector<16xi32>
    %swap3A_313 = arith.constant 0 : i32
    %swap3A_314 = arith.index_cast %swap3A_313 : i32 to index
    %swap3A_315 = arith.constant 96 : index
    %swap3A_316 = tpu.vector_load %arg12[%swap3A_314, %swap3A_315] {strides = array<i32>} : memref<4x128xi32, #tpu.memory_space<vmem>>, vector<1x16xi32>,
    %swap3A_317 = vector.shape_cast %swap3A_316 : vector<1x16xi32> to vector<16xi32>
    %swap3A_318 = vector.shape_cast %sub3A_312 : vector<16xi32> to vector<1x16xi32>
    tpu.vector_store %arg12[%swap3A_314, %swap3A_315], %swap3A_318 {strides = array<i32>} : memref<4x128xi32, #tpu.memory_space<vmem>>, vector<1x16xi32>,
    %get3A_319 = arith.constant 0 : i32
    %get3A_320 = arith.index_cast %get3A_319 : i32 to index
    %get3A_321 = arith.constant 112 : index
    %get3A_322 = tpu.vector_load %arg9[%get3A_320, %get3A_321] {strides = array<i32>} : memref<4x128xi32, #tpu.memory_space<vmem>>, vector<1x16xi32>,
    %get3A_323 = vector.shape_cast %get3A_322 : vector<1x16xi32> to vector<16xi32>
    %mul3A_324 = arith.constant 2 : i32
    %mul3A_325 = vector.broadcast %mul3A_324 : i32 to vector<16xi32>
    %mul3A_326 = arith.muli %mul3A_325, %get3A_323 : vector<16xi32>
    %ge3A_327 = arith.constant 50048 : i32
    %ge3A_328 = vector.broadcast %ge3A_327 : i32 to vector<16xi32>
    %ge3A_329 = arith.cmpi sge, %get3A_323, %ge3A_328 : vector<16xi32>
    %jit3A_330 = arith.constant 100095 : i32
    %jit3A_331 = arith.constant 0 : i32
    %broadcast_in_dim3A_332 = vector.broadcast %jit3A_330 : i32 to vector<16xi32>
    %broadcast_in_dim3A_333 = vector.broadcast %jit3A_331 : i32 to vector<16xi32>
    %select_n3A_334 = arith.select %ge3A_329, %broadcast_in_dim3A_332, %broadcast_in_dim3A_333 : vector<16xi1>, vector<16xi32>
    %sub3A_335 = arith.subi %mul3A_326, %select_n3A_334 : vector<16xi32>
    %swap3A_336 = arith.constant 0 : i32
    %swap3A_337 = arith.index_cast %swap3A_336 : i32 to index
    %swap3A_338 = arith.constant 112 : index
    %swap3A_339 = tpu.vector_load %arg11[%swap3A_337, %swap3A_338] {strides = array<i32>} : memref<4x128xi32, #tpu.memory_space<vmem>>, vector<1x16xi32>,
    %swap3A_340 = vector.shape_cast %swap3A_339 : vector<1x16xi32> to vector<16xi32>
    %swap3A_341 = vector.shape_cast %sub3A_335 : vector<16xi32> to vector<1x16xi32>
    tpu.vector_store %arg11[%swap3A_337, %swap3A_338], %swap3A_341 {strides = array<i32>} : memref<4x128xi32, #tpu.memory_space<vmem>>, vector<1x16xi32>,
    %get3A_342 = arith.constant 0 : i32
    %get3A_343 = arith.index_cast %get3A_342 : i32 to index
    %get3A_344 = arith.constant 112 : index
    %get3A_345 = tpu.vector_load %arg10[%get3A_343, %get3A_344] {strides = array<i32>} : memref<4x128xi32, #tpu.memory_space<vmem>>, vector<1x16xi32>,
    %get3A_346 = vector.shape_cast %get3A_345 : vector<1x16xi32> to vector<16xi32>
    %mul3A_347 = arith.constant 2 : i32
    %mul3A_348 = vector.broadcast %mul3A_347 : i32 to vector<16xi32>
    %mul3A_349 = arith.muli %mul3A_348, %get3A_346 : vector<16xi32>
    %ge3A_350 = arith.constant 50048 : i32
    %ge3A_351 = vector.broadcast %ge3A_350 : i32 to vector<16xi32>
    %ge3A_352 = arith.cmpi sge, %get3A_346, %ge3A_351 : vector<16xi32>
    %jit3A_353 = arith.constant 100095 : i32
    %jit3A_354 = arith.constant 0 : i32
    %broadcast_in_dim3A_355 = vector.broadcast %jit3A_353 : i32 to vector<16xi32>
    %broadcast_in_dim3A_356 = vector.broadcast %jit3A_354 : i32 to vector<16xi32>
    %select_n3A_357 = arith.select %ge3A_352, %broadcast_in_dim3A_355, %broadcast_in_dim3A_356 : vector<16xi1>, vector<16xi32>
    %sub3A_358 = arith.subi %mul3A_349, %select_n3A_357 : vector<16xi32>
    %swap3A_359 = arith.constant 0 : i32
    %swap3A_360 = arith.index_cast %swap3A_359 : i32 to index
    %swap3A_361 = arith.constant 112 : index
    %swap3A_362 = tpu.vector_load %arg12[%swap3A_360, %swap3A_361] {strides = array<i32>} : memref<4x128xi32, #tpu.memory_space<vmem>>, vector<1x16xi32>,
    %swap3A_363 = vector.shape_cast %swap3A_362 : vector<1x16xi32> to vector<16xi32>
    %swap3A_364 = vector.shape_cast %sub3A_358 : vector<16xi32> to vector<1x16xi32>
    tpu.vector_store %arg12[%swap3A_360, %swap3A_361], %swap3A_364 {strides = array<i32>} : memref<4x128xi32, #tpu.memory_space<vmem>>, vector<1x16xi32>,
    %get3A_365 = arith.constant 1 : i32
    %get3A_366 = arith.index_cast %get3A_365 : i32 to index
    %get3A_367 = arith.constant 0 : index
    %get3A_368 = tpu.vector_load %arg9[%get3A_366, %get3A_367] {strides = array<i32>} : memref<4x128xi32, #tpu.memory_space<vmem>>, vector<1x16xi32>,
    %get3A_369 = vector.shape_cast %get3A_368 : vector<1x16xi32> to vector<16xi32>
    %mul3A_370 = arith.constant 2 : i32
    %mul3A_371 = vector.broadcast %mul3A_370 : i32 to vector<16xi32>
    %mul3A_372 = arith.muli %mul3A_371, %get3A_369 : vector<16xi32>
    %ge3A_373 = arith.constant 50048 : i32
    %ge3A_374 = vector.broadcast %ge3A_373 : i32 to vector<16xi32>
    %ge3A_375 = arith.cmpi sge, %get3A_369, %ge3A_374 : vector<16xi32>
    %jit3A_376 = arith.constant 100095 : i32
    %jit3A_377 = arith.constant 0 : i32
    %broadcast_in_dim3A_378 = vector.broadcast %jit3A_376 : i32 to vector<16xi32>
    %broadcast_in_dim3A_379 = vector.broadcast %jit3A_377 : i32 to vector<16xi32>
    %select_n3A_380 = arith.select %ge3A_375, %broadcast_in_dim3A_378, %broadcast_in_dim3A_379 : vector<16xi1>, vector<16xi32>
    %sub3A_381 = arith.subi %mul3A_372, %select_n3A_380 : vector<16xi32>
    %swap3A_382 = arith.constant 1 : i32
    %swap3A_383 = arith.index_cast %swap3A_382 : i32 to index
    %swap3A_384 = arith.constant 0 : index
    %swap3A_385 = tpu.vector_load %arg11[%swap3A_383, %swap3A_384] {strides = array<i32>} : memref<4x128xi32, #tpu.memory_space<vmem>>, vector<1x16xi32>,
    %swap3A_386 = vector.shape_cast %swap3A_385 : vector<1x16xi32> to vector<16xi32>
    %swap3A_387 = vector.shape_cast %sub3A_381 : vector<16xi32> to vector<1x16xi32>
    tpu.vector_store %arg11[%swap3A_383, %swap3A_384], %swap3A_387 {strides = array<i32>} : memref<4x128xi32, #tpu.memory_space<vmem>>, vector<1x16xi32>,
    %get3A_388 = arith.constant 1 : i32
    %get3A_389 = arith.index_cast %get3A_388 : i32 to index
    %get3A_390 = arith.constant 0 : index
    %get3A_391 = tpu.vector_load %arg10[%get3A_389, %get3A_390] {strides = array<i32>} : memref<4x128xi32, #tpu.memory_space<vmem>>, vector<1x16xi32>,
    %get3A_392 = vector.shape_cast %get3A_391 : vector<1x16xi32> to vector<16xi32>
    %mul3A_393 = arith.constant 2 : i32
    %mul3A_394 = vector.broadcast %mul3A_393 : i32 to vector<16xi32>
    %mul3A_395 = arith.muli %mul3A_394, %get3A_392 : vector<16xi32>
    %ge3A_396 = arith.constant 50048 : i32
    %ge3A_397 = vector.broadcast %ge3A_396 : i32 to vector<16xi32>
    %ge3A_398 = arith.cmpi sge, %get3A_392, %ge3A_397 : vector<16xi32>
    %jit3A_399 = arith.constant 100095 : i32
    %jit3A_400 = arith.constant 0 : i32
    %broadcast_in_dim3A_401 = vector.broadcast %jit3A_399 : i32 to vector<16xi32>
    %broadcast_in_dim3A_402 = vector.broadcast %jit3A_400 : i32 to vector<16xi32>
    %select_n3A_403 = arith.select %ge3A_398, %broadcast_in_dim3A_401, %broadcast_in_dim3A_402 : vector<16xi1>, vector<16xi32>
    %sub3A_404 = arith.subi %mul3A_395, %select_n3A_403 : vector<16xi32>
    %swap3A_405 = arith.constant 1 : i32
    %swap3A_406 = arith.index_cast %swap3A_405 : i32 to index
    %swap3A_407 = arith.constant 0 : index
    %swap3A_408 = tpu.vector_load %arg12[%swap3A_406, %swap3A_407] {strides = array<i32>} : memref<4x128xi32, #tpu.memory_space<vmem>>, vector<1x16xi32>,
    %swap3A_409 = vector.shape_cast %swap3A_408 : vector<1x16xi32> to vector<16xi32>
    %swap3A_410 = vector.shape_cast %sub3A_404 : vector<16xi32> to vector<1x16xi32>
    tpu.vector_store %arg12[%swap3A_406, %swap3A_407], %swap3A_410 {strides = array<i32>} : memref<4x128xi32, #tpu.memory_space<vmem>>, vector<1x16xi32>,
    %get3A_411 = arith.constant 1 : i32
    %get3A_412 = arith.index_cast %get3A_411 : i32 to index
    %get3A_413 = arith.constant 16 : index
    %get3A_414 = tpu.vector_load %arg9[%get3A_412, %get3A_413] {strides = array<i32>} : memref<4x128xi32, #tpu.memory_space<vmem>>, vector<1x16xi32>,
    %get3A_415 = vector.shape_cast %get3A_414 : vector<1x16xi32> to vector<16xi32>
    %mul3A_416 = arith.constant 2 : i32
    %mul3A_417 = vector.broadcast %mul3A_416 : i32 to vector<16xi32>
    %mul3A_418 = arith.muli %mul3A_417, %get3A_415 : vector<16xi32>
    %ge3A_419 = arith.constant 50048 : i32
    %ge3A_420 = vector.broadcast %ge3A_419 : i32 to vector<16xi32>
    %ge3A_421 = arith.cmpi sge, %get3A_415, %ge3A_420 : vector<16xi32>
    %jit3A_422 = arith.constant 100095 : i32
    %jit3A_423 = arith.constant 0 : i32
    %broadcast_in_dim3A_424 = vector.broadcast %jit3A_422 : i32 to vector<16xi32>
    %broadcast_in_dim3A_425 = vector.broadcast %jit3A_423 : i32 to vector<16xi32>
    %select_n3A_426 = arith.select %ge3A_421, %broadcast_in_dim3A_424, %broadcast_in_dim3A_425 : vector<16xi1>, vector<16xi32>
    %sub3A_427 = arith.subi %mul3A_418, %select_n3A_426 : vector<16xi32>
    %swap3A_428 = arith.constant 1 : i32
    %swap3A_429 = arith.index_cast %swap3A_428 : i32 to index
    %swap3A_430 = arith.constant 16 : index
    %swap3A_431 = tpu.vector_load %arg11[%swap3A_429, %swap3A_430] {strides = array<i32>} : memref<4x128xi32, #tpu.memory_space<vmem>>, vector<1x16xi32>,
    %swap3A_432 = vector.shape_cast %swap3A_431 : vector<1x16xi32> to vector<16xi32>
    %swap3A_433 = vector.shape_cast %sub3A_427 : vector<16xi32> to vector<1x16xi32>
    tpu.vector_store %arg11[%swap3A_429, %swap3A_430], %swap3A_433 {strides = array<i32>} : memref<4x128xi32, #tpu.memory_space<vmem>>, vector<1x16xi32>,
    %get3A_434 = arith.constant 1 : i32
    %get3A_435 = arith.index_cast %get3A_434 : i32 to index
    %get3A_436 = arith.constant 16 : index
    %get3A_437 = tpu.vector_load %arg10[%get3A_435, %get3A_436] {strides = array<i32>} : memref<4x128xi32, #tpu.memory_space<vmem>>, vector<1x16xi32>,
    %get3A_438 = vector.shape_cast %get3A_437 : vector<1x16xi32> to vector<16xi32>
    %mul3A_439 = arith.constant 2 : i32
    %mul3A_440 = vector.broadcast %mul3A_439 : i32 to vector<16xi32>
    %mul3A_441 = arith.muli %mul3A_440, %get3A_438 : vector<16xi32>
    %ge3A_442 = arith.constant 50048 : i32
    %ge3A_443 = vector.broadcast %ge3A_442 : i32 to vector<16xi32>
    %ge3A_444 = arith.cmpi sge, %get3A_438, %ge3A_443 : vector<16xi32>
    %jit3A_445 = arith.constant 100095 : i32
    %jit3A_446 = arith.constant 0 : i32
    %broadcast_in_dim3A_447 = vector.broadcast %jit3A_445 : i32 to vector<16xi32>
    %broadcast_in_dim3A_448 = vector.broadcast %jit3A_446 : i32 to vector<16xi32>
    %select_n3A_449 = arith.select %ge3A_444, %broadcast_in_dim3A_447, %broadcast_in_dim3A_448 : vector<16xi1>, vector<16xi32>
    %sub3A_450 = arith.subi %mul3A_441, %select_n3A_449 : vector<16xi32>
    %swap3A_451 = arith.constant 1 : i32
    %swap3A_452 = arith.index_cast %swap3A_451 : i32 to index
    %swap3A_453 = arith.constant 16 : index
    %swap3A_454 = tpu.vector_load %arg12[%swap3A_452, %swap3A_453] {strides = array<i32>} : memref<4x128xi32, #tpu.memory_space<vmem>>, vector<1x16xi32>,
    %swap3A_455 = vector.shape_cast %swap3A_454 : vector<1x16xi32> to vector<16xi32>
    %swap3A_456 = vector.shape_cast %sub3A_450 : vector<16xi32> to vector<1x16xi32>
    tpu.vector_store %arg12[%swap3A_452, %swap3A_453], %swap3A_456 {strides = array<i32>} : memref<4x128xi32, #tpu.memory_space<vmem>>, vector<1x16xi32>,
    %get3A_457 = arith.constant 1 : i32
    %get3A_458 = arith.index_cast %get3A_457 : i32 to index
    %get3A_459 = arith.constant 32 : index
    %get3A_460 = tpu.vector_load %arg9[%get3A_458, %get3A_459] {strides = array<i32>} : memref<4x128xi32, #tpu.memory_space<vmem>>, vector<1x16xi32>,
    %get3A_461 = vector.shape_cast %get3A_460 : vector<1x16xi32> to vector<16xi32>
    %mul3A_462 = arith.constant 2 : i32
    %mul3A_463 = vector.broadcast %mul3A_462 : i32 to vector<16xi32>
    %mul3A_464 = arith.muli %mul3A_463, %get3A_461 : vector<16xi32>
    %ge3A_465 = arith.constant 50048 : i32
    %ge3A_466 = vector.broadcast %ge3A_465 : i32 to vector<16xi32>
    %ge3A_467 = arith.cmpi sge, %get3A_461, %ge3A_466 : vector<16xi32>
    %jit3A_468 = arith.constant 100095 : i32
    %jit3A_469 = arith.constant 0 : i32
    %broadcast_in_dim3A_470 = vector.broadcast %jit3A_468 : i32 to vector<16xi32>
    %broadcast_in_dim3A_471 = vector.broadcast %jit3A_469 : i32 to vector<16xi32>
    %select_n3A_472 = arith.select %ge3A_467, %broadcast_in_dim3A_470, %broadcast_in_dim3A_471 : vector<16xi1>, vector<16xi32>
    %sub3A_473 = arith.subi %mul3A_464, %select_n3A_472 : vector<16xi32>
    %swap3A_474 = arith.constant 1 : i32
    %swap3A_475 = arith.index_cast %swap3A_474 : i32 to index
    %swap3A_476 = arith.constant 32 : index
    %swap3A_477 = tpu.vector_load %arg11[%swap3A_475, %swap3A_476] {strides = array<i32>} : memref<4x128xi32, #tpu.memory_space<vmem>>, vector<1x16xi32>,
    %swap3A_478 = vector.shape_cast %swap3A_477 : vector<1x16xi32> to vector<16xi32>
    %swap3A_479 = vector.shape_cast %sub3A_473 : vector<16xi32> to vector<1x16xi32>
    tpu.vector_store %arg11[%swap3A_475, %swap3A_476], %swap3A_479 {strides = array<i32>} : memref<4x128xi32, #tpu.memory_space<vmem>>, vector<1x16xi32>,
    %get3A_480 = arith.constant 1 : i32
    %get3A_481 = arith.index_cast %get3A_480 : i32 to index
    %get3A_482 = arith.constant 32 : index
    %get3A_483 = tpu.vector_load %arg10[%get3A_481, %get3A_482] {strides = array<i32>} : memref<4x128xi32, #tpu.memory_space<vmem>>, vector<1x16xi32>,
    %get3A_484 = vector.shape_cast %get3A_483 : vector<1x16xi32> to vector<16xi32>
    %mul3A_485 = arith.constant 2 : i32
    %mul3A_486 = vector.broadcast %mul3A_485 : i32 to vector<16xi32>
    %mul3A_487 = arith.muli %mul3A_486, %get3A_484 : vector<16xi32>
    %ge3A_488 = arith.constant 50048 : i32
    %ge3A_489 = vector.broadcast %ge3A_488 : i32 to vector<16xi32>
    %ge3A_490 = arith.cmpi sge, %get3A_484, %ge3A_489 : vector<16xi32>
    %jit3A_491 = arith.constant 100095 : i32
    %jit3A_492 = arith.constant 0 : i32
    %broadcast_in_dim3A_493 = vector.broadcast %jit3A_491 : i32 to vector<16xi32>
    %broadcast_in_dim3A_494 = vector.broadcast %jit3A_492 : i32 to vector<16xi32>
    %select_n3A_495 = arith.select %ge3A_490, %broadcast_in_dim3A_493, %broadcast_in_dim3A_494 : vector<16xi1>, vector<16xi32>
    %sub3A_496 = arith.subi %mul3A_487, %select_n3A_495 : vector<16xi32>
    %swap3A_497 = arith.constant 1 : i32
    %swap3A_498 = arith.index_cast %swap3A_497 : i32 to index
    %swap3A_499 = arith.constant 32 : index
    %swap3A_500 = tpu.vector_load %arg12[%swap3A_498, %swap3A_499] {strides = array<i32>} : memref<4x128xi32, #tpu.memory_space<vmem>>, vector<1x16xi32>,
    %swap3A_501 = vector.shape_cast %swap3A_500 : vector<1x16xi32> to vector<16xi32>
    %swap3A_502 = vector.shape_cast %sub3A_496 : vector<16xi32> to vector<1x16xi32>
    tpu.vector_store %arg12[%swap3A_498, %swap3A_499], %swap3A_502 {strides = array<i32>} : memref<4x128xi32, #tpu.memory_space<vmem>>, vector<1x16xi32>,
    %get3A_503 = arith.constant 1 : i32
    %get3A_504 = arith.index_cast %get3A_503 : i32 to index
    %get3A_505 = arith.constant 48 : index
    %get3A_506 = tpu.vector_load %arg9[%get3A_504, %get3A_505] {strides = array<i32>} : memref<4x128xi32, #tpu.memory_space<vmem>>, vector<1x16xi32>,
    %get3A_507 = vector.shape_cast %get3A_506 : vector<1x16xi32> to vector<16xi32>
    %mul3A_508 = arith.constant 2 : i32
    %mul3A_509 = vector.broadcast %mul3A_508 : i32 to vector<16xi32>
    %mul3A_510 = arith.muli %mul3A_509, %get3A_507 : vector<16xi32>
    %ge3A_511 = arith.constant 50048 : i32
    %ge3A_512 = vector.broadcast %ge3A_511 : i32 to vector<16xi32>
    %ge3A_513 = arith.cmpi sge, %get3A_507, %ge3A_512 : vector<16xi32>
    %jit3A_514 = arith.constant 100095 : i32
    %jit3A_515 = arith.constant 0 : i32
    %broadcast_in_dim3A_516 = vector.broadcast %jit3A_514 : i32 to vector<16xi32>
    %broadcast_in_dim3A_517 = vector.broadcast %jit3A_515 : i32 to vector<16xi32>
    %select_n3A_518 = arith.select %ge3A_513, %broadcast_in_dim3A_516, %broadcast_in_dim3A_517 : vector<16xi1>, vector<16xi32>
    %sub3A_519 = arith.subi %mul3A_510, %select_n3A_518 : vector<16xi32>
    %swap3A_520 = arith.constant 1 : i32
    %swap3A_521 = arith.index_cast %swap3A_520 : i32 to index
    %swap3A_522 = arith.constant 48 : index
    %swap3A_523 = tpu.vector_load %arg11[%swap3A_521, %swap3A_522] {strides = array<i32>} : memref<4x128xi32, #tpu.memory_space<vmem>>, vector<1x16xi32>,
    %swap3A_524 = vector.shape_cast %swap3A_523 : vector<1x16xi32> to vector<16xi32>
    %swap3A_525 = vector.shape_cast %sub3A_519 : vector<16xi32> to vector<1x16xi32>
    tpu.vector_store %arg11[%swap3A_521, %swap3A_522], %swap3A_525 {strides = array<i32>} : memref<4x128xi32, #tpu.memory_space<vmem>>, vector<1x16xi32>,
    %get3A_526 = arith.constant 1 : i32
    %get3A_527 = arith.index_cast %get3A_526 : i32 to index
    %get3A_528 = arith.constant 48 : index
    %get3A_529 = tpu.vector_load %arg10[%get3A_527, %get3A_528] {strides = array<i32>} : memref<4x128xi32, #tpu.memory_space<vmem>>, vector<1x16xi32>,
    %get3A_530 = vector.shape_cast %get3A_529 : vector<1x16xi32> to vector<16xi32>
    %mul3A_531 = arith.constant 2 : i32
    %mul3A_532 = vector.broadcast %mul3A_531 : i32 to vector<16xi32>
    %mul3A_533 = arith.muli %mul3A_532, %get3A_530 : vector<16xi32>
    %ge3A_534 = arith.constant 50048 : i32
    %ge3A_535 = vector.broadcast %ge3A_534 : i32 to vector<16xi32>
    %ge3A_536 = arith.cmpi sge, %get3A_530, %ge3A_535 : vector<16xi32>
    %jit3A_537 = arith.constant 100095 : i32
    %jit3A_538 = arith.constant 0 : i32
    %broadcast_in_dim3A_539 = vector.broadcast %jit3A_537 : i32 to vector<16xi32>
    %broadcast_in_dim3A_540 = vector.broadcast %jit3A_538 : i32 to vector<16xi32>
    %select_n3A_541 = arith.select %ge3A_536, %broadcast_in_dim3A_539, %broadcast_in_dim3A_540 : vector<16xi1>, vector<16xi32>
    %sub3A_542 = arith.subi %mul3A_533, %select_n3A_541 : vector<16xi32>
    %swap3A_543 = arith.constant 1 : i32
    %swap3A_544 = arith.index_cast %swap3A_543 : i32 to index
    %swap3A_545 = arith.constant 48 : index
    %swap3A_546 = tpu.vector_load %arg12[%swap3A_544, %swap3A_545] {strides = array<i32>} : memref<4x128xi32, #tpu.memory_space<vmem>>, vector<1x16xi32>,
    %swap3A_547 = vector.shape_cast %swap3A_546 : vector<1x16xi32> to vector<16xi32>
    %swap3A_548 = vector.shape_cast %sub3A_542 : vector<16xi32> to vector<1x16xi32>
    tpu.vector_store %arg12[%swap3A_544, %swap3A_545], %swap3A_548 {strides = array<i32>} : memref<4x128xi32, #tpu.memory_space<vmem>>, vector<1x16xi32>,
    %get3A_549 = arith.constant 1 : i32
    %get3A_550 = arith.index_cast %get3A_549 : i32 to index
    %get3A_551 = arith.constant 64 : index
    %get3A_552 = tpu.vector_load %arg9[%get3A_550, %get3A_551] {strides = array<i32>} : memref<4x128xi32, #tpu.memory_space<vmem>>, vector<1x16xi32>,
    %get3A_553 = vector.shape_cast %get3A_552 : vector<1x16xi32> to vector<16xi32>
    %mul3A_554 = arith.constant 2 : i32
    %mul3A_555 = vector.broadcast %mul3A_554 : i32 to vector<16xi32>
    %mul3A_556 = arith.muli %mul3A_555, %get3A_553 : vector<16xi32>
    %ge3A_557 = arith.constant 50048 : i32
    %ge3A_558 = vector.broadcast %ge3A_557 : i32 to vector<16xi32>
    %ge3A_559 = arith.cmpi sge, %get3A_553, %ge3A_558 : vector<16xi32>
    %jit3A_560 = arith.constant 100095 : i32
    %jit3A_561 = arith.constant 0 : i32
    %broadcast_in_dim3A_562 = vector.broadcast %jit3A_560 : i32 to vector<16xi32>
    %broadcast_in_dim3A_563 = vector.broadcast %jit3A_561 : i32 to vector<16xi32>
    %select_n3A_564 = arith.select %ge3A_559, %broadcast_in_dim3A_562, %broadcast_in_dim3A_563 : vector<16xi1>, vector<16xi32>
    %sub3A_565 = arith.subi %mul3A_556, %select_n3A_564 : vector<16xi32>
    %swap3A_566 = arith.constant 1 : i32
    %swap3A_567 = arith.index_cast %swap3A_566 : i32 to index
    %swap3A_568 = arith.constant 64 : index
    %swap3A_569 = tpu.vector_load %arg11[%swap3A_567, %swap3A_568] {strides = array<i32>} : memref<4x128xi32, #tpu.memory_space<vmem>>, vector<1x16xi32>,
    %swap3A_570 = vector.shape_cast %swap3A_569 : vector<1x16xi32> to vector<16xi32>
    %swap3A_571 = vector.shape_cast %sub3A_565 : vector<16xi32> to vector<1x16xi32>
    tpu.vector_store %arg11[%swap3A_567, %swap3A_568], %swap3A_571 {strides = array<i32>} : memref<4x128xi32, #tpu.memory_space<vmem>>, vector<1x16xi32>,
    %get3A_572 = arith.constant 1 : i32
    %get3A_573 = arith.index_cast %get3A_572 : i32 to index
    %get3A_574 = arith.constant 64 : index
    %get3A_575 = tpu.vector_load %arg10[%get3A_573, %get3A_574] {strides = array<i32>} : memref<4x128xi32, #tpu.memory_space<vmem>>, vector<1x16xi32>,
    %get3A_576 = vector.shape_cast %get3A_575 : vector<1x16xi32> to vector<16xi32>
    %mul3A_577 = arith.constant 2 : i32
    %mul3A_578 = vector.broadcast %mul3A_577 : i32 to vector<16xi32>
    %mul3A_579 = arith.muli %mul3A_578, %get3A_576 : vector<16xi32>
    %ge3A_580 = arith.constant 50048 : i32
    %ge3A_581 = vector.broadcast %ge3A_580 : i32 to vector<16xi32>
    %ge3A_582 = arith.cmpi sge, %get3A_576, %ge3A_581 : vector<16xi32>
    %jit3A_583 = arith.constant 100095 : i32
    %jit3A_584 = arith.constant 0 : i32
    %broadcast_in_dim3A_585 = vector.broadcast %jit3A_583 : i32 to vector<16xi32>
    %broadcast_in_dim3A_586 = vector.broadcast %jit3A_584 : i32 to vector<16xi32>
    %select_n3A_587 = arith.select %ge3A_582, %broadcast_in_dim3A_585, %broadcast_in_dim3A_586 : vector<16xi1>, vector<16xi32>
    %sub3A_588 = arith.subi %mul3A_579, %select_n3A_587 : vector<16xi32>
    %swap3A_589 = arith.constant 1 : i32
    %swap3A_590 = arith.index_cast %swap3A_589 : i32 to index
    %swap3A_591 = arith.constant 64 : index
    %swap3A_592 = tpu.vector_load %arg12[%swap3A_590, %swap3A_591] {strides = array<i32>} : memref<4x128xi32, #tpu.memory_space<vmem>>, vector<1x16xi32>,
    %swap3A_593 = vector.shape_cast %swap3A_592 : vector<1x16xi32> to vector<16xi32>
    %swap3A_594 = vector.shape_cast %sub3A_588 : vector<16xi32> to vector<1x16xi32>
    tpu.vector_store %arg12[%swap3A_590, %swap3A_591], %swap3A_594 {strides = array<i32>} : memref<4x128xi32, #tpu.memory_space<vmem>>, vector<1x16xi32>,
    %get3A_595 = arith.constant 1 : i32
    %get3A_596 = arith.index_cast %get3A_595 : i32 to index
    %get3A_597 = arith.constant 80 : index
    %get3A_598 = tpu.vector_load %arg9[%get3A_596, %get3A_597] {strides = array<i32>} : memref<4x128xi32, #tpu.memory_space<vmem>>, vector<1x16xi32>,
    %get3A_599 = vector.shape_cast %get3A_598 : vector<1x16xi32> to vector<16xi32>
    %mul3A_600 = arith.constant 2 : i32
    %mul3A_601 = vector.broadcast %mul3A_600 : i32 to vector<16xi32>
    %mul3A_602 = arith.muli %mul3A_601, %get3A_599 : vector<16xi32>
    %ge3A_603 = arith.constant 50048 : i32
    %ge3A_604 = vector.broadcast %ge3A_603 : i32 to vector<16xi32>
    %ge3A_605 = arith.cmpi sge, %get3A_599, %ge3A_604 : vector<16xi32>
    %jit3A_606 = arith.constant 100095 : i32
    %jit3A_607 = arith.constant 0 : i32
    %broadcast_in_dim3A_608 = vector.broadcast %jit3A_606 : i32 to vector<16xi32>
    %broadcast_in_dim3A_609 = vector.broadcast %jit3A_607 : i32 to vector<16xi32>
    %select_n3A_610 = arith.select %ge3A_605, %broadcast_in_dim3A_608, %broadcast_in_dim3A_609 : vector<16xi1>, vector<16xi32>
    %sub3A_611 = arith.subi %mul3A_602, %select_n3A_610 : vector<16xi32>
    %swap3A_612 = arith.constant 1 : i32
    %swap3A_613 = arith.index_cast %swap3A_612 : i32 to index
    %swap3A_614 = arith.constant 80 : index
    %swap3A_615 = tpu.vector_load %arg11[%swap3A_613, %swap3A_614] {strides = array<i32>} : memref<4x128xi32, #tpu.memory_space<vmem>>, vector<1x16xi32>,
    %swap3A_616 = vector.shape_cast %swap3A_615 : vector<1x16xi32> to vector<16xi32>
    %swap3A_617 = vector.shape_cast %sub3A_611 : vector<16xi32> to vector<1x16xi32>
    tpu.vector_store %arg11[%swap3A_613, %swap3A_614], %swap3A_617 {strides = array<i32>} : memref<4x128xi32, #tpu.memory_space<vmem>>, vector<1x16xi32>,
    %get3A_618 = arith.constant 1 : i32
    %get3A_619 = arith.index_cast %get3A_618 : i32 to index
    %get3A_620 = arith.constant 80 : index
    %get3A_621 = tpu.vector_load %arg10[%get3A_619, %get3A_620] {strides = array<i32>} : memref<4x128xi32, #tpu.memory_space<vmem>>, vector<1x16xi32>,
    %get3A_622 = vector.shape_cast %get3A_621 : vector<1x16xi32> to vector<16xi32>
    %mul3A_623 = arith.constant 2 : i32
    %mul3A_624 = vector.broadcast %mul3A_623 : i32 to vector<16xi32>
    %mul3A_625 = arith.muli %mul3A_624, %get3A_622 : vector<16xi32>
    %ge3A_626 = arith.constant 50048 : i32
    %ge3A_627 = vector.broadcast %ge3A_626 : i32 to vector<16xi32>
    %ge3A_628 = arith.cmpi sge, %get3A_622, %ge3A_627 : vector<16xi32>
    %jit3A_629 = arith.constant 100095 : i32
    %jit3A_630 = arith.constant 0 : i32
    %broadcast_in_dim3A_631 = vector.broadcast %jit3A_629 : i32 to vector<16xi32>
    %broadcast_in_dim3A_632 = vector.broadcast %jit3A_630 : i32 to vector<16xi32>
    %select_n3A_633 = arith.select %ge3A_628, %broadcast_in_dim3A_631, %broadcast_in_dim3A_632 : vector<16xi1>, vector<16xi32>
    %sub3A_634 = arith.subi %mul3A_625, %select_n3A_633 : vector<16xi32>
    %swap3A_635 = arith.constant 1 : i32
    %swap3A_636 = arith.index_cast %swap3A_635 : i32 to index
    %swap3A_637 = arith.constant 80 : index
    %swap3A_638 = tpu.vector_load %arg12[%swap3A_636, %swap3A_637] {strides = array<i32>} : memref<4x128xi32, #tpu.memory_space<vmem>>, vector<1x16xi32>,
    %swap3A_639 = vector.shape_cast %swap3A_638 : vector<1x16xi32> to vector<16xi32>
    %swap3A_640 = vector.shape_cast %sub3A_634 : vector<16xi32> to vector<1x16xi32>
    tpu.vector_store %arg12[%swap3A_636, %swap3A_637], %swap3A_640 {strides = array<i32>} : memref<4x128xi32, #tpu.memory_space<vmem>>, vector<1x16xi32>,
    %get3A_641 = arith.constant 1 : i32
    %get3A_642 = arith.index_cast %get3A_641 : i32 to index
    %get3A_643 = arith.constant 96 : index
    %get3A_644 = tpu.vector_load %arg9[%get3A_642, %get3A_643] {strides = array<i32>} : memref<4x128xi32, #tpu.memory_space<vmem>>, vector<1x16xi32>,
    %get3A_645 = vector.shape_cast %get3A_644 : vector<1x16xi32> to vector<16xi32>
    %mul3A_646 = arith.constant 2 : i32
    %mul3A_647 = vector.broadcast %mul3A_646 : i32 to vector<16xi32>
    %mul3A_648 = arith.muli %mul3A_647, %get3A_645 : vector<16xi32>
    %ge3A_649 = arith.constant 50048 : i32
    %ge3A_650 = vector.broadcast %ge3A_649 : i32 to vector<16xi32>
    %ge3A_651 = arith.cmpi sge, %get3A_645, %ge3A_650 : vector<16xi32>
    %jit3A_652 = arith.constant 100095 : i32
    %jit3A_653 = arith.constant 0 : i32
    %broadcast_in_dim3A_654 = vector.broadcast %jit3A_652 : i32 to vector<16xi32>
    %broadcast_in_dim3A_655 = vector.broadcast %jit3A_653 : i32 to vector<16xi32>
    %select_n3A_656 = arith.select %ge3A_651, %broadcast_in_dim3A_654, %broadcast_in_dim3A_655 : vector<16xi1>, vector<16xi32>
    %sub3A_657 = arith.subi %mul3A_648, %select_n3A_656 : vector<16xi32>
    %swap3A_658 = arith.constant 1 : i32
    %swap3A_659 = arith.index_cast %swap3A_658 : i32 to index
    %swap3A_660 = arith.constant 96 : index
    %swap3A_661 = tpu.vector_load %arg11[%swap3A_659, %swap3A_660] {strides = array<i32>} : memref<4x128xi32, #tpu.memory_space<vmem>>, vector<1x16xi32>,
    %swap3A_662 = vector.shape_cast %swap3A_661 : vector<1x16xi32> to vector<16xi32>
    %swap3A_663 = vector.shape_cast %sub3A_657 : vector<16xi32> to vector<1x16xi32>
    tpu.vector_store %arg11[%swap3A_659, %swap3A_660], %swap3A_663 {strides = array<i32>} : memref<4x128xi32, #tpu.memory_space<vmem>>, vector<1x16xi32>,
    %get3A_664 = arith.constant 1 : i32
    %get3A_665 = arith.index_cast %get3A_664 : i32 to index
    %get3A_666 = arith.constant 96 : index
    %get3A_667 = tpu.vector_load %arg10[%get3A_665, %get3A_666] {strides = array<i32>} : memref<4x128xi32, #tpu.memory_space<vmem>>, vector<1x16xi32>,
    %get3A_668 = vector.shape_cast %get3A_667 : vector<1x16xi32> to vector<16xi32>
    %mul3A_669 = arith.constant 2 : i32
    %mul3A_670 = vector.broadcast %mul3A_669 : i32 to vector<16xi32>
    %mul3A_671 = arith.muli %mul3A_670, %get3A_668 : vector<16xi32>
    %ge3A_672 = arith.constant 50048 : i32
    %ge3A_673 = vector.broadcast %ge3A_672 : i32 to vector<16xi32>
    %ge3A_674 = arith.cmpi sge, %get3A_668, %ge3A_673 : vector<16xi32>
    %jit3A_675 = arith.constant 100095 : i32
    %jit3A_676 = arith.constant 0 : i32
    %broadcast_in_dim3A_677 = vector.broadcast %jit3A_675 : i32 to vector<16xi32>
    %broadcast_in_dim3A_678 = vector.broadcast %jit3A_676 : i32 to vector<16xi32>
    %select_n3A_679 = arith.select %ge3A_674, %broadcast_in_dim3A_677, %broadcast_in_dim3A_678 : vector<16xi1>, vector<16xi32>
    %sub3A_680 = arith.subi %mul3A_671, %select_n3A_679 : vector<16xi32>
    %swap3A_681 = arith.constant 1 : i32
    %swap3A_682 = arith.index_cast %swap3A_681 : i32 to index
    %swap3A_683 = arith.constant 96 : index
    %swap3A_684 = tpu.vector_load %arg12[%swap3A_682, %swap3A_683] {strides = array<i32>} : memref<4x128xi32, #tpu.memory_space<vmem>>, vector<1x16xi32>,
    %swap3A_685 = vector.shape_cast %swap3A_684 : vector<1x16xi32> to vector<16xi32>
    %swap3A_686 = vector.shape_cast %sub3A_680 : vector<16xi32> to vector<1x16xi32>
    tpu.vector_store %arg12[%swap3A_682, %swap3A_683], %swap3A_686 {strides = array<i32>} : memref<4x128xi32, #tpu.memory_space<vmem>>, vector<1x16xi32>,
    %get3A_687 = arith.constant 1 : i32
    %get3A_688 = arith.index_cast %get3A_687 : i32 to index
    %get3A_689 = arith.constant 112 : index
    %get3A_690 = tpu.vector_load %arg9[%get3A_688, %get3A_689] {strides = array<i32>} : memref<4x128xi32, #tpu.memory_space<vmem>>, vector<1x16xi32>,
    %get3A_691 = vector.shape_cast %get3A_690 : vector<1x16xi32> to vector<16xi32>
    %mul3A_692 = arith.constant 2 : i32
    %mul3A_693 = vector.broadcast %mul3A_692 : i32 to vector<16xi32>
    %mul3A_694 = arith.muli %mul3A_693, %get3A_691 : vector<16xi32>
    %ge3A_695 = arith.constant 50048 : i32
    %ge3A_696 = vector.broadcast %ge3A_695 : i32 to vector<16xi32>
    %ge3A_697 = arith.cmpi sge, %get3A_691, %ge3A_696 : vector<16xi32>
    %jit3A_698 = arith.constant 100095 : i32
    %jit3A_699 = arith.constant 0 : i32
    %broadcast_in_dim3A_700 = vector.broadcast %jit3A_698 : i32 to vector<16xi32>
    %broadcast_in_dim3A_701 = vector.broadcast %jit3A_699 : i32 to vector<16xi32>
    %select_n3A_702 = arith.select %ge3A_697, %broadcast_in_dim3A_700, %broadcast_in_dim3A_701 : vector<16xi1>, vector<16xi32>
    %sub3A_703 = arith.subi %mul3A_694, %select_n3A_702 : vector<16xi32>
    %swap3A_704 = arith.constant 1 : i32
    %swap3A_705 = arith.index_cast %swap3A_704 : i32 to index
    %swap3A_706 = arith.constant 112 : index
    %swap3A_707 = tpu.vector_load %arg11[%swap3A_705, %swap3A_706] {strides = array<i32>} : memref<4x128xi32, #tpu.memory_space<vmem>>, vector<1x16xi32>,
    %swap3A_708 = vector.shape_cast %swap3A_707 : vector<1x16xi32> to vector<16xi32>
    %swap3A_709 = vector.shape_cast %sub3A_703 : vector<16xi32> to vector<1x16xi32>
    tpu.vector_store %arg11[%swap3A_705, %swap3A_706], %swap3A_709 {strides = array<i32>} : memref<4x128xi32, #tpu.memory_space<vmem>>, vector<1x16xi32>,
    %get3A_710 = arith.constant 1 : i32
    %get3A_711 = arith.index_cast %get3A_710 : i32 to index
    %get3A_712 = arith.constant 112 : index
    %get3A_713 = tpu.vector_load %arg10[%get3A_711, %get3A_712] {strides = array<i32>} : memref<4x128xi32, #tpu.memory_space<vmem>>, vector<1x16xi32>,
    %get3A_714 = vector.shape_cast %get3A_713 : vector<1x16xi32> to vector<16xi32>
    %mul3A_715 = arith.constant 2 : i32
    %mul3A_716 = vector.broadcast %mul3A_715 : i32 to vector<16xi32>
    %mul3A_717 = arith.muli %mul3A_716, %get3A_714 : vector<16xi32>
    %ge3A_718 = arith.constant 50048 : i32
    %ge3A_719 = vector.broadcast %ge3A_718 : i32 to vector<16xi32>
    %ge3A_720 = arith.cmpi sge, %get3A_714, %ge3A_719 : vector<16xi32>
    %jit3A_721 = arith.constant 100095 : i32
    %jit3A_722 = arith.constant 0 : i32
    %broadcast_in_dim3A_723 = vector.broadcast %jit3A_721 : i32 to vector<16xi32>
    %broadcast_in_dim3A_724 = vector.broadcast %jit3A_722 : i32 to vector<16xi32>
    %select_n3A_725 = arith.select %ge3A_720, %broadcast_in_dim3A_723, %broadcast_in_dim3A_724 : vector<16xi1>, vector<16xi32>
    %sub3A_726 = arith.subi %mul3A_717, %select_n3A_725 : vector<16xi32>
    %swap3A_727 = arith.constant 1 : i32
    %swap3A_728 = arith.index_cast %swap3A_727 : i32 to index
    %swap3A_729 = arith.constant 112 : index
    %swap3A_730 = tpu.vector_load %arg12[%swap3A_728, %swap3A_729] {strides = array<i32>} : memref<4x128xi32, #tpu.memory_space<vmem>>, vector<1x16xi32>,
    %swap3A_731 = vector.shape_cast %swap3A_730 : vector<1x16xi32> to vector<16xi32>
    %swap3A_732 = vector.shape_cast %sub3A_726 : vector<16xi32> to vector<1x16xi32>
    tpu.vector_store %arg12[%swap3A_728, %swap3A_729], %swap3A_732 {strides = array<i32>} : memref<4x128xi32, #tpu.memory_space<vmem>>, vector<1x16xi32>,
    %get3A_733 = arith.constant 2 : i32
    %get3A_734 = arith.index_cast %get3A_733 : i32 to index
    %get3A_735 = arith.constant 0 : index
    %get3A_736 = tpu.vector_load %arg9[%get3A_734, %get3A_735] {strides = array<i32>} : memref<4x128xi32, #tpu.memory_space<vmem>>, vector<1x16xi32>,
    %get3A_737 = vector.shape_cast %get3A_736 : vector<1x16xi32> to vector<16xi32>
    %mul3A_738 = arith.constant 2 : i32
    %mul3A_739 = vector.broadcast %mul3A_738 : i32 to vector<16xi32>
    %mul3A_740 = arith.muli %mul3A_739, %get3A_737 : vector<16xi32>
    %ge3A_741 = arith.constant 50048 : i32
    %ge3A_742 = vector.broadcast %ge3A_741 : i32 to vector<16xi32>
    %ge3A_743 = arith.cmpi sge, %get3A_737, %ge3A_742 : vector<16xi32>
    %jit3A_744 = arith.constant 100095 : i32
    %jit3A_745 = arith.constant 0 : i32
    %broadcast_in_dim3A_746 = vector.broadcast %jit3A_744 : i32 to vector<16xi32>
    %broadcast_in_dim3A_747 = vector.broadcast %jit3A_745 : i32 to vector<16xi32>
    %select_n3A_748 = arith.select %ge3A_743, %broadcast_in_dim3A_746, %broadcast_in_dim3A_747 : vector<16xi1>, vector<16xi32>
    %sub3A_749 = arith.subi %mul3A_740, %select_n3A_748 : vector<16xi32>
    %swap3A_750 = arith.constant 2 : i32
    %swap3A_751 = arith.index_cast %swap3A_750 : i32 to index
    %swap3A_752 = arith.constant 0 : index
    %swap3A_753 = tpu.vector_load %arg11[%swap3A_751, %swap3A_752] {strides = array<i32>} : memref<4x128xi32, #tpu.memory_space<vmem>>, vector<1x16xi32>,
    %swap3A_754 = vector.shape_cast %swap3A_753 : vector<1x16xi32> to vector<16xi32>
    %swap3A_755 = vector.shape_cast %sub3A_749 : vector<16xi32> to vector<1x16xi32>
    tpu.vector_store %arg11[%swap3A_751, %swap3A_752], %swap3A_755 {strides = array<i32>} : memref<4x128xi32, #tpu.memory_space<vmem>>, vector<1x16xi32>,
    %get3A_756 = arith.constant 2 : i32
    %get3A_757 = arith.index_cast %get3A_756 : i32 to index
    %get3A_758 = arith.constant 0 : index
    %get3A_759 = tpu.vector_load %arg10[%get3A_757, %get3A_758] {strides = array<i32>} : memref<4x128xi32, #tpu.memory_space<vmem>>, vector<1x16xi32>,
    %get3A_760 = vector.shape_cast %get3A_759 : vector<1x16xi32> to vector<16xi32>
    %mul3A_761 = arith.constant 2 : i32
    %mul3A_762 = vector.broadcast %mul3A_761 : i32 to vector<16xi32>
    %mul3A_763 = arith.muli %mul3A_762, %get3A_760 : vector<16xi32>
    %ge3A_764 = arith.constant 50048 : i32
    %ge3A_765 = vector.broadcast %ge3A_764 : i32 to vector<16xi32>
    %ge3A_766 = arith.cmpi sge, %get3A_760, %ge3A_765 : vector<16xi32>
    %jit3A_767 = arith.constant 100095 : i32
    %jit3A_768 = arith.constant 0 : i32
    %broadcast_in_dim3A_769 = vector.broadcast %jit3A_767 : i32 to vector<16xi32>
    %broadcast_in_dim3A_770 = vector.broadcast %jit3A_768 : i32 to vector<16xi32>
    %select_n3A_771 = arith.select %ge3A_766, %broadcast_in_dim3A_769, %broadcast_in_dim3A_770 : vector<16xi1>, vector<16xi32>
    %sub3A_772 = arith.subi %mul3A_763, %select_n3A_771 : vector<16xi32>
    %swap3A_773 = arith.constant 2 : i32
    %swap3A_774 = arith.index_cast %swap3A_773 : i32 to index
    %swap3A_775 = arith.constant 0 : index
    %swap3A_776 = tpu.vector_load %arg12[%swap3A_774, %swap3A_775] {strides = array<i32>} : memref<4x128xi32, #tpu.memory_space<vmem>>, vector<1x16xi32>,
    %swap3A_777 = vector.shape_cast %swap3A_776 : vector<1x16xi32> to vector<16xi32>
    %swap3A_778 = vector.shape_cast %sub3A_772 : vector<16xi32> to vector<1x16xi32>
    tpu.vector_store %arg12[%swap3A_774, %swap3A_775], %swap3A_778 {strides = array<i32>} : memref<4x128xi32, #tpu.memory_space<vmem>>, vector<1x16xi32>,
    %get3A_779 = arith.constant 2 : i32
    %get3A_780 = arith.index_cast %get3A_779 : i32 to index
    %get3A_781 = arith.constant 16 : index
    %get3A_782 = tpu.vector_load %arg9[%get3A_780, %get3A_781] {strides = array<i32>} : memref<4x128xi32, #tpu.memory_space<vmem>>, vector<1x16xi32>,
    %get3A_783 = vector.shape_cast %get3A_782 : vector<1x16xi32> to vector<16xi32>
    %mul3A_784 = arith.constant 2 : i32
    %mul3A_785 = vector.broadcast %mul3A_784 : i32 to vector<16xi32>
    %mul3A_786 = arith.muli %mul3A_785, %get3A_783 : vector<16xi32>
    %ge3A_787 = arith.constant 50048 : i32
    %ge3A_788 = vector.broadcast %ge3A_787 : i32 to vector<16xi32>
    %ge3A_789 = arith.cmpi sge, %get3A_783, %ge3A_788 : vector<16xi32>
    %jit3A_790 = arith.constant 100095 : i32
    %jit3A_791 = arith.constant 0 : i32
    %broadcast_in_dim3A_792 = vector.broadcast %jit3A_790 : i32 to vector<16xi32>
    %broadcast_in_dim3A_793 = vector.broadcast %jit3A_791 : i32 to vector<16xi32>
    %select_n3A_794 = arith.select %ge3A_789, %broadcast_in_dim3A_792, %broadcast_in_dim3A_793 : vector<16xi1>, vector<16xi32>
    %sub3A_795 = arith.subi %mul3A_786, %select_n3A_794 : vector<16xi32>
    %swap3A_796 = arith.constant 2 : i32
    %swap3A_797 = arith.index_cast %swap3A_796 : i32 to index
    %swap3A_798 = arith.constant 16 : index
    %swap3A_799 = tpu.vector_load %arg11[%swap3A_797, %swap3A_798] {strides = array<i32>} : memref<4x128xi32, #tpu.memory_space<vmem>>, vector<1x16xi32>,
    %swap3A_800 = vector.shape_cast %swap3A_799 : vector<1x16xi32> to vector<16xi32>
    %swap3A_801 = vector.shape_cast %sub3A_795 : vector<16xi32> to vector<1x16xi32>
    tpu.vector_store %arg11[%swap3A_797, %swap3A_798], %swap3A_801 {strides = array<i32>} : memref<4x128xi32, #tpu.memory_space<vmem>>, vector<1x16xi32>,
    %get3A_802 = arith.constant 2 : i32
    %get3A_803 = arith.index_cast %get3A_802 : i32 to index
    %get3A_804 = arith.constant 16 : index
    %get3A_805 = tpu.vector_load %arg10[%get3A_803, %get3A_804] {strides = array<i32>} : memref<4x128xi32, #tpu.memory_space<vmem>>, vector<1x16xi32>,
    %get3A_806 = vector.shape_cast %get3A_805 : vector<1x16xi32> to vector<16xi32>
    %mul3A_807 = arith.constant 2 : i32
    %mul3A_808 = vector.broadcast %mul3A_807 : i32 to vector<16xi32>
    %mul3A_809 = arith.muli %mul3A_808, %get3A_806 : vector<16xi32>
    %ge3A_810 = arith.constant 50048 : i32
    %ge3A_811 = vector.broadcast %ge3A_810 : i32 to vector<16xi32>
    %ge3A_812 = arith.cmpi sge, %get3A_806, %ge3A_811 : vector<16xi32>
    %jit3A_813 = arith.constant 100095 : i32
    %jit3A_814 = arith.constant 0 : i32
    %broadcast_in_dim3A_815 = vector.broadcast %jit3A_813 : i32 to vector<16xi32>
    %broadcast_in_dim3A_816 = vector.broadcast %jit3A_814 : i32 to vector<16xi32>
    %select_n3A_817 = arith.select %ge3A_812, %broadcast_in_dim3A_815, %broadcast_in_dim3A_816 : vector<16xi1>, vector<16xi32>
    %sub3A_818 = arith.subi %mul3A_809, %select_n3A_817 : vector<16xi32>
    %swap3A_819 = arith.constant 2 : i32
    %swap3A_820 = arith.index_cast %swap3A_819 : i32 to index
    %swap3A_821 = arith.constant 16 : index
    %swap3A_822 = tpu.vector_load %arg12[%swap3A_820, %swap3A_821] {strides = array<i32>} : memref<4x128xi32, #tpu.memory_space<vmem>>, vector<1x16xi32>,
    %swap3A_823 = vector.shape_cast %swap3A_822 : vector<1x16xi32> to vector<16xi32>
    %swap3A_824 = vector.shape_cast %sub3A_818 : vector<16xi32> to vector<1x16xi32>
    tpu.vector_store %arg12[%swap3A_820, %swap3A_821], %swap3A_824 {strides = array<i32>} : memref<4x128xi32, #tpu.memory_space<vmem>>, vector<1x16xi32>,
    %get3A_825 = arith.constant 2 : i32
    %get3A_826 = arith.index_cast %get3A_825 : i32 to index
    %get3A_827 = arith.constant 32 : index
    %get3A_828 = tpu.vector_load %arg9[%get3A_826, %get3A_827] {strides = array<i32>} : memref<4x128xi32, #tpu.memory_space<vmem>>, vector<1x16xi32>,
    %get3A_829 = vector.shape_cast %get3A_828 : vector<1x16xi32> to vector<16xi32>
    %mul3A_830 = arith.constant 2 : i32
    %mul3A_831 = vector.broadcast %mul3A_830 : i32 to vector<16xi32>
    %mul3A_832 = arith.muli %mul3A_831, %get3A_829 : vector<16xi32>
    %ge3A_833 = arith.constant 50048 : i32
    %ge3A_834 = vector.broadcast %ge3A_833 : i32 to vector<16xi32>
    %ge3A_835 = arith.cmpi sge, %get3A_829, %ge3A_834 : vector<16xi32>
    %jit3A_836 = arith.constant 100095 : i32
    %jit3A_837 = arith.constant 0 : i32
    %broadcast_in_dim3A_838 = vector.broadcast %jit3A_836 : i32 to vector<16xi32>
    %broadcast_in_dim3A_839 = vector.broadcast %jit3A_837 : i32 to vector<16xi32>
    %select_n3A_840 = arith.select %ge3A_835, %broadcast_in_dim3A_838, %broadcast_in_dim3A_839 : vector<16xi1>, vector<16xi32>
    %sub3A_841 = arith.subi %mul3A_832, %select_n3A_840 : vector<16xi32>
    %swap3A_842 = arith.constant 2 : i32
    %swap3A_843 = arith.index_cast %swap3A_842 : i32 to index
    %swap3A_844 = arith.constant 32 : index
    %swap3A_845 = tpu.vector_load %arg11[%swap3A_843, %swap3A_844] {strides = array<i32>} : memref<4x128xi32, #tpu.memory_space<vmem>>, vector<1x16xi32>,
    %swap3A_846 = vector.shape_cast %swap3A_845 : vector<1x16xi32> to vector<16xi32>
    %swap3A_847 = vector.shape_cast %sub3A_841 : vector<16xi32> to vector<1x16xi32>
    tpu.vector_store %arg11[%swap3A_843, %swap3A_844], %swap3A_847 {strides = array<i32>} : memref<4x128xi32, #tpu.memory_space<vmem>>, vector<1x16xi32>,
    %get3A_848 = arith.constant 2 : i32
    %get3A_849 = arith.index_cast %get3A_848 : i32 to index
    %get3A_850 = arith.constant 32 : index
    %get3A_851 = tpu.vector_load %arg10[%get3A_849, %get3A_850] {strides = array<i32>} : memref<4x128xi32, #tpu.memory_space<vmem>>, vector<1x16xi32>,
    %get3A_852 = vector.shape_cast %get3A_851 : vector<1x16xi32> to vector<16xi32>
    %mul3A_853 = arith.constant 2 : i32
    %mul3A_854 = vector.broadcast %mul3A_853 : i32 to vector<16xi32>
    %mul3A_855 = arith.muli %mul3A_854, %get3A_852 : vector<16xi32>
    %ge3A_856 = arith.constant 50048 : i32
    %ge3A_857 = vector.broadcast %ge3A_856 : i32 to vector<16xi32>
    %ge3A_858 = arith.cmpi sge, %get3A_852, %ge3A_857 : vector<16xi32>
    %jit3A_859 = arith.constant 100095 : i32
    %jit3A_860 = arith.constant 0 : i32
    %broadcast_in_dim3A_861 = vector.broadcast %jit3A_859 : i32 to vector<16xi32>
    %broadcast_in_dim3A_862 = vector.broadcast %jit3A_860 : i32 to vector<16xi32>
    %select_n3A_863 = arith.select %ge3A_858, %broadcast_in_dim3A_861, %broadcast_in_dim3A_862 : vector<16xi1>, vector<16xi32>
    %sub3A_864 = arith.subi %mul3A_855, %select_n3A_863 : vector<16xi32>
    %swap3A_865 = arith.constant 2 : i32
    %swap3A_866 = arith.index_cast %swap3A_865 : i32 to index
    %swap3A_867 = arith.constant 32 : index
    %swap3A_868 = tpu.vector_load %arg12[%swap3A_866, %swap3A_867] {strides = array<i32>} : memref<4x128xi32, #tpu.memory_space<vmem>>, vector<1x16xi32>,
    %swap3A_869 = vector.shape_cast %swap3A_868 : vector<1x16xi32> to vector<16xi32>
    %swap3A_870 = vector.shape_cast %sub3A_864 : vector<16xi32> to vector<1x16xi32>
    tpu.vector_store %arg12[%swap3A_866, %swap3A_867], %swap3A_870 {strides = array<i32>} : memref<4x128xi32, #tpu.memory_space<vmem>>, vector<1x16xi32>,
    %get3A_871 = arith.constant 2 : i32
    %get3A_872 = arith.index_cast %get3A_871 : i32 to index
    %get3A_873 = arith.constant 48 : index
    %get3A_874 = tpu.vector_load %arg9[%get3A_872, %get3A_873] {strides = array<i32>} : memref<4x128xi32, #tpu.memory_space<vmem>>, vector<1x16xi32>,
    %get3A_875 = vector.shape_cast %get3A_874 : vector<1x16xi32> to vector<16xi32>
    %mul3A_876 = arith.constant 2 : i32
    %mul3A_877 = vector.broadcast %mul3A_876 : i32 to vector<16xi32>
    %mul3A_878 = arith.muli %mul3A_877, %get3A_875 : vector<16xi32>
    %ge3A_879 = arith.constant 50048 : i32
    %ge3A_880 = vector.broadcast %ge3A_879 : i32 to vector<16xi32>
    %ge3A_881 = arith.cmpi sge, %get3A_875, %ge3A_880 : vector<16xi32>
    %jit3A_882 = arith.constant 100095 : i32
    %jit3A_883 = arith.constant 0 : i32
    %broadcast_in_dim3A_884 = vector.broadcast %jit3A_882 : i32 to vector<16xi32>
    %broadcast_in_dim3A_885 = vector.broadcast %jit3A_883 : i32 to vector<16xi32>
    %select_n3A_886 = arith.select %ge3A_881, %broadcast_in_dim3A_884, %broadcast_in_dim3A_885 : vector<16xi1>, vector<16xi32>
    %sub3A_887 = arith.subi %mul3A_878, %select_n3A_886 : vector<16xi32>
    %swap3A_888 = arith.constant 2 : i32
    %swap3A_889 = arith.index_cast %swap3A_888 : i32 to index
    %swap3A_890 = arith.constant 48 : index
    %swap3A_891 = tpu.vector_load %arg11[%swap3A_889, %swap3A_890] {strides = array<i32>} : memref<4x128xi32, #tpu.memory_space<vmem>>, vector<1x16xi32>,
    %swap3A_892 = vector.shape_cast %swap3A_891 : vector<1x16xi32> to vector<16xi32>
    %swap3A_893 = vector.shape_cast %sub3A_887 : vector<16xi32> to vector<1x16xi32>
    tpu.vector_store %arg11[%swap3A_889, %swap3A_890], %swap3A_893 {strides = array<i32>} : memref<4x128xi32, #tpu.memory_space<vmem>>, vector<1x16xi32>,
    %get3A_894 = arith.constant 2 : i32
    %get3A_895 = arith.index_cast %get3A_894 : i32 to index
    %get3A_896 = arith.constant 48 : index
    %get3A_897 = tpu.vector_load %arg10[%get3A_895, %get3A_896] {strides = array<i32>} : memref<4x128xi32, #tpu.memory_space<vmem>>, vector<1x16xi32>,
    %get3A_898 = vector.shape_cast %get3A_897 : vector<1x16xi32> to vector<16xi32>
    %mul3A_899 = arith.constant 2 : i32
    %mul3A_900 = vector.broadcast %mul3A_899 : i32 to vector<16xi32>
    %mul3A_901 = arith.muli %mul3A_900, %get3A_898 : vector<16xi32>
    %ge3A_902 = arith.constant 50048 : i32
    %ge3A_903 = vector.broadcast %ge3A_902 : i32 to vector<16xi32>
    %ge3A_904 = arith.cmpi sge, %get3A_898, %ge3A_903 : vector<16xi32>
    %jit3A_905 = arith.constant 100095 : i32
    %jit3A_906 = arith.constant 0 : i32
    %broadcast_in_dim3A_907 = vector.broadcast %jit3A_905 : i32 to vector<16xi32>
    %broadcast_in_dim3A_908 = vector.broadcast %jit3A_906 : i32 to vector<16xi32>
    %select_n3A_909 = arith.select %ge3A_904, %broadcast_in_dim3A_907, %broadcast_in_dim3A_908 : vector<16xi1>, vector<16xi32>
    %sub3A_910 = arith.subi %mul3A_901, %select_n3A_909 : vector<16xi32>
    %swap3A_911 = arith.constant 2 : i32
    %swap3A_912 = arith.index_cast %swap3A_911 : i32 to index
    %swap3A_913 = arith.constant 48 : index
    %swap3A_914 = tpu.vector_load %arg12[%swap3A_912, %swap3A_913] {strides = array<i32>} : memref<4x128xi32, #tpu.memory_space<vmem>>, vector<1x16xi32>,
    %swap3A_915 = vector.shape_cast %swap3A_914 : vector<1x16xi32> to vector<16xi32>
    %swap3A_916 = vector.shape_cast %sub3A_910 : vector<16xi32> to vector<1x16xi32>
    tpu.vector_store %arg12[%swap3A_912, %swap3A_913], %swap3A_916 {strides = array<i32>} : memref<4x128xi32, #tpu.memory_space<vmem>>, vector<1x16xi32>,
    %get3A_917 = arith.constant 2 : i32
    %get3A_918 = arith.index_cast %get3A_917 : i32 to index
    %get3A_919 = arith.constant 64 : index
    %get3A_920 = tpu.vector_load %arg9[%get3A_918, %get3A_919] {strides = array<i32>} : memref<4x128xi32, #tpu.memory_space<vmem>>, vector<1x16xi32>,
    %get3A_921 = vector.shape_cast %get3A_920 : vector<1x16xi32> to vector<16xi32>
    %mul3A_922 = arith.constant 2 : i32
    %mul3A_923 = vector.broadcast %mul3A_922 : i32 to vector<16xi32>
    %mul3A_924 = arith.muli %mul3A_923, %get3A_921 : vector<16xi32>
    %ge3A_925 = arith.constant 50048 : i32
    %ge3A_926 = vector.broadcast %ge3A_925 : i32 to vector<16xi32>
    %ge3A_927 = arith.cmpi sge, %get3A_921, %ge3A_926 : vector<16xi32>
    %jit3A_928 = arith.constant 100095 : i32
    %jit3A_929 = arith.constant 0 : i32
    %broadcast_in_dim3A_930 = vector.broadcast %jit3A_928 : i32 to vector<16xi32>
    %broadcast_in_dim3A_931 = vector.broadcast %jit3A_929 : i32 to vector<16xi32>
    %select_n3A_932 = arith.select %ge3A_927, %broadcast_in_dim3A_930, %broadcast_in_dim3A_931 : vector<16xi1>, vector<16xi32>
    %sub3A_933 = arith.subi %mul3A_924, %select_n3A_932 : vector<16xi32>
    %swap3A_934 = arith.constant 2 : i32
    %swap3A_935 = arith.index_cast %swap3A_934 : i32 to index
    %swap3A_936 = arith.constant 64 : index
    %swap3A_937 = tpu.vector_load %arg11[%swap3A_935, %swap3A_936] {strides = array<i32>} : memref<4x128xi32, #tpu.memory_space<vmem>>, vector<1x16xi32>,
    %swap3A_938 = vector.shape_cast %swap3A_937 : vector<1x16xi32> to vector<16xi32>
    %swap3A_939 = vector.shape_cast %sub3A_933 : vector<16xi32> to vector<1x16xi32>
    tpu.vector_store %arg11[%swap3A_935, %swap3A_936], %swap3A_939 {strides = array<i32>} : memref<4x128xi32, #tpu.memory_space<vmem>>, vector<1x16xi32>,
    %get3A_940 = arith.constant 2 : i32
    %get3A_941 = arith.index_cast %get3A_940 : i32 to index
    %get3A_942 = arith.constant 64 : index
    %get3A_943 = tpu.vector_load %arg10[%get3A_941, %get3A_942] {strides = array<i32>} : memref<4x128xi32, #tpu.memory_space<vmem>>, vector<1x16xi32>,
    %get3A_944 = vector.shape_cast %get3A_943 : vector<1x16xi32> to vector<16xi32>
    %mul3A_945 = arith.constant 2 : i32
    %mul3A_946 = vector.broadcast %mul3A_945 : i32 to vector<16xi32>
    %mul3A_947 = arith.muli %mul3A_946, %get3A_944 : vector<16xi32>
    %ge3A_948 = arith.constant 50048 : i32
    %ge3A_949 = vector.broadcast %ge3A_948 : i32 to vector<16xi32>
    %ge3A_950 = arith.cmpi sge, %get3A_944, %ge3A_949 : vector<16xi32>
    %jit3A_951 = arith.constant 100095 : i32
    %jit3A_952 = arith.constant 0 : i32
    %broadcast_in_dim3A_953 = vector.broadcast %jit3A_951 : i32 to vector<16xi32>
    %broadcast_in_dim3A_954 = vector.broadcast %jit3A_952 : i32 to vector<16xi32>
    %select_n3A_955 = arith.select %ge3A_950, %broadcast_in_dim3A_953, %broadcast_in_dim3A_954 : vector<16xi1>, vector<16xi32>
    %sub3A_956 = arith.subi %mul3A_947, %select_n3A_955 : vector<16xi32>
    %swap3A_957 = arith.constant 2 : i32
    %swap3A_958 = arith.index_cast %swap3A_957 : i32 to index
    %swap3A_959 = arith.constant 64 : index
    %swap3A_960 = tpu.vector_load %arg12[%swap3A_958, %swap3A_959] {strides = array<i32>} : memref<4x128xi32, #tpu.memory_space<vmem>>, vector<1x16xi32>,
    %swap3A_961 = vector.shape_cast %swap3A_960 : vector<1x16xi32> to vector<16xi32>
    %swap3A_962 = vector.shape_cast %sub3A_956 : vector<16xi32> to vector<1x16xi32>
    tpu.vector_store %arg12[%swap3A_958, %swap3A_959], %swap3A_962 {strides = array<i32>} : memref<4x128xi32, #tpu.memory_space<vmem>>, vector<1x16xi32>,
    %get3A_963 = arith.constant 2 : i32
    %get3A_964 = arith.index_cast %get3A_963 : i32 to index
    %get3A_965 = arith.constant 80 : index
    %get3A_966 = tpu.vector_load %arg9[%get3A_964, %get3A_965] {strides = array<i32>} : memref<4x128xi32, #tpu.memory_space<vmem>>, vector<1x16xi32>,
    %get3A_967 = vector.shape_cast %get3A_966 : vector<1x16xi32> to vector<16xi32>
    %mul3A_968 = arith.constant 2 : i32
    %mul3A_969 = vector.broadcast %mul3A_968 : i32 to vector<16xi32>
    %mul3A_970 = arith.muli %mul3A_969, %get3A_967 : vector<16xi32>
    %ge3A_971 = arith.constant 50048 : i32
    %ge3A_972 = vector.broadcast %ge3A_971 : i32 to vector<16xi32>
    %ge3A_973 = arith.cmpi sge, %get3A_967, %ge3A_972 : vector<16xi32>
    %jit3A_974 = arith.constant 100095 : i32
    %jit3A_975 = arith.constant 0 : i32
    %broadcast_in_dim3A_976 = vector.broadcast %jit3A_974 : i32 to vector<16xi32>
    %broadcast_in_dim3A_977 = vector.broadcast %jit3A_975 : i32 to vector<16xi32>
    %select_n3A_978 = arith.select %ge3A_973, %broadcast_in_dim3A_976, %broadcast_in_dim3A_977 : vector<16xi1>, vector<16xi32>
    %sub3A_979 = arith.subi %mul3A_970, %select_n3A_978 : vector<16xi32>
    %swap3A_980 = arith.constant 2 : i32
    %swap3A_981 = arith.index_cast %swap3A_980 : i32 to index
    %swap3A_982 = arith.constant 80 : index
    %swap3A_983 = tpu.vector_load %arg11[%swap3A_981, %swap3A_982] {strides = array<i32>} : memref<4x128xi32, #tpu.memory_space<vmem>>, vector<1x16xi32>,
    %swap3A_984 = vector.shape_cast %swap3A_983 : vector<1x16xi32> to vector<16xi32>
    %swap3A_985 = vector.shape_cast %sub3A_979 : vector<16xi32> to vector<1x16xi32>
    tpu.vector_store %arg11[%swap3A_981, %swap3A_982], %swap3A_985 {strides = array<i32>} : memref<4x128xi32, #tpu.memory_space<vmem>>, vector<1x16xi32>,
    %get3A_986 = arith.constant 2 : i32
    %get3A_987 = arith.index_cast %get3A_986 : i32 to index
    %get3A_988 = arith.constant 80 : index
    %get3A_989 = tpu.vector_load %arg10[%get3A_987, %get3A_988] {strides = array<i32>} : memref<4x128xi32, #tpu.memory_space<vmem>>, vector<1x16xi32>,
    %get3A_990 = vector.shape_cast %get3A_989 : vector<1x16xi32> to vector<16xi32>
    %mul3A_991 = arith.constant 2 : i32
    %mul3A_992 = vector.broadcast %mul3A_991 : i32 to vector<16xi32>
    %mul3A_993 = arith.muli %mul3A_992, %get3A_990 : vector<16xi32>
    %ge3A_994 = arith.constant 50048 : i32
    %ge3A_995 = vector.broadcast %ge3A_994 : i32 to vector<16xi32>
    %ge3A_996 = arith.cmpi sge, %get3A_990, %ge3A_995 : vector<16xi32>
    %jit3A_997 = arith.constant 100095 : i32
    %jit3A_998 = arith.constant 0 : i32
    %broadcast_in_dim3A_999 = vector.broadcast %jit3A_997 : i32 to vector<16xi32>
    %broadcast_in_dim3A_1000 = vector.broadcast %jit3A_998 : i32 to vector<16xi32>
    %select_n3A_1001 = arith.select %ge3A_996, %broadcast_in_dim3A_999, %broadcast_in_dim3A_1000 : vector<16xi1>, vector<16xi32>
    %sub3A_1002 = arith.subi %mul3A_993, %select_n3A_1001 : vector<16xi32>
    %swap3A_1003 = arith.constant 2 : i32
    %swap3A_1004 = arith.index_cast %swap3A_1003 : i32 to index
    %swap3A_1005 = arith.constant 80 : index
    %swap3A_1006 = tpu.vector_load %arg12[%swap3A_1004, %swap3A_1005] {strides = array<i32>} : memref<4x128xi32, #tpu.memory_space<vmem>>, vector<1x16xi32>,
    %swap3A_1007 = vector.shape_cast %swap3A_1006 : vector<1x16xi32> to vector<16xi32>
    %swap3A_1008 = vector.shape_cast %sub3A_1002 : vector<16xi32> to vector<1x16xi32>
    tpu.vector_store %arg12[%swap3A_1004, %swap3A_1005], %swap3A_1008 {strides = array<i32>} : memref<4x128xi32, #tpu.memory_space<vmem>>, vector<1x16xi32>,
    %get3A_1009 = arith.constant 2 : i32
    %get3A_1010 = arith.index_cast %get3A_1009 : i32 to index
    %get3A_1011 = arith.constant 96 : index
    %get3A_1012 = tpu.vector_load %arg9[%get3A_1010, %get3A_1011] {strides = array<i32>} : memref<4x128xi32, #tpu.memory_space<vmem>>, vector<1x16xi32>,
    %get3A_1013 = vector.shape_cast %get3A_1012 : vector<1x16xi32> to vector<16xi32>
    %mul3A_1014 = arith.constant 2 : i32
    %mul3A_1015 = vector.broadcast %mul3A_1014 : i32 to vector<16xi32>
    %mul3A_1016 = arith.muli %mul3A_1015, %get3A_1013 : vector<16xi32>
    %ge3A_1017 = arith.constant 50048 : i32
    %ge3A_1018 = vector.broadcast %ge3A_1017 : i32 to vector<16xi32>
    %ge3A_1019 = arith.cmpi sge, %get3A_1013, %ge3A_1018 : vector<16xi32>
    %jit3A_1020 = arith.constant 100095 : i32
    %jit3A_1021 = arith.constant 0 : i32
    %broadcast_in_dim3A_1022 = vector.broadcast %jit3A_1020 : i32 to vector<16xi32>
    %broadcast_in_dim3A_1023 = vector.broadcast %jit3A_1021 : i32 to vector<16xi32>
    %select_n3A_1024 = arith.select %ge3A_1019, %broadcast_in_dim3A_1022, %broadcast_in_dim3A_1023 : vector<16xi1>, vector<16xi32>
    %sub3A_1025 = arith.subi %mul3A_1016, %select_n3A_1024 : vector<16xi32>
    %swap3A_1026 = arith.constant 2 : i32
    %swap3A_1027 = arith.index_cast %swap3A_1026 : i32 to index
    %swap3A_1028 = arith.constant 96 : index
    %swap3A_1029 = tpu.vector_load %arg11[%swap3A_1027, %swap3A_1028] {strides = array<i32>} : memref<4x128xi32, #tpu.memory_space<vmem>>, vector<1x16xi32>,
    %swap3A_1030 = vector.shape_cast %swap3A_1029 : vector<1x16xi32> to vector<16xi32>
    %swap3A_1031 = vector.shape_cast %sub3A_1025 : vector<16xi32> to vector<1x16xi32>
    tpu.vector_store %arg11[%swap3A_1027, %swap3A_1028], %swap3A_1031 {strides = array<i32>} : memref<4x128xi32, #tpu.memory_space<vmem>>, vector<1x16xi32>,
    %get3A_1032 = arith.constant 2 : i32
    %get3A_1033 = arith.index_cast %get3A_1032 : i32 to index
    %get3A_1034 = arith.constant 96 : index
    %get3A_1035 = tpu.vector_load %arg10[%get3A_1033, %get3A_1034] {strides = array<i32>} : memref<4x128xi32, #tpu.memory_space<vmem>>, vector<1x16xi32>,
    %get3A_1036 = vector.shape_cast %get3A_1035 : vector<1x16xi32> to vector<16xi32>
    %mul3A_1037 = arith.constant 2 : i32
    %mul3A_1038 = vector.broadcast %mul3A_1037 : i32 to vector<16xi32>
    %mul3A_1039 = arith.muli %mul3A_1038, %get3A_1036 : vector<16xi32>
    %ge3A_1040 = arith.constant 50048 : i32
    %ge3A_1041 = vector.broadcast %ge3A_1040 : i32 to vector<16xi32>
    %ge3A_1042 = arith.cmpi sge, %get3A_1036, %ge3A_1041 : vector<16xi32>
    %jit3A_1043 = arith.constant 100095 : i32
    %jit3A_1044 = arith.constant 0 : i32
    %broadcast_in_dim3A_1045 = vector.broadcast %jit3A_1043 : i32 to vector<16xi32>
    %broadcast_in_dim3A_1046 = vector.broadcast %jit3A_1044 : i32 to vector<16xi32>
    %select_n3A_1047 = arith.select %ge3A_1042, %broadcast_in_dim3A_1045, %broadcast_in_dim3A_1046 : vector<16xi1>, vector<16xi32>
    %sub3A_1048 = arith.subi %mul3A_1039, %select_n3A_1047 : vector<16xi32>
    %swap3A_1049 = arith.constant 2 : i32
    %swap3A_1050 = arith.index_cast %swap3A_1049 : i32 to index
    %swap3A_1051 = arith.constant 96 : index
    %swap3A_1052 = tpu.vector_load %arg12[%swap3A_1050, %swap3A_1051] {strides = array<i32>} : memref<4x128xi32, #tpu.memory_space<vmem>>, vector<1x16xi32>,
    %swap3A_1053 = vector.shape_cast %swap3A_1052 : vector<1x16xi32> to vector<16xi32>
    %swap3A_1054 = vector.shape_cast %sub3A_1048 : vector<16xi32> to vector<1x16xi32>
    tpu.vector_store %arg12[%swap3A_1050, %swap3A_1051], %swap3A_1054 {strides = array<i32>} : memref<4x128xi32, #tpu.memory_space<vmem>>, vector<1x16xi32>,
    %get3A_1055 = arith.constant 2 : i32
    %get3A_1056 = arith.index_cast %get3A_1055 : i32 to index
    %get3A_1057 = arith.constant 112 : index
    %get3A_1058 = tpu.vector_load %arg9[%get3A_1056, %get3A_1057] {strides = array<i32>} : memref<4x128xi32, #tpu.memory_space<vmem>>, vector<1x16xi32>,
    %get3A_1059 = vector.shape_cast %get3A_1058 : vector<1x16xi32> to vector<16xi32>
    %mul3A_1060 = arith.constant 2 : i32
    %mul3A_1061 = vector.broadcast %mul3A_1060 : i32 to vector<16xi32>
    %mul3A_1062 = arith.muli %mul3A_1061, %get3A_1059 : vector<16xi32>
    %ge3A_1063 = arith.constant 50048 : i32
    %ge3A_1064 = vector.broadcast %ge3A_1063 : i32 to vector<16xi32>
    %ge3A_1065 = arith.cmpi sge, %get3A_1059, %ge3A_1064 : vector<16xi32>
    %jit3A_1066 = arith.constant 100095 : i32
    %jit3A_1067 = arith.constant 0 : i32
    %broadcast_in_dim3A_1068 = vector.broadcast %jit3A_1066 : i32 to vector<16xi32>
    %broadcast_in_dim3A_1069 = vector.broadcast %jit3A_1067 : i32 to vector<16xi32>
    %select_n3A_1070 = arith.select %ge3A_1065, %broadcast_in_dim3A_1068, %broadcast_in_dim3A_1069 : vector<16xi1>, vector<16xi32>
    %sub3A_1071 = arith.subi %mul3A_1062, %select_n3A_1070 : vector<16xi32>
    %swap3A_1072 = arith.constant 2 : i32
    %swap3A_1073 = arith.index_cast %swap3A_1072 : i32 to index
    %swap3A_1074 = arith.constant 112 : index
    %swap3A_1075 = tpu.vector_load %arg11[%swap3A_1073, %swap3A_1074] {strides = array<i32>} : memref<4x128xi32, #tpu.memory_space<vmem>>, vector<1x16xi32>,
    %swap3A_1076 = vector.shape_cast %swap3A_1075 : vector<1x16xi32> to vector<16xi32>
    %swap3A_1077 = vector.shape_cast %sub3A_1071 : vector<16xi32> to vector<1x16xi32>
    tpu.vector_store %arg11[%swap3A_1073, %swap3A_1074], %swap3A_1077 {strides = array<i32>} : memref<4x128xi32, #tpu.memory_space<vmem>>, vector<1x16xi32>,
    %get3A_1078 = arith.constant 2 : i32
    %get3A_1079 = arith.index_cast %get3A_1078 : i32 to index
    %get3A_1080 = arith.constant 112 : index
    %get3A_1081 = tpu.vector_load %arg10[%get3A_1079, %get3A_1080] {strides = array<i32>} : memref<4x128xi32, #tpu.memory_space<vmem>>, vector<1x16xi32>,
    %get3A_1082 = vector.shape_cast %get3A_1081 : vector<1x16xi32> to vector<16xi32>
    %mul3A_1083 = arith.constant 2 : i32
    %mul3A_1084 = vector.broadcast %mul3A_1083 : i32 to vector<16xi32>
    %mul3A_1085 = arith.muli %mul3A_1084, %get3A_1082 : vector<16xi32>
    %ge3A_1086 = arith.constant 50048 : i32
    %ge3A_1087 = vector.broadcast %ge3A_1086 : i32 to vector<16xi32>
    %ge3A_1088 = arith.cmpi sge, %get3A_1082, %ge3A_1087 : vector<16xi32>
    %jit3A_1089 = arith.constant 100095 : i32
    %jit3A_1090 = arith.constant 0 : i32
    %broadcast_in_dim3A_1091 = vector.broadcast %jit3A_1089 : i32 to vector<16xi32>
    %broadcast_in_dim3A_1092 = vector.broadcast %jit3A_1090 : i32 to vector<16xi32>
    %select_n3A_1093 = arith.select %ge3A_1088, %broadcast_in_dim3A_1091, %broadcast_in_dim3A_1092 : vector<16xi1>, vector<16xi32>
    %sub3A_1094 = arith.subi %mul3A_1085, %select_n3A_1093 : vector<16xi32>
    %swap3A_1095 = arith.constant 2 : i32
    %swap3A_1096 = arith.index_cast %swap3A_1095 : i32 to index
    %swap3A_1097 = arith.constant 112 : index
    %swap3A_1098 = tpu.vector_load %arg12[%swap3A_1096, %swap3A_1097] {strides = array<i32>} : memref<4x128xi32, #tpu.memory_space<vmem>>, vector<1x16xi32>,
    %swap3A_1099 = vector.shape_cast %swap3A_1098 : vector<1x16xi32> to vector<16xi32>
    %swap3A_1100 = vector.shape_cast %sub3A_1094 : vector<16xi32> to vector<1x16xi32>
    tpu.vector_store %arg12[%swap3A_1096, %swap3A_1097], %swap3A_1100 {strides = array<i32>} : memref<4x128xi32, #tpu.memory_space<vmem>>, vector<1x16xi32>,
    %get3A_1101 = arith.constant 3 : i32
    %get3A_1102 = arith.index_cast %get3A_1101 : i32 to index
    %get3A_1103 = arith.constant 0 : index
    %get3A_1104 = tpu.vector_load %arg9[%get3A_1102, %get3A_1103] {strides = array<i32>} : memref<4x128xi32, #tpu.memory_space<vmem>>, vector<1x16xi32>,
    %get3A_1105 = vector.shape_cast %get3A_1104 : vector<1x16xi32> to vector<16xi32>
    %mul3A_1106 = arith.constant 2 : i32
    %mul3A_1107 = vector.broadcast %mul3A_1106 : i32 to vector<16xi32>
    %mul3A_1108 = arith.muli %mul3A_1107, %get3A_1105 : vector<16xi32>
    %ge3A_1109 = arith.constant 50048 : i32
    %ge3A_1110 = vector.broadcast %ge3A_1109 : i32 to vector<16xi32>
    %ge3A_1111 = arith.cmpi sge, %get3A_1105, %ge3A_1110 : vector<16xi32>
    %jit3A_1112 = arith.constant 100095 : i32
    %jit3A_1113 = arith.constant 0 : i32
    %broadcast_in_dim3A_1114 = vector.broadcast %jit3A_1112 : i32 to vector<16xi32>
    %broadcast_in_dim3A_1115 = vector.broadcast %jit3A_1113 : i32 to vector<16xi32>
    %select_n3A_1116 = arith.select %ge3A_1111, %broadcast_in_dim3A_1114, %broadcast_in_dim3A_1115 : vector<16xi1>, vector<16xi32>
    %sub3A_1117 = arith.subi %mul3A_1108, %select_n3A_1116 : vector<16xi32>
    %swap3A_1118 = arith.constant 3 : i32
    %swap3A_1119 = arith.index_cast %swap3A_1118 : i32 to index
    %swap3A_1120 = arith.constant 0 : index
    %swap3A_1121 = tpu.vector_load %arg11[%swap3A_1119, %swap3A_1120] {strides = array<i32>} : memref<4x128xi32, #tpu.memory_space<vmem>>, vector<1x16xi32>,
    %swap3A_1122 = vector.shape_cast %swap3A_1121 : vector<1x16xi32> to vector<16xi32>
    %swap3A_1123 = vector.shape_cast %sub3A_1117 : vector<16xi32> to vector<1x16xi32>
    tpu.vector_store %arg11[%swap3A_1119, %swap3A_1120], %swap3A_1123 {strides = array<i32>} : memref<4x128xi32, #tpu.memory_space<vmem>>, vector<1x16xi32>,
    %get3A_1124 = arith.constant 3 : i32
    %get3A_1125 = arith.index_cast %get3A_1124 : i32 to index
    %get3A_1126 = arith.constant 0 : index
    %get3A_1127 = tpu.vector_load %arg10[%get3A_1125, %get3A_1126] {strides = array<i32>} : memref<4x128xi32, #tpu.memory_space<vmem>>, vector<1x16xi32>,
    %get3A_1128 = vector.shape_cast %get3A_1127 : vector<1x16xi32> to vector<16xi32>
    %mul3A_1129 = arith.constant 2 : i32
    %mul3A_1130 = vector.broadcast %mul3A_1129 : i32 to vector<16xi32>
    %mul3A_1131 = arith.muli %mul3A_1130, %get3A_1128 : vector<16xi32>
    %ge3A_1132 = arith.constant 50048 : i32
    %ge3A_1133 = vector.broadcast %ge3A_1132 : i32 to vector<16xi32>
    %ge3A_1134 = arith.cmpi sge, %get3A_1128, %ge3A_1133 : vector<16xi32>
    %jit3A_1135 = arith.constant 100095 : i32
    %jit3A_1136 = arith.constant 0 : i32
    %broadcast_in_dim3A_1137 = vector.broadcast %jit3A_1135 : i32 to vector<16xi32>
    %broadcast_in_dim3A_1138 = vector.broadcast %jit3A_1136 : i32 to vector<16xi32>
    %select_n3A_1139 = arith.select %ge3A_1134, %broadcast_in_dim3A_1137, %broadcast_in_dim3A_1138 : vector<16xi1>, vector<16xi32>
    %sub3A_1140 = arith.subi %mul3A_1131, %select_n3A_1139 : vector<16xi32>
    %swap3A_1141 = arith.constant 3 : i32
    %swap3A_1142 = arith.index_cast %swap3A_1141 : i32 to index
    %swap3A_1143 = arith.constant 0 : index
    %swap3A_1144 = tpu.vector_load %arg12[%swap3A_1142, %swap3A_1143] {strides = array<i32>} : memref<4x128xi32, #tpu.memory_space<vmem>>, vector<1x16xi32>,
    %swap3A_1145 = vector.shape_cast %swap3A_1144 : vector<1x16xi32> to vector<16xi32>
    %swap3A_1146 = vector.shape_cast %sub3A_1140 : vector<16xi32> to vector<1x16xi32>
    tpu.vector_store %arg12[%swap3A_1142, %swap3A_1143], %swap3A_1146 {strides = array<i32>} : memref<4x128xi32, #tpu.memory_space<vmem>>, vector<1x16xi32>,
    %get3A_1147 = arith.constant 3 : i32
    %get3A_1148 = arith.index_cast %get3A_1147 : i32 to index
    %get3A_1149 = arith.constant 16 : index
    %get3A_1150 = tpu.vector_load %arg9[%get3A_1148, %get3A_1149] {strides = array<i32>} : memref<4x128xi32, #tpu.memory_space<vmem>>, vector<1x16xi32>,
    %get3A_1151 = vector.shape_cast %get3A_1150 : vector<1x16xi32> to vector<16xi32>
    %mul3A_1152 = arith.constant 2 : i32
    %mul3A_1153 = vector.broadcast %mul3A_1152 : i32 to vector<16xi32>
    %mul3A_1154 = arith.muli %mul3A_1153, %get3A_1151 : vector<16xi32>
    %ge3A_1155 = arith.constant 50048 : i32
    %ge3A_1156 = vector.broadcast %ge3A_1155 : i32 to vector<16xi32>
    %ge3A_1157 = arith.cmpi sge, %get3A_1151, %ge3A_1156 : vector<16xi32>
    %jit3A_1158 = arith.constant 100095 : i32
    %jit3A_1159 = arith.constant 0 : i32
    %broadcast_in_dim3A_1160 = vector.broadcast %jit3A_1158 : i32 to vector<16xi32>
    %broadcast_in_dim3A_1161 = vector.broadcast %jit3A_1159 : i32 to vector<16xi32>
    %select_n3A_1162 = arith.select %ge3A_1157, %broadcast_in_dim3A_1160, %broadcast_in_dim3A_1161 : vector<16xi1>, vector<16xi32>
    %sub3A_1163 = arith.subi %mul3A_1154, %select_n3A_1162 : vector<16xi32>
    %swap3A_1164 = arith.constant 3 : i32
    %swap3A_1165 = arith.index_cast %swap3A_1164 : i32 to index
    %swap3A_1166 = arith.constant 16 : index
    %swap3A_1167 = tpu.vector_load %arg11[%swap3A_1165, %swap3A_1166] {strides = array<i32>} : memref<4x128xi32, #tpu.memory_space<vmem>>, vector<1x16xi32>,
    %swap3A_1168 = vector.shape_cast %swap3A_1167 : vector<1x16xi32> to vector<16xi32>
    %swap3A_1169 = vector.shape_cast %sub3A_1163 : vector<16xi32> to vector<1x16xi32>
    tpu.vector_store %arg11[%swap3A_1165, %swap3A_1166], %swap3A_1169 {strides = array<i32>} : memref<4x128xi32, #tpu.memory_space<vmem>>, vector<1x16xi32>,
    %get3A_1170 = arith.constant 3 : i32
    %get3A_1171 = arith.index_cast %get3A_1170 : i32 to index
    %get3A_1172 = arith.constant 16 : index
    %get3A_1173 = tpu.vector_load %arg10[%get3A_1171, %get3A_1172] {strides = array<i32>} : memref<4x128xi32, #tpu.memory_space<vmem>>, vector<1x16xi32>,
    %get3A_1174 = vector.shape_cast %get3A_1173 : vector<1x16xi32> to vector<16xi32>
    %mul3A_1175 = arith.constant 2 : i32
    %mul3A_1176 = vector.broadcast %mul3A_1175 : i32 to vector<16xi32>
    %mul3A_1177 = arith.muli %mul3A_1176, %get3A_1174 : vector<16xi32>
    %ge3A_1178 = arith.constant 50048 : i32
    %ge3A_1179 = vector.broadcast %ge3A_1178 : i32 to vector<16xi32>
    %ge3A_1180 = arith.cmpi sge, %get3A_1174, %ge3A_1179 : vector<16xi32>
    %jit3A_1181 = arith.constant 100095 : i32
    %jit3A_1182 = arith.constant 0 : i32
    %broadcast_in_dim3A_1183 = vector.broadcast %jit3A_1181 : i32 to vector<16xi32>
    %broadcast_in_dim3A_1184 = vector.broadcast %jit3A_1182 : i32 to vector<16xi32>
    %select_n3A_1185 = arith.select %ge3A_1180, %broadcast_in_dim3A_1183, %broadcast_in_dim3A_1184 : vector<16xi1>, vector<16xi32>
    %sub3A_1186 = arith.subi %mul3A_1177, %select_n3A_1185 : vector<16xi32>
    %swap3A_1187 = arith.constant 3 : i32
    %swap3A_1188 = arith.index_cast %swap3A_1187 : i32 to index
    %swap3A_1189 = arith.constant 16 : index
    %swap3A_1190 = tpu.vector_load %arg12[%swap3A_1188, %swap3A_1189] {strides = array<i32>} : memref<4x128xi32, #tpu.memory_space<vmem>>, vector<1x16xi32>,
    %swap3A_1191 = vector.shape_cast %swap3A_1190 : vector<1x16xi32> to vector<16xi32>
    %swap3A_1192 = vector.shape_cast %sub3A_1186 : vector<16xi32> to vector<1x16xi32>
    tpu.vector_store %arg12[%swap3A_1188, %swap3A_1189], %swap3A_1192 {strides = array<i32>} : memref<4x128xi32, #tpu.memory_space<vmem>>, vector<1x16xi32>,
    %get3A_1193 = arith.constant 3 : i32
    %get3A_1194 = arith.index_cast %get3A_1193 : i32 to index
    %get3A_1195 = arith.constant 32 : index
    %get3A_1196 = tpu.vector_load %arg9[%get3A_1194, %get3A_1195] {strides = array<i32>} : memref<4x128xi32, #tpu.memory_space<vmem>>, vector<1x16xi32>,
    %get3A_1197 = vector.shape_cast %get3A_1196 : vector<1x16xi32> to vector<16xi32>
    %mul3A_1198 = arith.constant 2 : i32
    %mul3A_1199 = vector.broadcast %mul3A_1198 : i32 to vector<16xi32>
    %mul3A_1200 = arith.muli %mul3A_1199, %get3A_1197 : vector<16xi32>
    %ge3A_1201 = arith.constant 50048 : i32
    %ge3A_1202 = vector.broadcast %ge3A_1201 : i32 to vector<16xi32>
    %ge3A_1203 = arith.cmpi sge, %get3A_1197, %ge3A_1202 : vector<16xi32>
    %jit3A_1204 = arith.constant 100095 : i32
    %jit3A_1205 = arith.constant 0 : i32
    %broadcast_in_dim3A_1206 = vector.broadcast %jit3A_1204 : i32 to vector<16xi32>
    %broadcast_in_dim3A_1207 = vector.broadcast %jit3A_1205 : i32 to vector<16xi32>
    %select_n3A_1208 = arith.select %ge3A_1203, %broadcast_in_dim3A_1206, %broadcast_in_dim3A_1207 : vector<16xi1>, vector<16xi32>
    %sub3A_1209 = arith.subi %mul3A_1200, %select_n3A_1208 : vector<16xi32>
    %swap3A_1210 = arith.constant 3 : i32
    %swap3A_1211 = arith.index_cast %swap3A_1210 : i32 to index
    %swap3A_1212 = arith.constant 32 : index
    %swap3A_1213 = tpu.vector_load %arg11[%swap3A_1211, %swap3A_1212] {strides = array<i32>} : memref<4x128xi32, #tpu.memory_space<vmem>>, vector<1x16xi32>,
    %swap3A_1214 = vector.shape_cast %swap3A_1213 : vector<1x16xi32> to vector<16xi32>
    %swap3A_1215 = vector.shape_cast %sub3A_1209 : vector<16xi32> to vector<1x16xi32>
    tpu.vector_store %arg11[%swap3A_1211, %swap3A_1212], %swap3A_1215 {strides = array<i32>} : memref<4x128xi32, #tpu.memory_space<vmem>>, vector<1x16xi32>,
    %get3A_1216 = arith.constant 3 : i32
    %get3A_1217 = arith.index_cast %get3A_1216 : i32 to index
    %get3A_1218 = arith.constant 32 : index
    %get3A_1219 = tpu.vector_load %arg10[%get3A_1217, %get3A_1218] {strides = array<i32>} : memref<4x128xi32, #tpu.memory_space<vmem>>, vector<1x16xi32>,
    %get3A_1220 = vector.shape_cast %get3A_1219 : vector<1x16xi32> to vector<16xi32>
    %mul3A_1221 = arith.constant 2 : i32
    %mul3A_1222 = vector.broadcast %mul3A_1221 : i32 to vector<16xi32>
    %mul3A_1223 = arith.muli %mul3A_1222, %get3A_1220 : vector<16xi32>
    %ge3A_1224 = arith.constant 50048 : i32
    %ge3A_1225 = vector.broadcast %ge3A_1224 : i32 to vector<16xi32>
    %ge3A_1226 = arith.cmpi sge, %get3A_1220, %ge3A_1225 : vector<16xi32>
    %jit3A_1227 = arith.constant 100095 : i32
    %jit3A_1228 = arith.constant 0 : i32
    %broadcast_in_dim3A_1229 = vector.broadcast %jit3A_1227 : i32 to vector<16xi32>
    %broadcast_in_dim3A_1230 = vector.broadcast %jit3A_1228 : i32 to vector<16xi32>
    %select_n3A_1231 = arith.select %ge3A_1226, %broadcast_in_dim3A_1229, %broadcast_in_dim3A_1230 : vector<16xi1>, vector<16xi32>
    %sub3A_1232 = arith.subi %mul3A_1223, %select_n3A_1231 : vector<16xi32>
    %swap3A_1233 = arith.constant 3 : i32
    %swap3A_1234 = arith.index_cast %swap3A_1233 : i32 to index
    %swap3A_1235 = arith.constant 32 : index
    %swap3A_1236 = tpu.vector_load %arg12[%swap3A_1234, %swap3A_1235] {strides = array<i32>} : memref<4x128xi32, #tpu.memory_space<vmem>>, vector<1x16xi32>,
    %swap3A_1237 = vector.shape_cast %swap3A_1236 : vector<1x16xi32> to vector<16xi32>
    %swap3A_1238 = vector.shape_cast %sub3A_1232 : vector<16xi32> to vector<1x16xi32>
    tpu.vector_store %arg12[%swap3A_1234, %swap3A_1235], %swap3A_1238 {strides = array<i32>} : memref<4x128xi32, #tpu.memory_space<vmem>>, vector<1x16xi32>,
    %get3A_1239 = arith.constant 3 : i32
    %get3A_1240 = arith.index_cast %get3A_1239 : i32 to index
    %get3A_1241 = arith.constant 48 : index
    %get3A_1242 = tpu.vector_load %arg9[%get3A_1240, %get3A_1241] {strides = array<i32>} : memref<4x128xi32, #tpu.memory_space<vmem>>, vector<1x16xi32>,
    %get3A_1243 = vector.shape_cast %get3A_1242 : vector<1x16xi32> to vector<16xi32>
    %mul3A_1244 = arith.constant 2 : i32
    %mul3A_1245 = vector.broadcast %mul3A_1244 : i32 to vector<16xi32>
    %mul3A_1246 = arith.muli %mul3A_1245, %get3A_1243 : vector<16xi32>
    %ge3A_1247 = arith.constant 50048 : i32
    %ge3A_1248 = vector.broadcast %ge3A_1247 : i32 to vector<16xi32>
    %ge3A_1249 = arith.cmpi sge, %get3A_1243, %ge3A_1248 : vector<16xi32>
    %jit3A_1250 = arith.constant 100095 : i32
    %jit3A_1251 = arith.constant 0 : i32
    %broadcast_in_dim3A_1252 = vector.broadcast %jit3A_1250 : i32 to vector<16xi32>
    %broadcast_in_dim3A_1253 = vector.broadcast %jit3A_1251 : i32 to vector<16xi32>
    %select_n3A_1254 = arith.select %ge3A_1249, %broadcast_in_dim3A_1252, %broadcast_in_dim3A_1253 : vector<16xi1>, vector<16xi32>
    %sub3A_1255 = arith.subi %mul3A_1246, %select_n3A_1254 : vector<16xi32>
    %swap3A_1256 = arith.constant 3 : i32
    %swap3A_1257 = arith.index_cast %swap3A_1256 : i32 to index
    %swap3A_1258 = arith.constant 48 : index
    %swap3A_1259 = tpu.vector_load %arg11[%swap3A_1257, %swap3A_1258] {strides = array<i32>} : memref<4x128xi32, #tpu.memory_space<vmem>>, vector<1x16xi32>,
    %swap3A_1260 = vector.shape_cast %swap3A_1259 : vector<1x16xi32> to vector<16xi32>
    %swap3A_1261 = vector.shape_cast %sub3A_1255 : vector<16xi32> to vector<1x16xi32>
    tpu.vector_store %arg11[%swap3A_1257, %swap3A_1258], %swap3A_1261 {strides = array<i32>} : memref<4x128xi32, #tpu.memory_space<vmem>>, vector<1x16xi32>,
    %get3A_1262 = arith.constant 3 : i32
    %get3A_1263 = arith.index_cast %get3A_1262 : i32 to index
    %get3A_1264 = arith.constant 48 : index
    %get3A_1265 = tpu.vector_load %arg10[%get3A_1263, %get3A_1264] {strides = array<i32>} : memref<4x128xi32, #tpu.memory_space<vmem>>, vector<1x16xi32>,
    %get3A_1266 = vector.shape_cast %get3A_1265 : vector<1x16xi32> to vector<16xi32>
    %mul3A_1267 = arith.constant 2 : i32
    %mul3A_1268 = vector.broadcast %mul3A_1267 : i32 to vector<16xi32>
    %mul3A_1269 = arith.muli %mul3A_1268, %get3A_1266 : vector<16xi32>
    %ge3A_1270 = arith.constant 50048 : i32
    %ge3A_1271 = vector.broadcast %ge3A_1270 : i32 to vector<16xi32>
    %ge3A_1272 = arith.cmpi sge, %get3A_1266, %ge3A_1271 : vector<16xi32>
    %jit3A_1273 = arith.constant 100095 : i32
    %jit3A_1274 = arith.constant 0 : i32
    %broadcast_in_dim3A_1275 = vector.broadcast %jit3A_1273 : i32 to vector<16xi32>
    %broadcast_in_dim3A_1276 = vector.broadcast %jit3A_1274 : i32 to vector<16xi32>
    %select_n3A_1277 = arith.select %ge3A_1272, %broadcast_in_dim3A_1275, %broadcast_in_dim3A_1276 : vector<16xi1>, vector<16xi32>
    %sub3A_1278 = arith.subi %mul3A_1269, %select_n3A_1277 : vector<16xi32>
    %swap3A_1279 = arith.constant 3 : i32
    %swap3A_1280 = arith.index_cast %swap3A_1279 : i32 to index
    %swap3A_1281 = arith.constant 48 : index
    %swap3A_1282 = tpu.vector_load %arg12[%swap3A_1280, %swap3A_1281] {strides = array<i32>} : memref<4x128xi32, #tpu.memory_space<vmem>>, vector<1x16xi32>,
    %swap3A_1283 = vector.shape_cast %swap3A_1282 : vector<1x16xi32> to vector<16xi32>
    %swap3A_1284 = vector.shape_cast %sub3A_1278 : vector<16xi32> to vector<1x16xi32>
    tpu.vector_store %arg12[%swap3A_1280, %swap3A_1281], %swap3A_1284 {strides = array<i32>} : memref<4x128xi32, #tpu.memory_space<vmem>>, vector<1x16xi32>,
    %get3A_1285 = arith.constant 3 : i32
    %get3A_1286 = arith.index_cast %get3A_1285 : i32 to index
    %get3A_1287 = arith.constant 64 : index
    %get3A_1288 = tpu.vector_load %arg9[%get3A_1286, %get3A_1287] {strides = array<i32>} : memref<4x128xi32, #tpu.memory_space<vmem>>, vector<1x16xi32>,
    %get3A_1289 = vector.shape_cast %get3A_1288 : vector<1x16xi32> to vector<16xi32>
    %mul3A_1290 = arith.constant 2 : i32
    %mul3A_1291 = vector.broadcast %mul3A_1290 : i32 to vector<16xi32>
    %mul3A_1292 = arith.muli %mul3A_1291, %get3A_1289 : vector<16xi32>
    %ge3A_1293 = arith.constant 50048 : i32
    %ge3A_1294 = vector.broadcast %ge3A_1293 : i32 to vector<16xi32>
    %ge3A_1295 = arith.cmpi sge, %get3A_1289, %ge3A_1294 : vector<16xi32>
    %jit3A_1296 = arith.constant 100095 : i32
    %jit3A_1297 = arith.constant 0 : i32
    %broadcast_in_dim3A_1298 = vector.broadcast %jit3A_1296 : i32 to vector<16xi32>
    %broadcast_in_dim3A_1299 = vector.broadcast %jit3A_1297 : i32 to vector<16xi32>
    %select_n3A_1300 = arith.select %ge3A_1295, %broadcast_in_dim3A_1298, %broadcast_in_dim3A_1299 : vector<16xi1>, vector<16xi32>
    %sub3A_1301 = arith.subi %mul3A_1292, %select_n3A_1300 : vector<16xi32>
    %swap3A_1302 = arith.constant 3 : i32
    %swap3A_1303 = arith.index_cast %swap3A_1302 : i32 to index
    %swap3A_1304 = arith.constant 64 : index
    %swap3A_1305 = tpu.vector_load %arg11[%swap3A_1303, %swap3A_1304] {strides = array<i32>} : memref<4x128xi32, #tpu.memory_space<vmem>>, vector<1x16xi32>,
    %swap3A_1306 = vector.shape_cast %swap3A_1305 : vector<1x16xi32> to vector<16xi32>
    %swap3A_1307 = vector.shape_cast %sub3A_1301 : vector<16xi32> to vector<1x16xi32>
    tpu.vector_store %arg11[%swap3A_1303, %swap3A_1304], %swap3A_1307 {strides = array<i32>} : memref<4x128xi32, #tpu.memory_space<vmem>>, vector<1x16xi32>,
    %get3A_1308 = arith.constant 3 : i32
    %get3A_1309 = arith.index_cast %get3A_1308 : i32 to index
    %get3A_1310 = arith.constant 64 : index
    %get3A_1311 = tpu.vector_load %arg10[%get3A_1309, %get3A_1310] {strides = array<i32>} : memref<4x128xi32, #tpu.memory_space<vmem>>, vector<1x16xi32>,
    %get3A_1312 = vector.shape_cast %get3A_1311 : vector<1x16xi32> to vector<16xi32>
    %mul3A_1313 = arith.constant 2 : i32
    %mul3A_1314 = vector.broadcast %mul3A_1313 : i32 to vector<16xi32>
    %mul3A_1315 = arith.muli %mul3A_1314, %get3A_1312 : vector<16xi32>
    %ge3A_1316 = arith.constant 50048 : i32
    %ge3A_1317 = vector.broadcast %ge3A_1316 : i32 to vector<16xi32>
    %ge3A_1318 = arith.cmpi sge, %get3A_1312, %ge3A_1317 : vector<16xi32>
    %jit3A_1319 = arith.constant 100095 : i32
    %jit3A_1320 = arith.constant 0 : i32
    %broadcast_in_dim3A_1321 = vector.broadcast %jit3A_1319 : i32 to vector<16xi32>
    %broadcast_in_dim3A_1322 = vector.broadcast %jit3A_1320 : i32 to vector<16xi32>
    %select_n3A_1323 = arith.select %ge3A_1318, %broadcast_in_dim3A_1321, %broadcast_in_dim3A_1322 : vector<16xi1>, vector<16xi32>
    %sub3A_1324 = arith.subi %mul3A_1315, %select_n3A_1323 : vector<16xi32>
    %swap3A_1325 = arith.constant 3 : i32
    %swap3A_1326 = arith.index_cast %swap3A_1325 : i32 to index
    %swap3A_1327 = arith.constant 64 : index
    %swap3A_1328 = tpu.vector_load %arg12[%swap3A_1326, %swap3A_1327] {strides = array<i32>} : memref<4x128xi32, #tpu.memory_space<vmem>>, vector<1x16xi32>,
    %swap3A_1329 = vector.shape_cast %swap3A_1328 : vector<1x16xi32> to vector<16xi32>
    %swap3A_1330 = vector.shape_cast %sub3A_1324 : vector<16xi32> to vector<1x16xi32>
    tpu.vector_store %arg12[%swap3A_1326, %swap3A_1327], %swap3A_1330 {strides = array<i32>} : memref<4x128xi32, #tpu.memory_space<vmem>>, vector<1x16xi32>,
    %get3A_1331 = arith.constant 3 : i32
    %get3A_1332 = arith.index_cast %get3A_1331 : i32 to index
    %get3A_1333 = arith.constant 80 : index
    %get3A_1334 = tpu.vector_load %arg9[%get3A_1332, %get3A_1333] {strides = array<i32>} : memref<4x128xi32, #tpu.memory_space<vmem>>, vector<1x16xi32>,
    %get3A_1335 = vector.shape_cast %get3A_1334 : vector<1x16xi32> to vector<16xi32>
    %mul3A_1336 = arith.constant 2 : i32
    %mul3A_1337 = vector.broadcast %mul3A_1336 : i32 to vector<16xi32>
    %mul3A_1338 = arith.muli %mul3A_1337, %get3A_1335 : vector<16xi32>
    %ge3A_1339 = arith.constant 50048 : i32
    %ge3A_1340 = vector.broadcast %ge3A_1339 : i32 to vector<16xi32>
    %ge3A_1341 = arith.cmpi sge, %get3A_1335, %ge3A_1340 : vector<16xi32>
    %jit3A_1342 = arith.constant 100095 : i32
    %jit3A_1343 = arith.constant 0 : i32
    %broadcast_in_dim3A_1344 = vector.broadcast %jit3A_1342 : i32 to vector<16xi32>
    %broadcast_in_dim3A_1345 = vector.broadcast %jit3A_1343 : i32 to vector<16xi32>
    %select_n3A_1346 = arith.select %ge3A_1341, %broadcast_in_dim3A_1344, %broadcast_in_dim3A_1345 : vector<16xi1>, vector<16xi32>
    %sub3A_1347 = arith.subi %mul3A_1338, %select_n3A_1346 : vector<16xi32>
    %swap3A_1348 = arith.constant 3 : i32
    %swap3A_1349 = arith.index_cast %swap3A_1348 : i32 to index
    %swap3A_1350 = arith.constant 80 : index
    %swap3A_1351 = tpu.vector_load %arg11[%swap3A_1349, %swap3A_1350] {strides = array<i32>} : memref<4x128xi32, #tpu.memory_space<vmem>>, vector<1x16xi32>,
    %swap3A_1352 = vector.shape_cast %swap3A_1351 : vector<1x16xi32> to vector<16xi32>
    %swap3A_1353 = vector.shape_cast %sub3A_1347 : vector<16xi32> to vector<1x16xi32>
    tpu.vector_store %arg11[%swap3A_1349, %swap3A_1350], %swap3A_1353 {strides = array<i32>} : memref<4x128xi32, #tpu.memory_space<vmem>>, vector<1x16xi32>,
    %get3A_1354 = arith.constant 3 : i32
    %get3A_1355 = arith.index_cast %get3A_1354 : i32 to index
    %get3A_1356 = arith.constant 80 : index
    %get3A_1357 = tpu.vector_load %arg10[%get3A_1355, %get3A_1356] {strides = array<i32>} : memref<4x128xi32, #tpu.memory_space<vmem>>, vector<1x16xi32>,
    %get3A_1358 = vector.shape_cast %get3A_1357 : vector<1x16xi32> to vector<16xi32>
    %mul3A_1359 = arith.constant 2 : i32
    %mul3A_1360 = vector.broadcast %mul3A_1359 : i32 to vector<16xi32>
    %mul3A_1361 = arith.muli %mul3A_1360, %get3A_1358 : vector<16xi32>
    %ge3A_1362 = arith.constant 50048 : i32
    %ge3A_1363 = vector.broadcast %ge3A_1362 : i32 to vector<16xi32>
    %ge3A_1364 = arith.cmpi sge, %get3A_1358, %ge3A_1363 : vector<16xi32>
    %jit3A_1365 = arith.constant 100095 : i32
    %jit3A_1366 = arith.constant 0 : i32
    %broadcast_in_dim3A_1367 = vector.broadcast %jit3A_1365 : i32 to vector<16xi32>
    %broadcast_in_dim3A_1368 = vector.broadcast %jit3A_1366 : i32 to vector<16xi32>
    %select_n3A_1369 = arith.select %ge3A_1364, %broadcast_in_dim3A_1367, %broadcast_in_dim3A_1368 : vector<16xi1>, vector<16xi32>
    %sub3A_1370 = arith.subi %mul3A_1361, %select_n3A_1369 : vector<16xi32>
    %swap3A_1371 = arith.constant 3 : i32
    %swap3A_1372 = arith.index_cast %swap3A_1371 : i32 to index
    %swap3A_1373 = arith.constant 80 : index
    %swap3A_1374 = tpu.vector_load %arg12[%swap3A_1372, %swap3A_1373] {strides = array<i32>} : memref<4x128xi32, #tpu.memory_space<vmem>>, vector<1x16xi32>,
    %swap3A_1375 = vector.shape_cast %swap3A_1374 : vector<1x16xi32> to vector<16xi32>
    %swap3A_1376 = vector.shape_cast %sub3A_1370 : vector<16xi32> to vector<1x16xi32>
    tpu.vector_store %arg12[%swap3A_1372, %swap3A_1373], %swap3A_1376 {strides = array<i32>} : memref<4x128xi32, #tpu.memory_space<vmem>>, vector<1x16xi32>,
    %get3A_1377 = arith.constant 3 : i32
    %get3A_1378 = arith.index_cast %get3A_1377 : i32 to index
    %get3A_1379 = arith.constant 96 : index
    %get3A_1380 = tpu.vector_load %arg9[%get3A_1378, %get3A_1379] {strides = array<i32>} : memref<4x128xi32, #tpu.memory_space<vmem>>, vector<1x16xi32>,
    %get3A_1381 = vector.shape_cast %get3A_1380 : vector<1x16xi32> to vector<16xi32>
    %mul3A_1382 = arith.constant 2 : i32
    %mul3A_1383 = vector.broadcast %mul3A_1382 : i32 to vector<16xi32>
    %mul3A_1384 = arith.muli %mul3A_1383, %get3A_1381 : vector<16xi32>
    %ge3A_1385 = arith.constant 50048 : i32
    %ge3A_1386 = vector.broadcast %ge3A_1385 : i32 to vector<16xi32>
    %ge3A_1387 = arith.cmpi sge, %get3A_1381, %ge3A_1386 : vector<16xi32>
    %jit3A_1388 = arith.constant 100095 : i32
    %jit3A_1389 = arith.constant 0 : i32
    %broadcast_in_dim3A_1390 = vector.broadcast %jit3A_1388 : i32 to vector<16xi32>
    %broadcast_in_dim3A_1391 = vector.broadcast %jit3A_1389 : i32 to vector<16xi32>
    %select_n3A_1392 = arith.select %ge3A_1387, %broadcast_in_dim3A_1390, %broadcast_in_dim3A_1391 : vector<16xi1>, vector<16xi32>
    %sub3A_1393 = arith.subi %mul3A_1384, %select_n3A_1392 : vector<16xi32>
    %swap3A_1394 = arith.constant 3 : i32
    %swap3A_1395 = arith.index_cast %swap3A_1394 : i32 to index
    %swap3A_1396 = arith.constant 96 : index
    %swap3A_1397 = tpu.vector_load %arg11[%swap3A_1395, %swap3A_1396] {strides = array<i32>} : memref<4x128xi32, #tpu.memory_space<vmem>>, vector<1x16xi32>,
    %swap3A_1398 = vector.shape_cast %swap3A_1397 : vector<1x16xi32> to vector<16xi32>
    %swap3A_1399 = vector.shape_cast %sub3A_1393 : vector<16xi32> to vector<1x16xi32>
    tpu.vector_store %arg11[%swap3A_1395, %swap3A_1396], %swap3A_1399 {strides = array<i32>} : memref<4x128xi32, #tpu.memory_space<vmem>>, vector<1x16xi32>,
    %get3A_1400 = arith.constant 3 : i32
    %get3A_1401 = arith.index_cast %get3A_1400 : i32 to index
    %get3A_1402 = arith.constant 96 : index
    %get3A_1403 = tpu.vector_load %arg10[%get3A_1401, %get3A_1402] {strides = array<i32>} : memref<4x128xi32, #tpu.memory_space<vmem>>, vector<1x16xi32>,
    %get3A_1404 = vector.shape_cast %get3A_1403 : vector<1x16xi32> to vector<16xi32>
    %mul3A_1405 = arith.constant 2 : i32
    %mul3A_1406 = vector.broadcast %mul3A_1405 : i32 to vector<16xi32>
    %mul3A_1407 = arith.muli %mul3A_1406, %get3A_1404 : vector<16xi32>
    %ge3A_1408 = arith.constant 50048 : i32
    %ge3A_1409 = vector.broadcast %ge3A_1408 : i32 to vector<16xi32>
    %ge3A_1410 = arith.cmpi sge, %get3A_1404, %ge3A_1409 : vector<16xi32>
    %jit3A_1411 = arith.constant 100095 : i32
    %jit3A_1412 = arith.constant 0 : i32
    %broadcast_in_dim3A_1413 = vector.broadcast %jit3A_1411 : i32 to vector<16xi32>
    %broadcast_in_dim3A_1414 = vector.broadcast %jit3A_1412 : i32 to vector<16xi32>
    %select_n3A_1415 = arith.select %ge3A_1410, %broadcast_in_dim3A_1413, %broadcast_in_dim3A_1414 : vector<16xi1>, vector<16xi32>
    %sub3A_1416 = arith.subi %mul3A_1407, %select_n3A_1415 : vector<16xi32>
    %swap3A_1417 = arith.constant 3 : i32
    %swap3A_1418 = arith.index_cast %swap3A_1417 : i32 to index
    %swap3A_1419 = arith.constant 96 : index
    %swap3A_1420 = tpu.vector_load %arg12[%swap3A_1418, %swap3A_1419] {strides = array<i32>} : memref<4x128xi32, #tpu.memory_space<vmem>>, vector<1x16xi32>,
    %swap3A_1421 = vector.shape_cast %swap3A_1420 : vector<1x16xi32> to vector<16xi32>
    %swap3A_1422 = vector.shape_cast %sub3A_1416 : vector<16xi32> to vector<1x16xi32>
    tpu.vector_store %arg12[%swap3A_1418, %swap3A_1419], %swap3A_1422 {strides = array<i32>} : memref<4x128xi32, #tpu.memory_space<vmem>>, vector<1x16xi32>,
    %get3A_1423 = arith.constant 3 : i32
    %get3A_1424 = arith.index_cast %get3A_1423 : i32 to index
    %get3A_1425 = arith.constant 112 : index
    %get3A_1426 = tpu.vector_load %arg9[%get3A_1424, %get3A_1425] {strides = array<i32>} : memref<4x128xi32, #tpu.memory_space<vmem>>, vector<1x16xi32>,
    %get3A_1427 = vector.shape_cast %get3A_1426 : vector<1x16xi32> to vector<16xi32>
    %mul3A_1428 = arith.constant 2 : i32
    %mul3A_1429 = vector.broadcast %mul3A_1428 : i32 to vector<16xi32>
    %mul3A_1430 = arith.muli %mul3A_1429, %get3A_1427 : vector<16xi32>
    %ge3A_1431 = arith.constant 50048 : i32
    %ge3A_1432 = vector.broadcast %ge3A_1431 : i32 to vector<16xi32>
    %ge3A_1433 = arith.cmpi sge, %get3A_1427, %ge3A_1432 : vector<16xi32>
    %jit3A_1434 = arith.constant 100095 : i32
    %jit3A_1435 = arith.constant 0 : i32
    %broadcast_in_dim3A_1436 = vector.broadcast %jit3A_1434 : i32 to vector<16xi32>
    %broadcast_in_dim3A_1437 = vector.broadcast %jit3A_1435 : i32 to vector<16xi32>
    %select_n3A_1438 = arith.select %ge3A_1433, %broadcast_in_dim3A_1436, %broadcast_in_dim3A_1437 : vector<16xi1>, vector<16xi32>
    %sub3A_1439 = arith.subi %mul3A_1430, %select_n3A_1438 : vector<16xi32>
    %swap3A_1440 = arith.constant 3 : i32
    %swap3A_1441 = arith.index_cast %swap3A_1440 : i32 to index
    %swap3A_1442 = arith.constant 112 : index
    %swap3A_1443 = tpu.vector_load %arg11[%swap3A_1441, %swap3A_1442] {strides = array<i32>} : memref<4x128xi32, #tpu.memory_space<vmem>>, vector<1x16xi32>,
    %swap3A_1444 = vector.shape_cast %swap3A_1443 : vector<1x16xi32> to vector<16xi32>
    %swap3A_1445 = vector.shape_cast %sub3A_1439 : vector<16xi32> to vector<1x16xi32>
    tpu.vector_store %arg11[%swap3A_1441, %swap3A_1442], %swap3A_1445 {strides = array<i32>} : memref<4x128xi32, #tpu.memory_space<vmem>>, vector<1x16xi32>,
    %get3A_1446 = arith.constant 3 : i32
    %get3A_1447 = arith.index_cast %get3A_1446 : i32 to index
    %get3A_1448 = arith.constant 112 : index
    %get3A_1449 = tpu.vector_load %arg10[%get3A_1447, %get3A_1448] {strides = array<i32>} : memref<4x128xi32, #tpu.memory_space<vmem>>, vector<1x16xi32>,
    %get3A_1450 = vector.shape_cast %get3A_1449 : vector<1x16xi32> to vector<16xi32>
    %mul3A_1451 = arith.constant 2 : i32
    %mul3A_1452 = vector.broadcast %mul3A_1451 : i32 to vector<16xi32>
    %mul3A_1453 = arith.muli %mul3A_1452, %get3A_1450 : vector<16xi32>
    %ge3A_1454 = arith.constant 50048 : i32
    %ge3A_1455 = vector.broadcast %ge3A_1454 : i32 to vector<16xi32>
    %ge3A_1456 = arith.cmpi sge, %get3A_1450, %ge3A_1455 : vector<16xi32>
    %jit3A_1457 = arith.constant 100095 : i32
    %jit3A_1458 = arith.constant 0 : i32
    %broadcast_in_dim3A_1459 = vector.broadcast %jit3A_1457 : i32 to vector<16xi32>
    %broadcast_in_dim3A_1460 = vector.broadcast %jit3A_1458 : i32 to vector<16xi32>
    %select_n3A_1461 = arith.select %ge3A_1456, %broadcast_in_dim3A_1459, %broadcast_in_dim3A_1460 : vector<16xi1>, vector<16xi32>
    %sub3A_1462 = arith.subi %mul3A_1453, %select_n3A_1461 : vector<16xi32>
    %swap3A_1463 = arith.constant 3 : i32
    %swap3A_1464 = arith.index_cast %swap3A_1463 : i32 to index
    %swap3A_1465 = arith.constant 112 : index
    %swap3A_1466 = tpu.vector_load %arg12[%swap3A_1464, %swap3A_1465] {strides = array<i32>} : memref<4x128xi32, #tpu.memory_space<vmem>>, vector<1x16xi32>,
    %swap3A_1467 = vector.shape_cast %swap3A_1466 : vector<1x16xi32> to vector<16xi32>
    %swap3A_1468 = vector.shape_cast %sub3A_1462 : vector<16xi32> to vector<1x16xi32>
    tpu.vector_store %arg12[%swap3A_1464, %swap3A_1465], %swap3A_1468 {strides = array<i32>} : memref<4x128xi32, #tpu.memory_space<vmem>>, vector<1x16xi32>,
    %dma_start3A = arith.constant 0 : i32
    %dma_start3A_1469 = arith.constant 0 : i32
    %dma_start3A_1470 = arith.constant 0 : i32
    %dma_start3A_1471 = tpu.memref_slice %arg13[%dma_start3A_1469, %dma_start3A_1470] : memref<512x64xf32, #tpu.memory_space<vmem>> -> memref<128x64xf32, #tpu.memory_space<vmem>>
    %dma_start3A_1472 = arith.constant 0 : i32
    %dma_start3A_1473 = tpu.memref_slice %arg11[%dma_start3A, %dma_start3A_1472] : memref<4x128xi32, #tpu.memory_space<vmem>> -> memref<1x128xi32, #tpu.memory_space<vmem>>
    %dma_start3A_1474 = tpu.memref_squeeze %dma_start3A_1473 : memref<1x128xi32, #tpu.memory_space<vmem>> -> memref<128xi32, #tpu.memory_space<vmem>>
    %dma_start3A_1475 = arith.constant 0 : i32
    %dma_start3A_1476 = arith.constant 0 : i32
    %dma_start3A_1477 = tpu.memref_slice %arg3[%dma_start3A_1475, %dma_start3A_1476] : memref<100096x64xf32, #tpu.memory_space<hbm>> -> memref<100096x64xf32, #tpu.memory_space<hbm>>
    tpu.enqueue_indirect_dma source(%dma_start3A_1477 : memref<100096x64xf32, #tpu.memory_space<hbm>>) target(%dma_start3A_1471 : memref<128x64xf32, #tpu.memory_space<vmem>>) offsets(%dma_start3A_1474 : memref<128xi32, #tpu.memory_space<vmem>>) semaphore(%arg18 : memref<!tpu.dma_semaphore, #tpu.memory_space<semaphore_mem>>)
    %dma_start3A_1478 = arith.constant 1 : i32
    %dma_start3A_1479 = arith.constant 128 : i32
    %dma_start3A_1480 = arith.constant 0 : i32
    %dma_start3A_1481 = tpu.memref_slice %arg13[%dma_start3A_1479, %dma_start3A_1480] : memref<512x64xf32, #tpu.memory_space<vmem>> -> memref<128x64xf32, #tpu.memory_space<vmem>>
    %dma_start3A_1482 = arith.constant 0 : i32
    %dma_start3A_1483 = tpu.memref_slice %arg11[%dma_start3A_1478, %dma_start3A_1482] : memref<4x128xi32, #tpu.memory_space<vmem>> -> memref<1x128xi32, #tpu.memory_space<vmem>>
    %dma_start3A_1484 = tpu.memref_squeeze %dma_start3A_1483 : memref<1x128xi32, #tpu.memory_space<vmem>> -> memref<128xi32, #tpu.memory_space<vmem>>
    %dma_start3A_1485 = arith.constant 0 : i32
    %dma_start3A_1486 = arith.constant 0 : i32
    %dma_start3A_1487 = tpu.memref_slice %arg3[%dma_start3A_1485, %dma_start3A_1486] : memref<100096x64xf32, #tpu.memory_space<hbm>> -> memref<100096x64xf32, #tpu.memory_space<hbm>>
    tpu.enqueue_indirect_dma source(%dma_start3A_1487 : memref<100096x64xf32, #tpu.memory_space<hbm>>) target(%dma_start3A_1481 : memref<128x64xf32, #tpu.memory_space<vmem>>) offsets(%dma_start3A_1484 : memref<128xi32, #tpu.memory_space<vmem>>) semaphore(%arg18 : memref<!tpu.dma_semaphore, #tpu.memory_space<semaphore_mem>>)
    %dma_start3A_1488 = arith.constant 2 : i32
    %dma_start3A_1489 = arith.constant 256 : i32
    %dma_start3A_1490 = arith.constant 0 : i32
    %dma_start3A_1491 = tpu.memref_slice %arg13[%dma_start3A_1489, %dma_start3A_1490] : memref<512x64xf32, #tpu.memory_space<vmem>> -> memref<128x64xf32, #tpu.memory_space<vmem>>
    %dma_start3A_1492 = arith.constant 0 : i32
    %dma_start3A_1493 = tpu.memref_slice %arg11[%dma_start3A_1488, %dma_start3A_1492] : memref<4x128xi32, #tpu.memory_space<vmem>> -> memref<1x128xi32, #tpu.memory_space<vmem>>
    %dma_start3A_1494 = tpu.memref_squeeze %dma_start3A_1493 : memref<1x128xi32, #tpu.memory_space<vmem>> -> memref<128xi32, #tpu.memory_space<vmem>>
    %dma_start3A_1495 = arith.constant 0 : i32
    %dma_start3A_1496 = arith.constant 0 : i32
    %dma_start3A_1497 = tpu.memref_slice %arg3[%dma_start3A_1495, %dma_start3A_1496] : memref<100096x64xf32, #tpu.memory_space<hbm>> -> memref<100096x64xf32, #tpu.memory_space<hbm>>
    tpu.enqueue_indirect_dma source(%dma_start3A_1497 : memref<100096x64xf32, #tpu.memory_space<hbm>>) target(%dma_start3A_1491 : memref<128x64xf32, #tpu.memory_space<vmem>>) offsets(%dma_start3A_1494 : memref<128xi32, #tpu.memory_space<vmem>>) semaphore(%arg18 : memref<!tpu.dma_semaphore, #tpu.memory_space<semaphore_mem>>)
    %dma_start3A_1498 = arith.constant 3 : i32
    %dma_start3A_1499 = arith.constant 384 : i32
    %dma_start3A_1500 = arith.constant 0 : i32
    %dma_start3A_1501 = tpu.memref_slice %arg13[%dma_start3A_1499, %dma_start3A_1500] : memref<512x64xf32, #tpu.memory_space<vmem>> -> memref<128x64xf32, #tpu.memory_space<vmem>>
    %dma_start3A_1502 = arith.constant 0 : i32
    %dma_start3A_1503 = tpu.memref_slice %arg11[%dma_start3A_1498, %dma_start3A_1502] : memref<4x128xi32, #tpu.memory_space<vmem>> -> memref<1x128xi32, #tpu.memory_space<vmem>>
    %dma_start3A_1504 = tpu.memref_squeeze %dma_start3A_1503 : memref<1x128xi32, #tpu.memory_space<vmem>> -> memref<128xi32, #tpu.memory_space<vmem>>
    %dma_start3A_1505 = arith.constant 0 : i32
    %dma_start3A_1506 = arith.constant 0 : i32
    %dma_start3A_1507 = tpu.memref_slice %arg3[%dma_start3A_1505, %dma_start3A_1506] : memref<100096x64xf32, #tpu.memory_space<hbm>> -> memref<100096x64xf32, #tpu.memory_space<hbm>>
    tpu.enqueue_indirect_dma source(%dma_start3A_1507 : memref<100096x64xf32, #tpu.memory_space<hbm>>) target(%dma_start3A_1501 : memref<128x64xf32, #tpu.memory_space<vmem>>) offsets(%dma_start3A_1504 : memref<128xi32, #tpu.memory_space<vmem>>) semaphore(%arg18 : memref<!tpu.dma_semaphore, #tpu.memory_space<semaphore_mem>>)
    %dma_start3A_1508 = arith.constant 0 : i32
    %dma_start3A_1509 = arith.constant 0 : i32
    %dma_start3A_1510 = arith.constant 0 : i32
    %dma_start3A_1511 = arith.constant 0 : i32
    %dma_start3A_1512 = tpu.memref_slice %arg14[%dma_start3A_1509, %dma_start3A_1510, %dma_start3A_1511] : memref<2x128x64xf32, #tpu.memory_space<vmem>> -> memref<1x128x64xf32, #tpu.memory_space<vmem>>
    %dma_start3A_1513 = tpu.memref_squeeze %dma_start3A_1512 : memref<1x128x64xf32, #tpu.memory_space<vmem>> -> memref<128x64xf32, #tpu.memory_space<vmem>>
    %dma_start3A_1514 = arith.constant 0 : i32
    %dma_start3A_1515 = tpu.memref_slice %arg12[%dma_start3A_1508, %dma_start3A_1514] : memref<4x128xi32, #tpu.memory_space<vmem>> -> memref<1x128xi32, #tpu.memory_space<vmem>>
    %dma_start3A_1516 = tpu.memref_squeeze %dma_start3A_1515 : memref<1x128xi32, #tpu.memory_space<vmem>> -> memref<128xi32, #tpu.memory_space<vmem>>
    %dma_start3A_1517 = arith.constant 0 : i32
    %dma_start3A_1518 = arith.constant 0 : i32
    %dma_start3A_1519 = tpu.memref_slice %arg4[%dma_start3A_1517, %dma_start3A_1518] : memref<100096x64xf32, #tpu.memory_space<hbm>> -> memref<100096x64xf32, #tpu.memory_space<hbm>>
    tpu.enqueue_indirect_dma source(%dma_start3A_1519 : memref<100096x64xf32, #tpu.memory_space<hbm>>) target(%dma_start3A_1513 : memref<128x64xf32, #tpu.memory_space<vmem>>) offsets(%dma_start3A_1516 : memref<128xi32, #tpu.memory_space<vmem>>) semaphore(%arg19 : memref<!tpu.dma_semaphore, #tpu.memory_space<semaphore_mem>>)
    %dma_start3A_1520 = arith.constant 0 : i32
    %dma_start3A_1521 = arith.constant 0 : i32
    %dma_start3A_1522 = arith.constant 0 : i32
    %dma_start3A_1523 = tpu.memref_slice %arg15[%dma_start3A_1521, %dma_start3A_1522] : memref<4x128xf32, #tpu.memory_space<vmem>> -> memref<1x128xf32, #tpu.memory_space<vmem>>
    %dma_start3A_1524 = tpu.memref_squeeze %dma_start3A_1523 : memref<1x128xf32, #tpu.memory_space<vmem>> -> memref<128xf32, #tpu.memory_space<vmem>>
    %dma_start3A_1525 = arith.constant 0 : i32
    %dma_start3A_1526 = tpu.memref_slice %arg9[%dma_start3A_1520, %dma_start3A_1525] : memref<4x128xi32, #tpu.memory_space<vmem>> -> memref<1x128xi32, #tpu.memory_space<vmem>>
    %dma_start3A_1527 = tpu.memref_squeeze %dma_start3A_1526 : memref<1x128xi32, #tpu.memory_space<vmem>> -> memref<128xi32, #tpu.memory_space<vmem>>
    %dma_start3A_1528 = arith.constant 0 : i32
    %dma_start3A_1529 = tpu.memref_slice %arg5[%dma_start3A_1528] : memref<100000xf32, #tpu.memory_space<hbm>> -> memref<100000xf32, #tpu.memory_space<hbm>>
    tpu.enqueue_indirect_dma source(%dma_start3A_1529 : memref<100000xf32, #tpu.memory_space<hbm>>) target(%dma_start3A_1524 : memref<128xf32, #tpu.memory_space<vmem>>) offsets(%dma_start3A_1527 : memref<128xi32, #tpu.memory_space<vmem>>) semaphore(%arg20 : memref<!tpu.dma_semaphore, #tpu.memory_space<semaphore_mem>>)
    %dma_start3A_1530 = arith.constant 0 : i32
    %dma_start3A_1531 = arith.constant 0 : i32
    %dma_start3A_1532 = arith.constant 0 : i32
    %dma_start3A_1533 = tpu.memref_slice %arg16[%dma_start3A_1531, %dma_start3A_1532] : memref<4x128xf32, #tpu.memory_space<vmem>> -> memref<1x128xf32, #tpu.memory_space<vmem>>
    %dma_start3A_1534 = tpu.memref_squeeze %dma_start3A_1533 : memref<1x128xf32, #tpu.memory_space<vmem>> -> memref<128xf32, #tpu.memory_space<vmem>>
    %dma_start3A_1535 = arith.constant 0 : i32
    %dma_start3A_1536 = tpu.memref_slice %arg10[%dma_start3A_1530, %dma_start3A_1535] : memref<4x128xi32, #tpu.memory_space<vmem>> -> memref<1x128xi32, #tpu.memory_space<vmem>>
    %dma_start3A_1537 = tpu.memref_squeeze %dma_start3A_1536 : memref<1x128xi32, #tpu.memory_space<vmem>> -> memref<128xi32, #tpu.memory_space<vmem>>
    %dma_start3A_1538 = arith.constant 0 : i32
    %dma_start3A_1539 = tpu.memref_slice %arg6[%dma_start3A_1538] : memref<100000xf32, #tpu.memory_space<hbm>> -> memref<100000xf32, #tpu.memory_space<hbm>>
    tpu.enqueue_indirect_dma source(%dma_start3A_1539 : memref<100000xf32, #tpu.memory_space<hbm>>) target(%dma_start3A_1534 : memref<128xf32, #tpu.memory_space<vmem>>) offsets(%dma_start3A_1537 : memref<128xi32, #tpu.memory_space<vmem>>) semaphore(%arg20 : memref<!tpu.dma_semaphore, #tpu.memory_space<semaphore_mem>>)
    %dma_start3A_1540 = arith.constant 1 : i32
    %dma_start3A_1541 = arith.constant 1 : i32
    %dma_start3A_1542 = arith.constant 0 : i32
    %dma_start3A_1543 = tpu.memref_slice %arg15[%dma_start3A_1541, %dma_start3A_1542] : memref<4x128xf32, #tpu.memory_space<vmem>> -> memref<1x128xf32, #tpu.memory_space<vmem>>
    %dma_start3A_1544 = tpu.memref_squeeze %dma_start3A_1543 : memref<1x128xf32, #tpu.memory_space<vmem>> -> memref<128xf32, #tpu.memory_space<vmem>>
    %dma_start3A_1545 = arith.constant 0 : i32
    %dma_start3A_1546 = tpu.memref_slice %arg9[%dma_start3A_1540, %dma_start3A_1545] : memref<4x128xi32, #tpu.memory_space<vmem>> -> memref<1x128xi32, #tpu.memory_space<vmem>>
    %dma_start3A_1547 = tpu.memref_squeeze %dma_start3A_1546 : memref<1x128xi32, #tpu.memory_space<vmem>> -> memref<128xi32, #tpu.memory_space<vmem>>
    %dma_start3A_1548 = arith.constant 0 : i32
    %dma_start3A_1549 = tpu.memref_slice %arg5[%dma_start3A_1548] : memref<100000xf32, #tpu.memory_space<hbm>> -> memref<100000xf32, #tpu.memory_space<hbm>>
    tpu.enqueue_indirect_dma source(%dma_start3A_1549 : memref<100000xf32, #tpu.memory_space<hbm>>) target(%dma_start3A_1544 : memref<128xf32, #tpu.memory_space<vmem>>) offsets(%dma_start3A_1547 : memref<128xi32, #tpu.memory_space<vmem>>) semaphore(%arg20 : memref<!tpu.dma_semaphore, #tpu.memory_space<semaphore_mem>>)
    %dma_start3A_1550 = arith.constant 1 : i32
    %dma_start3A_1551 = arith.constant 1 : i32
    %dma_start3A_1552 = arith.constant 0 : i32
    %dma_start3A_1553 = tpu.memref_slice %arg16[%dma_start3A_1551, %dma_start3A_1552] : memref<4x128xf32, #tpu.memory_space<vmem>> -> memref<1x128xf32, #tpu.memory_space<vmem>>
    %dma_start3A_1554 = tpu.memref_squeeze %dma_start3A_1553 : memref<1x128xf32, #tpu.memory_space<vmem>> -> memref<128xf32, #tpu.memory_space<vmem>>
    %dma_start3A_1555 = arith.constant 0 : i32
    %dma_start3A_1556 = tpu.memref_slice %arg10[%dma_start3A_1550, %dma_start3A_1555] : memref<4x128xi32, #tpu.memory_space<vmem>> -> memref<1x128xi32, #tpu.memory_space<vmem>>
    %dma_start3A_1557 = tpu.memref_squeeze %dma_start3A_1556 : memref<1x128xi32, #tpu.memory_space<vmem>> -> memref<128xi32, #tpu.memory_space<vmem>>
    %dma_start3A_1558 = arith.constant 0 : i32
    %dma_start3A_1559 = tpu.memref_slice %arg6[%dma_start3A_1558] : memref<100000xf32, #tpu.memory_space<hbm>> -> memref<100000xf32, #tpu.memory_space<hbm>>
    tpu.enqueue_indirect_dma source(%dma_start3A_1559 : memref<100000xf32, #tpu.memory_space<hbm>>) target(%dma_start3A_1554 : memref<128xf32, #tpu.memory_space<vmem>>) offsets(%dma_start3A_1557 : memref<128xi32, #tpu.memory_space<vmem>>) semaphore(%arg20 : memref<!tpu.dma_semaphore, #tpu.memory_space<semaphore_mem>>)
    %dma_start3A_1560 = arith.constant 2 : i32
    %dma_start3A_1561 = arith.constant 2 : i32
    %dma_start3A_1562 = arith.constant 0 : i32
    %dma_start3A_1563 = tpu.memref_slice %arg15[%dma_start3A_1561, %dma_start3A_1562] : memref<4x128xf32, #tpu.memory_space<vmem>> -> memref<1x128xf32, #tpu.memory_space<vmem>>
    %dma_start3A_1564 = tpu.memref_squeeze %dma_start3A_1563 : memref<1x128xf32, #tpu.memory_space<vmem>> -> memref<128xf32, #tpu.memory_space<vmem>>
    %dma_start3A_1565 = arith.constant 0 : i32
    %dma_start3A_1566 = tpu.memref_slice %arg9[%dma_start3A_1560, %dma_start3A_1565] : memref<4x128xi32, #tpu.memory_space<vmem>> -> memref<1x128xi32, #tpu.memory_space<vmem>>
    %dma_start3A_1567 = tpu.memref_squeeze %dma_start3A_1566 : memref<1x128xi32, #tpu.memory_space<vmem>> -> memref<128xi32, #tpu.memory_space<vmem>>
    %dma_start3A_1568 = arith.constant 0 : i32
    %dma_start3A_1569 = tpu.memref_slice %arg5[%dma_start3A_1568] : memref<100000xf32, #tpu.memory_space<hbm>> -> memref<100000xf32, #tpu.memory_space<hbm>>
    tpu.enqueue_indirect_dma source(%dma_start3A_1569 : memref<100000xf32, #tpu.memory_space<hbm>>) target(%dma_start3A_1564 : memref<128xf32, #tpu.memory_space<vmem>>) offsets(%dma_start3A_1567 : memref<128xi32, #tpu.memory_space<vmem>>) semaphore(%arg20 : memref<!tpu.dma_semaphore, #tpu.memory_space<semaphore_mem>>)
    %dma_start3A_1570 = arith.constant 2 : i32
    %dma_start3A_1571 = arith.constant 2 : i32
    %dma_start3A_1572 = arith.constant 0 : i32
    %dma_start3A_1573 = tpu.memref_slice %arg16[%dma_start3A_1571, %dma_start3A_1572] : memref<4x128xf32, #tpu.memory_space<vmem>> -> memref<1x128xf32, #tpu.memory_space<vmem>>
    %dma_start3A_1574 = tpu.memref_squeeze %dma_start3A_1573 : memref<1x128xf32, #tpu.memory_space<vmem>> -> memref<128xf32, #tpu.memory_space<vmem>>
    %dma_start3A_1575 = arith.constant 0 : i32
    %dma_start3A_1576 = tpu.memref_slice %arg10[%dma_start3A_1570, %dma_start3A_1575] : memref<4x128xi32, #tpu.memory_space<vmem>> -> memref<1x128xi32, #tpu.memory_space<vmem>>
    %dma_start3A_1577 = tpu.memref_squeeze %dma_start3A_1576 : memref<1x128xi32, #tpu.memory_space<vmem>> -> memref<128xi32, #tpu.memory_space<vmem>>
    %dma_start3A_1578 = arith.constant 0 : i32
    %dma_start3A_1579 = tpu.memref_slice %arg6[%dma_start3A_1578] : memref<100000xf32, #tpu.memory_space<hbm>> -> memref<100000xf32, #tpu.memory_space<hbm>>
    tpu.enqueue_indirect_dma source(%dma_start3A_1579 : memref<100000xf32, #tpu.memory_space<hbm>>) target(%dma_start3A_1574 : memref<128xf32, #tpu.memory_space<vmem>>) offsets(%dma_start3A_1577 : memref<128xi32, #tpu.memory_space<vmem>>) semaphore(%arg20 : memref<!tpu.dma_semaphore, #tpu.memory_space<semaphore_mem>>)
    %dma_start3A_1580 = arith.constant 3 : i32
    %dma_start3A_1581 = arith.constant 3 : i32
    %dma_start3A_1582 = arith.constant 0 : i32
    %dma_start3A_1583 = tpu.memref_slice %arg15[%dma_start3A_1581, %dma_start3A_1582] : memref<4x128xf32, #tpu.memory_space<vmem>> -> memref<1x128xf32, #tpu.memory_space<vmem>>
    %dma_start3A_1584 = tpu.memref_squeeze %dma_start3A_1583 : memref<1x128xf32, #tpu.memory_space<vmem>> -> memref<128xf32, #tpu.memory_space<vmem>>
    %dma_start3A_1585 = arith.constant 0 : i32
    %dma_start3A_1586 = tpu.memref_slice %arg9[%dma_start3A_1580, %dma_start3A_1585] : memref<4x128xi32, #tpu.memory_space<vmem>> -> memref<1x128xi32, #tpu.memory_space<vmem>>
    %dma_start3A_1587 = tpu.memref_squeeze %dma_start3A_1586 : memref<1x128xi32, #tpu.memory_space<vmem>> -> memref<128xi32, #tpu.memory_space<vmem>>
    %dma_start3A_1588 = arith.constant 0 : i32
    %dma_start3A_1589 = tpu.memref_slice %arg5[%dma_start3A_1588] : memref<100000xf32, #tpu.memory_space<hbm>> -> memref<100000xf32, #tpu.memory_space<hbm>>
    tpu.enqueue_indirect_dma source(%dma_start3A_1589 : memref<100000xf32, #tpu.memory_space<hbm>>) target(%dma_start3A_1584 : memref<128xf32, #tpu.memory_space<vmem>>) offsets(%dma_start3A_1587 : memref<128xi32, #tpu.memory_space<vmem>>) semaphore(%arg20 : memref<!tpu.dma_semaphore, #tpu.memory_space<semaphore_mem>>)
    %dma_start3A_1590 = arith.constant 3 : i32
    %dma_start3A_1591 = arith.constant 3 : i32
    %dma_start3A_1592 = arith.constant 0 : i32
    %dma_start3A_1593 = tpu.memref_slice %arg16[%dma_start3A_1591, %dma_start3A_1592] : memref<4x128xf32, #tpu.memory_space<vmem>> -> memref<1x128xf32, #tpu.memory_space<vmem>>
    %dma_start3A_1594 = tpu.memref_squeeze %dma_start3A_1593 : memref<1x128xf32, #tpu.memory_space<vmem>> -> memref<128xf32, #tpu.memory_space<vmem>>
    %dma_start3A_1595 = arith.constant 0 : i32
    %dma_start3A_1596 = tpu.memref_slice %arg10[%dma_start3A_1590, %dma_start3A_1595] : memref<4x128xi32, #tpu.memory_space<vmem>> -> memref<1x128xi32, #tpu.memory_space<vmem>>
    %dma_start3A_1597 = tpu.memref_squeeze %dma_start3A_1596 : memref<1x128xi32, #tpu.memory_space<vmem>> -> memref<128xi32, #tpu.memory_space<vmem>>
    %dma_start3A_1598 = arith.constant 0 : i32
    %dma_start3A_1599 = tpu.memref_slice %arg6[%dma_start3A_1598] : memref<100000xf32, #tpu.memory_space<hbm>> -> memref<100000xf32, #tpu.memory_space<hbm>>
    tpu.enqueue_indirect_dma source(%dma_start3A_1599 : memref<100000xf32, #tpu.memory_space<hbm>>) target(%dma_start3A_1594 : memref<128xf32, #tpu.memory_space<vmem>>) offsets(%dma_start3A_1597 : memref<128xi32, #tpu.memory_space<vmem>>) semaphore(%arg20 : memref<!tpu.dma_semaphore, #tpu.memory_space<semaphore_mem>>)
    %broadcast_in_dim3A_1600 = arith.constant 0.000000e+00 : f32
    %broadcast_in_dim3A_1601 = vector.broadcast %broadcast_in_dim3A_1600 : f32 to vector<16xf32>
    %dma_wait3A = arith.constant 0 : i32
    %dma_wait3A_1602 = arith.constant 0 : i32
    %dma_wait3A_1603 = arith.constant 0 : i32
    %dma_wait3A_1604 = tpu.memref_slice %arg13[%dma_wait3A_1602, %dma_wait3A_1603] : memref<512x64xf32, #tpu.memory_space<vmem>> -> memref<128x64xf32, #tpu.memory_space<vmem>>
    %dma_wait3A_1605 = arith.constant 0 : i32
    %dma_wait3A_1606 = tpu.memref_slice %arg11[%dma_wait3A, %dma_wait3A_1605] : memref<4x128xi32, #tpu.memory_space<vmem>> -> memref<1x128xi32, #tpu.memory_space<vmem>>
    %dma_wait3A_1607 = tpu.memref_squeeze %dma_wait3A_1606 : memref<1x128xi32, #tpu.memory_space<vmem>> -> memref<128xi32, #tpu.memory_space<vmem>>
    %dma_wait3A_1608 = arith.constant 0 : i32
    %dma_wait3A_1609 = arith.constant 0 : i32
    %dma_wait3A_1610 = tpu.memref_slice %arg3[%dma_wait3A_1608, %dma_wait3A_1609] : memref<100096x64xf32, #tpu.memory_space<hbm>> -> memref<100096x64xf32, #tpu.memory_space<hbm>>
    tpu.wait_indirect_dma semaphore(%arg18 : memref<!tpu.dma_semaphore, #tpu.memory_space<semaphore_mem>>) src(%dma_wait3A_1610 : memref<100096x64xf32, #tpu.memory_space<hbm>>) dst(%dma_wait3A_1604 : memref<128x64xf32, #tpu.memory_space<vmem>>)
    %dma_wait3A_1611 = arith.constant 0 : i32
    %dma_wait3A_1612 = arith.constant 0 : i32
    %dma_wait3A_1613 = arith.constant 0 : i32
    %dma_wait3A_1614 = arith.constant 0 : i32
    %dma_wait3A_1615 = tpu.memref_slice %arg14[%dma_wait3A_1612, %dma_wait3A_1613, %dma_wait3A_1614] : memref<2x128x64xf32, #tpu.memory_space<vmem>> -> memref<1x128x64xf32, #tpu.memory_space<vmem>>
    %dma_wait3A_1616 = tpu.memref_squeeze %dma_wait3A_1615 : memref<1x128x64xf32, #tpu.memory_space<vmem>> -> memref<128x64xf32, #tpu.memory_space<vmem>>
    %dma_wait3A_1617 = arith.constant 0 : i32
    %dma_wait3A_1618 = tpu.memref_slice %arg12[%dma_wait3A_1611, %dma_wait3A_1617] : memref<4x128xi32, #tpu.memory_space<vmem>> -> memref<1x128xi32, #tpu.memory_space<vmem>>
    %dma_wait3A_1619 = tpu.memref_squeeze %dma_wait3A_1618 : memref<1x128xi32, #tpu.memory_space<vmem>> -> memref<128xi32, #tpu.memory_space<vmem>>
    %dma_wait3A_1620 = arith.constant 0 : i32
    %dma_wait3A_1621 = arith.constant 0 : i32
    %dma_wait3A_1622 = tpu.memref_slice %arg4[%dma_wait3A_1620, %dma_wait3A_1621] : memref<100096x64xf32, #tpu.memory_space<hbm>> -> memref<100096x64xf32, #tpu.memory_space<hbm>>
    tpu.wait_indirect_dma semaphore(%arg19 : memref<!tpu.dma_semaphore, #tpu.memory_space<semaphore_mem>>) src(%dma_wait3A_1622 : memref<100096x64xf32, #tpu.memory_space<hbm>>) dst(%dma_wait3A_1616 : memref<128x64xf32, #tpu.memory_space<vmem>>)
    %dma_start3A_1623 = arith.constant 1 : i32
    %dma_start3A_1624 = arith.constant 1 : i32
    %dma_start3A_1625 = arith.constant 0 : i32
    %dma_start3A_1626 = arith.constant 0 : i32
    %dma_start3A_1627 = tpu.memref_slice %arg14[%dma_start3A_1624, %dma_start3A_1625, %dma_start3A_1626] : memref<2x128x64xf32, #tpu.memory_space<vmem>> -> memref<1x128x64xf32, #tpu.memory_space<vmem>>
    %dma_start3A_1628 = tpu.memref_squeeze %dma_start3A_1627 : memref<1x128x64xf32, #tpu.memory_space<vmem>> -> memref<128x64xf32, #tpu.memory_space<vmem>>
    %dma_start3A_1629 = arith.constant 0 : i32
    %dma_start3A_1630 = tpu.memref_slice %arg12[%dma_start3A_1623, %dma_start3A_1629] : memref<4x128xi32, #tpu.memory_space<vmem>> -> memref<1x128xi32, #tpu.memory_space<vmem>>
    %dma_start3A_1631 = tpu.memref_squeeze %dma_start3A_1630 : memref<1x128xi32, #tpu.memory_space<vmem>> -> memref<128xi32, #tpu.memory_space<vmem>>
    %dma_start3A_1632 = arith.constant 0 : i32
    %dma_start3A_1633 = arith.constant 0 : i32
    %dma_start3A_1634 = tpu.memref_slice %arg4[%dma_start3A_1632, %dma_start3A_1633] : memref<100096x64xf32, #tpu.memory_space<hbm>> -> memref<100096x64xf32, #tpu.memory_space<hbm>>
    tpu.enqueue_indirect_dma source(%dma_start3A_1634 : memref<100096x64xf32, #tpu.memory_space<hbm>>) target(%dma_start3A_1628 : memref<128x64xf32, #tpu.memory_space<vmem>>) offsets(%dma_start3A_1631 : memref<128xi32, #tpu.memory_space<vmem>>) semaphore(%arg19 : memref<!tpu.dma_semaphore, #tpu.memory_space<semaphore_mem>>)
    %scan3A = arith.constant 0 : i32
    %scan3A_1635 = arith.constant 128 : i32
    %scan3A_1636 = arith.addi %scan3A, %scan3A_1635 : i32
    %scan3A_1637 = arith.constant 4 : i32
    %scan3A_1638:4 = scf.for %scan3A_2379 = %scan3A to %scan3A_1636 step %scan3A_1637 iter_args(%scan3A_2380 = %broadcast_in_dim3A_1601, %scan3A_2381 = %broadcast_in_dim3A_1601, %scan3A_2382 = %broadcast_in_dim3A_1601, %scan3A_2383 = %broadcast_in_dim3A_1601) -> (vector<16xf32>, vector<16xf32>, vector<16xf32>, vector<16xf32>)  : i32 {
      %add3A_2384 = arith.constant 0 : i32
      %add3A_2385 = arith.addi %add3A_2384, %scan3A_2379 : i32
      %get3A_2386 = arith.index_cast %add3A_2385 : i32 to index
      %get3A_2387 = arith.constant 0 : index
      %get3A_2388 = tpu.vector_load %arg13[%get3A_2386, %get3A_2387] {strides = array<i32>} : memref<512x64xf32, #tpu.memory_space<vmem>>, vector<1x16xf32>,
      %get3A_2389 = vector.shape_cast %get3A_2388 : vector<1x16xf32> to vector<16xf32>
      %get3A_2390 = arith.constant 0 : i32
      %get3A_2391 = arith.index_cast %get3A_2390 : i32 to index
      %get3A_2392 = arith.index_cast %scan3A_2379 : i32 to index
      %get3A_2393 = arith.constant 0 : index
      %get3A_2394 = tpu.vector_load %arg14[%get3A_2391, %get3A_2392, %get3A_2393] {strides = array<i32>} : memref<2x128x64xf32, #tpu.memory_space<vmem>>, vector<1x1x16xf32>,
      %get3A_2395 = vector.shape_cast %get3A_2394 : vector<1x1x16xf32> to vector<16xf32>
      %mul3A_2396 = arith.mulf %get3A_2389, %get3A_2395 : vector<16xf32>
      %add3A_2397 = arith.addf %scan3A_2380, %mul3A_2396 : vector<16xf32>
      %add3A_2398 = arith.constant 0 : i32
      %add3A_2399 = arith.addi %add3A_2398, %scan3A_2379 : i32
      %get3A_2400 = arith.index_cast %add3A_2399 : i32 to index
      %get3A_2401 = arith.constant 16 : index
      %get3A_2402 = tpu.vector_load %arg13[%get3A_2400, %get3A_2401] {strides = array<i32>} : memref<512x64xf32, #tpu.memory_space<vmem>>, vector<1x16xf32>,
      %get3A_2403 = vector.shape_cast %get3A_2402 : vector<1x16xf32> to vector<16xf32>
      %get3A_2404 = arith.constant 0 : i32
      %get3A_2405 = arith.index_cast %get3A_2404 : i32 to index
      %get3A_2406 = arith.index_cast %scan3A_2379 : i32 to index
      %get3A_2407 = arith.constant 16 : index
      %get3A_2408 = tpu.vector_load %arg14[%get3A_2405, %get3A_2406, %get3A_2407] {strides = array<i32>} : memref<2x128x64xf32, #tpu.memory_space<vmem>>, vector<1x1x16xf32>,
      %get3A_2409 = vector.shape_cast %get3A_2408 : vector<1x1x16xf32> to vector<16xf32>
      %mul3A_2410 = arith.mulf %get3A_2403, %get3A_2409 : vector<16xf32>
      %add3A_2411 = arith.addf %scan3A_2381, %mul3A_2410 : vector<16xf32>
      %add3A_2412 = arith.constant 0 : i32
      %add3A_2413 = arith.addi %add3A_2412, %scan3A_2379 : i32
      %get3A_2414 = arith.index_cast %add3A_2413 : i32 to index
      %get3A_2415 = arith.constant 32 : index
      %get3A_2416 = tpu.vector_load %arg13[%get3A_2414, %get3A_2415] {strides = array<i32>} : memref<512x64xf32, #tpu.memory_space<vmem>>, vector<1x16xf32>,
      %get3A_2417 = vector.shape_cast %get3A_2416 : vector<1x16xf32> to vector<16xf32>
      %get3A_2418 = arith.constant 0 : i32
      %get3A_2419 = arith.index_cast %get3A_2418 : i32 to index
      %get3A_2420 = arith.index_cast %scan3A_2379 : i32 to index
      %get3A_2421 = arith.constant 32 : index
      %get3A_2422 = tpu.vector_load %arg14[%get3A_2419, %get3A_2420, %get3A_2421] {strides = array<i32>} : memref<2x128x64xf32, #tpu.memory_space<vmem>>, vector<1x1x16xf32>,
      %get3A_2423 = vector.shape_cast %get3A_2422 : vector<1x1x16xf32> to vector<16xf32>
      %mul3A_2424 = arith.mulf %get3A_2417, %get3A_2423 : vector<16xf32>
      %add3A_2425 = arith.addf %scan3A_2382, %mul3A_2424 : vector<16xf32>
      %add3A_2426 = arith.constant 0 : i32
      %add3A_2427 = arith.addi %add3A_2426, %scan3A_2379 : i32
      %get3A_2428 = arith.index_cast %add3A_2427 : i32 to index
      %get3A_2429 = arith.constant 48 : index
      %get3A_2430 = tpu.vector_load %arg13[%get3A_2428, %get3A_2429] {strides = array<i32>} : memref<512x64xf32, #tpu.memory_space<vmem>>, vector<1x16xf32>,
      %get3A_2431 = vector.shape_cast %get3A_2430 : vector<1x16xf32> to vector<16xf32>
      %get3A_2432 = arith.constant 0 : i32
      %get3A_2433 = arith.index_cast %get3A_2432 : i32 to index
      %get3A_2434 = arith.index_cast %scan3A_2379 : i32 to index
      %get3A_2435 = arith.constant 48 : index
      %get3A_2436 = tpu.vector_load %arg14[%get3A_2433, %get3A_2434, %get3A_2435] {strides = array<i32>} : memref<2x128x64xf32, #tpu.memory_space<vmem>>, vector<1x1x16xf32>,
      %get3A_2437 = vector.shape_cast %get3A_2436 : vector<1x1x16xf32> to vector<16xf32>
      %mul3A_2438 = arith.mulf %get3A_2431, %get3A_2437 : vector<16xf32>
      %add3A_2439 = arith.addf %scan3A_2383, %mul3A_2438 : vector<16xf32>
      %scan3A_2440 = arith.constant 1 : i32
      %scan3A_2441 = arith.addi %scan3A_2379, %scan3A_2440 : i32
      %add3A_2442 = arith.constant 0 : i32
      %add3A_2443 = arith.addi %add3A_2442, %scan3A_2441 : i32
      %get3A_2444 = arith.index_cast %add3A_2443 : i32 to index
      %get3A_2445 = arith.constant 0 : index
      %get3A_2446 = tpu.vector_load %arg13[%get3A_2444, %get3A_2445] {strides = array<i32>} : memref<512x64xf32, #tpu.memory_space<vmem>>, vector<1x16xf32>,
      %get3A_2447 = vector.shape_cast %get3A_2446 : vector<1x16xf32> to vector<16xf32>
      %get3A_2448 = arith.constant 0 : i32
      %get3A_2449 = arith.index_cast %get3A_2448 : i32 to index
      %get3A_2450 = arith.index_cast %scan3A_2441 : i32 to index
      %get3A_2451 = arith.constant 0 : index
      %get3A_2452 = tpu.vector_load %arg14[%get3A_2449, %get3A_2450, %get3A_2451] {strides = array<i32>} : memref<2x128x64xf32, #tpu.memory_space<vmem>>, vector<1x1x16xf32>,
      %get3A_2453 = vector.shape_cast %get3A_2452 : vector<1x1x16xf32> to vector<16xf32>
      %mul3A_2454 = arith.mulf %get3A_2447, %get3A_2453 : vector<16xf32>
      %add3A_2455 = arith.addf %add3A_2397, %mul3A_2454 : vector<16xf32>
      %add3A_2456 = arith.constant 0 : i32
      %add3A_2457 = arith.addi %add3A_2456, %scan3A_2441 : i32
      %get3A_2458 = arith.index_cast %add3A_2457 : i32 to index
      %get3A_2459 = arith.constant 16 : index
      %get3A_2460 = tpu.vector_load %arg13[%get3A_2458, %get3A_2459] {strides = array<i32>} : memref<512x64xf32, #tpu.memory_space<vmem>>, vector<1x16xf32>,
      %get3A_2461 = vector.shape_cast %get3A_2460 : vector<1x16xf32> to vector<16xf32>
      %get3A_2462 = arith.constant 0 : i32
      %get3A_2463 = arith.index_cast %get3A_2462 : i32 to index
      %get3A_2464 = arith.index_cast %scan3A_2441 : i32 to index
      %get3A_2465 = arith.constant 16 : index
      %get3A_2466 = tpu.vector_load %arg14[%get3A_2463, %get3A_2464, %get3A_2465] {strides = array<i32>} : memref<2x128x64xf32, #tpu.memory_space<vmem>>, vector<1x1x16xf32>,
      %get3A_2467 = vector.shape_cast %get3A_2466 : vector<1x1x16xf32> to vector<16xf32>
      %mul3A_2468 = arith.mulf %get3A_2461, %get3A_2467 : vector<16xf32>
      %add3A_2469 = arith.addf %add3A_2411, %mul3A_2468 : vector<16xf32>
      %add3A_2470 = arith.constant 0 : i32
      %add3A_2471 = arith.addi %add3A_2470, %scan3A_2441 : i32
      %get3A_2472 = arith.index_cast %add3A_2471 : i32 to index
      %get3A_2473 = arith.constant 32 : index
      %get3A_2474 = tpu.vector_load %arg13[%get3A_2472, %get3A_2473] {strides = array<i32>} : memref<512x64xf32, #tpu.memory_space<vmem>>, vector<1x16xf32>,
      %get3A_2475 = vector.shape_cast %get3A_2474 : vector<1x16xf32> to vector<16xf32>
      %get3A_2476 = arith.constant 0 : i32
      %get3A_2477 = arith.index_cast %get3A_2476 : i32 to index
      %get3A_2478 = arith.index_cast %scan3A_2441 : i32 to index
      %get3A_2479 = arith.constant 32 : index
      %get3A_2480 = tpu.vector_load %arg14[%get3A_2477, %get3A_2478, %get3A_2479] {strides = array<i32>} : memref<2x128x64xf32, #tpu.memory_space<vmem>>, vector<1x1x16xf32>,
      %get3A_2481 = vector.shape_cast %get3A_2480 : vector<1x1x16xf32> to vector<16xf32>
      %mul3A_2482 = arith.mulf %get3A_2475, %get3A_2481 : vector<16xf32>
      %add3A_2483 = arith.addf %add3A_2425, %mul3A_2482 : vector<16xf32>
      %add3A_2484 = arith.constant 0 : i32
      %add3A_2485 = arith.addi %add3A_2484, %scan3A_2441 : i32
      %get3A_2486 = arith.index_cast %add3A_2485 : i32 to index
      %get3A_2487 = arith.constant 48 : index
      %get3A_2488 = tpu.vector_load %arg13[%get3A_2486, %get3A_2487] {strides = array<i32>} : memref<512x64xf32, #tpu.memory_space<vmem>>, vector<1x16xf32>,
      %get3A_2489 = vector.shape_cast %get3A_2488 : vector<1x16xf32> to vector<16xf32>
      %get3A_2490 = arith.constant 0 : i32
      %get3A_2491 = arith.index_cast %get3A_2490 : i32 to index
      %get3A_2492 = arith.index_cast %scan3A_2441 : i32 to index
      %get3A_2493 = arith.constant 48 : index
      %get3A_2494 = tpu.vector_load %arg14[%get3A_2491, %get3A_2492, %get3A_2493] {strides = array<i32>} : memref<2x128x64xf32, #tpu.memory_space<vmem>>, vector<1x1x16xf32>,
      %get3A_2495 = vector.shape_cast %get3A_2494 : vector<1x1x16xf32> to vector<16xf32>
      %mul3A_2496 = arith.mulf %get3A_2489, %get3A_2495 : vector<16xf32>
      %add3A_2497 = arith.addf %add3A_2439, %mul3A_2496 : vector<16xf32>
      %scan3A_2498 = arith.constant 2 : i32
      %scan3A_2499 = arith.addi %scan3A_2379, %scan3A_2498 : i32
      %add3A_2500 = arith.constant 0 : i32
      %add3A_2501 = arith.addi %add3A_2500, %scan3A_2499 : i32
      %get3A_2502 = arith.index_cast %add3A_2501 : i32 to index
      %get3A_2503 = arith.constant 0 : index
      %get3A_2504 = tpu.vector_load %arg13[%get3A_2502, %get3A_2503] {strides = array<i32>} : memref<512x64xf32, #tpu.memory_space<vmem>>, vector<1x16xf32>,
      %get3A_2505 = vector.shape_cast %get3A_2504 : vector<1x16xf32> to vector<16xf32>
      %get3A_2506 = arith.constant 0 : i32
      %get3A_2507 = arith.index_cast %get3A_2506 : i32 to index
      %get3A_2508 = arith.index_cast %scan3A_2499 : i32 to index
      %get3A_2509 = arith.constant 0 : index
      %get3A_2510 = tpu.vector_load %arg14[%get3A_2507, %get3A_2508, %get3A_2509] {strides = array<i32>} : memref<2x128x64xf32, #tpu.memory_space<vmem>>, vector<1x1x16xf32>,
      %get3A_2511 = vector.shape_cast %get3A_2510 : vector<1x1x16xf32> to vector<16xf32>
      %mul3A_2512 = arith.mulf %get3A_2505, %get3A_2511 : vector<16xf32>
      %add3A_2513 = arith.addf %add3A_2455, %mul3A_2512 : vector<16xf32>
      %add3A_2514 = arith.constant 0 : i32
      %add3A_2515 = arith.addi %add3A_2514, %scan3A_2499 : i32
      %get3A_2516 = arith.index_cast %add3A_2515 : i32 to index
      %get3A_2517 = arith.constant 16 : index
      %get3A_2518 = tpu.vector_load %arg13[%get3A_2516, %get3A_2517] {strides = array<i32>} : memref<512x64xf32, #tpu.memory_space<vmem>>, vector<1x16xf32>,
      %get3A_2519 = vector.shape_cast %get3A_2518 : vector<1x16xf32> to vector<16xf32>
      %get3A_2520 = arith.constant 0 : i32
      %get3A_2521 = arith.index_cast %get3A_2520 : i32 to index
      %get3A_2522 = arith.index_cast %scan3A_2499 : i32 to index
      %get3A_2523 = arith.constant 16 : index
      %get3A_2524 = tpu.vector_load %arg14[%get3A_2521, %get3A_2522, %get3A_2523] {strides = array<i32>} : memref<2x128x64xf32, #tpu.memory_space<vmem>>, vector<1x1x16xf32>,
      %get3A_2525 = vector.shape_cast %get3A_2524 : vector<1x1x16xf32> to vector<16xf32>
      %mul3A_2526 = arith.mulf %get3A_2519, %get3A_2525 : vector<16xf32>
      %add3A_2527 = arith.addf %add3A_2469, %mul3A_2526 : vector<16xf32>
      %add3A_2528 = arith.constant 0 : i32
      %add3A_2529 = arith.addi %add3A_2528, %scan3A_2499 : i32
      %get3A_2530 = arith.index_cast %add3A_2529 : i32 to index
      %get3A_2531 = arith.constant 32 : index
      %get3A_2532 = tpu.vector_load %arg13[%get3A_2530, %get3A_2531] {strides = array<i32>} : memref<512x64xf32, #tpu.memory_space<vmem>>, vector<1x16xf32>,
      %get3A_2533 = vector.shape_cast %get3A_2532 : vector<1x16xf32> to vector<16xf32>
      %get3A_2534 = arith.constant 0 : i32
      %get3A_2535 = arith.index_cast %get3A_2534 : i32 to index
      %get3A_2536 = arith.index_cast %scan3A_2499 : i32 to index
      %get3A_2537 = arith.constant 32 : index
      %get3A_2538 = tpu.vector_load %arg14[%get3A_2535, %get3A_2536, %get3A_2537] {strides = array<i32>} : memref<2x128x64xf32, #tpu.memory_space<vmem>>, vector<1x1x16xf32>,
      %get3A_2539 = vector.shape_cast %get3A_2538 : vector<1x1x16xf32> to vector<16xf32>
      %mul3A_2540 = arith.mulf %get3A_2533, %get3A_2539 : vector<16xf32>
      %add3A_2541 = arith.addf %add3A_2483, %mul3A_2540 : vector<16xf32>
      %add3A_2542 = arith.constant 0 : i32
      %add3A_2543 = arith.addi %add3A_2542, %scan3A_2499 : i32
      %get3A_2544 = arith.index_cast %add3A_2543 : i32 to index
      %get3A_2545 = arith.constant 48 : index
      %get3A_2546 = tpu.vector_load %arg13[%get3A_2544, %get3A_2545] {strides = array<i32>} : memref<512x64xf32, #tpu.memory_space<vmem>>, vector<1x16xf32>,
      %get3A_2547 = vector.shape_cast %get3A_2546 : vector<1x16xf32> to vector<16xf32>
      %get3A_2548 = arith.constant 0 : i32
      %get3A_2549 = arith.index_cast %get3A_2548 : i32 to index
      %get3A_2550 = arith.index_cast %scan3A_2499 : i32 to index
      %get3A_2551 = arith.constant 48 : index
      %get3A_2552 = tpu.vector_load %arg14[%get3A_2549, %get3A_2550, %get3A_2551] {strides = array<i32>} : memref<2x128x64xf32, #tpu.memory_space<vmem>>, vector<1x1x16xf32>,
      %get3A_2553 = vector.shape_cast %get3A_2552 : vector<1x1x16xf32> to vector<16xf32>
      %mul3A_2554 = arith.mulf %get3A_2547, %get3A_2553 : vector<16xf32>
      %add3A_2555 = arith.addf %add3A_2497, %mul3A_2554 : vector<16xf32>
      %scan3A_2556 = arith.constant 3 : i32
      %scan3A_2557 = arith.addi %scan3A_2379, %scan3A_2556 : i32
      %add3A_2558 = arith.constant 0 : i32
      %add3A_2559 = arith.addi %add3A_2558, %scan3A_2557 : i32
      %get3A_2560 = arith.index_cast %add3A_2559 : i32 to index
      %get3A_2561 = arith.constant 0 : index
      %get3A_2562 = tpu.vector_load %arg13[%get3A_2560, %get3A_2561] {strides = array<i32>} : memref<512x64xf32, #tpu.memory_space<vmem>>, vector<1x16xf32>,
      %get3A_2563 = vector.shape_cast %get3A_2562 : vector<1x16xf32> to vector<16xf32>
      %get3A_2564 = arith.constant 0 : i32
      %get3A_2565 = arith.index_cast %get3A_2564 : i32 to index
      %get3A_2566 = arith.index_cast %scan3A_2557 : i32 to index
      %get3A_2567 = arith.constant 0 : index
      %get3A_2568 = tpu.vector_load %arg14[%get3A_2565, %get3A_2566, %get3A_2567] {strides = array<i32>} : memref<2x128x64xf32, #tpu.memory_space<vmem>>, vector<1x1x16xf32>,
      %get3A_2569 = vector.shape_cast %get3A_2568 : vector<1x1x16xf32> to vector<16xf32>
      %mul3A_2570 = arith.mulf %get3A_2563, %get3A_2569 : vector<16xf32>
      %add3A_2571 = arith.addf %add3A_2513, %mul3A_2570 : vector<16xf32>
      %add3A_2572 = arith.constant 0 : i32
      %add3A_2573 = arith.addi %add3A_2572, %scan3A_2557 : i32
      %get3A_2574 = arith.index_cast %add3A_2573 : i32 to index
      %get3A_2575 = arith.constant 16 : index
      %get3A_2576 = tpu.vector_load %arg13[%get3A_2574, %get3A_2575] {strides = array<i32>} : memref<512x64xf32, #tpu.memory_space<vmem>>, vector<1x16xf32>,
      %get3A_2577 = vector.shape_cast %get3A_2576 : vector<1x16xf32> to vector<16xf32>
      %get3A_2578 = arith.constant 0 : i32
      %get3A_2579 = arith.index_cast %get3A_2578 : i32 to index
      %get3A_2580 = arith.index_cast %scan3A_2557 : i32 to index
      %get3A_2581 = arith.constant 16 : index
      %get3A_2582 = tpu.vector_load %arg14[%get3A_2579, %get3A_2580, %get3A_2581] {strides = array<i32>} : memref<2x128x64xf32, #tpu.memory_space<vmem>>, vector<1x1x16xf32>,
      %get3A_2583 = vector.shape_cast %get3A_2582 : vector<1x1x16xf32> to vector<16xf32>
      %mul3A_2584 = arith.mulf %get3A_2577, %get3A_2583 : vector<16xf32>
      %add3A_2585 = arith.addf %add3A_2527, %mul3A_2584 : vector<16xf32>
      %add3A_2586 = arith.constant 0 : i32
      %add3A_2587 = arith.addi %add3A_2586, %scan3A_2557 : i32
      %get3A_2588 = arith.index_cast %add3A_2587 : i32 to index
      %get3A_2589 = arith.constant 32 : index
      %get3A_2590 = tpu.vector_load %arg13[%get3A_2588, %get3A_2589] {strides = array<i32>} : memref<512x64xf32, #tpu.memory_space<vmem>>, vector<1x16xf32>,
      %get3A_2591 = vector.shape_cast %get3A_2590 : vector<1x16xf32> to vector<16xf32>
      %get3A_2592 = arith.constant 0 : i32
      %get3A_2593 = arith.index_cast %get3A_2592 : i32 to index
      %get3A_2594 = arith.index_cast %scan3A_2557 : i32 to index
      %get3A_2595 = arith.constant 32 : index
      %get3A_2596 = tpu.vector_load %arg14[%get3A_2593, %get3A_2594, %get3A_2595] {strides = array<i32>} : memref<2x128x64xf32, #tpu.memory_space<vmem>>, vector<1x1x16xf32>,
      %get3A_2597 = vector.shape_cast %get3A_2596 : vector<1x1x16xf32> to vector<16xf32>
      %mul3A_2598 = arith.mulf %get3A_2591, %get3A_2597 : vector<16xf32>
      %add3A_2599 = arith.addf %add3A_2541, %mul3A_2598 : vector<16xf32>
      %add3A_2600 = arith.constant 0 : i32
      %add3A_2601 = arith.addi %add3A_2600, %scan3A_2557 : i32
      %get3A_2602 = arith.index_cast %add3A_2601 : i32 to index
      %get3A_2603 = arith.constant 48 : index
      %get3A_2604 = tpu.vector_load %arg13[%get3A_2602, %get3A_2603] {strides = array<i32>} : memref<512x64xf32, #tpu.memory_space<vmem>>, vector<1x16xf32>,
      %get3A_2605 = vector.shape_cast %get3A_2604 : vector<1x16xf32> to vector<16xf32>
      %get3A_2606 = arith.constant 0 : i32
      %get3A_2607 = arith.index_cast %get3A_2606 : i32 to index
      %get3A_2608 = arith.index_cast %scan3A_2557 : i32 to index
      %get3A_2609 = arith.constant 48 : index
      %get3A_2610 = tpu.vector_load %arg14[%get3A_2607, %get3A_2608, %get3A_2609] {strides = array<i32>} : memref<2x128x64xf32, #tpu.memory_space<vmem>>, vector<1x1x16xf32>,
      %get3A_2611 = vector.shape_cast %get3A_2610 : vector<1x1x16xf32> to vector<16xf32>
      %mul3A_2612 = arith.mulf %get3A_2605, %get3A_2611 : vector<16xf32>
      %add3A_2613 = arith.addf %add3A_2555, %mul3A_2612 : vector<16xf32>
      scf.yield %add3A_2571, %add3A_2585, %add3A_2599, %add3A_2613 : vector<16xf32>, vector<16xf32>, vector<16xf32>, vector<16xf32>
    }
    %scan3A_1639 = arith.constant 128 : i32
    %dma_wait3A_1640 = arith.constant 1 : i32
    %dma_wait3A_1641 = arith.constant 128 : i32
    %dma_wait3A_1642 = arith.constant 0 : i32
    %dma_wait3A_1643 = tpu.memref_slice %arg13[%dma_wait3A_1641, %dma_wait3A_1642] : memref<512x64xf32, #tpu.memory_space<vmem>> -> memref<128x64xf32, #tpu.memory_space<vmem>>
    %dma_wait3A_1644 = arith.constant 0 : i32
    %dma_wait3A_1645 = tpu.memref_slice %arg11[%dma_wait3A_1640, %dma_wait3A_1644] : memref<4x128xi32, #tpu.memory_space<vmem>> -> memref<1x128xi32, #tpu.memory_space<vmem>>
    %dma_wait3A_1646 = tpu.memref_squeeze %dma_wait3A_1645 : memref<1x128xi32, #tpu.memory_space<vmem>> -> memref<128xi32, #tpu.memory_space<vmem>>
    %dma_wait3A_1647 = arith.constant 0 : i32
    %dma_wait3A_1648 = arith.constant 0 : i32
    %dma_wait3A_1649 = tpu.memref_slice %arg3[%dma_wait3A_1647, %dma_wait3A_1648] : memref<100096x64xf32, #tpu.memory_space<hbm>> -> memref<100096x64xf32, #tpu.memory_space<hbm>>
    tpu.wait_indirect_dma semaphore(%arg18 : memref<!tpu.dma_semaphore, #tpu.memory_space<semaphore_mem>>) src(%dma_wait3A_1649 : memref<100096x64xf32, #tpu.memory_space<hbm>>) dst(%dma_wait3A_1643 : memref<128x64xf32, #tpu.memory_space<vmem>>)
    %dma_wait3A_1650 = arith.constant 1 : i32
    %dma_wait3A_1651 = arith.constant 1 : i32
    %dma_wait3A_1652 = arith.constant 0 : i32
    %dma_wait3A_1653 = arith.constant 0 : i32
    %dma_wait3A_1654 = tpu.memref_slice %arg14[%dma_wait3A_1651, %dma_wait3A_1652, %dma_wait3A_1653] : memref<2x128x64xf32, #tpu.memory_space<vmem>> -> memref<1x128x64xf32, #tpu.memory_space<vmem>>
    %dma_wait3A_1655 = tpu.memref_squeeze %dma_wait3A_1654 : memref<1x128x64xf32, #tpu.memory_space<vmem>> -> memref<128x64xf32, #tpu.memory_space<vmem>>
    %dma_wait3A_1656 = arith.constant 0 : i32
    %dma_wait3A_1657 = tpu.memref_slice %arg12[%dma_wait3A_1650, %dma_wait3A_1656] : memref<4x128xi32, #tpu.memory_space<vmem>> -> memref<1x128xi32, #tpu.memory_space<vmem>>
    %dma_wait3A_1658 = tpu.memref_squeeze %dma_wait3A_1657 : memref<1x128xi32, #tpu.memory_space<vmem>> -> memref<128xi32, #tpu.memory_space<vmem>>
    %dma_wait3A_1659 = arith.constant 0 : i32
    %dma_wait3A_1660 = arith.constant 0 : i32
    %dma_wait3A_1661 = tpu.memref_slice %arg4[%dma_wait3A_1659, %dma_wait3A_1660] : memref<100096x64xf32, #tpu.memory_space<hbm>> -> memref<100096x64xf32, #tpu.memory_space<hbm>>
    tpu.wait_indirect_dma semaphore(%arg19 : memref<!tpu.dma_semaphore, #tpu.memory_space<semaphore_mem>>) src(%dma_wait3A_1661 : memref<100096x64xf32, #tpu.memory_space<hbm>>) dst(%dma_wait3A_1655 : memref<128x64xf32, #tpu.memory_space<vmem>>)
    %dma_start3A_1662 = arith.constant 2 : i32
    %dma_start3A_1663 = arith.constant 0 : i32
    %dma_start3A_1664 = arith.constant 0 : i32
    %dma_start3A_1665 = arith.constant 0 : i32
    %dma_start3A_1666 = tpu.memref_slice %arg14[%dma_start3A_1663, %dma_start3A_1664, %dma_start3A_1665] : memref<2x128x64xf32, #tpu.memory_space<vmem>> -> memref<1x128x64xf32, #tpu.memory_space<vmem>>
    %dma_start3A_1667 = tpu.memref_squeeze %dma_start3A_1666 : memref<1x128x64xf32, #tpu.memory_space<vmem>> -> memref<128x64xf32, #tpu.memory_space<vmem>>
    %dma_start3A_1668 = arith.constant 0 : i32
    %dma_start3A_1669 = tpu.memref_slice %arg12[%dma_start3A_1662, %dma_start3A_1668] : memref<4x128xi32, #tpu.memory_space<vmem>> -> memref<1x128xi32, #tpu.memory_space<vmem>>
    %dma_start3A_1670 = tpu.memref_squeeze %dma_start3A_1669 : memref<1x128xi32, #tpu.memory_space<vmem>> -> memref<128xi32, #tpu.memory_space<vmem>>
    %dma_start3A_1671 = arith.constant 0 : i32
    %dma_start3A_1672 = arith.constant 0 : i32
    %dma_start3A_1673 = tpu.memref_slice %arg4[%dma_start3A_1671, %dma_start3A_1672] : memref<100096x64xf32, #tpu.memory_space<hbm>> -> memref<100096x64xf32, #tpu.memory_space<hbm>>
    tpu.enqueue_indirect_dma source(%dma_start3A_1673 : memref<100096x64xf32, #tpu.memory_space<hbm>>) target(%dma_start3A_1667 : memref<128x64xf32, #tpu.memory_space<vmem>>) offsets(%dma_start3A_1670 : memref<128xi32, #tpu.memory_space<vmem>>) semaphore(%arg19 : memref<!tpu.dma_semaphore, #tpu.memory_space<semaphore_mem>>)
    %scan3A_1674 = arith.constant 0 : i32
    %scan3A_1675 = arith.constant 128 : i32
    %scan3A_1676 = arith.addi %scan3A_1674, %scan3A_1675 : i32
    %scan3A_1677 = arith.constant 4 : i32
    %scan3A_1678:4 = scf.for %scan3A_2379 = %scan3A_1674 to %scan3A_1676 step %scan3A_1677 iter_args(%scan3A_2380 = %scan3A_1638#0, %scan3A_2381 = %scan3A_1638#1, %scan3A_2382 = %scan3A_1638#2, %scan3A_2383 = %scan3A_1638#3) -> (vector<16xf32>, vector<16xf32>, vector<16xf32>, vector<16xf32>)  : i32 {
      %add3A_2384 = arith.constant 128 : i32
      %add3A_2385 = arith.addi %add3A_2384, %scan3A_2379 : i32
      %get3A_2386 = arith.index_cast %add3A_2385 : i32 to index
      %get3A_2387 = arith.constant 0 : index
      %get3A_2388 = tpu.vector_load %arg13[%get3A_2386, %get3A_2387] {strides = array<i32>} : memref<512x64xf32, #tpu.memory_space<vmem>>, vector<1x16xf32>,
      %get3A_2389 = vector.shape_cast %get3A_2388 : vector<1x16xf32> to vector<16xf32>
      %get3A_2390 = arith.constant 1 : i32
      %get3A_2391 = arith.index_cast %get3A_2390 : i32 to index
      %get3A_2392 = arith.index_cast %scan3A_2379 : i32 to index
      %get3A_2393 = arith.constant 0 : index
      %get3A_2394 = tpu.vector_load %arg14[%get3A_2391, %get3A_2392, %get3A_2393] {strides = array<i32>} : memref<2x128x64xf32, #tpu.memory_space<vmem>>, vector<1x1x16xf32>,
      %get3A_2395 = vector.shape_cast %get3A_2394 : vector<1x1x16xf32> to vector<16xf32>
      %mul3A_2396 = arith.mulf %get3A_2389, %get3A_2395 : vector<16xf32>
      %add3A_2397 = arith.addf %scan3A_2380, %mul3A_2396 : vector<16xf32>
      %add3A_2398 = arith.constant 128 : i32
      %add3A_2399 = arith.addi %add3A_2398, %scan3A_2379 : i32
      %get3A_2400 = arith.index_cast %add3A_2399 : i32 to index
      %get3A_2401 = arith.constant 16 : index
      %get3A_2402 = tpu.vector_load %arg13[%get3A_2400, %get3A_2401] {strides = array<i32>} : memref<512x64xf32, #tpu.memory_space<vmem>>, vector<1x16xf32>,
      %get3A_2403 = vector.shape_cast %get3A_2402 : vector<1x16xf32> to vector<16xf32>
      %get3A_2404 = arith.constant 1 : i32
      %get3A_2405 = arith.index_cast %get3A_2404 : i32 to index
      %get3A_2406 = arith.index_cast %scan3A_2379 : i32 to index
      %get3A_2407 = arith.constant 16 : index
      %get3A_2408 = tpu.vector_load %arg14[%get3A_2405, %get3A_2406, %get3A_2407] {strides = array<i32>} : memref<2x128x64xf32, #tpu.memory_space<vmem>>, vector<1x1x16xf32>,
      %get3A_2409 = vector.shape_cast %get3A_2408 : vector<1x1x16xf32> to vector<16xf32>
      %mul3A_2410 = arith.mulf %get3A_2403, %get3A_2409 : vector<16xf32>
      %add3A_2411 = arith.addf %scan3A_2381, %mul3A_2410 : vector<16xf32>
      %add3A_2412 = arith.constant 128 : i32
      %add3A_2413 = arith.addi %add3A_2412, %scan3A_2379 : i32
      %get3A_2414 = arith.index_cast %add3A_2413 : i32 to index
      %get3A_2415 = arith.constant 32 : index
      %get3A_2416 = tpu.vector_load %arg13[%get3A_2414, %get3A_2415] {strides = array<i32>} : memref<512x64xf32, #tpu.memory_space<vmem>>, vector<1x16xf32>,
      %get3A_2417 = vector.shape_cast %get3A_2416 : vector<1x16xf32> to vector<16xf32>
      %get3A_2418 = arith.constant 1 : i32
      %get3A_2419 = arith.index_cast %get3A_2418 : i32 to index
      %get3A_2420 = arith.index_cast %scan3A_2379 : i32 to index
      %get3A_2421 = arith.constant 32 : index
      %get3A_2422 = tpu.vector_load %arg14[%get3A_2419, %get3A_2420, %get3A_2421] {strides = array<i32>} : memref<2x128x64xf32, #tpu.memory_space<vmem>>, vector<1x1x16xf32>,
      %get3A_2423 = vector.shape_cast %get3A_2422 : vector<1x1x16xf32> to vector<16xf32>
      %mul3A_2424 = arith.mulf %get3A_2417, %get3A_2423 : vector<16xf32>
      %add3A_2425 = arith.addf %scan3A_2382, %mul3A_2424 : vector<16xf32>
      %add3A_2426 = arith.constant 128 : i32
      %add3A_2427 = arith.addi %add3A_2426, %scan3A_2379 : i32
      %get3A_2428 = arith.index_cast %add3A_2427 : i32 to index
      %get3A_2429 = arith.constant 48 : index
      %get3A_2430 = tpu.vector_load %arg13[%get3A_2428, %get3A_2429] {strides = array<i32>} : memref<512x64xf32, #tpu.memory_space<vmem>>, vector<1x16xf32>,
      %get3A_2431 = vector.shape_cast %get3A_2430 : vector<1x16xf32> to vector<16xf32>
      %get3A_2432 = arith.constant 1 : i32
      %get3A_2433 = arith.index_cast %get3A_2432 : i32 to index
      %get3A_2434 = arith.index_cast %scan3A_2379 : i32 to index
      %get3A_2435 = arith.constant 48 : index
      %get3A_2436 = tpu.vector_load %arg14[%get3A_2433, %get3A_2434, %get3A_2435] {strides = array<i32>} : memref<2x128x64xf32, #tpu.memory_space<vmem>>, vector<1x1x16xf32>,
      %get3A_2437 = vector.shape_cast %get3A_2436 : vector<1x1x16xf32> to vector<16xf32>
      %mul3A_2438 = arith.mulf %get3A_2431, %get3A_2437 : vector<16xf32>
      %add3A_2439 = arith.addf %scan3A_2383, %mul3A_2438 : vector<16xf32>
      %scan3A_2440 = arith.constant 1 : i32
      %scan3A_2441 = arith.addi %scan3A_2379, %scan3A_2440 : i32
      %add3A_2442 = arith.constant 128 : i32
      %add3A_2443 = arith.addi %add3A_2442, %scan3A_2441 : i32
      %get3A_2444 = arith.index_cast %add3A_2443 : i32 to index
      %get3A_2445 = arith.constant 0 : index
      %get3A_2446 = tpu.vector_load %arg13[%get3A_2444, %get3A_2445] {strides = array<i32>} : memref<512x64xf32, #tpu.memory_space<vmem>>, vector<1x16xf32>,
      %get3A_2447 = vector.shape_cast %get3A_2446 : vector<1x16xf32> to vector<16xf32>
      %get3A_2448 = arith.constant 1 : i32
      %get3A_2449 = arith.index_cast %get3A_2448 : i32 to index
      %get3A_2450 = arith.index_cast %scan3A_2441 : i32 to index
      %get3A_2451 = arith.constant 0 : index
      %get3A_2452 = tpu.vector_load %arg14[%get3A_2449, %get3A_2450, %get3A_2451] {strides = array<i32>} : memref<2x128x64xf32, #tpu.memory_space<vmem>>, vector<1x1x16xf32>,
      %get3A_2453 = vector.shape_cast %get3A_2452 : vector<1x1x16xf32> to vector<16xf32>
      %mul3A_2454 = arith.mulf %get3A_2447, %get3A_2453 : vector<16xf32>
      %add3A_2455 = arith.addf %add3A_2397, %mul3A_2454 : vector<16xf32>
      %add3A_2456 = arith.constant 128 : i32
      %add3A_2457 = arith.addi %add3A_2456, %scan3A_2441 : i32
      %get3A_2458 = arith.index_cast %add3A_2457 : i32 to index
      %get3A_2459 = arith.constant 16 : index
      %get3A_2460 = tpu.vector_load %arg13[%get3A_2458, %get3A_2459] {strides = array<i32>} : memref<512x64xf32, #tpu.memory_space<vmem>>, vector<1x16xf32>,
      %get3A_2461 = vector.shape_cast %get3A_2460 : vector<1x16xf32> to vector<16xf32>
      %get3A_2462 = arith.constant 1 : i32
      %get3A_2463 = arith.index_cast %get3A_2462 : i32 to index
      %get3A_2464 = arith.index_cast %scan3A_2441 : i32 to index
      %get3A_2465 = arith.constant 16 : index
      %get3A_2466 = tpu.vector_load %arg14[%get3A_2463, %get3A_2464, %get3A_2465] {strides = array<i32>} : memref<2x128x64xf32, #tpu.memory_space<vmem>>, vector<1x1x16xf32>,
      %get3A_2467 = vector.shape_cast %get3A_2466 : vector<1x1x16xf32> to vector<16xf32>
      %mul3A_2468 = arith.mulf %get3A_2461, %get3A_2467 : vector<16xf32>
      %add3A_2469 = arith.addf %add3A_2411, %mul3A_2468 : vector<16xf32>
      %add3A_2470 = arith.constant 128 : i32
      %add3A_2471 = arith.addi %add3A_2470, %scan3A_2441 : i32
      %get3A_2472 = arith.index_cast %add3A_2471 : i32 to index
      %get3A_2473 = arith.constant 32 : index
      %get3A_2474 = tpu.vector_load %arg13[%get3A_2472, %get3A_2473] {strides = array<i32>} : memref<512x64xf32, #tpu.memory_space<vmem>>, vector<1x16xf32>,
      %get3A_2475 = vector.shape_cast %get3A_2474 : vector<1x16xf32> to vector<16xf32>
      %get3A_2476 = arith.constant 1 : i32
      %get3A_2477 = arith.index_cast %get3A_2476 : i32 to index
      %get3A_2478 = arith.index_cast %scan3A_2441 : i32 to index
      %get3A_2479 = arith.constant 32 : index
      %get3A_2480 = tpu.vector_load %arg14[%get3A_2477, %get3A_2478, %get3A_2479] {strides = array<i32>} : memref<2x128x64xf32, #tpu.memory_space<vmem>>, vector<1x1x16xf32>,
      %get3A_2481 = vector.shape_cast %get3A_2480 : vector<1x1x16xf32> to vector<16xf32>
      %mul3A_2482 = arith.mulf %get3A_2475, %get3A_2481 : vector<16xf32>
      %add3A_2483 = arith.addf %add3A_2425, %mul3A_2482 : vector<16xf32>
      %add3A_2484 = arith.constant 128 : i32
      %add3A_2485 = arith.addi %add3A_2484, %scan3A_2441 : i32
      %get3A_2486 = arith.index_cast %add3A_2485 : i32 to index
      %get3A_2487 = arith.constant 48 : index
      %get3A_2488 = tpu.vector_load %arg13[%get3A_2486, %get3A_2487] {strides = array<i32>} : memref<512x64xf32, #tpu.memory_space<vmem>>, vector<1x16xf32>,
      %get3A_2489 = vector.shape_cast %get3A_2488 : vector<1x16xf32> to vector<16xf32>
      %get3A_2490 = arith.constant 1 : i32
      %get3A_2491 = arith.index_cast %get3A_2490 : i32 to index
      %get3A_2492 = arith.index_cast %scan3A_2441 : i32 to index
      %get3A_2493 = arith.constant 48 : index
      %get3A_2494 = tpu.vector_load %arg14[%get3A_2491, %get3A_2492, %get3A_2493] {strides = array<i32>} : memref<2x128x64xf32, #tpu.memory_space<vmem>>, vector<1x1x16xf32>,
      %get3A_2495 = vector.shape_cast %get3A_2494 : vector<1x1x16xf32> to vector<16xf32>
      %mul3A_2496 = arith.mulf %get3A_2489, %get3A_2495 : vector<16xf32>
      %add3A_2497 = arith.addf %add3A_2439, %mul3A_2496 : vector<16xf32>
      %scan3A_2498 = arith.constant 2 : i32
      %scan3A_2499 = arith.addi %scan3A_2379, %scan3A_2498 : i32
      %add3A_2500 = arith.constant 128 : i32
      %add3A_2501 = arith.addi %add3A_2500, %scan3A_2499 : i32
      %get3A_2502 = arith.index_cast %add3A_2501 : i32 to index
      %get3A_2503 = arith.constant 0 : index
      %get3A_2504 = tpu.vector_load %arg13[%get3A_2502, %get3A_2503] {strides = array<i32>} : memref<512x64xf32, #tpu.memory_space<vmem>>, vector<1x16xf32>,
      %get3A_2505 = vector.shape_cast %get3A_2504 : vector<1x16xf32> to vector<16xf32>
      %get3A_2506 = arith.constant 1 : i32
      %get3A_2507 = arith.index_cast %get3A_2506 : i32 to index
      %get3A_2508 = arith.index_cast %scan3A_2499 : i32 to index
      %get3A_2509 = arith.constant 0 : index
      %get3A_2510 = tpu.vector_load %arg14[%get3A_2507, %get3A_2508, %get3A_2509] {strides = array<i32>} : memref<2x128x64xf32, #tpu.memory_space<vmem>>, vector<1x1x16xf32>,
      %get3A_2511 = vector.shape_cast %get3A_2510 : vector<1x1x16xf32> to vector<16xf32>
      %mul3A_2512 = arith.mulf %get3A_2505, %get3A_2511 : vector<16xf32>
      %add3A_2513 = arith.addf %add3A_2455, %mul3A_2512 : vector<16xf32>
      %add3A_2514 = arith.constant 128 : i32
      %add3A_2515 = arith.addi %add3A_2514, %scan3A_2499 : i32
      %get3A_2516 = arith.index_cast %add3A_2515 : i32 to index
      %get3A_2517 = arith.constant 16 : index
      %get3A_2518 = tpu.vector_load %arg13[%get3A_2516, %get3A_2517] {strides = array<i32>} : memref<512x64xf32, #tpu.memory_space<vmem>>, vector<1x16xf32>,
      %get3A_2519 = vector.shape_cast %get3A_2518 : vector<1x16xf32> to vector<16xf32>
      %get3A_2520 = arith.constant 1 : i32
      %get3A_2521 = arith.index_cast %get3A_2520 : i32 to index
      %get3A_2522 = arith.index_cast %scan3A_2499 : i32 to index
      %get3A_2523 = arith.constant 16 : index
      %get3A_2524 = tpu.vector_load %arg14[%get3A_2521, %get3A_2522, %get3A_2523] {strides = array<i32>} : memref<2x128x64xf32, #tpu.memory_space<vmem>>, vector<1x1x16xf32>,
      %get3A_2525 = vector.shape_cast %get3A_2524 : vector<1x1x16xf32> to vector<16xf32>
      %mul3A_2526 = arith.mulf %get3A_2519, %get3A_2525 : vector<16xf32>
      %add3A_2527 = arith.addf %add3A_2469, %mul3A_2526 : vector<16xf32>
      %add3A_2528 = arith.constant 128 : i32
      %add3A_2529 = arith.addi %add3A_2528, %scan3A_2499 : i32
      %get3A_2530 = arith.index_cast %add3A_2529 : i32 to index
      %get3A_2531 = arith.constant 32 : index
      %get3A_2532 = tpu.vector_load %arg13[%get3A_2530, %get3A_2531] {strides = array<i32>} : memref<512x64xf32, #tpu.memory_space<vmem>>, vector<1x16xf32>,
      %get3A_2533 = vector.shape_cast %get3A_2532 : vector<1x16xf32> to vector<16xf32>
      %get3A_2534 = arith.constant 1 : i32
      %get3A_2535 = arith.index_cast %get3A_2534 : i32 to index
      %get3A_2536 = arith.index_cast %scan3A_2499 : i32 to index
      %get3A_2537 = arith.constant 32 : index
      %get3A_2538 = tpu.vector_load %arg14[%get3A_2535, %get3A_2536, %get3A_2537] {strides = array<i32>} : memref<2x128x64xf32, #tpu.memory_space<vmem>>, vector<1x1x16xf32>,
      %get3A_2539 = vector.shape_cast %get3A_2538 : vector<1x1x16xf32> to vector<16xf32>
      %mul3A_2540 = arith.mulf %get3A_2533, %get3A_2539 : vector<16xf32>
      %add3A_2541 = arith.addf %add3A_2483, %mul3A_2540 : vector<16xf32>
      %add3A_2542 = arith.constant 128 : i32
      %add3A_2543 = arith.addi %add3A_2542, %scan3A_2499 : i32
      %get3A_2544 = arith.index_cast %add3A_2543 : i32 to index
      %get3A_2545 = arith.constant 48 : index
      %get3A_2546 = tpu.vector_load %arg13[%get3A_2544, %get3A_2545] {strides = array<i32>} : memref<512x64xf32, #tpu.memory_space<vmem>>, vector<1x16xf32>,
      %get3A_2547 = vector.shape_cast %get3A_2546 : vector<1x16xf32> to vector<16xf32>
      %get3A_2548 = arith.constant 1 : i32
      %get3A_2549 = arith.index_cast %get3A_2548 : i32 to index
      %get3A_2550 = arith.index_cast %scan3A_2499 : i32 to index
      %get3A_2551 = arith.constant 48 : index
      %get3A_2552 = tpu.vector_load %arg14[%get3A_2549, %get3A_2550, %get3A_2551] {strides = array<i32>} : memref<2x128x64xf32, #tpu.memory_space<vmem>>, vector<1x1x16xf32>,
      %get3A_2553 = vector.shape_cast %get3A_2552 : vector<1x1x16xf32> to vector<16xf32>
      %mul3A_2554 = arith.mulf %get3A_2547, %get3A_2553 : vector<16xf32>
      %add3A_2555 = arith.addf %add3A_2497, %mul3A_2554 : vector<16xf32>
      %scan3A_2556 = arith.constant 3 : i32
      %scan3A_2557 = arith.addi %scan3A_2379, %scan3A_2556 : i32
      %add3A_2558 = arith.constant 128 : i32
      %add3A_2559 = arith.addi %add3A_2558, %scan3A_2557 : i32
      %get3A_2560 = arith.index_cast %add3A_2559 : i32 to index
      %get3A_2561 = arith.constant 0 : index
      %get3A_2562 = tpu.vector_load %arg13[%get3A_2560, %get3A_2561] {strides = array<i32>} : memref<512x64xf32, #tpu.memory_space<vmem>>, vector<1x16xf32>,
      %get3A_2563 = vector.shape_cast %get3A_2562 : vector<1x16xf32> to vector<16xf32>
      %get3A_2564 = arith.constant 1 : i32
      %get3A_2565 = arith.index_cast %get3A_2564 : i32 to index
      %get3A_2566 = arith.index_cast %scan3A_2557 : i32 to index
      %get3A_2567 = arith.constant 0 : index
      %get3A_2568 = tpu.vector_load %arg14[%get3A_2565, %get3A_2566, %get3A_2567] {strides = array<i32>} : memref<2x128x64xf32, #tpu.memory_space<vmem>>, vector<1x1x16xf32>,
      %get3A_2569 = vector.shape_cast %get3A_2568 : vector<1x1x16xf32> to vector<16xf32>
      %mul3A_2570 = arith.mulf %get3A_2563, %get3A_2569 : vector<16xf32>
      %add3A_2571 = arith.addf %add3A_2513, %mul3A_2570 : vector<16xf32>
      %add3A_2572 = arith.constant 128 : i32
      %add3A_2573 = arith.addi %add3A_2572, %scan3A_2557 : i32
      %get3A_2574 = arith.index_cast %add3A_2573 : i32 to index
      %get3A_2575 = arith.constant 16 : index
      %get3A_2576 = tpu.vector_load %arg13[%get3A_2574, %get3A_2575] {strides = array<i32>} : memref<512x64xf32, #tpu.memory_space<vmem>>, vector<1x16xf32>,
      %get3A_2577 = vector.shape_cast %get3A_2576 : vector<1x16xf32> to vector<16xf32>
      %get3A_2578 = arith.constant 1 : i32
      %get3A_2579 = arith.index_cast %get3A_2578 : i32 to index
      %get3A_2580 = arith.index_cast %scan3A_2557 : i32 to index
      %get3A_2581 = arith.constant 16 : index
      %get3A_2582 = tpu.vector_load %arg14[%get3A_2579, %get3A_2580, %get3A_2581] {strides = array<i32>} : memref<2x128x64xf32, #tpu.memory_space<vmem>>, vector<1x1x16xf32>,
      %get3A_2583 = vector.shape_cast %get3A_2582 : vector<1x1x16xf32> to vector<16xf32>
      %mul3A_2584 = arith.mulf %get3A_2577, %get3A_2583 : vector<16xf32>
      %add3A_2585 = arith.addf %add3A_2527, %mul3A_2584 : vector<16xf32>
      %add3A_2586 = arith.constant 128 : i32
      %add3A_2587 = arith.addi %add3A_2586, %scan3A_2557 : i32
      %get3A_2588 = arith.index_cast %add3A_2587 : i32 to index
      %get3A_2589 = arith.constant 32 : index
      %get3A_2590 = tpu.vector_load %arg13[%get3A_2588, %get3A_2589] {strides = array<i32>} : memref<512x64xf32, #tpu.memory_space<vmem>>, vector<1x16xf32>,
      %get3A_2591 = vector.shape_cast %get3A_2590 : vector<1x16xf32> to vector<16xf32>
      %get3A_2592 = arith.constant 1 : i32
      %get3A_2593 = arith.index_cast %get3A_2592 : i32 to index
      %get3A_2594 = arith.index_cast %scan3A_2557 : i32 to index
      %get3A_2595 = arith.constant 32 : index
      %get3A_2596 = tpu.vector_load %arg14[%get3A_2593, %get3A_2594, %get3A_2595] {strides = array<i32>} : memref<2x128x64xf32, #tpu.memory_space<vmem>>, vector<1x1x16xf32>,
      %get3A_2597 = vector.shape_cast %get3A_2596 : vector<1x1x16xf32> to vector<16xf32>
      %mul3A_2598 = arith.mulf %get3A_2591, %get3A_2597 : vector<16xf32>
      %add3A_2599 = arith.addf %add3A_2541, %mul3A_2598 : vector<16xf32>
      %add3A_2600 = arith.constant 128 : i32
      %add3A_2601 = arith.addi %add3A_2600, %scan3A_2557 : i32
      %get3A_2602 = arith.index_cast %add3A_2601 : i32 to index
      %get3A_2603 = arith.constant 48 : index
      %get3A_2604 = tpu.vector_load %arg13[%get3A_2602, %get3A_2603] {strides = array<i32>} : memref<512x64xf32, #tpu.memory_space<vmem>>, vector<1x16xf32>,
      %get3A_2605 = vector.shape_cast %get3A_2604 : vector<1x16xf32> to vector<16xf32>
      %get3A_2606 = arith.constant 1 : i32
      %get3A_2607 = arith.index_cast %get3A_2606 : i32 to index
      %get3A_2608 = arith.index_cast %scan3A_2557 : i32 to index
      %get3A_2609 = arith.constant 48 : index
      %get3A_2610 = tpu.vector_load %arg14[%get3A_2607, %get3A_2608, %get3A_2609] {strides = array<i32>} : memref<2x128x64xf32, #tpu.memory_space<vmem>>, vector<1x1x16xf32>,
      %get3A_2611 = vector.shape_cast %get3A_2610 : vector<1x1x16xf32> to vector<16xf32>
      %mul3A_2612 = arith.mulf %get3A_2605, %get3A_2611 : vector<16xf32>
      %add3A_2613 = arith.addf %add3A_2555, %mul3A_2612 : vector<16xf32>
      scf.yield %add3A_2571, %add3A_2585, %add3A_2599, %add3A_2613 : vector<16xf32>, vector<16xf32>, vector<16xf32>, vector<16xf32>
    }
    %scan3A_1679 = arith.constant 128 : i32
    %dma_wait3A_1680 = arith.constant 2 : i32
    %dma_wait3A_1681 = arith.constant 256 : i32
    %dma_wait3A_1682 = arith.constant 0 : i32
    %dma_wait3A_1683 = tpu.memref_slice %arg13[%dma_wait3A_1681, %dma_wait3A_1682] : memref<512x64xf32, #tpu.memory_space<vmem>> -> memref<128x64xf32, #tpu.memory_space<vmem>>
    %dma_wait3A_1684 = arith.constant 0 : i32
    %dma_wait3A_1685 = tpu.memref_slice %arg11[%dma_wait3A_1680, %dma_wait3A_1684] : memref<4x128xi32, #tpu.memory_space<vmem>> -> memref<1x128xi32, #tpu.memory_space<vmem>>
    %dma_wait3A_1686 = tpu.memref_squeeze %dma_wait3A_1685 : memref<1x128xi32, #tpu.memory_space<vmem>> -> memref<128xi32, #tpu.memory_space<vmem>>
    %dma_wait3A_1687 = arith.constant 0 : i32
    %dma_wait3A_1688 = arith.constant 0 : i32
    %dma_wait3A_1689 = tpu.memref_slice %arg3[%dma_wait3A_1687, %dma_wait3A_1688] : memref<100096x64xf32, #tpu.memory_space<hbm>> -> memref<100096x64xf32, #tpu.memory_space<hbm>>
    tpu.wait_indirect_dma semaphore(%arg18 : memref<!tpu.dma_semaphore, #tpu.memory_space<semaphore_mem>>) src(%dma_wait3A_1689 : memref<100096x64xf32, #tpu.memory_space<hbm>>) dst(%dma_wait3A_1683 : memref<128x64xf32, #tpu.memory_space<vmem>>)
    %dma_wait3A_1690 = arith.constant 2 : i32
    %dma_wait3A_1691 = arith.constant 0 : i32
    %dma_wait3A_1692 = arith.constant 0 : i32
    %dma_wait3A_1693 = arith.constant 0 : i32
    %dma_wait3A_1694 = tpu.memref_slice %arg14[%dma_wait3A_1691, %dma_wait3A_1692, %dma_wait3A_1693] : memref<2x128x64xf32, #tpu.memory_space<vmem>> -> memref<1x128x64xf32, #tpu.memory_space<vmem>>
    %dma_wait3A_1695 = tpu.memref_squeeze %dma_wait3A_1694 : memref<1x128x64xf32, #tpu.memory_space<vmem>> -> memref<128x64xf32, #tpu.memory_space<vmem>>
    %dma_wait3A_1696 = arith.constant 0 : i32
    %dma_wait3A_1697 = tpu.memref_slice %arg12[%dma_wait3A_1690, %dma_wait3A_1696] : memref<4x128xi32, #tpu.memory_space<vmem>> -> memref<1x128xi32, #tpu.memory_space<vmem>>
    %dma_wait3A_1698 = tpu.memref_squeeze %dma_wait3A_1697 : memref<1x128xi32, #tpu.memory_space<vmem>> -> memref<128xi32, #tpu.memory_space<vmem>>
    %dma_wait3A_1699 = arith.constant 0 : i32
    %dma_wait3A_1700 = arith.constant 0 : i32
    %dma_wait3A_1701 = tpu.memref_slice %arg4[%dma_wait3A_1699, %dma_wait3A_1700] : memref<100096x64xf32, #tpu.memory_space<hbm>> -> memref<100096x64xf32, #tpu.memory_space<hbm>>
    tpu.wait_indirect_dma semaphore(%arg19 : memref<!tpu.dma_semaphore, #tpu.memory_space<semaphore_mem>>) src(%dma_wait3A_1701 : memref<100096x64xf32, #tpu.memory_space<hbm>>) dst(%dma_wait3A_1695 : memref<128x64xf32, #tpu.memory_space<vmem>>)
    %dma_start3A_1702 = arith.constant 3 : i32
    %dma_start3A_1703 = arith.constant 1 : i32
    %dma_start3A_1704 = arith.constant 0 : i32
    %dma_start3A_1705 = arith.constant 0 : i32
    %dma_start3A_1706 = tpu.memref_slice %arg14[%dma_start3A_1703, %dma_start3A_1704, %dma_start3A_1705] : memref<2x128x64xf32, #tpu.memory_space<vmem>> -> memref<1x128x64xf32, #tpu.memory_space<vmem>>
    %dma_start3A_1707 = tpu.memref_squeeze %dma_start3A_1706 : memref<1x128x64xf32, #tpu.memory_space<vmem>> -> memref<128x64xf32, #tpu.memory_space<vmem>>
    %dma_start3A_1708 = arith.constant 0 : i32
    %dma_start3A_1709 = tpu.memref_slice %arg12[%dma_start3A_1702, %dma_start3A_1708] : memref<4x128xi32, #tpu.memory_space<vmem>> -> memref<1x128xi32, #tpu.memory_space<vmem>>
    %dma_start3A_1710 = tpu.memref_squeeze %dma_start3A_1709 : memref<1x128xi32, #tpu.memory_space<vmem>> -> memref<128xi32, #tpu.memory_space<vmem>>
    %dma_start3A_1711 = arith.constant 0 : i32
    %dma_start3A_1712 = arith.constant 0 : i32
    %dma_start3A_1713 = tpu.memref_slice %arg4[%dma_start3A_1711, %dma_start3A_1712] : memref<100096x64xf32, #tpu.memory_space<hbm>> -> memref<100096x64xf32, #tpu.memory_space<hbm>>
    tpu.enqueue_indirect_dma source(%dma_start3A_1713 : memref<100096x64xf32, #tpu.memory_space<hbm>>) target(%dma_start3A_1707 : memref<128x64xf32, #tpu.memory_space<vmem>>) offsets(%dma_start3A_1710 : memref<128xi32, #tpu.memory_space<vmem>>) semaphore(%arg19 : memref<!tpu.dma_semaphore, #tpu.memory_space<semaphore_mem>>)
    %scan3A_1714 = arith.constant 0 : i32
    %scan3A_1715 = arith.constant 128 : i32
    %scan3A_1716 = arith.addi %scan3A_1714, %scan3A_1715 : i32
    %scan3A_1717 = arith.constant 4 : i32
    %scan3A_1718:4 = scf.for %scan3A_2379 = %scan3A_1714 to %scan3A_1716 step %scan3A_1717 iter_args(%scan3A_2380 = %scan3A_1678#0, %scan3A_2381 = %scan3A_1678#1, %scan3A_2382 = %scan3A_1678#2, %scan3A_2383 = %scan3A_1678#3) -> (vector<16xf32>, vector<16xf32>, vector<16xf32>, vector<16xf32>)  : i32 {
      %add3A_2384 = arith.constant 256 : i32
      %add3A_2385 = arith.addi %add3A_2384, %scan3A_2379 : i32
      %get3A_2386 = arith.index_cast %add3A_2385 : i32 to index
      %get3A_2387 = arith.constant 0 : index
      %get3A_2388 = tpu.vector_load %arg13[%get3A_2386, %get3A_2387] {strides = array<i32>} : memref<512x64xf32, #tpu.memory_space<vmem>>, vector<1x16xf32>,
      %get3A_2389 = vector.shape_cast %get3A_2388 : vector<1x16xf32> to vector<16xf32>
      %get3A_2390 = arith.constant 0 : i32
      %get3A_2391 = arith.index_cast %get3A_2390 : i32 to index
      %get3A_2392 = arith.index_cast %scan3A_2379 : i32 to index
      %get3A_2393 = arith.constant 0 : index
      %get3A_2394 = tpu.vector_load %arg14[%get3A_2391, %get3A_2392, %get3A_2393] {strides = array<i32>} : memref<2x128x64xf32, #tpu.memory_space<vmem>>, vector<1x1x16xf32>,
      %get3A_2395 = vector.shape_cast %get3A_2394 : vector<1x1x16xf32> to vector<16xf32>
      %mul3A_2396 = arith.mulf %get3A_2389, %get3A_2395 : vector<16xf32>
      %add3A_2397 = arith.addf %scan3A_2380, %mul3A_2396 : vector<16xf32>
      %add3A_2398 = arith.constant 256 : i32
      %add3A_2399 = arith.addi %add3A_2398, %scan3A_2379 : i32
      %get3A_2400 = arith.index_cast %add3A_2399 : i32 to index
      %get3A_2401 = arith.constant 16 : index
      %get3A_2402 = tpu.vector_load %arg13[%get3A_2400, %get3A_2401] {strides = array<i32>} : memref<512x64xf32, #tpu.memory_space<vmem>>, vector<1x16xf32>,
      %get3A_2403 = vector.shape_cast %get3A_2402 : vector<1x16xf32> to vector<16xf32>
      %get3A_2404 = arith.constant 0 : i32
      %get3A_2405 = arith.index_cast %get3A_2404 : i32 to index
      %get3A_2406 = arith.index_cast %scan3A_2379 : i32 to index
      %get3A_2407 = arith.constant 16 : index
      %get3A_2408 = tpu.vector_load %arg14[%get3A_2405, %get3A_2406, %get3A_2407] {strides = array<i32>} : memref<2x128x64xf32, #tpu.memory_space<vmem>>, vector<1x1x16xf32>,
      %get3A_2409 = vector.shape_cast %get3A_2408 : vector<1x1x16xf32> to vector<16xf32>
      %mul3A_2410 = arith.mulf %get3A_2403, %get3A_2409 : vector<16xf32>
      %add3A_2411 = arith.addf %scan3A_2381, %mul3A_2410 : vector<16xf32>
      %add3A_2412 = arith.constant 256 : i32
      %add3A_2413 = arith.addi %add3A_2412, %scan3A_2379 : i32
      %get3A_2414 = arith.index_cast %add3A_2413 : i32 to index
      %get3A_2415 = arith.constant 32 : index
      %get3A_2416 = tpu.vector_load %arg13[%get3A_2414, %get3A_2415] {strides = array<i32>} : memref<512x64xf32, #tpu.memory_space<vmem>>, vector<1x16xf32>,
      %get3A_2417 = vector.shape_cast %get3A_2416 : vector<1x16xf32> to vector<16xf32>
      %get3A_2418 = arith.constant 0 : i32
      %get3A_2419 = arith.index_cast %get3A_2418 : i32 to index
      %get3A_2420 = arith.index_cast %scan3A_2379 : i32 to index
      %get3A_2421 = arith.constant 32 : index
      %get3A_2422 = tpu.vector_load %arg14[%get3A_2419, %get3A_2420, %get3A_2421] {strides = array<i32>} : memref<2x128x64xf32, #tpu.memory_space<vmem>>, vector<1x1x16xf32>,
      %get3A_2423 = vector.shape_cast %get3A_2422 : vector<1x1x16xf32> to vector<16xf32>
      %mul3A_2424 = arith.mulf %get3A_2417, %get3A_2423 : vector<16xf32>
      %add3A_2425 = arith.addf %scan3A_2382, %mul3A_2424 : vector<16xf32>
      %add3A_2426 = arith.constant 256 : i32
      %add3A_2427 = arith.addi %add3A_2426, %scan3A_2379 : i32
      %get3A_2428 = arith.index_cast %add3A_2427 : i32 to index
      %get3A_2429 = arith.constant 48 : index
      %get3A_2430 = tpu.vector_load %arg13[%get3A_2428, %get3A_2429] {strides = array<i32>} : memref<512x64xf32, #tpu.memory_space<vmem>>, vector<1x16xf32>,
      %get3A_2431 = vector.shape_cast %get3A_2430 : vector<1x16xf32> to vector<16xf32>
      %get3A_2432 = arith.constant 0 : i32
      %get3A_2433 = arith.index_cast %get3A_2432 : i32 to index
      %get3A_2434 = arith.index_cast %scan3A_2379 : i32 to index
      %get3A_2435 = arith.constant 48 : index
      %get3A_2436 = tpu.vector_load %arg14[%get3A_2433, %get3A_2434, %get3A_2435] {strides = array<i32>} : memref<2x128x64xf32, #tpu.memory_space<vmem>>, vector<1x1x16xf32>,
      %get3A_2437 = vector.shape_cast %get3A_2436 : vector<1x1x16xf32> to vector<16xf32>
      %mul3A_2438 = arith.mulf %get3A_2431, %get3A_2437 : vector<16xf32>
      %add3A_2439 = arith.addf %scan3A_2383, %mul3A_2438 : vector<16xf32>
      %scan3A_2440 = arith.constant 1 : i32
      %scan3A_2441 = arith.addi %scan3A_2379, %scan3A_2440 : i32
      %add3A_2442 = arith.constant 256 : i32
      %add3A_2443 = arith.addi %add3A_2442, %scan3A_2441 : i32
      %get3A_2444 = arith.index_cast %add3A_2443 : i32 to index
      %get3A_2445 = arith.constant 0 : index
      %get3A_2446 = tpu.vector_load %arg13[%get3A_2444, %get3A_2445] {strides = array<i32>} : memref<512x64xf32, #tpu.memory_space<vmem>>, vector<1x16xf32>,
      %get3A_2447 = vector.shape_cast %get3A_2446 : vector<1x16xf32> to vector<16xf32>
      %get3A_2448 = arith.constant 0 : i32
      %get3A_2449 = arith.index_cast %get3A_2448 : i32 to index
      %get3A_2450 = arith.index_cast %scan3A_2441 : i32 to index
      %get3A_2451 = arith.constant 0 : index
      %get3A_2452 = tpu.vector_load %arg14[%get3A_2449, %get3A_2450, %get3A_2451] {strides = array<i32>} : memref<2x128x64xf32, #tpu.memory_space<vmem>>, vector<1x1x16xf32>,
      %get3A_2453 = vector.shape_cast %get3A_2452 : vector<1x1x16xf32> to vector<16xf32>
      %mul3A_2454 = arith.mulf %get3A_2447, %get3A_2453 : vector<16xf32>
      %add3A_2455 = arith.addf %add3A_2397, %mul3A_2454 : vector<16xf32>
      %add3A_2456 = arith.constant 256 : i32
      %add3A_2457 = arith.addi %add3A_2456, %scan3A_2441 : i32
      %get3A_2458 = arith.index_cast %add3A_2457 : i32 to index
      %get3A_2459 = arith.constant 16 : index
      %get3A_2460 = tpu.vector_load %arg13[%get3A_2458, %get3A_2459] {strides = array<i32>} : memref<512x64xf32, #tpu.memory_space<vmem>>, vector<1x16xf32>,
      %get3A_2461 = vector.shape_cast %get3A_2460 : vector<1x16xf32> to vector<16xf32>
      %get3A_2462 = arith.constant 0 : i32
      %get3A_2463 = arith.index_cast %get3A_2462 : i32 to index
      %get3A_2464 = arith.index_cast %scan3A_2441 : i32 to index
      %get3A_2465 = arith.constant 16 : index
      %get3A_2466 = tpu.vector_load %arg14[%get3A_2463, %get3A_2464, %get3A_2465] {strides = array<i32>} : memref<2x128x64xf32, #tpu.memory_space<vmem>>, vector<1x1x16xf32>,
      %get3A_2467 = vector.shape_cast %get3A_2466 : vector<1x1x16xf32> to vector<16xf32>
      %mul3A_2468 = arith.mulf %get3A_2461, %get3A_2467 : vector<16xf32>
      %add3A_2469 = arith.addf %add3A_2411, %mul3A_2468 : vector<16xf32>
      %add3A_2470 = arith.constant 256 : i32
      %add3A_2471 = arith.addi %add3A_2470, %scan3A_2441 : i32
      %get3A_2472 = arith.index_cast %add3A_2471 : i32 to index
      %get3A_2473 = arith.constant 32 : index
      %get3A_2474 = tpu.vector_load %arg13[%get3A_2472, %get3A_2473] {strides = array<i32>} : memref<512x64xf32, #tpu.memory_space<vmem>>, vector<1x16xf32>,
      %get3A_2475 = vector.shape_cast %get3A_2474 : vector<1x16xf32> to vector<16xf32>
      %get3A_2476 = arith.constant 0 : i32
      %get3A_2477 = arith.index_cast %get3A_2476 : i32 to index
      %get3A_2478 = arith.index_cast %scan3A_2441 : i32 to index
      %get3A_2479 = arith.constant 32 : index
      %get3A_2480 = tpu.vector_load %arg14[%get3A_2477, %get3A_2478, %get3A_2479] {strides = array<i32>} : memref<2x128x64xf32, #tpu.memory_space<vmem>>, vector<1x1x16xf32>,
      %get3A_2481 = vector.shape_cast %get3A_2480 : vector<1x1x16xf32> to vector<16xf32>
      %mul3A_2482 = arith.mulf %get3A_2475, %get3A_2481 : vector<16xf32>
      %add3A_2483 = arith.addf %add3A_2425, %mul3A_2482 : vector<16xf32>
      %add3A_2484 = arith.constant 256 : i32
      %add3A_2485 = arith.addi %add3A_2484, %scan3A_2441 : i32
      %get3A_2486 = arith.index_cast %add3A_2485 : i32 to index
      %get3A_2487 = arith.constant 48 : index
      %get3A_2488 = tpu.vector_load %arg13[%get3A_2486, %get3A_2487] {strides = array<i32>} : memref<512x64xf32, #tpu.memory_space<vmem>>, vector<1x16xf32>,
      %get3A_2489 = vector.shape_cast %get3A_2488 : vector<1x16xf32> to vector<16xf32>
      %get3A_2490 = arith.constant 0 : i32
      %get3A_2491 = arith.index_cast %get3A_2490 : i32 to index
      %get3A_2492 = arith.index_cast %scan3A_2441 : i32 to index
      %get3A_2493 = arith.constant 48 : index
      %get3A_2494 = tpu.vector_load %arg14[%get3A_2491, %get3A_2492, %get3A_2493] {strides = array<i32>} : memref<2x128x64xf32, #tpu.memory_space<vmem>>, vector<1x1x16xf32>,
      %get3A_2495 = vector.shape_cast %get3A_2494 : vector<1x1x16xf32> to vector<16xf32>
      %mul3A_2496 = arith.mulf %get3A_2489, %get3A_2495 : vector<16xf32>
      %add3A_2497 = arith.addf %add3A_2439, %mul3A_2496 : vector<16xf32>
      %scan3A_2498 = arith.constant 2 : i32
      %scan3A_2499 = arith.addi %scan3A_2379, %scan3A_2498 : i32
      %add3A_2500 = arith.constant 256 : i32
      %add3A_2501 = arith.addi %add3A_2500, %scan3A_2499 : i32
      %get3A_2502 = arith.index_cast %add3A_2501 : i32 to index
      %get3A_2503 = arith.constant 0 : index
      %get3A_2504 = tpu.vector_load %arg13[%get3A_2502, %get3A_2503] {strides = array<i32>} : memref<512x64xf32, #tpu.memory_space<vmem>>, vector<1x16xf32>,
      %get3A_2505 = vector.shape_cast %get3A_2504 : vector<1x16xf32> to vector<16xf32>
      %get3A_2506 = arith.constant 0 : i32
      %get3A_2507 = arith.index_cast %get3A_2506 : i32 to index
      %get3A_2508 = arith.index_cast %scan3A_2499 : i32 to index
      %get3A_2509 = arith.constant 0 : index
      %get3A_2510 = tpu.vector_load %arg14[%get3A_2507, %get3A_2508, %get3A_2509] {strides = array<i32>} : memref<2x128x64xf32, #tpu.memory_space<vmem>>, vector<1x1x16xf32>,
      %get3A_2511 = vector.shape_cast %get3A_2510 : vector<1x1x16xf32> to vector<16xf32>
      %mul3A_2512 = arith.mulf %get3A_2505, %get3A_2511 : vector<16xf32>
      %add3A_2513 = arith.addf %add3A_2455, %mul3A_2512 : vector<16xf32>
      %add3A_2514 = arith.constant 256 : i32
      %add3A_2515 = arith.addi %add3A_2514, %scan3A_2499 : i32
      %get3A_2516 = arith.index_cast %add3A_2515 : i32 to index
      %get3A_2517 = arith.constant 16 : index
      %get3A_2518 = tpu.vector_load %arg13[%get3A_2516, %get3A_2517] {strides = array<i32>} : memref<512x64xf32, #tpu.memory_space<vmem>>, vector<1x16xf32>,
      %get3A_2519 = vector.shape_cast %get3A_2518 : vector<1x16xf32> to vector<16xf32>
      %get3A_2520 = arith.constant 0 : i32
      %get3A_2521 = arith.index_cast %get3A_2520 : i32 to index
      %get3A_2522 = arith.index_cast %scan3A_2499 : i32 to index
      %get3A_2523 = arith.constant 16 : index
      %get3A_2524 = tpu.vector_load %arg14[%get3A_2521, %get3A_2522, %get3A_2523] {strides = array<i32>} : memref<2x128x64xf32, #tpu.memory_space<vmem>>, vector<1x1x16xf32>,
      %get3A_2525 = vector.shape_cast %get3A_2524 : vector<1x1x16xf32> to vector<16xf32>
      %mul3A_2526 = arith.mulf %get3A_2519, %get3A_2525 : vector<16xf32>
      %add3A_2527 = arith.addf %add3A_2469, %mul3A_2526 : vector<16xf32>
      %add3A_2528 = arith.constant 256 : i32
      %add3A_2529 = arith.addi %add3A_2528, %scan3A_2499 : i32
      %get3A_2530 = arith.index_cast %add3A_2529 : i32 to index
      %get3A_2531 = arith.constant 32 : index
      %get3A_2532 = tpu.vector_load %arg13[%get3A_2530, %get3A_2531] {strides = array<i32>} : memref<512x64xf32, #tpu.memory_space<vmem>>, vector<1x16xf32>,
      %get3A_2533 = vector.shape_cast %get3A_2532 : vector<1x16xf32> to vector<16xf32>
      %get3A_2534 = arith.constant 0 : i32
      %get3A_2535 = arith.index_cast %get3A_2534 : i32 to index
      %get3A_2536 = arith.index_cast %scan3A_2499 : i32 to index
      %get3A_2537 = arith.constant 32 : index
      %get3A_2538 = tpu.vector_load %arg14[%get3A_2535, %get3A_2536, %get3A_2537] {strides = array<i32>} : memref<2x128x64xf32, #tpu.memory_space<vmem>>, vector<1x1x16xf32>,
      %get3A_2539 = vector.shape_cast %get3A_2538 : vector<1x1x16xf32> to vector<16xf32>
      %mul3A_2540 = arith.mulf %get3A_2533, %get3A_2539 : vector<16xf32>
      %add3A_2541 = arith.addf %add3A_2483, %mul3A_2540 : vector<16xf32>
      %add3A_2542 = arith.constant 256 : i32
      %add3A_2543 = arith.addi %add3A_2542, %scan3A_2499 : i32
      %get3A_2544 = arith.index_cast %add3A_2543 : i32 to index
      %get3A_2545 = arith.constant 48 : index
      %get3A_2546 = tpu.vector_load %arg13[%get3A_2544, %get3A_2545] {strides = array<i32>} : memref<512x64xf32, #tpu.memory_space<vmem>>, vector<1x16xf32>,
      %get3A_2547 = vector.shape_cast %get3A_2546 : vector<1x16xf32> to vector<16xf32>
      %get3A_2548 = arith.constant 0 : i32
      %get3A_2549 = arith.index_cast %get3A_2548 : i32 to index
      %get3A_2550 = arith.index_cast %scan3A_2499 : i32 to index
      %get3A_2551 = arith.constant 48 : index
      %get3A_2552 = tpu.vector_load %arg14[%get3A_2549, %get3A_2550, %get3A_2551] {strides = array<i32>} : memref<2x128x64xf32, #tpu.memory_space<vmem>>, vector<1x1x16xf32>,
      %get3A_2553 = vector.shape_cast %get3A_2552 : vector<1x1x16xf32> to vector<16xf32>
      %mul3A_2554 = arith.mulf %get3A_2547, %get3A_2553 : vector<16xf32>
      %add3A_2555 = arith.addf %add3A_2497, %mul3A_2554 : vector<16xf32>
      %scan3A_2556 = arith.constant 3 : i32
      %scan3A_2557 = arith.addi %scan3A_2379, %scan3A_2556 : i32
      %add3A_2558 = arith.constant 256 : i32
      %add3A_2559 = arith.addi %add3A_2558, %scan3A_2557 : i32
      %get3A_2560 = arith.index_cast %add3A_2559 : i32 to index
      %get3A_2561 = arith.constant 0 : index
      %get3A_2562 = tpu.vector_load %arg13[%get3A_2560, %get3A_2561] {strides = array<i32>} : memref<512x64xf32, #tpu.memory_space<vmem>>, vector<1x16xf32>,
      %get3A_2563 = vector.shape_cast %get3A_2562 : vector<1x16xf32> to vector<16xf32>
      %get3A_2564 = arith.constant 0 : i32
      %get3A_2565 = arith.index_cast %get3A_2564 : i32 to index
      %get3A_2566 = arith.index_cast %scan3A_2557 : i32 to index
      %get3A_2567 = arith.constant 0 : index
      %get3A_2568 = tpu.vector_load %arg14[%get3A_2565, %get3A_2566, %get3A_2567] {strides = array<i32>} : memref<2x128x64xf32, #tpu.memory_space<vmem>>, vector<1x1x16xf32>,
      %get3A_2569 = vector.shape_cast %get3A_2568 : vector<1x1x16xf32> to vector<16xf32>
      %mul3A_2570 = arith.mulf %get3A_2563, %get3A_2569 : vector<16xf32>
      %add3A_2571 = arith.addf %add3A_2513, %mul3A_2570 : vector<16xf32>
      %add3A_2572 = arith.constant 256 : i32
      %add3A_2573 = arith.addi %add3A_2572, %scan3A_2557 : i32
      %get3A_2574 = arith.index_cast %add3A_2573 : i32 to index
      %get3A_2575 = arith.constant 16 : index
      %get3A_2576 = tpu.vector_load %arg13[%get3A_2574, %get3A_2575] {strides = array<i32>} : memref<512x64xf32, #tpu.memory_space<vmem>>, vector<1x16xf32>,
      %get3A_2577 = vector.shape_cast %get3A_2576 : vector<1x16xf32> to vector<16xf32>
      %get3A_2578 = arith.constant 0 : i32
      %get3A_2579 = arith.index_cast %get3A_2578 : i32 to index
      %get3A_2580 = arith.index_cast %scan3A_2557 : i32 to index
      %get3A_2581 = arith.constant 16 : index
      %get3A_2582 = tpu.vector_load %arg14[%get3A_2579, %get3A_2580, %get3A_2581] {strides = array<i32>} : memref<2x128x64xf32, #tpu.memory_space<vmem>>, vector<1x1x16xf32>,
      %get3A_2583 = vector.shape_cast %get3A_2582 : vector<1x1x16xf32> to vector<16xf32>
      %mul3A_2584 = arith.mulf %get3A_2577, %get3A_2583 : vector<16xf32>
      %add3A_2585 = arith.addf %add3A_2527, %mul3A_2584 : vector<16xf32>
      %add3A_2586 = arith.constant 256 : i32
      %add3A_2587 = arith.addi %add3A_2586, %scan3A_2557 : i32
      %get3A_2588 = arith.index_cast %add3A_2587 : i32 to index
      %get3A_2589 = arith.constant 32 : index
      %get3A_2590 = tpu.vector_load %arg13[%get3A_2588, %get3A_2589] {strides = array<i32>} : memref<512x64xf32, #tpu.memory_space<vmem>>, vector<1x16xf32>,
      %get3A_2591 = vector.shape_cast %get3A_2590 : vector<1x16xf32> to vector<16xf32>
      %get3A_2592 = arith.constant 0 : i32
      %get3A_2593 = arith.index_cast %get3A_2592 : i32 to index
      %get3A_2594 = arith.index_cast %scan3A_2557 : i32 to index
      %get3A_2595 = arith.constant 32 : index
      %get3A_2596 = tpu.vector_load %arg14[%get3A_2593, %get3A_2594, %get3A_2595] {strides = array<i32>} : memref<2x128x64xf32, #tpu.memory_space<vmem>>, vector<1x1x16xf32>,
      %get3A_2597 = vector.shape_cast %get3A_2596 : vector<1x1x16xf32> to vector<16xf32>
      %mul3A_2598 = arith.mulf %get3A_2591, %get3A_2597 : vector<16xf32>
      %add3A_2599 = arith.addf %add3A_2541, %mul3A_2598 : vector<16xf32>
      %add3A_2600 = arith.constant 256 : i32
      %add3A_2601 = arith.addi %add3A_2600, %scan3A_2557 : i32
      %get3A_2602 = arith.index_cast %add3A_2601 : i32 to index
      %get3A_2603 = arith.constant 48 : index
      %get3A_2604 = tpu.vector_load %arg13[%get3A_2602, %get3A_2603] {strides = array<i32>} : memref<512x64xf32, #tpu.memory_space<vmem>>, vector<1x16xf32>,
      %get3A_2605 = vector.shape_cast %get3A_2604 : vector<1x16xf32> to vector<16xf32>
      %get3A_2606 = arith.constant 0 : i32
      %get3A_2607 = arith.index_cast %get3A_2606 : i32 to index
      %get3A_2608 = arith.index_cast %scan3A_2557 : i32 to index
      %get3A_2609 = arith.constant 48 : index
      %get3A_2610 = tpu.vector_load %arg14[%get3A_2607, %get3A_2608, %get3A_2609] {strides = array<i32>} : memref<2x128x64xf32, #tpu.memory_space<vmem>>, vector<1x1x16xf32>,
      %get3A_2611 = vector.shape_cast %get3A_2610 : vector<1x1x16xf32> to vector<16xf32>
      %mul3A_2612 = arith.mulf %get3A_2605, %get3A_2611 : vector<16xf32>
      %add3A_2613 = arith.addf %add3A_2555, %mul3A_2612 : vector<16xf32>
      scf.yield %add3A_2571, %add3A_2585, %add3A_2599, %add3A_2613 : vector<16xf32>, vector<16xf32>, vector<16xf32>, vector<16xf32>
    }
    %scan3A_1719 = arith.constant 128 : i32
    %dma_wait3A_1720 = arith.constant 3 : i32
    %dma_wait3A_1721 = arith.constant 384 : i32
    %dma_wait3A_1722 = arith.constant 0 : i32
    %dma_wait3A_1723 = tpu.memref_slice %arg13[%dma_wait3A_1721, %dma_wait3A_1722] : memref<512x64xf32, #tpu.memory_space<vmem>> -> memref<128x64xf32, #tpu.memory_space<vmem>>
    %dma_wait3A_1724 = arith.constant 0 : i32
    %dma_wait3A_1725 = tpu.memref_slice %arg11[%dma_wait3A_1720, %dma_wait3A_1724] : memref<4x128xi32, #tpu.memory_space<vmem>> -> memref<1x128xi32, #tpu.memory_space<vmem>>
    %dma_wait3A_1726 = tpu.memref_squeeze %dma_wait3A_1725 : memref<1x128xi32, #tpu.memory_space<vmem>> -> memref<128xi32, #tpu.memory_space<vmem>>
    %dma_wait3A_1727 = arith.constant 0 : i32
    %dma_wait3A_1728 = arith.constant 0 : i32
    %dma_wait3A_1729 = tpu.memref_slice %arg3[%dma_wait3A_1727, %dma_wait3A_1728] : memref<100096x64xf32, #tpu.memory_space<hbm>> -> memref<100096x64xf32, #tpu.memory_space<hbm>>
    tpu.wait_indirect_dma semaphore(%arg18 : memref<!tpu.dma_semaphore, #tpu.memory_space<semaphore_mem>>) src(%dma_wait3A_1729 : memref<100096x64xf32, #tpu.memory_space<hbm>>) dst(%dma_wait3A_1723 : memref<128x64xf32, #tpu.memory_space<vmem>>)
    %dma_wait3A_1730 = arith.constant 3 : i32
    %dma_wait3A_1731 = arith.constant 1 : i32
    %dma_wait3A_1732 = arith.constant 0 : i32
    %dma_wait3A_1733 = arith.constant 0 : i32
    %dma_wait3A_1734 = tpu.memref_slice %arg14[%dma_wait3A_1731, %dma_wait3A_1732, %dma_wait3A_1733] : memref<2x128x64xf32, #tpu.memory_space<vmem>> -> memref<1x128x64xf32, #tpu.memory_space<vmem>>
    %dma_wait3A_1735 = tpu.memref_squeeze %dma_wait3A_1734 : memref<1x128x64xf32, #tpu.memory_space<vmem>> -> memref<128x64xf32, #tpu.memory_space<vmem>>
    %dma_wait3A_1736 = arith.constant 0 : i32
    %dma_wait3A_1737 = tpu.memref_slice %arg12[%dma_wait3A_1730, %dma_wait3A_1736] : memref<4x128xi32, #tpu.memory_space<vmem>> -> memref<1x128xi32, #tpu.memory_space<vmem>>
    %dma_wait3A_1738 = tpu.memref_squeeze %dma_wait3A_1737 : memref<1x128xi32, #tpu.memory_space<vmem>> -> memref<128xi32, #tpu.memory_space<vmem>>
    %dma_wait3A_1739 = arith.constant 0 : i32
    %dma_wait3A_1740 = arith.constant 0 : i32
    %dma_wait3A_1741 = tpu.memref_slice %arg4[%dma_wait3A_1739, %dma_wait3A_1740] : memref<100096x64xf32, #tpu.memory_space<hbm>> -> memref<100096x64xf32, #tpu.memory_space<hbm>>
    tpu.wait_indirect_dma semaphore(%arg19 : memref<!tpu.dma_semaphore, #tpu.memory_space<semaphore_mem>>) src(%dma_wait3A_1741 : memref<100096x64xf32, #tpu.memory_space<hbm>>) dst(%dma_wait3A_1735 : memref<128x64xf32, #tpu.memory_space<vmem>>)
    %scan3A_1742 = arith.constant 0 : i32
    %scan3A_1743 = arith.constant 128 : i32
    %scan3A_1744 = arith.addi %scan3A_1742, %scan3A_1743 : i32
    %scan3A_1745 = arith.constant 4 : i32
    %scan3A_1746:4 = scf.for %scan3A_2379 = %scan3A_1742 to %scan3A_1744 step %scan3A_1745 iter_args(%scan3A_2380 = %scan3A_1718#0, %scan3A_2381 = %scan3A_1718#1, %scan3A_2382 = %scan3A_1718#2, %scan3A_2383 = %scan3A_1718#3) -> (vector<16xf32>, vector<16xf32>, vector<16xf32>, vector<16xf32>)  : i32 {
      %add3A_2384 = arith.constant 384 : i32
      %add3A_2385 = arith.addi %add3A_2384, %scan3A_2379 : i32
      %get3A_2386 = arith.index_cast %add3A_2385 : i32 to index
      %get3A_2387 = arith.constant 0 : index
      %get3A_2388 = tpu.vector_load %arg13[%get3A_2386, %get3A_2387] {strides = array<i32>} : memref<512x64xf32, #tpu.memory_space<vmem>>, vector<1x16xf32>,
      %get3A_2389 = vector.shape_cast %get3A_2388 : vector<1x16xf32> to vector<16xf32>
      %get3A_2390 = arith.constant 1 : i32
      %get3A_2391 = arith.index_cast %get3A_2390 : i32 to index
      %get3A_2392 = arith.index_cast %scan3A_2379 : i32 to index
      %get3A_2393 = arith.constant 0 : index
      %get3A_2394 = tpu.vector_load %arg14[%get3A_2391, %get3A_2392, %get3A_2393] {strides = array<i32>} : memref<2x128x64xf32, #tpu.memory_space<vmem>>, vector<1x1x16xf32>,
      %get3A_2395 = vector.shape_cast %get3A_2394 : vector<1x1x16xf32> to vector<16xf32>
      %mul3A_2396 = arith.mulf %get3A_2389, %get3A_2395 : vector<16xf32>
      %add3A_2397 = arith.addf %scan3A_2380, %mul3A_2396 : vector<16xf32>
      %add3A_2398 = arith.constant 384 : i32
      %add3A_2399 = arith.addi %add3A_2398, %scan3A_2379 : i32
      %get3A_2400 = arith.index_cast %add3A_2399 : i32 to index
      %get3A_2401 = arith.constant 16 : index
      %get3A_2402 = tpu.vector_load %arg13[%get3A_2400, %get3A_2401] {strides = array<i32>} : memref<512x64xf32, #tpu.memory_space<vmem>>, vector<1x16xf32>,
      %get3A_2403 = vector.shape_cast %get3A_2402 : vector<1x16xf32> to vector<16xf32>
      %get3A_2404 = arith.constant 1 : i32
      %get3A_2405 = arith.index_cast %get3A_2404 : i32 to index
      %get3A_2406 = arith.index_cast %scan3A_2379 : i32 to index
      %get3A_2407 = arith.constant 16 : index
      %get3A_2408 = tpu.vector_load %arg14[%get3A_2405, %get3A_2406, %get3A_2407] {strides = array<i32>} : memref<2x128x64xf32, #tpu.memory_space<vmem>>, vector<1x1x16xf32>,
      %get3A_2409 = vector.shape_cast %get3A_2408 : vector<1x1x16xf32> to vector<16xf32>
      %mul3A_2410 = arith.mulf %get3A_2403, %get3A_2409 : vector<16xf32>
      %add3A_2411 = arith.addf %scan3A_2381, %mul3A_2410 : vector<16xf32>
      %add3A_2412 = arith.constant 384 : i32
      %add3A_2413 = arith.addi %add3A_2412, %scan3A_2379 : i32
      %get3A_2414 = arith.index_cast %add3A_2413 : i32 to index
      %get3A_2415 = arith.constant 32 : index
      %get3A_2416 = tpu.vector_load %arg13[%get3A_2414, %get3A_2415] {strides = array<i32>} : memref<512x64xf32, #tpu.memory_space<vmem>>, vector<1x16xf32>,
      %get3A_2417 = vector.shape_cast %get3A_2416 : vector<1x16xf32> to vector<16xf32>
      %get3A_2418 = arith.constant 1 : i32
      %get3A_2419 = arith.index_cast %get3A_2418 : i32 to index
      %get3A_2420 = arith.index_cast %scan3A_2379 : i32 to index
      %get3A_2421 = arith.constant 32 : index
      %get3A_2422 = tpu.vector_load %arg14[%get3A_2419, %get3A_2420, %get3A_2421] {strides = array<i32>} : memref<2x128x64xf32, #tpu.memory_space<vmem>>, vector<1x1x16xf32>,
      %get3A_2423 = vector.shape_cast %get3A_2422 : vector<1x1x16xf32> to vector<16xf32>
      %mul3A_2424 = arith.mulf %get3A_2417, %get3A_2423 : vector<16xf32>
      %add3A_2425 = arith.addf %scan3A_2382, %mul3A_2424 : vector<16xf32>
      %add3A_2426 = arith.constant 384 : i32
      %add3A_2427 = arith.addi %add3A_2426, %scan3A_2379 : i32
      %get3A_2428 = arith.index_cast %add3A_2427 : i32 to index
      %get3A_2429 = arith.constant 48 : index
      %get3A_2430 = tpu.vector_load %arg13[%get3A_2428, %get3A_2429] {strides = array<i32>} : memref<512x64xf32, #tpu.memory_space<vmem>>, vector<1x16xf32>,
      %get3A_2431 = vector.shape_cast %get3A_2430 : vector<1x16xf32> to vector<16xf32>
      %get3A_2432 = arith.constant 1 : i32
      %get3A_2433 = arith.index_cast %get3A_2432 : i32 to index
      %get3A_2434 = arith.index_cast %scan3A_2379 : i32 to index
      %get3A_2435 = arith.constant 48 : index
      %get3A_2436 = tpu.vector_load %arg14[%get3A_2433, %get3A_2434, %get3A_2435] {strides = array<i32>} : memref<2x128x64xf32, #tpu.memory_space<vmem>>, vector<1x1x16xf32>,
      %get3A_2437 = vector.shape_cast %get3A_2436 : vector<1x1x16xf32> to vector<16xf32>
      %mul3A_2438 = arith.mulf %get3A_2431, %get3A_2437 : vector<16xf32>
      %add3A_2439 = arith.addf %scan3A_2383, %mul3A_2438 : vector<16xf32>
      %scan3A_2440 = arith.constant 1 : i32
      %scan3A_2441 = arith.addi %scan3A_2379, %scan3A_2440 : i32
      %add3A_2442 = arith.constant 384 : i32
      %add3A_2443 = arith.addi %add3A_2442, %scan3A_2441 : i32
      %get3A_2444 = arith.index_cast %add3A_2443 : i32 to index
      %get3A_2445 = arith.constant 0 : index
      %get3A_2446 = tpu.vector_load %arg13[%get3A_2444, %get3A_2445] {strides = array<i32>} : memref<512x64xf32, #tpu.memory_space<vmem>>, vector<1x16xf32>,
      %get3A_2447 = vector.shape_cast %get3A_2446 : vector<1x16xf32> to vector<16xf32>
      %get3A_2448 = arith.constant 1 : i32
      %get3A_2449 = arith.index_cast %get3A_2448 : i32 to index
      %get3A_2450 = arith.index_cast %scan3A_2441 : i32 to index
      %get3A_2451 = arith.constant 0 : index
      %get3A_2452 = tpu.vector_load %arg14[%get3A_2449, %get3A_2450, %get3A_2451] {strides = array<i32>} : memref<2x128x64xf32, #tpu.memory_space<vmem>>, vector<1x1x16xf32>,
      %get3A_2453 = vector.shape_cast %get3A_2452 : vector<1x1x16xf32> to vector<16xf32>
      %mul3A_2454 = arith.mulf %get3A_2447, %get3A_2453 : vector<16xf32>
      %add3A_2455 = arith.addf %add3A_2397, %mul3A_2454 : vector<16xf32>
      %add3A_2456 = arith.constant 384 : i32
      %add3A_2457 = arith.addi %add3A_2456, %scan3A_2441 : i32
      %get3A_2458 = arith.index_cast %add3A_2457 : i32 to index
      %get3A_2459 = arith.constant 16 : index
      %get3A_2460 = tpu.vector_load %arg13[%get3A_2458, %get3A_2459] {strides = array<i32>} : memref<512x64xf32, #tpu.memory_space<vmem>>, vector<1x16xf32>,
      %get3A_2461 = vector.shape_cast %get3A_2460 : vector<1x16xf32> to vector<16xf32>
      %get3A_2462 = arith.constant 1 : i32
      %get3A_2463 = arith.index_cast %get3A_2462 : i32 to index
      %get3A_2464 = arith.index_cast %scan3A_2441 : i32 to index
      %get3A_2465 = arith.constant 16 : index
      %get3A_2466 = tpu.vector_load %arg14[%get3A_2463, %get3A_2464, %get3A_2465] {strides = array<i32>} : memref<2x128x64xf32, #tpu.memory_space<vmem>>, vector<1x1x16xf32>,
      %get3A_2467 = vector.shape_cast %get3A_2466 : vector<1x1x16xf32> to vector<16xf32>
      %mul3A_2468 = arith.mulf %get3A_2461, %get3A_2467 : vector<16xf32>
      %add3A_2469 = arith.addf %add3A_2411, %mul3A_2468 : vector<16xf32>
      %add3A_2470 = arith.constant 384 : i32
      %add3A_2471 = arith.addi %add3A_2470, %scan3A_2441 : i32
      %get3A_2472 = arith.index_cast %add3A_2471 : i32 to index
      %get3A_2473 = arith.constant 32 : index
      %get3A_2474 = tpu.vector_load %arg13[%get3A_2472, %get3A_2473] {strides = array<i32>} : memref<512x64xf32, #tpu.memory_space<vmem>>, vector<1x16xf32>,
      %get3A_2475 = vector.shape_cast %get3A_2474 : vector<1x16xf32> to vector<16xf32>
      %get3A_2476 = arith.constant 1 : i32
      %get3A_2477 = arith.index_cast %get3A_2476 : i32 to index
      %get3A_2478 = arith.index_cast %scan3A_2441 : i32 to index
      %get3A_2479 = arith.constant 32 : index
      %get3A_2480 = tpu.vector_load %arg14[%get3A_2477, %get3A_2478, %get3A_2479] {strides = array<i32>} : memref<2x128x64xf32, #tpu.memory_space<vmem>>, vector<1x1x16xf32>,
      %get3A_2481 = vector.shape_cast %get3A_2480 : vector<1x1x16xf32> to vector<16xf32>
      %mul3A_2482 = arith.mulf %get3A_2475, %get3A_2481 : vector<16xf32>
      %add3A_2483 = arith.addf %add3A_2425, %mul3A_2482 : vector<16xf32>
      %add3A_2484 = arith.constant 384 : i32
      %add3A_2485 = arith.addi %add3A_2484, %scan3A_2441 : i32
      %get3A_2486 = arith.index_cast %add3A_2485 : i32 to index
      %get3A_2487 = arith.constant 48 : index
      %get3A_2488 = tpu.vector_load %arg13[%get3A_2486, %get3A_2487] {strides = array<i32>} : memref<512x64xf32, #tpu.memory_space<vmem>>, vector<1x16xf32>,
      %get3A_2489 = vector.shape_cast %get3A_2488 : vector<1x16xf32> to vector<16xf32>
      %get3A_2490 = arith.constant 1 : i32
      %get3A_2491 = arith.index_cast %get3A_2490 : i32 to index
      %get3A_2492 = arith.index_cast %scan3A_2441 : i32 to index
      %get3A_2493 = arith.constant 48 : index
      %get3A_2494 = tpu.vector_load %arg14[%get3A_2491, %get3A_2492, %get3A_2493] {strides = array<i32>} : memref<2x128x64xf32, #tpu.memory_space<vmem>>, vector<1x1x16xf32>,
      %get3A_2495 = vector.shape_cast %get3A_2494 : vector<1x1x16xf32> to vector<16xf32>
      %mul3A_2496 = arith.mulf %get3A_2489, %get3A_2495 : vector<16xf32>
      %add3A_2497 = arith.addf %add3A_2439, %mul3A_2496 : vector<16xf32>
      %scan3A_2498 = arith.constant 2 : i32
      %scan3A_2499 = arith.addi %scan3A_2379, %scan3A_2498 : i32
      %add3A_2500 = arith.constant 384 : i32
      %add3A_2501 = arith.addi %add3A_2500, %scan3A_2499 : i32
      %get3A_2502 = arith.index_cast %add3A_2501 : i32 to index
      %get3A_2503 = arith.constant 0 : index
      %get3A_2504 = tpu.vector_load %arg13[%get3A_2502, %get3A_2503] {strides = array<i32>} : memref<512x64xf32, #tpu.memory_space<vmem>>, vector<1x16xf32>,
      %get3A_2505 = vector.shape_cast %get3A_2504 : vector<1x16xf32> to vector<16xf32>
      %get3A_2506 = arith.constant 1 : i32
      %get3A_2507 = arith.index_cast %get3A_2506 : i32 to index
      %get3A_2508 = arith.index_cast %scan3A_2499 : i32 to index
      %get3A_2509 = arith.constant 0 : index
      %get3A_2510 = tpu.vector_load %arg14[%get3A_2507, %get3A_2508, %get3A_2509] {strides = array<i32>} : memref<2x128x64xf32, #tpu.memory_space<vmem>>, vector<1x1x16xf32>,
      %get3A_2511 = vector.shape_cast %get3A_2510 : vector<1x1x16xf32> to vector<16xf32>
      %mul3A_2512 = arith.mulf %get3A_2505, %get3A_2511 : vector<16xf32>
      %add3A_2513 = arith.addf %add3A_2455, %mul3A_2512 : vector<16xf32>
      %add3A_2514 = arith.constant 384 : i32
      %add3A_2515 = arith.addi %add3A_2514, %scan3A_2499 : i32
      %get3A_2516 = arith.index_cast %add3A_2515 : i32 to index
      %get3A_2517 = arith.constant 16 : index
      %get3A_2518 = tpu.vector_load %arg13[%get3A_2516, %get3A_2517] {strides = array<i32>} : memref<512x64xf32, #tpu.memory_space<vmem>>, vector<1x16xf32>,
      %get3A_2519 = vector.shape_cast %get3A_2518 : vector<1x16xf32> to vector<16xf32>
      %get3A_2520 = arith.constant 1 : i32
      %get3A_2521 = arith.index_cast %get3A_2520 : i32 to index
      %get3A_2522 = arith.index_cast %scan3A_2499 : i32 to index
      %get3A_2523 = arith.constant 16 : index
      %get3A_2524 = tpu.vector_load %arg14[%get3A_2521, %get3A_2522, %get3A_2523] {strides = array<i32>} : memref<2x128x64xf32, #tpu.memory_space<vmem>>, vector<1x1x16xf32>,
      %get3A_2525 = vector.shape_cast %get3A_2524 : vector<1x1x16xf32> to vector<16xf32>
      %mul3A_2526 = arith.mulf %get3A_2519, %get3A_2525 : vector<16xf32>
      %add3A_2527 = arith.addf %add3A_2469, %mul3A_2526 : vector<16xf32>
      %add3A_2528 = arith.constant 384 : i32
      %add3A_2529 = arith.addi %add3A_2528, %scan3A_2499 : i32
      %get3A_2530 = arith.index_cast %add3A_2529 : i32 to index
      %get3A_2531 = arith.constant 32 : index
      %get3A_2532 = tpu.vector_load %arg13[%get3A_2530, %get3A_2531] {strides = array<i32>} : memref<512x64xf32, #tpu.memory_space<vmem>>, vector<1x16xf32>,
      %get3A_2533 = vector.shape_cast %get3A_2532 : vector<1x16xf32> to vector<16xf32>
      %get3A_2534 = arith.constant 1 : i32
      %get3A_2535 = arith.index_cast %get3A_2534 : i32 to index
      %get3A_2536 = arith.index_cast %scan3A_2499 : i32 to index
      %get3A_2537 = arith.constant 32 : index
      %get3A_2538 = tpu.vector_load %arg14[%get3A_2535, %get3A_2536, %get3A_2537] {strides = array<i32>} : memref<2x128x64xf32, #tpu.memory_space<vmem>>, vector<1x1x16xf32>,
      %get3A_2539 = vector.shape_cast %get3A_2538 : vector<1x1x16xf32> to vector<16xf32>
      %mul3A_2540 = arith.mulf %get3A_2533, %get3A_2539 : vector<16xf32>
      %add3A_2541 = arith.addf %add3A_2483, %mul3A_2540 : vector<16xf32>
      %add3A_2542 = arith.constant 384 : i32
      %add3A_2543 = arith.addi %add3A_2542, %scan3A_2499 : i32
      %get3A_2544 = arith.index_cast %add3A_2543 : i32 to index
      %get3A_2545 = arith.constant 48 : index
      %get3A_2546 = tpu.vector_load %arg13[%get3A_2544, %get3A_2545] {strides = array<i32>} : memref<512x64xf32, #tpu.memory_space<vmem>>, vector<1x16xf32>,
      %get3A_2547 = vector.shape_cast %get3A_2546 : vector<1x16xf32> to vector<16xf32>
      %get3A_2548 = arith.constant 1 : i32
      %get3A_2549 = arith.index_cast %get3A_2548 : i32 to index
      %get3A_2550 = arith.index_cast %scan3A_2499 : i32 to index
      %get3A_2551 = arith.constant 48 : index
      %get3A_2552 = tpu.vector_load %arg14[%get3A_2549, %get3A_2550, %get3A_2551] {strides = array<i32>} : memref<2x128x64xf32, #tpu.memory_space<vmem>>, vector<1x1x16xf32>,
      %get3A_2553 = vector.shape_cast %get3A_2552 : vector<1x1x16xf32> to vector<16xf32>
      %mul3A_2554 = arith.mulf %get3A_2547, %get3A_2553 : vector<16xf32>
      %add3A_2555 = arith.addf %add3A_2497, %mul3A_2554 : vector<16xf32>
      %scan3A_2556 = arith.constant 3 : i32
      %scan3A_2557 = arith.addi %scan3A_2379, %scan3A_2556 : i32
      %add3A_2558 = arith.constant 384 : i32
      %add3A_2559 = arith.addi %add3A_2558, %scan3A_2557 : i32
      %get3A_2560 = arith.index_cast %add3A_2559 : i32 to index
      %get3A_2561 = arith.constant 0 : index
      %get3A_2562 = tpu.vector_load %arg13[%get3A_2560, %get3A_2561] {strides = array<i32>} : memref<512x64xf32, #tpu.memory_space<vmem>>, vector<1x16xf32>,
      %get3A_2563 = vector.shape_cast %get3A_2562 : vector<1x16xf32> to vector<16xf32>
      %get3A_2564 = arith.constant 1 : i32
      %get3A_2565 = arith.index_cast %get3A_2564 : i32 to index
      %get3A_2566 = arith.index_cast %scan3A_2557 : i32 to index
      %get3A_2567 = arith.constant 0 : index
      %get3A_2568 = tpu.vector_load %arg14[%get3A_2565, %get3A_2566, %get3A_2567] {strides = array<i32>} : memref<2x128x64xf32, #tpu.memory_space<vmem>>, vector<1x1x16xf32>,
      %get3A_2569 = vector.shape_cast %get3A_2568 : vector<1x1x16xf32> to vector<16xf32>
      %mul3A_2570 = arith.mulf %get3A_2563, %get3A_2569 : vector<16xf32>
      %add3A_2571 = arith.addf %add3A_2513, %mul3A_2570 : vector<16xf32>
      %add3A_2572 = arith.constant 384 : i32
      %add3A_2573 = arith.addi %add3A_2572, %scan3A_2557 : i32
      %get3A_2574 = arith.index_cast %add3A_2573 : i32 to index
      %get3A_2575 = arith.constant 16 : index
      %get3A_2576 = tpu.vector_load %arg13[%get3A_2574, %get3A_2575] {strides = array<i32>} : memref<512x64xf32, #tpu.memory_space<vmem>>, vector<1x16xf32>,
      %get3A_2577 = vector.shape_cast %get3A_2576 : vector<1x16xf32> to vector<16xf32>
      %get3A_2578 = arith.constant 1 : i32
      %get3A_2579 = arith.index_cast %get3A_2578 : i32 to index
      %get3A_2580 = arith.index_cast %scan3A_2557 : i32 to index
      %get3A_2581 = arith.constant 16 : index
      %get3A_2582 = tpu.vector_load %arg14[%get3A_2579, %get3A_2580, %get3A_2581] {strides = array<i32>} : memref<2x128x64xf32, #tpu.memory_space<vmem>>, vector<1x1x16xf32>,
      %get3A_2583 = vector.shape_cast %get3A_2582 : vector<1x1x16xf32> to vector<16xf32>
      %mul3A_2584 = arith.mulf %get3A_2577, %get3A_2583 : vector<16xf32>
      %add3A_2585 = arith.addf %add3A_2527, %mul3A_2584 : vector<16xf32>
      %add3A_2586 = arith.constant 384 : i32
      %add3A_2587 = arith.addi %add3A_2586, %scan3A_2557 : i32
      %get3A_2588 = arith.index_cast %add3A_2587 : i32 to index
      %get3A_2589 = arith.constant 32 : index
      %get3A_2590 = tpu.vector_load %arg13[%get3A_2588, %get3A_2589] {strides = array<i32>} : memref<512x64xf32, #tpu.memory_space<vmem>>, vector<1x16xf32>,
      %get3A_2591 = vector.shape_cast %get3A_2590 : vector<1x16xf32> to vector<16xf32>
      %get3A_2592 = arith.constant 1 : i32
      %get3A_2593 = arith.index_cast %get3A_2592 : i32 to index
      %get3A_2594 = arith.index_cast %scan3A_2557 : i32 to index
      %get3A_2595 = arith.constant 32 : index
      %get3A_2596 = tpu.vector_load %arg14[%get3A_2593, %get3A_2594, %get3A_2595] {strides = array<i32>} : memref<2x128x64xf32, #tpu.memory_space<vmem>>, vector<1x1x16xf32>,
      %get3A_2597 = vector.shape_cast %get3A_2596 : vector<1x1x16xf32> to vector<16xf32>
      %mul3A_2598 = arith.mulf %get3A_2591, %get3A_2597 : vector<16xf32>
      %add3A_2599 = arith.addf %add3A_2541, %mul3A_2598 : vector<16xf32>
      %add3A_2600 = arith.constant 384 : i32
      %add3A_2601 = arith.addi %add3A_2600, %scan3A_2557 : i32
      %get3A_2602 = arith.index_cast %add3A_2601 : i32 to index
      %get3A_2603 = arith.constant 48 : index
      %get3A_2604 = tpu.vector_load %arg13[%get3A_2602, %get3A_2603] {strides = array<i32>} : memref<512x64xf32, #tpu.memory_space<vmem>>, vector<1x16xf32>,
      %get3A_2605 = vector.shape_cast %get3A_2604 : vector<1x16xf32> to vector<16xf32>
      %get3A_2606 = arith.constant 1 : i32
      %get3A_2607 = arith.index_cast %get3A_2606 : i32 to index
      %get3A_2608 = arith.index_cast %scan3A_2557 : i32 to index
      %get3A_2609 = arith.constant 48 : index
      %get3A_2610 = tpu.vector_load %arg14[%get3A_2607, %get3A_2608, %get3A_2609] {strides = array<i32>} : memref<2x128x64xf32, #tpu.memory_space<vmem>>, vector<1x1x16xf32>,
      %get3A_2611 = vector.shape_cast %get3A_2610 : vector<1x1x16xf32> to vector<16xf32>
      %mul3A_2612 = arith.mulf %get3A_2605, %get3A_2611 : vector<16xf32>
      %add3A_2613 = arith.addf %add3A_2555, %mul3A_2612 : vector<16xf32>
      scf.yield %add3A_2571, %add3A_2585, %add3A_2599, %add3A_2613 : vector<16xf32>, vector<16xf32>, vector<16xf32>, vector<16xf32>
    }
    %scan3A_1747 = arith.constant 128 : i32
    %dma_wait3A_1748 = arith.constant 0 : i32
    %dma_wait3A_1749 = arith.constant 0 : i32
    %dma_wait3A_1750 = arith.constant 0 : i32
    %dma_wait3A_1751 = tpu.memref_slice %arg15[%dma_wait3A_1749, %dma_wait3A_1750] : memref<4x128xf32, #tpu.memory_space<vmem>> -> memref<1x128xf32, #tpu.memory_space<vmem>>
    %dma_wait3A_1752 = tpu.memref_squeeze %dma_wait3A_1751 : memref<1x128xf32, #tpu.memory_space<vmem>> -> memref<128xf32, #tpu.memory_space<vmem>>
    %dma_wait3A_1753 = arith.constant 0 : i32
    %dma_wait3A_1754 = tpu.memref_slice %arg9[%dma_wait3A_1748, %dma_wait3A_1753] : memref<4x128xi32, #tpu.memory_space<vmem>> -> memref<1x128xi32, #tpu.memory_space<vmem>>
    %dma_wait3A_1755 = tpu.memref_squeeze %dma_wait3A_1754 : memref<1x128xi32, #tpu.memory_space<vmem>> -> memref<128xi32, #tpu.memory_space<vmem>>
    %dma_wait3A_1756 = arith.constant 0 : i32
    %dma_wait3A_1757 = tpu.memref_slice %arg5[%dma_wait3A_1756] : memref<100000xf32, #tpu.memory_space<hbm>> -> memref<100000xf32, #tpu.memory_space<hbm>>
    tpu.wait_indirect_dma semaphore(%arg20 : memref<!tpu.dma_semaphore, #tpu.memory_space<semaphore_mem>>) src(%dma_wait3A_1757 : memref<100000xf32, #tpu.memory_space<hbm>>) dst(%dma_wait3A_1752 : memref<128xf32, #tpu.memory_space<vmem>>)
    %dma_wait3A_1758 = arith.constant 0 : i32
    %dma_wait3A_1759 = arith.constant 0 : i32
    %dma_wait3A_1760 = arith.constant 0 : i32
    %dma_wait3A_1761 = tpu.memref_slice %arg16[%dma_wait3A_1759, %dma_wait3A_1760] : memref<4x128xf32, #tpu.memory_space<vmem>> -> memref<1x128xf32, #tpu.memory_space<vmem>>
    %dma_wait3A_1762 = tpu.memref_squeeze %dma_wait3A_1761 : memref<1x128xf32, #tpu.memory_space<vmem>> -> memref<128xf32, #tpu.memory_space<vmem>>
    %dma_wait3A_1763 = arith.constant 0 : i32
    %dma_wait3A_1764 = tpu.memref_slice %arg10[%dma_wait3A_1758, %dma_wait3A_1763] : memref<4x128xi32, #tpu.memory_space<vmem>> -> memref<1x128xi32, #tpu.memory_space<vmem>>
    %dma_wait3A_1765 = tpu.memref_squeeze %dma_wait3A_1764 : memref<1x128xi32, #tpu.memory_space<vmem>> -> memref<128xi32, #tpu.memory_space<vmem>>
    %dma_wait3A_1766 = arith.constant 0 : i32
    %dma_wait3A_1767 = tpu.memref_slice %arg6[%dma_wait3A_1766] : memref<100000xf32, #tpu.memory_space<hbm>> -> memref<100000xf32, #tpu.memory_space<hbm>>
    tpu.wait_indirect_dma semaphore(%arg20 : memref<!tpu.dma_semaphore, #tpu.memory_space<semaphore_mem>>) src(%dma_wait3A_1767 : memref<100000xf32, #tpu.memory_space<hbm>>) dst(%dma_wait3A_1762 : memref<128xf32, #tpu.memory_space<vmem>>)
    %dma_wait3A_1768 = arith.constant 1 : i32
    %dma_wait3A_1769 = arith.constant 1 : i32
    %dma_wait3A_1770 = arith.constant 0 : i32
    %dma_wait3A_1771 = tpu.memref_slice %arg15[%dma_wait3A_1769, %dma_wait3A_1770] : memref<4x128xf32, #tpu.memory_space<vmem>> -> memref<1x128xf32, #tpu.memory_space<vmem>>
    %dma_wait3A_1772 = tpu.memref_squeeze %dma_wait3A_1771 : memref<1x128xf32, #tpu.memory_space<vmem>> -> memref<128xf32, #tpu.memory_space<vmem>>
    %dma_wait3A_1773 = arith.constant 0 : i32
    %dma_wait3A_1774 = tpu.memref_slice %arg9[%dma_wait3A_1768, %dma_wait3A_1773] : memref<4x128xi32, #tpu.memory_space<vmem>> -> memref<1x128xi32, #tpu.memory_space<vmem>>
    %dma_wait3A_1775 = tpu.memref_squeeze %dma_wait3A_1774 : memref<1x128xi32, #tpu.memory_space<vmem>> -> memref<128xi32, #tpu.memory_space<vmem>>
    %dma_wait3A_1776 = arith.constant 0 : i32
    %dma_wait3A_1777 = tpu.memref_slice %arg5[%dma_wait3A_1776] : memref<100000xf32, #tpu.memory_space<hbm>> -> memref<100000xf32, #tpu.memory_space<hbm>>
    tpu.wait_indirect_dma semaphore(%arg20 : memref<!tpu.dma_semaphore, #tpu.memory_space<semaphore_mem>>) src(%dma_wait3A_1777 : memref<100000xf32, #tpu.memory_space<hbm>>) dst(%dma_wait3A_1772 : memref<128xf32, #tpu.memory_space<vmem>>)
    %dma_wait3A_1778 = arith.constant 1 : i32
    %dma_wait3A_1779 = arith.constant 1 : i32
    %dma_wait3A_1780 = arith.constant 0 : i32
    %dma_wait3A_1781 = tpu.memref_slice %arg16[%dma_wait3A_1779, %dma_wait3A_1780] : memref<4x128xf32, #tpu.memory_space<vmem>> -> memref<1x128xf32, #tpu.memory_space<vmem>>
    %dma_wait3A_1782 = tpu.memref_squeeze %dma_wait3A_1781 : memref<1x128xf32, #tpu.memory_space<vmem>> -> memref<128xf32, #tpu.memory_space<vmem>>
    %dma_wait3A_1783 = arith.constant 0 : i32
    %dma_wait3A_1784 = tpu.memref_slice %arg10[%dma_wait3A_1778, %dma_wait3A_1783] : memref<4x128xi32, #tpu.memory_space<vmem>> -> memref<1x128xi32, #tpu.memory_space<vmem>>
    %dma_wait3A_1785 = tpu.memref_squeeze %dma_wait3A_1784 : memref<1x128xi32, #tpu.memory_space<vmem>> -> memref<128xi32, #tpu.memory_space<vmem>>
    %dma_wait3A_1786 = arith.constant 0 : i32
    %dma_wait3A_1787 = tpu.memref_slice %arg6[%dma_wait3A_1786] : memref<100000xf32, #tpu.memory_space<hbm>> -> memref<100000xf32, #tpu.memory_space<hbm>>
    tpu.wait_indirect_dma semaphore(%arg20 : memref<!tpu.dma_semaphore, #tpu.memory_space<semaphore_mem>>) src(%dma_wait3A_1787 : memref<100000xf32, #tpu.memory_space<hbm>>) dst(%dma_wait3A_1782 : memref<128xf32, #tpu.memory_space<vmem>>)
    %dma_wait3A_1788 = arith.constant 2 : i32
    %dma_wait3A_1789 = arith.constant 2 : i32
    %dma_wait3A_1790 = arith.constant 0 : i32
    %dma_wait3A_1791 = tpu.memref_slice %arg15[%dma_wait3A_1789, %dma_wait3A_1790] : memref<4x128xf32, #tpu.memory_space<vmem>> -> memref<1x128xf32, #tpu.memory_space<vmem>>
    %dma_wait3A_1792 = tpu.memref_squeeze %dma_wait3A_1791 : memref<1x128xf32, #tpu.memory_space<vmem>> -> memref<128xf32, #tpu.memory_space<vmem>>
    %dma_wait3A_1793 = arith.constant 0 : i32
    %dma_wait3A_1794 = tpu.memref_slice %arg9[%dma_wait3A_1788, %dma_wait3A_1793] : memref<4x128xi32, #tpu.memory_space<vmem>> -> memref<1x128xi32, #tpu.memory_space<vmem>>
    %dma_wait3A_1795 = tpu.memref_squeeze %dma_wait3A_1794 : memref<1x128xi32, #tpu.memory_space<vmem>> -> memref<128xi32, #tpu.memory_space<vmem>>
    %dma_wait3A_1796 = arith.constant 0 : i32
    %dma_wait3A_1797 = tpu.memref_slice %arg5[%dma_wait3A_1796] : memref<100000xf32, #tpu.memory_space<hbm>> -> memref<100000xf32, #tpu.memory_space<hbm>>
    tpu.wait_indirect_dma semaphore(%arg20 : memref<!tpu.dma_semaphore, #tpu.memory_space<semaphore_mem>>) src(%dma_wait3A_1797 : memref<100000xf32, #tpu.memory_space<hbm>>) dst(%dma_wait3A_1792 : memref<128xf32, #tpu.memory_space<vmem>>)
    %dma_wait3A_1798 = arith.constant 2 : i32
    %dma_wait3A_1799 = arith.constant 2 : i32
    %dma_wait3A_1800 = arith.constant 0 : i32
    %dma_wait3A_1801 = tpu.memref_slice %arg16[%dma_wait3A_1799, %dma_wait3A_1800] : memref<4x128xf32, #tpu.memory_space<vmem>> -> memref<1x128xf32, #tpu.memory_space<vmem>>
    %dma_wait3A_1802 = tpu.memref_squeeze %dma_wait3A_1801 : memref<1x128xf32, #tpu.memory_space<vmem>> -> memref<128xf32, #tpu.memory_space<vmem>>
    %dma_wait3A_1803 = arith.constant 0 : i32
    %dma_wait3A_1804 = tpu.memref_slice %arg10[%dma_wait3A_1798, %dma_wait3A_1803] : memref<4x128xi32, #tpu.memory_space<vmem>> -> memref<1x128xi32, #tpu.memory_space<vmem>>
    %dma_wait3A_1805 = tpu.memref_squeeze %dma_wait3A_1804 : memref<1x128xi32, #tpu.memory_space<vmem>> -> memref<128xi32, #tpu.memory_space<vmem>>
    %dma_wait3A_1806 = arith.constant 0 : i32
    %dma_wait3A_1807 = tpu.memref_slice %arg6[%dma_wait3A_1806] : memref<100000xf32, #tpu.memory_space<hbm>> -> memref<100000xf32, #tpu.memory_space<hbm>>
    tpu.wait_indirect_dma semaphore(%arg20 : memref<!tpu.dma_semaphore, #tpu.memory_space<semaphore_mem>>) src(%dma_wait3A_1807 : memref<100000xf32, #tpu.memory_space<hbm>>) dst(%dma_wait3A_1802 : memref<128xf32, #tpu.memory_space<vmem>>)
    %dma_wait3A_1808 = arith.constant 3 : i32
    %dma_wait3A_1809 = arith.constant 3 : i32
    %dma_wait3A_1810 = arith.constant 0 : i32
    %dma_wait3A_1811 = tpu.memref_slice %arg15[%dma_wait3A_1809, %dma_wait3A_1810] : memref<4x128xf32, #tpu.memory_space<vmem>> -> memref<1x128xf32, #tpu.memory_space<vmem>>
    %dma_wait3A_1812 = tpu.memref_squeeze %dma_wait3A_1811 : memref<1x128xf32, #tpu.memory_space<vmem>> -> memref<128xf32, #tpu.memory_space<vmem>>
    %dma_wait3A_1813 = arith.constant 0 : i32
    %dma_wait3A_1814 = tpu.memref_slice %arg9[%dma_wait3A_1808, %dma_wait3A_1813] : memref<4x128xi32, #tpu.memory_space<vmem>> -> memref<1x128xi32, #tpu.memory_space<vmem>>
    %dma_wait3A_1815 = tpu.memref_squeeze %dma_wait3A_1814 : memref<1x128xi32, #tpu.memory_space<vmem>> -> memref<128xi32, #tpu.memory_space<vmem>>
    %dma_wait3A_1816 = arith.constant 0 : i32
    %dma_wait3A_1817 = tpu.memref_slice %arg5[%dma_wait3A_1816] : memref<100000xf32, #tpu.memory_space<hbm>> -> memref<100000xf32, #tpu.memory_space<hbm>>
    tpu.wait_indirect_dma semaphore(%arg20 : memref<!tpu.dma_semaphore, #tpu.memory_space<semaphore_mem>>) src(%dma_wait3A_1817 : memref<100000xf32, #tpu.memory_space<hbm>>) dst(%dma_wait3A_1812 : memref<128xf32, #tpu.memory_space<vmem>>)
    %dma_wait3A_1818 = arith.constant 3 : i32
    %dma_wait3A_1819 = arith.constant 3 : i32
    %dma_wait3A_1820 = arith.constant 0 : i32
    %dma_wait3A_1821 = tpu.memref_slice %arg16[%dma_wait3A_1819, %dma_wait3A_1820] : memref<4x128xf32, #tpu.memory_space<vmem>> -> memref<1x128xf32, #tpu.memory_space<vmem>>
    %dma_wait3A_1822 = tpu.memref_squeeze %dma_wait3A_1821 : memref<1x128xf32, #tpu.memory_space<vmem>> -> memref<128xf32, #tpu.memory_space<vmem>>
    %dma_wait3A_1823 = arith.constant 0 : i32
    %dma_wait3A_1824 = tpu.memref_slice %arg10[%dma_wait3A_1818, %dma_wait3A_1823] : memref<4x128xi32, #tpu.memory_space<vmem>> -> memref<1x128xi32, #tpu.memory_space<vmem>>
    %dma_wait3A_1825 = tpu.memref_squeeze %dma_wait3A_1824 : memref<1x128xi32, #tpu.memory_space<vmem>> -> memref<128xi32, #tpu.memory_space<vmem>>
    %dma_wait3A_1826 = arith.constant 0 : i32
    %dma_wait3A_1827 = tpu.memref_slice %arg6[%dma_wait3A_1826] : memref<100000xf32, #tpu.memory_space<hbm>> -> memref<100000xf32, #tpu.memory_space<hbm>>
    tpu.wait_indirect_dma semaphore(%arg20 : memref<!tpu.dma_semaphore, #tpu.memory_space<semaphore_mem>>) src(%dma_wait3A_1827 : memref<100000xf32, #tpu.memory_space<hbm>>) dst(%dma_wait3A_1822 : memref<128xf32, #tpu.memory_space<vmem>>)
    %get3A_1828 = arith.constant 0 : i32
    %get3A_1829 = arith.index_cast %get3A_1828 : i32 to index
    %get3A_1830 = arith.constant 0 : index
    %get3A_1831 = tpu.vector_load %arg15[%get3A_1829, %get3A_1830] {strides = array<i32>} : memref<4x128xf32, #tpu.memory_space<vmem>>, vector<1x16xf32>,
    %get3A_1832 = vector.shape_cast %get3A_1831 : vector<1x16xf32> to vector<16xf32>
    %get3A_1833 = arith.constant 0 : i32
    %get3A_1834 = arith.index_cast %get3A_1833 : i32 to index
    %get3A_1835 = arith.constant 0 : index
    %get3A_1836 = tpu.vector_load %arg16[%get3A_1834, %get3A_1835] {strides = array<i32>} : memref<4x128xf32, #tpu.memory_space<vmem>>, vector<1x16xf32>,
    %get3A_1837 = vector.shape_cast %get3A_1836 : vector<1x16xf32> to vector<16xf32>
    %add3A_1838 = arith.addf %get3A_1832, %get3A_1837 : vector<16xf32>
    %swap3A_1839 = arith.constant 0 : i32
    %swap3A_1840 = arith.index_cast %swap3A_1839 : i32 to index
    %swap3A_1841 = arith.constant 0 : index
    %swap3A_1842 = tpu.vector_load %arg15[%swap3A_1840, %swap3A_1841] {strides = array<i32>} : memref<4x128xf32, #tpu.memory_space<vmem>>, vector<1x16xf32>,
    %swap3A_1843 = vector.shape_cast %swap3A_1842 : vector<1x16xf32> to vector<16xf32>
    %swap3A_1844 = vector.shape_cast %add3A_1838 : vector<16xf32> to vector<1x16xf32>
    tpu.vector_store %arg15[%swap3A_1840, %swap3A_1841], %swap3A_1844 {strides = array<i32>} : memref<4x128xf32, #tpu.memory_space<vmem>>, vector<1x16xf32>,
    %get3A_1845 = arith.constant 0 : i32
    %get3A_1846 = arith.index_cast %get3A_1845 : i32 to index
    %get3A_1847 = arith.constant 16 : index
    %get3A_1848 = tpu.vector_load %arg15[%get3A_1846, %get3A_1847] {strides = array<i32>} : memref<4x128xf32, #tpu.memory_space<vmem>>, vector<1x16xf32>,
    %get3A_1849 = vector.shape_cast %get3A_1848 : vector<1x16xf32> to vector<16xf32>
    %get3A_1850 = arith.constant 0 : i32
    %get3A_1851 = arith.index_cast %get3A_1850 : i32 to index
    %get3A_1852 = arith.constant 16 : index
    %get3A_1853 = tpu.vector_load %arg16[%get3A_1851, %get3A_1852] {strides = array<i32>} : memref<4x128xf32, #tpu.memory_space<vmem>>, vector<1x16xf32>,
    %get3A_1854 = vector.shape_cast %get3A_1853 : vector<1x16xf32> to vector<16xf32>
    %add3A_1855 = arith.addf %get3A_1849, %get3A_1854 : vector<16xf32>
    %swap3A_1856 = arith.constant 0 : i32
    %swap3A_1857 = arith.index_cast %swap3A_1856 : i32 to index
    %swap3A_1858 = arith.constant 16 : index
    %swap3A_1859 = tpu.vector_load %arg15[%swap3A_1857, %swap3A_1858] {strides = array<i32>} : memref<4x128xf32, #tpu.memory_space<vmem>>, vector<1x16xf32>,
    %swap3A_1860 = vector.shape_cast %swap3A_1859 : vector<1x16xf32> to vector<16xf32>
    %swap3A_1861 = vector.shape_cast %add3A_1855 : vector<16xf32> to vector<1x16xf32>
    tpu.vector_store %arg15[%swap3A_1857, %swap3A_1858], %swap3A_1861 {strides = array<i32>} : memref<4x128xf32, #tpu.memory_space<vmem>>, vector<1x16xf32>,
    %get3A_1862 = arith.constant 0 : i32
    %get3A_1863 = arith.index_cast %get3A_1862 : i32 to index
    %get3A_1864 = arith.constant 32 : index
    %get3A_1865 = tpu.vector_load %arg15[%get3A_1863, %get3A_1864] {strides = array<i32>} : memref<4x128xf32, #tpu.memory_space<vmem>>, vector<1x16xf32>,
    %get3A_1866 = vector.shape_cast %get3A_1865 : vector<1x16xf32> to vector<16xf32>
    %get3A_1867 = arith.constant 0 : i32
    %get3A_1868 = arith.index_cast %get3A_1867 : i32 to index
    %get3A_1869 = arith.constant 32 : index
    %get3A_1870 = tpu.vector_load %arg16[%get3A_1868, %get3A_1869] {strides = array<i32>} : memref<4x128xf32, #tpu.memory_space<vmem>>, vector<1x16xf32>,
    %get3A_1871 = vector.shape_cast %get3A_1870 : vector<1x16xf32> to vector<16xf32>
    %add3A_1872 = arith.addf %get3A_1866, %get3A_1871 : vector<16xf32>
    %swap3A_1873 = arith.constant 0 : i32
    %swap3A_1874 = arith.index_cast %swap3A_1873 : i32 to index
    %swap3A_1875 = arith.constant 32 : index
    %swap3A_1876 = tpu.vector_load %arg15[%swap3A_1874, %swap3A_1875] {strides = array<i32>} : memref<4x128xf32, #tpu.memory_space<vmem>>, vector<1x16xf32>,
    %swap3A_1877 = vector.shape_cast %swap3A_1876 : vector<1x16xf32> to vector<16xf32>
    %swap3A_1878 = vector.shape_cast %add3A_1872 : vector<16xf32> to vector<1x16xf32>
    tpu.vector_store %arg15[%swap3A_1874, %swap3A_1875], %swap3A_1878 {strides = array<i32>} : memref<4x128xf32, #tpu.memory_space<vmem>>, vector<1x16xf32>,
    %get3A_1879 = arith.constant 0 : i32
    %get3A_1880 = arith.index_cast %get3A_1879 : i32 to index
    %get3A_1881 = arith.constant 48 : index
    %get3A_1882 = tpu.vector_load %arg15[%get3A_1880, %get3A_1881] {strides = array<i32>} : memref<4x128xf32, #tpu.memory_space<vmem>>, vector<1x16xf32>,
    %get3A_1883 = vector.shape_cast %get3A_1882 : vector<1x16xf32> to vector<16xf32>
    %get3A_1884 = arith.constant 0 : i32
    %get3A_1885 = arith.index_cast %get3A_1884 : i32 to index
    %get3A_1886 = arith.constant 48 : index
    %get3A_1887 = tpu.vector_load %arg16[%get3A_1885, %get3A_1886] {strides = array<i32>} : memref<4x128xf32, #tpu.memory_space<vmem>>, vector<1x16xf32>,
    %get3A_1888 = vector.shape_cast %get3A_1887 : vector<1x16xf32> to vector<16xf32>
    %add3A_1889 = arith.addf %get3A_1883, %get3A_1888 : vector<16xf32>
    %swap3A_1890 = arith.constant 0 : i32
    %swap3A_1891 = arith.index_cast %swap3A_1890 : i32 to index
    %swap3A_1892 = arith.constant 48 : index
    %swap3A_1893 = tpu.vector_load %arg15[%swap3A_1891, %swap3A_1892] {strides = array<i32>} : memref<4x128xf32, #tpu.memory_space<vmem>>, vector<1x16xf32>,
    %swap3A_1894 = vector.shape_cast %swap3A_1893 : vector<1x16xf32> to vector<16xf32>
    %swap3A_1895 = vector.shape_cast %add3A_1889 : vector<16xf32> to vector<1x16xf32>
    tpu.vector_store %arg15[%swap3A_1891, %swap3A_1892], %swap3A_1895 {strides = array<i32>} : memref<4x128xf32, #tpu.memory_space<vmem>>, vector<1x16xf32>,
    %get3A_1896 = arith.constant 0 : i32
    %get3A_1897 = arith.index_cast %get3A_1896 : i32 to index
    %get3A_1898 = arith.constant 64 : index
    %get3A_1899 = tpu.vector_load %arg15[%get3A_1897, %get3A_1898] {strides = array<i32>} : memref<4x128xf32, #tpu.memory_space<vmem>>, vector<1x16xf32>,
    %get3A_1900 = vector.shape_cast %get3A_1899 : vector<1x16xf32> to vector<16xf32>
    %get3A_1901 = arith.constant 0 : i32
    %get3A_1902 = arith.index_cast %get3A_1901 : i32 to index
    %get3A_1903 = arith.constant 64 : index
    %get3A_1904 = tpu.vector_load %arg16[%get3A_1902, %get3A_1903] {strides = array<i32>} : memref<4x128xf32, #tpu.memory_space<vmem>>, vector<1x16xf32>,
    %get3A_1905 = vector.shape_cast %get3A_1904 : vector<1x16xf32> to vector<16xf32>
    %add3A_1906 = arith.addf %get3A_1900, %get3A_1905 : vector<16xf32>
    %swap3A_1907 = arith.constant 0 : i32
    %swap3A_1908 = arith.index_cast %swap3A_1907 : i32 to index
    %swap3A_1909 = arith.constant 64 : index
    %swap3A_1910 = tpu.vector_load %arg15[%swap3A_1908, %swap3A_1909] {strides = array<i32>} : memref<4x128xf32, #tpu.memory_space<vmem>>, vector<1x16xf32>,
    %swap3A_1911 = vector.shape_cast %swap3A_1910 : vector<1x16xf32> to vector<16xf32>
    %swap3A_1912 = vector.shape_cast %add3A_1906 : vector<16xf32> to vector<1x16xf32>
    tpu.vector_store %arg15[%swap3A_1908, %swap3A_1909], %swap3A_1912 {strides = array<i32>} : memref<4x128xf32, #tpu.memory_space<vmem>>, vector<1x16xf32>,
    %get3A_1913 = arith.constant 0 : i32
    %get3A_1914 = arith.index_cast %get3A_1913 : i32 to index
    %get3A_1915 = arith.constant 80 : index
    %get3A_1916 = tpu.vector_load %arg15[%get3A_1914, %get3A_1915] {strides = array<i32>} : memref<4x128xf32, #tpu.memory_space<vmem>>, vector<1x16xf32>,
    %get3A_1917 = vector.shape_cast %get3A_1916 : vector<1x16xf32> to vector<16xf32>
    %get3A_1918 = arith.constant 0 : i32
    %get3A_1919 = arith.index_cast %get3A_1918 : i32 to index
    %get3A_1920 = arith.constant 80 : index
    %get3A_1921 = tpu.vector_load %arg16[%get3A_1919, %get3A_1920] {strides = array<i32>} : memref<4x128xf32, #tpu.memory_space<vmem>>, vector<1x16xf32>,
    %get3A_1922 = vector.shape_cast %get3A_1921 : vector<1x16xf32> to vector<16xf32>
    %add3A_1923 = arith.addf %get3A_1917, %get3A_1922 : vector<16xf32>
    %swap3A_1924 = arith.constant 0 : i32
    %swap3A_1925 = arith.index_cast %swap3A_1924 : i32 to index
    %swap3A_1926 = arith.constant 80 : index
    %swap3A_1927 = tpu.vector_load %arg15[%swap3A_1925, %swap3A_1926] {strides = array<i32>} : memref<4x128xf32, #tpu.memory_space<vmem>>, vector<1x16xf32>,
    %swap3A_1928 = vector.shape_cast %swap3A_1927 : vector<1x16xf32> to vector<16xf32>
    %swap3A_1929 = vector.shape_cast %add3A_1923 : vector<16xf32> to vector<1x16xf32>
    tpu.vector_store %arg15[%swap3A_1925, %swap3A_1926], %swap3A_1929 {strides = array<i32>} : memref<4x128xf32, #tpu.memory_space<vmem>>, vector<1x16xf32>,
    %get3A_1930 = arith.constant 0 : i32
    %get3A_1931 = arith.index_cast %get3A_1930 : i32 to index
    %get3A_1932 = arith.constant 96 : index
    %get3A_1933 = tpu.vector_load %arg15[%get3A_1931, %get3A_1932] {strides = array<i32>} : memref<4x128xf32, #tpu.memory_space<vmem>>, vector<1x16xf32>,
    %get3A_1934 = vector.shape_cast %get3A_1933 : vector<1x16xf32> to vector<16xf32>
    %get3A_1935 = arith.constant 0 : i32
    %get3A_1936 = arith.index_cast %get3A_1935 : i32 to index
    %get3A_1937 = arith.constant 96 : index
    %get3A_1938 = tpu.vector_load %arg16[%get3A_1936, %get3A_1937] {strides = array<i32>} : memref<4x128xf32, #tpu.memory_space<vmem>>, vector<1x16xf32>,
    %get3A_1939 = vector.shape_cast %get3A_1938 : vector<1x16xf32> to vector<16xf32>
    %add3A_1940 = arith.addf %get3A_1934, %get3A_1939 : vector<16xf32>
    %swap3A_1941 = arith.constant 0 : i32
    %swap3A_1942 = arith.index_cast %swap3A_1941 : i32 to index
    %swap3A_1943 = arith.constant 96 : index
    %swap3A_1944 = tpu.vector_load %arg15[%swap3A_1942, %swap3A_1943] {strides = array<i32>} : memref<4x128xf32, #tpu.memory_space<vmem>>, vector<1x16xf32>,
    %swap3A_1945 = vector.shape_cast %swap3A_1944 : vector<1x16xf32> to vector<16xf32>
    %swap3A_1946 = vector.shape_cast %add3A_1940 : vector<16xf32> to vector<1x16xf32>
    tpu.vector_store %arg15[%swap3A_1942, %swap3A_1943], %swap3A_1946 {strides = array<i32>} : memref<4x128xf32, #tpu.memory_space<vmem>>, vector<1x16xf32>,
    %get3A_1947 = arith.constant 0 : i32
    %get3A_1948 = arith.index_cast %get3A_1947 : i32 to index
    %get3A_1949 = arith.constant 112 : index
    %get3A_1950 = tpu.vector_load %arg15[%get3A_1948, %get3A_1949] {strides = array<i32>} : memref<4x128xf32, #tpu.memory_space<vmem>>, vector<1x16xf32>,
    %get3A_1951 = vector.shape_cast %get3A_1950 : vector<1x16xf32> to vector<16xf32>
    %get3A_1952 = arith.constant 0 : i32
    %get3A_1953 = arith.index_cast %get3A_1952 : i32 to index
    %get3A_1954 = arith.constant 112 : index
    %get3A_1955 = tpu.vector_load %arg16[%get3A_1953, %get3A_1954] {strides = array<i32>} : memref<4x128xf32, #tpu.memory_space<vmem>>, vector<1x16xf32>,
    %get3A_1956 = vector.shape_cast %get3A_1955 : vector<1x16xf32> to vector<16xf32>
    %add3A_1957 = arith.addf %get3A_1951, %get3A_1956 : vector<16xf32>
    %swap3A_1958 = arith.constant 0 : i32
    %swap3A_1959 = arith.index_cast %swap3A_1958 : i32 to index
    %swap3A_1960 = arith.constant 112 : index
    %swap3A_1961 = tpu.vector_load %arg15[%swap3A_1959, %swap3A_1960] {strides = array<i32>} : memref<4x128xf32, #tpu.memory_space<vmem>>, vector<1x16xf32>,
    %swap3A_1962 = vector.shape_cast %swap3A_1961 : vector<1x16xf32> to vector<16xf32>
    %swap3A_1963 = vector.shape_cast %add3A_1957 : vector<16xf32> to vector<1x16xf32>
    tpu.vector_store %arg15[%swap3A_1959, %swap3A_1960], %swap3A_1963 {strides = array<i32>} : memref<4x128xf32, #tpu.memory_space<vmem>>, vector<1x16xf32>,
    %get3A_1964 = arith.constant 1 : i32
    %get3A_1965 = arith.index_cast %get3A_1964 : i32 to index
    %get3A_1966 = arith.constant 0 : index
    %get3A_1967 = tpu.vector_load %arg15[%get3A_1965, %get3A_1966] {strides = array<i32>} : memref<4x128xf32, #tpu.memory_space<vmem>>, vector<1x16xf32>,
    %get3A_1968 = vector.shape_cast %get3A_1967 : vector<1x16xf32> to vector<16xf32>
    %get3A_1969 = arith.constant 1 : i32
    %get3A_1970 = arith.index_cast %get3A_1969 : i32 to index
    %get3A_1971 = arith.constant 0 : index
    %get3A_1972 = tpu.vector_load %arg16[%get3A_1970, %get3A_1971] {strides = array<i32>} : memref<4x128xf32, #tpu.memory_space<vmem>>, vector<1x16xf32>,
    %get3A_1973 = vector.shape_cast %get3A_1972 : vector<1x16xf32> to vector<16xf32>
    %add3A_1974 = arith.addf %get3A_1968, %get3A_1973 : vector<16xf32>
    %swap3A_1975 = arith.constant 1 : i32
    %swap3A_1976 = arith.index_cast %swap3A_1975 : i32 to index
    %swap3A_1977 = arith.constant 0 : index
    %swap3A_1978 = tpu.vector_load %arg15[%swap3A_1976, %swap3A_1977] {strides = array<i32>} : memref<4x128xf32, #tpu.memory_space<vmem>>, vector<1x16xf32>,
    %swap3A_1979 = vector.shape_cast %swap3A_1978 : vector<1x16xf32> to vector<16xf32>
    %swap3A_1980 = vector.shape_cast %add3A_1974 : vector<16xf32> to vector<1x16xf32>
    tpu.vector_store %arg15[%swap3A_1976, %swap3A_1977], %swap3A_1980 {strides = array<i32>} : memref<4x128xf32, #tpu.memory_space<vmem>>, vector<1x16xf32>,
    %get3A_1981 = arith.constant 1 : i32
    %get3A_1982 = arith.index_cast %get3A_1981 : i32 to index
    %get3A_1983 = arith.constant 16 : index
    %get3A_1984 = tpu.vector_load %arg15[%get3A_1982, %get3A_1983] {strides = array<i32>} : memref<4x128xf32, #tpu.memory_space<vmem>>, vector<1x16xf32>,
    %get3A_1985 = vector.shape_cast %get3A_1984 : vector<1x16xf32> to vector<16xf32>
    %get3A_1986 = arith.constant 1 : i32
    %get3A_1987 = arith.index_cast %get3A_1986 : i32 to index
    %get3A_1988 = arith.constant 16 : index
    %get3A_1989 = tpu.vector_load %arg16[%get3A_1987, %get3A_1988] {strides = array<i32>} : memref<4x128xf32, #tpu.memory_space<vmem>>, vector<1x16xf32>,
    %get3A_1990 = vector.shape_cast %get3A_1989 : vector<1x16xf32> to vector<16xf32>
    %add3A_1991 = arith.addf %get3A_1985, %get3A_1990 : vector<16xf32>
    %swap3A_1992 = arith.constant 1 : i32
    %swap3A_1993 = arith.index_cast %swap3A_1992 : i32 to index
    %swap3A_1994 = arith.constant 16 : index
    %swap3A_1995 = tpu.vector_load %arg15[%swap3A_1993, %swap3A_1994] {strides = array<i32>} : memref<4x128xf32, #tpu.memory_space<vmem>>, vector<1x16xf32>,
    %swap3A_1996 = vector.shape_cast %swap3A_1995 : vector<1x16xf32> to vector<16xf32>
    %swap3A_1997 = vector.shape_cast %add3A_1991 : vector<16xf32> to vector<1x16xf32>
    tpu.vector_store %arg15[%swap3A_1993, %swap3A_1994], %swap3A_1997 {strides = array<i32>} : memref<4x128xf32, #tpu.memory_space<vmem>>, vector<1x16xf32>,
    %get3A_1998 = arith.constant 1 : i32
    %get3A_1999 = arith.index_cast %get3A_1998 : i32 to index
    %get3A_2000 = arith.constant 32 : index
    %get3A_2001 = tpu.vector_load %arg15[%get3A_1999, %get3A_2000] {strides = array<i32>} : memref<4x128xf32, #tpu.memory_space<vmem>>, vector<1x16xf32>,
    %get3A_2002 = vector.shape_cast %get3A_2001 : vector<1x16xf32> to vector<16xf32>
    %get3A_2003 = arith.constant 1 : i32
    %get3A_2004 = arith.index_cast %get3A_2003 : i32 to index
    %get3A_2005 = arith.constant 32 : index
    %get3A_2006 = tpu.vector_load %arg16[%get3A_2004, %get3A_2005] {strides = array<i32>} : memref<4x128xf32, #tpu.memory_space<vmem>>, vector<1x16xf32>,
    %get3A_2007 = vector.shape_cast %get3A_2006 : vector<1x16xf32> to vector<16xf32>
    %add3A_2008 = arith.addf %get3A_2002, %get3A_2007 : vector<16xf32>
    %swap3A_2009 = arith.constant 1 : i32
    %swap3A_2010 = arith.index_cast %swap3A_2009 : i32 to index
    %swap3A_2011 = arith.constant 32 : index
    %swap3A_2012 = tpu.vector_load %arg15[%swap3A_2010, %swap3A_2011] {strides = array<i32>} : memref<4x128xf32, #tpu.memory_space<vmem>>, vector<1x16xf32>,
    %swap3A_2013 = vector.shape_cast %swap3A_2012 : vector<1x16xf32> to vector<16xf32>
    %swap3A_2014 = vector.shape_cast %add3A_2008 : vector<16xf32> to vector<1x16xf32>
    tpu.vector_store %arg15[%swap3A_2010, %swap3A_2011], %swap3A_2014 {strides = array<i32>} : memref<4x128xf32, #tpu.memory_space<vmem>>, vector<1x16xf32>,
    %get3A_2015 = arith.constant 1 : i32
    %get3A_2016 = arith.index_cast %get3A_2015 : i32 to index
    %get3A_2017 = arith.constant 48 : index
    %get3A_2018 = tpu.vector_load %arg15[%get3A_2016, %get3A_2017] {strides = array<i32>} : memref<4x128xf32, #tpu.memory_space<vmem>>, vector<1x16xf32>,
    %get3A_2019 = vector.shape_cast %get3A_2018 : vector<1x16xf32> to vector<16xf32>
    %get3A_2020 = arith.constant 1 : i32
    %get3A_2021 = arith.index_cast %get3A_2020 : i32 to index
    %get3A_2022 = arith.constant 48 : index
    %get3A_2023 = tpu.vector_load %arg16[%get3A_2021, %get3A_2022] {strides = array<i32>} : memref<4x128xf32, #tpu.memory_space<vmem>>, vector<1x16xf32>,
    %get3A_2024 = vector.shape_cast %get3A_2023 : vector<1x16xf32> to vector<16xf32>
    %add3A_2025 = arith.addf %get3A_2019, %get3A_2024 : vector<16xf32>
    %swap3A_2026 = arith.constant 1 : i32
    %swap3A_2027 = arith.index_cast %swap3A_2026 : i32 to index
    %swap3A_2028 = arith.constant 48 : index
    %swap3A_2029 = tpu.vector_load %arg15[%swap3A_2027, %swap3A_2028] {strides = array<i32>} : memref<4x128xf32, #tpu.memory_space<vmem>>, vector<1x16xf32>,
    %swap3A_2030 = vector.shape_cast %swap3A_2029 : vector<1x16xf32> to vector<16xf32>
    %swap3A_2031 = vector.shape_cast %add3A_2025 : vector<16xf32> to vector<1x16xf32>
    tpu.vector_store %arg15[%swap3A_2027, %swap3A_2028], %swap3A_2031 {strides = array<i32>} : memref<4x128xf32, #tpu.memory_space<vmem>>, vector<1x16xf32>,
    %get3A_2032 = arith.constant 1 : i32
    %get3A_2033 = arith.index_cast %get3A_2032 : i32 to index
    %get3A_2034 = arith.constant 64 : index
    %get3A_2035 = tpu.vector_load %arg15[%get3A_2033, %get3A_2034] {strides = array<i32>} : memref<4x128xf32, #tpu.memory_space<vmem>>, vector<1x16xf32>,
    %get3A_2036 = vector.shape_cast %get3A_2035 : vector<1x16xf32> to vector<16xf32>
    %get3A_2037 = arith.constant 1 : i32
    %get3A_2038 = arith.index_cast %get3A_2037 : i32 to index
    %get3A_2039 = arith.constant 64 : index
    %get3A_2040 = tpu.vector_load %arg16[%get3A_2038, %get3A_2039] {strides = array<i32>} : memref<4x128xf32, #tpu.memory_space<vmem>>, vector<1x16xf32>,
    %get3A_2041 = vector.shape_cast %get3A_2040 : vector<1x16xf32> to vector<16xf32>
    %add3A_2042 = arith.addf %get3A_2036, %get3A_2041 : vector<16xf32>
    %swap3A_2043 = arith.constant 1 : i32
    %swap3A_2044 = arith.index_cast %swap3A_2043 : i32 to index
    %swap3A_2045 = arith.constant 64 : index
    %swap3A_2046 = tpu.vector_load %arg15[%swap3A_2044, %swap3A_2045] {strides = array<i32>} : memref<4x128xf32, #tpu.memory_space<vmem>>, vector<1x16xf32>,
    %swap3A_2047 = vector.shape_cast %swap3A_2046 : vector<1x16xf32> to vector<16xf32>
    %swap3A_2048 = vector.shape_cast %add3A_2042 : vector<16xf32> to vector<1x16xf32>
    tpu.vector_store %arg15[%swap3A_2044, %swap3A_2045], %swap3A_2048 {strides = array<i32>} : memref<4x128xf32, #tpu.memory_space<vmem>>, vector<1x16xf32>,
    %get3A_2049 = arith.constant 1 : i32
    %get3A_2050 = arith.index_cast %get3A_2049 : i32 to index
    %get3A_2051 = arith.constant 80 : index
    %get3A_2052 = tpu.vector_load %arg15[%get3A_2050, %get3A_2051] {strides = array<i32>} : memref<4x128xf32, #tpu.memory_space<vmem>>, vector<1x16xf32>,
    %get3A_2053 = vector.shape_cast %get3A_2052 : vector<1x16xf32> to vector<16xf32>
    %get3A_2054 = arith.constant 1 : i32
    %get3A_2055 = arith.index_cast %get3A_2054 : i32 to index
    %get3A_2056 = arith.constant 80 : index
    %get3A_2057 = tpu.vector_load %arg16[%get3A_2055, %get3A_2056] {strides = array<i32>} : memref<4x128xf32, #tpu.memory_space<vmem>>, vector<1x16xf32>,
    %get3A_2058 = vector.shape_cast %get3A_2057 : vector<1x16xf32> to vector<16xf32>
    %add3A_2059 = arith.addf %get3A_2053, %get3A_2058 : vector<16xf32>
    %swap3A_2060 = arith.constant 1 : i32
    %swap3A_2061 = arith.index_cast %swap3A_2060 : i32 to index
    %swap3A_2062 = arith.constant 80 : index
    %swap3A_2063 = tpu.vector_load %arg15[%swap3A_2061, %swap3A_2062] {strides = array<i32>} : memref<4x128xf32, #tpu.memory_space<vmem>>, vector<1x16xf32>,
    %swap3A_2064 = vector.shape_cast %swap3A_2063 : vector<1x16xf32> to vector<16xf32>
    %swap3A_2065 = vector.shape_cast %add3A_2059 : vector<16xf32> to vector<1x16xf32>
    tpu.vector_store %arg15[%swap3A_2061, %swap3A_2062], %swap3A_2065 {strides = array<i32>} : memref<4x128xf32, #tpu.memory_space<vmem>>, vector<1x16xf32>,
    %get3A_2066 = arith.constant 1 : i32
    %get3A_2067 = arith.index_cast %get3A_2066 : i32 to index
    %get3A_2068 = arith.constant 96 : index
    %get3A_2069 = tpu.vector_load %arg15[%get3A_2067, %get3A_2068] {strides = array<i32>} : memref<4x128xf32, #tpu.memory_space<vmem>>, vector<1x16xf32>,
    %get3A_2070 = vector.shape_cast %get3A_2069 : vector<1x16xf32> to vector<16xf32>
    %get3A_2071 = arith.constant 1 : i32
    %get3A_2072 = arith.index_cast %get3A_2071 : i32 to index
    %get3A_2073 = arith.constant 96 : index
    %get3A_2074 = tpu.vector_load %arg16[%get3A_2072, %get3A_2073] {strides = array<i32>} : memref<4x128xf32, #tpu.memory_space<vmem>>, vector<1x16xf32>,
    %get3A_2075 = vector.shape_cast %get3A_2074 : vector<1x16xf32> to vector<16xf32>
    %add3A_2076 = arith.addf %get3A_2070, %get3A_2075 : vector<16xf32>
    %swap3A_2077 = arith.constant 1 : i32
    %swap3A_2078 = arith.index_cast %swap3A_2077 : i32 to index
    %swap3A_2079 = arith.constant 96 : index
    %swap3A_2080 = tpu.vector_load %arg15[%swap3A_2078, %swap3A_2079] {strides = array<i32>} : memref<4x128xf32, #tpu.memory_space<vmem>>, vector<1x16xf32>,
    %swap3A_2081 = vector.shape_cast %swap3A_2080 : vector<1x16xf32> to vector<16xf32>
    %swap3A_2082 = vector.shape_cast %add3A_2076 : vector<16xf32> to vector<1x16xf32>
    tpu.vector_store %arg15[%swap3A_2078, %swap3A_2079], %swap3A_2082 {strides = array<i32>} : memref<4x128xf32, #tpu.memory_space<vmem>>, vector<1x16xf32>,
    %get3A_2083 = arith.constant 1 : i32
    %get3A_2084 = arith.index_cast %get3A_2083 : i32 to index
    %get3A_2085 = arith.constant 112 : index
    %get3A_2086 = tpu.vector_load %arg15[%get3A_2084, %get3A_2085] {strides = array<i32>} : memref<4x128xf32, #tpu.memory_space<vmem>>, vector<1x16xf32>,
    %get3A_2087 = vector.shape_cast %get3A_2086 : vector<1x16xf32> to vector<16xf32>
    %get3A_2088 = arith.constant 1 : i32
    %get3A_2089 = arith.index_cast %get3A_2088 : i32 to index
    %get3A_2090 = arith.constant 112 : index
    %get3A_2091 = tpu.vector_load %arg16[%get3A_2089, %get3A_2090] {strides = array<i32>} : memref<4x128xf32, #tpu.memory_space<vmem>>, vector<1x16xf32>,
    %get3A_2092 = vector.shape_cast %get3A_2091 : vector<1x16xf32> to vector<16xf32>
    %add3A_2093 = arith.addf %get3A_2087, %get3A_2092 : vector<16xf32>
    %swap3A_2094 = arith.constant 1 : i32
    %swap3A_2095 = arith.index_cast %swap3A_2094 : i32 to index
    %swap3A_2096 = arith.constant 112 : index
    %swap3A_2097 = tpu.vector_load %arg15[%swap3A_2095, %swap3A_2096] {strides = array<i32>} : memref<4x128xf32, #tpu.memory_space<vmem>>, vector<1x16xf32>,
    %swap3A_2098 = vector.shape_cast %swap3A_2097 : vector<1x16xf32> to vector<16xf32>
    %swap3A_2099 = vector.shape_cast %add3A_2093 : vector<16xf32> to vector<1x16xf32>
    tpu.vector_store %arg15[%swap3A_2095, %swap3A_2096], %swap3A_2099 {strides = array<i32>} : memref<4x128xf32, #tpu.memory_space<vmem>>, vector<1x16xf32>,
    %get3A_2100 = arith.constant 2 : i32
    %get3A_2101 = arith.index_cast %get3A_2100 : i32 to index
    %get3A_2102 = arith.constant 0 : index
    %get3A_2103 = tpu.vector_load %arg15[%get3A_2101, %get3A_2102] {strides = array<i32>} : memref<4x128xf32, #tpu.memory_space<vmem>>, vector<1x16xf32>,
    %get3A_2104 = vector.shape_cast %get3A_2103 : vector<1x16xf32> to vector<16xf32>
    %get3A_2105 = arith.constant 2 : i32
    %get3A_2106 = arith.index_cast %get3A_2105 : i32 to index
    %get3A_2107 = arith.constant 0 : index
    %get3A_2108 = tpu.vector_load %arg16[%get3A_2106, %get3A_2107] {strides = array<i32>} : memref<4x128xf32, #tpu.memory_space<vmem>>, vector<1x16xf32>,
    %get3A_2109 = vector.shape_cast %get3A_2108 : vector<1x16xf32> to vector<16xf32>
    %add3A_2110 = arith.addf %get3A_2104, %get3A_2109 : vector<16xf32>
    %swap3A_2111 = arith.constant 2 : i32
    %swap3A_2112 = arith.index_cast %swap3A_2111 : i32 to index
    %swap3A_2113 = arith.constant 0 : index
    %swap3A_2114 = tpu.vector_load %arg15[%swap3A_2112, %swap3A_2113] {strides = array<i32>} : memref<4x128xf32, #tpu.memory_space<vmem>>, vector<1x16xf32>,
    %swap3A_2115 = vector.shape_cast %swap3A_2114 : vector<1x16xf32> to vector<16xf32>
    %swap3A_2116 = vector.shape_cast %add3A_2110 : vector<16xf32> to vector<1x16xf32>
    tpu.vector_store %arg15[%swap3A_2112, %swap3A_2113], %swap3A_2116 {strides = array<i32>} : memref<4x128xf32, #tpu.memory_space<vmem>>, vector<1x16xf32>,
    %get3A_2117 = arith.constant 2 : i32
    %get3A_2118 = arith.index_cast %get3A_2117 : i32 to index
    %get3A_2119 = arith.constant 16 : index
    %get3A_2120 = tpu.vector_load %arg15[%get3A_2118, %get3A_2119] {strides = array<i32>} : memref<4x128xf32, #tpu.memory_space<vmem>>, vector<1x16xf32>,
    %get3A_2121 = vector.shape_cast %get3A_2120 : vector<1x16xf32> to vector<16xf32>
    %get3A_2122 = arith.constant 2 : i32
    %get3A_2123 = arith.index_cast %get3A_2122 : i32 to index
    %get3A_2124 = arith.constant 16 : index
    %get3A_2125 = tpu.vector_load %arg16[%get3A_2123, %get3A_2124] {strides = array<i32>} : memref<4x128xf32, #tpu.memory_space<vmem>>, vector<1x16xf32>,
    %get3A_2126 = vector.shape_cast %get3A_2125 : vector<1x16xf32> to vector<16xf32>
    %add3A_2127 = arith.addf %get3A_2121, %get3A_2126 : vector<16xf32>
    %swap3A_2128 = arith.constant 2 : i32
    %swap3A_2129 = arith.index_cast %swap3A_2128 : i32 to index
    %swap3A_2130 = arith.constant 16 : index
    %swap3A_2131 = tpu.vector_load %arg15[%swap3A_2129, %swap3A_2130] {strides = array<i32>} : memref<4x128xf32, #tpu.memory_space<vmem>>, vector<1x16xf32>,
    %swap3A_2132 = vector.shape_cast %swap3A_2131 : vector<1x16xf32> to vector<16xf32>
    %swap3A_2133 = vector.shape_cast %add3A_2127 : vector<16xf32> to vector<1x16xf32>
    tpu.vector_store %arg15[%swap3A_2129, %swap3A_2130], %swap3A_2133 {strides = array<i32>} : memref<4x128xf32, #tpu.memory_space<vmem>>, vector<1x16xf32>,
    %get3A_2134 = arith.constant 2 : i32
    %get3A_2135 = arith.index_cast %get3A_2134 : i32 to index
    %get3A_2136 = arith.constant 32 : index
    %get3A_2137 = tpu.vector_load %arg15[%get3A_2135, %get3A_2136] {strides = array<i32>} : memref<4x128xf32, #tpu.memory_space<vmem>>, vector<1x16xf32>,
    %get3A_2138 = vector.shape_cast %get3A_2137 : vector<1x16xf32> to vector<16xf32>
    %get3A_2139 = arith.constant 2 : i32
    %get3A_2140 = arith.index_cast %get3A_2139 : i32 to index
    %get3A_2141 = arith.constant 32 : index
    %get3A_2142 = tpu.vector_load %arg16[%get3A_2140, %get3A_2141] {strides = array<i32>} : memref<4x128xf32, #tpu.memory_space<vmem>>, vector<1x16xf32>,
    %get3A_2143 = vector.shape_cast %get3A_2142 : vector<1x16xf32> to vector<16xf32>
    %add3A_2144 = arith.addf %get3A_2138, %get3A_2143 : vector<16xf32>
    %swap3A_2145 = arith.constant 2 : i32
    %swap3A_2146 = arith.index_cast %swap3A_2145 : i32 to index
    %swap3A_2147 = arith.constant 32 : index
    %swap3A_2148 = tpu.vector_load %arg15[%swap3A_2146, %swap3A_2147] {strides = array<i32>} : memref<4x128xf32, #tpu.memory_space<vmem>>, vector<1x16xf32>,
    %swap3A_2149 = vector.shape_cast %swap3A_2148 : vector<1x16xf32> to vector<16xf32>
    %swap3A_2150 = vector.shape_cast %add3A_2144 : vector<16xf32> to vector<1x16xf32>
    tpu.vector_store %arg15[%swap3A_2146, %swap3A_2147], %swap3A_2150 {strides = array<i32>} : memref<4x128xf32, #tpu.memory_space<vmem>>, vector<1x16xf32>,
    %get3A_2151 = arith.constant 2 : i32
    %get3A_2152 = arith.index_cast %get3A_2151 : i32 to index
    %get3A_2153 = arith.constant 48 : index
    %get3A_2154 = tpu.vector_load %arg15[%get3A_2152, %get3A_2153] {strides = array<i32>} : memref<4x128xf32, #tpu.memory_space<vmem>>, vector<1x16xf32>,
    %get3A_2155 = vector.shape_cast %get3A_2154 : vector<1x16xf32> to vector<16xf32>
    %get3A_2156 = arith.constant 2 : i32
    %get3A_2157 = arith.index_cast %get3A_2156 : i32 to index
    %get3A_2158 = arith.constant 48 : index
    %get3A_2159 = tpu.vector_load %arg16[%get3A_2157, %get3A_2158] {strides = array<i32>} : memref<4x128xf32, #tpu.memory_space<vmem>>, vector<1x16xf32>,
    %get3A_2160 = vector.shape_cast %get3A_2159 : vector<1x16xf32> to vector<16xf32>
    %add3A_2161 = arith.addf %get3A_2155, %get3A_2160 : vector<16xf32>
    %swap3A_2162 = arith.constant 2 : i32
    %swap3A_2163 = arith.index_cast %swap3A_2162 : i32 to index
    %swap3A_2164 = arith.constant 48 : index
    %swap3A_2165 = tpu.vector_load %arg15[%swap3A_2163, %swap3A_2164] {strides = array<i32>} : memref<4x128xf32, #tpu.memory_space<vmem>>, vector<1x16xf32>,
    %swap3A_2166 = vector.shape_cast %swap3A_2165 : vector<1x16xf32> to vector<16xf32>
    %swap3A_2167 = vector.shape_cast %add3A_2161 : vector<16xf32> to vector<1x16xf32>
    tpu.vector_store %arg15[%swap3A_2163, %swap3A_2164], %swap3A_2167 {strides = array<i32>} : memref<4x128xf32, #tpu.memory_space<vmem>>, vector<1x16xf32>,
    %get3A_2168 = arith.constant 2 : i32
    %get3A_2169 = arith.index_cast %get3A_2168 : i32 to index
    %get3A_2170 = arith.constant 64 : index
    %get3A_2171 = tpu.vector_load %arg15[%get3A_2169, %get3A_2170] {strides = array<i32>} : memref<4x128xf32, #tpu.memory_space<vmem>>, vector<1x16xf32>,
    %get3A_2172 = vector.shape_cast %get3A_2171 : vector<1x16xf32> to vector<16xf32>
    %get3A_2173 = arith.constant 2 : i32
    %get3A_2174 = arith.index_cast %get3A_2173 : i32 to index
    %get3A_2175 = arith.constant 64 : index
    %get3A_2176 = tpu.vector_load %arg16[%get3A_2174, %get3A_2175] {strides = array<i32>} : memref<4x128xf32, #tpu.memory_space<vmem>>, vector<1x16xf32>,
    %get3A_2177 = vector.shape_cast %get3A_2176 : vector<1x16xf32> to vector<16xf32>
    %add3A_2178 = arith.addf %get3A_2172, %get3A_2177 : vector<16xf32>
    %swap3A_2179 = arith.constant 2 : i32
    %swap3A_2180 = arith.index_cast %swap3A_2179 : i32 to index
    %swap3A_2181 = arith.constant 64 : index
    %swap3A_2182 = tpu.vector_load %arg15[%swap3A_2180, %swap3A_2181] {strides = array<i32>} : memref<4x128xf32, #tpu.memory_space<vmem>>, vector<1x16xf32>,
    %swap3A_2183 = vector.shape_cast %swap3A_2182 : vector<1x16xf32> to vector<16xf32>
    %swap3A_2184 = vector.shape_cast %add3A_2178 : vector<16xf32> to vector<1x16xf32>
    tpu.vector_store %arg15[%swap3A_2180, %swap3A_2181], %swap3A_2184 {strides = array<i32>} : memref<4x128xf32, #tpu.memory_space<vmem>>, vector<1x16xf32>,
    %get3A_2185 = arith.constant 2 : i32
    %get3A_2186 = arith.index_cast %get3A_2185 : i32 to index
    %get3A_2187 = arith.constant 80 : index
    %get3A_2188 = tpu.vector_load %arg15[%get3A_2186, %get3A_2187] {strides = array<i32>} : memref<4x128xf32, #tpu.memory_space<vmem>>, vector<1x16xf32>,
    %get3A_2189 = vector.shape_cast %get3A_2188 : vector<1x16xf32> to vector<16xf32>
    %get3A_2190 = arith.constant 2 : i32
    %get3A_2191 = arith.index_cast %get3A_2190 : i32 to index
    %get3A_2192 = arith.constant 80 : index
    %get3A_2193 = tpu.vector_load %arg16[%get3A_2191, %get3A_2192] {strides = array<i32>} : memref<4x128xf32, #tpu.memory_space<vmem>>, vector<1x16xf32>,
    %get3A_2194 = vector.shape_cast %get3A_2193 : vector<1x16xf32> to vector<16xf32>
    %add3A_2195 = arith.addf %get3A_2189, %get3A_2194 : vector<16xf32>
    %swap3A_2196 = arith.constant 2 : i32
    %swap3A_2197 = arith.index_cast %swap3A_2196 : i32 to index
    %swap3A_2198 = arith.constant 80 : index
    %swap3A_2199 = tpu.vector_load %arg15[%swap3A_2197, %swap3A_2198] {strides = array<i32>} : memref<4x128xf32, #tpu.memory_space<vmem>>, vector<1x16xf32>,
    %swap3A_2200 = vector.shape_cast %swap3A_2199 : vector<1x16xf32> to vector<16xf32>
    %swap3A_2201 = vector.shape_cast %add3A_2195 : vector<16xf32> to vector<1x16xf32>
    tpu.vector_store %arg15[%swap3A_2197, %swap3A_2198], %swap3A_2201 {strides = array<i32>} : memref<4x128xf32, #tpu.memory_space<vmem>>, vector<1x16xf32>,
    %get3A_2202 = arith.constant 2 : i32
    %get3A_2203 = arith.index_cast %get3A_2202 : i32 to index
    %get3A_2204 = arith.constant 96 : index
    %get3A_2205 = tpu.vector_load %arg15[%get3A_2203, %get3A_2204] {strides = array<i32>} : memref<4x128xf32, #tpu.memory_space<vmem>>, vector<1x16xf32>,
    %get3A_2206 = vector.shape_cast %get3A_2205 : vector<1x16xf32> to vector<16xf32>
    %get3A_2207 = arith.constant 2 : i32
    %get3A_2208 = arith.index_cast %get3A_2207 : i32 to index
    %get3A_2209 = arith.constant 96 : index
    %get3A_2210 = tpu.vector_load %arg16[%get3A_2208, %get3A_2209] {strides = array<i32>} : memref<4x128xf32, #tpu.memory_space<vmem>>, vector<1x16xf32>,
    %get3A_2211 = vector.shape_cast %get3A_2210 : vector<1x16xf32> to vector<16xf32>
    %add3A_2212 = arith.addf %get3A_2206, %get3A_2211 : vector<16xf32>
    %swap3A_2213 = arith.constant 2 : i32
    %swap3A_2214 = arith.index_cast %swap3A_2213 : i32 to index
    %swap3A_2215 = arith.constant 96 : index
    %swap3A_2216 = tpu.vector_load %arg15[%swap3A_2214, %swap3A_2215] {strides = array<i32>} : memref<4x128xf32, #tpu.memory_space<vmem>>, vector<1x16xf32>,
    %swap3A_2217 = vector.shape_cast %swap3A_2216 : vector<1x16xf32> to vector<16xf32>
    %swap3A_2218 = vector.shape_cast %add3A_2212 : vector<16xf32> to vector<1x16xf32>
    tpu.vector_store %arg15[%swap3A_2214, %swap3A_2215], %swap3A_2218 {strides = array<i32>} : memref<4x128xf32, #tpu.memory_space<vmem>>, vector<1x16xf32>,
    %get3A_2219 = arith.constant 2 : i32
    %get3A_2220 = arith.index_cast %get3A_2219 : i32 to index
    %get3A_2221 = arith.constant 112 : index
    %get3A_2222 = tpu.vector_load %arg15[%get3A_2220, %get3A_2221] {strides = array<i32>} : memref<4x128xf32, #tpu.memory_space<vmem>>, vector<1x16xf32>,
    %get3A_2223 = vector.shape_cast %get3A_2222 : vector<1x16xf32> to vector<16xf32>
    %get3A_2224 = arith.constant 2 : i32
    %get3A_2225 = arith.index_cast %get3A_2224 : i32 to index
    %get3A_2226 = arith.constant 112 : index
    %get3A_2227 = tpu.vector_load %arg16[%get3A_2225, %get3A_2226] {strides = array<i32>} : memref<4x128xf32, #tpu.memory_space<vmem>>, vector<1x16xf32>,
    %get3A_2228 = vector.shape_cast %get3A_2227 : vector<1x16xf32> to vector<16xf32>
    %add3A_2229 = arith.addf %get3A_2223, %get3A_2228 : vector<16xf32>
    %swap3A_2230 = arith.constant 2 : i32
    %swap3A_2231 = arith.index_cast %swap3A_2230 : i32 to index
    %swap3A_2232 = arith.constant 112 : index
    %swap3A_2233 = tpu.vector_load %arg15[%swap3A_2231, %swap3A_2232] {strides = array<i32>} : memref<4x128xf32, #tpu.memory_space<vmem>>, vector<1x16xf32>,
    %swap3A_2234 = vector.shape_cast %swap3A_2233 : vector<1x16xf32> to vector<16xf32>
    %swap3A_2235 = vector.shape_cast %add3A_2229 : vector<16xf32> to vector<1x16xf32>
    tpu.vector_store %arg15[%swap3A_2231, %swap3A_2232], %swap3A_2235 {strides = array<i32>} : memref<4x128xf32, #tpu.memory_space<vmem>>, vector<1x16xf32>,
    %get3A_2236 = arith.constant 3 : i32
    %get3A_2237 = arith.index_cast %get3A_2236 : i32 to index
    %get3A_2238 = arith.constant 0 : index
    %get3A_2239 = tpu.vector_load %arg15[%get3A_2237, %get3A_2238] {strides = array<i32>} : memref<4x128xf32, #tpu.memory_space<vmem>>, vector<1x16xf32>,
    %get3A_2240 = vector.shape_cast %get3A_2239 : vector<1x16xf32> to vector<16xf32>
    %get3A_2241 = arith.constant 3 : i32
    %get3A_2242 = arith.index_cast %get3A_2241 : i32 to index
    %get3A_2243 = arith.constant 0 : index
    %get3A_2244 = tpu.vector_load %arg16[%get3A_2242, %get3A_2243] {strides = array<i32>} : memref<4x128xf32, #tpu.memory_space<vmem>>, vector<1x16xf32>,
    %get3A_2245 = vector.shape_cast %get3A_2244 : vector<1x16xf32> to vector<16xf32>
    %add3A_2246 = arith.addf %get3A_2240, %get3A_2245 : vector<16xf32>
    %swap3A_2247 = arith.constant 3 : i32
    %swap3A_2248 = arith.index_cast %swap3A_2247 : i32 to index
    %swap3A_2249 = arith.constant 0 : index
    %swap3A_2250 = tpu.vector_load %arg15[%swap3A_2248, %swap3A_2249] {strides = array<i32>} : memref<4x128xf32, #tpu.memory_space<vmem>>, vector<1x16xf32>,
    %swap3A_2251 = vector.shape_cast %swap3A_2250 : vector<1x16xf32> to vector<16xf32>
    %swap3A_2252 = vector.shape_cast %add3A_2246 : vector<16xf32> to vector<1x16xf32>
    tpu.vector_store %arg15[%swap3A_2248, %swap3A_2249], %swap3A_2252 {strides = array<i32>} : memref<4x128xf32, #tpu.memory_space<vmem>>, vector<1x16xf32>,
    %get3A_2253 = arith.constant 3 : i32
    %get3A_2254 = arith.index_cast %get3A_2253 : i32 to index
    %get3A_2255 = arith.constant 16 : index
    %get3A_2256 = tpu.vector_load %arg15[%get3A_2254, %get3A_2255] {strides = array<i32>} : memref<4x128xf32, #tpu.memory_space<vmem>>, vector<1x16xf32>,
    %get3A_2257 = vector.shape_cast %get3A_2256 : vector<1x16xf32> to vector<16xf32>
    %get3A_2258 = arith.constant 3 : i32
    %get3A_2259 = arith.index_cast %get3A_2258 : i32 to index
    %get3A_2260 = arith.constant 16 : index
    %get3A_2261 = tpu.vector_load %arg16[%get3A_2259, %get3A_2260] {strides = array<i32>} : memref<4x128xf32, #tpu.memory_space<vmem>>, vector<1x16xf32>,
    %get3A_2262 = vector.shape_cast %get3A_2261 : vector<1x16xf32> to vector<16xf32>
    %add3A_2263 = arith.addf %get3A_2257, %get3A_2262 : vector<16xf32>
    %swap3A_2264 = arith.constant 3 : i32
    %swap3A_2265 = arith.index_cast %swap3A_2264 : i32 to index
    %swap3A_2266 = arith.constant 16 : index
    %swap3A_2267 = tpu.vector_load %arg15[%swap3A_2265, %swap3A_2266] {strides = array<i32>} : memref<4x128xf32, #tpu.memory_space<vmem>>, vector<1x16xf32>,
    %swap3A_2268 = vector.shape_cast %swap3A_2267 : vector<1x16xf32> to vector<16xf32>
    %swap3A_2269 = vector.shape_cast %add3A_2263 : vector<16xf32> to vector<1x16xf32>
    tpu.vector_store %arg15[%swap3A_2265, %swap3A_2266], %swap3A_2269 {strides = array<i32>} : memref<4x128xf32, #tpu.memory_space<vmem>>, vector<1x16xf32>,
    %get3A_2270 = arith.constant 3 : i32
    %get3A_2271 = arith.index_cast %get3A_2270 : i32 to index
    %get3A_2272 = arith.constant 32 : index
    %get3A_2273 = tpu.vector_load %arg15[%get3A_2271, %get3A_2272] {strides = array<i32>} : memref<4x128xf32, #tpu.memory_space<vmem>>, vector<1x16xf32>,
    %get3A_2274 = vector.shape_cast %get3A_2273 : vector<1x16xf32> to vector<16xf32>
    %get3A_2275 = arith.constant 3 : i32
    %get3A_2276 = arith.index_cast %get3A_2275 : i32 to index
    %get3A_2277 = arith.constant 32 : index
    %get3A_2278 = tpu.vector_load %arg16[%get3A_2276, %get3A_2277] {strides = array<i32>} : memref<4x128xf32, #tpu.memory_space<vmem>>, vector<1x16xf32>,
    %get3A_2279 = vector.shape_cast %get3A_2278 : vector<1x16xf32> to vector<16xf32>
    %add3A_2280 = arith.addf %get3A_2274, %get3A_2279 : vector<16xf32>
    %swap3A_2281 = arith.constant 3 : i32
    %swap3A_2282 = arith.index_cast %swap3A_2281 : i32 to index
    %swap3A_2283 = arith.constant 32 : index
    %swap3A_2284 = tpu.vector_load %arg15[%swap3A_2282, %swap3A_2283] {strides = array<i32>} : memref<4x128xf32, #tpu.memory_space<vmem>>, vector<1x16xf32>,
    %swap3A_2285 = vector.shape_cast %swap3A_2284 : vector<1x16xf32> to vector<16xf32>
    %swap3A_2286 = vector.shape_cast %add3A_2280 : vector<16xf32> to vector<1x16xf32>
    tpu.vector_store %arg15[%swap3A_2282, %swap3A_2283], %swap3A_2286 {strides = array<i32>} : memref<4x128xf32, #tpu.memory_space<vmem>>, vector<1x16xf32>,
    %get3A_2287 = arith.constant 3 : i32
    %get3A_2288 = arith.index_cast %get3A_2287 : i32 to index
    %get3A_2289 = arith.constant 48 : index
    %get3A_2290 = tpu.vector_load %arg15[%get3A_2288, %get3A_2289] {strides = array<i32>} : memref<4x128xf32, #tpu.memory_space<vmem>>, vector<1x16xf32>,
    %get3A_2291 = vector.shape_cast %get3A_2290 : vector<1x16xf32> to vector<16xf32>
    %get3A_2292 = arith.constant 3 : i32
    %get3A_2293 = arith.index_cast %get3A_2292 : i32 to index
    %get3A_2294 = arith.constant 48 : index
    %get3A_2295 = tpu.vector_load %arg16[%get3A_2293, %get3A_2294] {strides = array<i32>} : memref<4x128xf32, #tpu.memory_space<vmem>>, vector<1x16xf32>,
    %get3A_2296 = vector.shape_cast %get3A_2295 : vector<1x16xf32> to vector<16xf32>
    %add3A_2297 = arith.addf %get3A_2291, %get3A_2296 : vector<16xf32>
    %swap3A_2298 = arith.constant 3 : i32
    %swap3A_2299 = arith.index_cast %swap3A_2298 : i32 to index
    %swap3A_2300 = arith.constant 48 : index
    %swap3A_2301 = tpu.vector_load %arg15[%swap3A_2299, %swap3A_2300] {strides = array<i32>} : memref<4x128xf32, #tpu.memory_space<vmem>>, vector<1x16xf32>,
    %swap3A_2302 = vector.shape_cast %swap3A_2301 : vector<1x16xf32> to vector<16xf32>
    %swap3A_2303 = vector.shape_cast %add3A_2297 : vector<16xf32> to vector<1x16xf32>
    tpu.vector_store %arg15[%swap3A_2299, %swap3A_2300], %swap3A_2303 {strides = array<i32>} : memref<4x128xf32, #tpu.memory_space<vmem>>, vector<1x16xf32>,
    %get3A_2304 = arith.constant 3 : i32
    %get3A_2305 = arith.index_cast %get3A_2304 : i32 to index
    %get3A_2306 = arith.constant 64 : index
    %get3A_2307 = tpu.vector_load %arg15[%get3A_2305, %get3A_2306] {strides = array<i32>} : memref<4x128xf32, #tpu.memory_space<vmem>>, vector<1x16xf32>,
    %get3A_2308 = vector.shape_cast %get3A_2307 : vector<1x16xf32> to vector<16xf32>
    %get3A_2309 = arith.constant 3 : i32
    %get3A_2310 = arith.index_cast %get3A_2309 : i32 to index
    %get3A_2311 = arith.constant 64 : index
    %get3A_2312 = tpu.vector_load %arg16[%get3A_2310, %get3A_2311] {strides = array<i32>} : memref<4x128xf32, #tpu.memory_space<vmem>>, vector<1x16xf32>,
    %get3A_2313 = vector.shape_cast %get3A_2312 : vector<1x16xf32> to vector<16xf32>
    %add3A_2314 = arith.addf %get3A_2308, %get3A_2313 : vector<16xf32>
    %swap3A_2315 = arith.constant 3 : i32
    %swap3A_2316 = arith.index_cast %swap3A_2315 : i32 to index
    %swap3A_2317 = arith.constant 64 : index
    %swap3A_2318 = tpu.vector_load %arg15[%swap3A_2316, %swap3A_2317] {strides = array<i32>} : memref<4x128xf32, #tpu.memory_space<vmem>>, vector<1x16xf32>,
    %swap3A_2319 = vector.shape_cast %swap3A_2318 : vector<1x16xf32> to vector<16xf32>
    %swap3A_2320 = vector.shape_cast %add3A_2314 : vector<16xf32> to vector<1x16xf32>
    tpu.vector_store %arg15[%swap3A_2316, %swap3A_2317], %swap3A_2320 {strides = array<i32>} : memref<4x128xf32, #tpu.memory_space<vmem>>, vector<1x16xf32>,
    %get3A_2321 = arith.constant 3 : i32
    %get3A_2322 = arith.index_cast %get3A_2321 : i32 to index
    %get3A_2323 = arith.constant 80 : index
    %get3A_2324 = tpu.vector_load %arg15[%get3A_2322, %get3A_2323] {strides = array<i32>} : memref<4x128xf32, #tpu.memory_space<vmem>>, vector<1x16xf32>,
    %get3A_2325 = vector.shape_cast %get3A_2324 : vector<1x16xf32> to vector<16xf32>
    %get3A_2326 = arith.constant 3 : i32
    %get3A_2327 = arith.index_cast %get3A_2326 : i32 to index
    %get3A_2328 = arith.constant 80 : index
    %get3A_2329 = tpu.vector_load %arg16[%get3A_2327, %get3A_2328] {strides = array<i32>} : memref<4x128xf32, #tpu.memory_space<vmem>>, vector<1x16xf32>,
    %get3A_2330 = vector.shape_cast %get3A_2329 : vector<1x16xf32> to vector<16xf32>
    %add3A_2331 = arith.addf %get3A_2325, %get3A_2330 : vector<16xf32>
    %swap3A_2332 = arith.constant 3 : i32
    %swap3A_2333 = arith.index_cast %swap3A_2332 : i32 to index
    %swap3A_2334 = arith.constant 80 : index
    %swap3A_2335 = tpu.vector_load %arg15[%swap3A_2333, %swap3A_2334] {strides = array<i32>} : memref<4x128xf32, #tpu.memory_space<vmem>>, vector<1x16xf32>,
    %swap3A_2336 = vector.shape_cast %swap3A_2335 : vector<1x16xf32> to vector<16xf32>
    %swap3A_2337 = vector.shape_cast %add3A_2331 : vector<16xf32> to vector<1x16xf32>
    tpu.vector_store %arg15[%swap3A_2333, %swap3A_2334], %swap3A_2337 {strides = array<i32>} : memref<4x128xf32, #tpu.memory_space<vmem>>, vector<1x16xf32>,
    %get3A_2338 = arith.constant 3 : i32
    %get3A_2339 = arith.index_cast %get3A_2338 : i32 to index
    %get3A_2340 = arith.constant 96 : index
    %get3A_2341 = tpu.vector_load %arg15[%get3A_2339, %get3A_2340] {strides = array<i32>} : memref<4x128xf32, #tpu.memory_space<vmem>>, vector<1x16xf32>,
    %get3A_2342 = vector.shape_cast %get3A_2341 : vector<1x16xf32> to vector<16xf32>
    %get3A_2343 = arith.constant 3 : i32
    %get3A_2344 = arith.index_cast %get3A_2343 : i32 to index
    %get3A_2345 = arith.constant 96 : index
    %get3A_2346 = tpu.vector_load %arg16[%get3A_2344, %get3A_2345] {strides = array<i32>} : memref<4x128xf32, #tpu.memory_space<vmem>>, vector<1x16xf32>,
    %get3A_2347 = vector.shape_cast %get3A_2346 : vector<1x16xf32> to vector<16xf32>
    %add3A_2348 = arith.addf %get3A_2342, %get3A_2347 : vector<16xf32>
    %swap3A_2349 = arith.constant 3 : i32
    %swap3A_2350 = arith.index_cast %swap3A_2349 : i32 to index
    %swap3A_2351 = arith.constant 96 : index
    %swap3A_2352 = tpu.vector_load %arg15[%swap3A_2350, %swap3A_2351] {strides = array<i32>} : memref<4x128xf32, #tpu.memory_space<vmem>>, vector<1x16xf32>,
    %swap3A_2353 = vector.shape_cast %swap3A_2352 : vector<1x16xf32> to vector<16xf32>
    %swap3A_2354 = vector.shape_cast %add3A_2348 : vector<16xf32> to vector<1x16xf32>
    tpu.vector_store %arg15[%swap3A_2350, %swap3A_2351], %swap3A_2354 {strides = array<i32>} : memref<4x128xf32, #tpu.memory_space<vmem>>, vector<1x16xf32>,
    %get3A_2355 = arith.constant 3 : i32
    %get3A_2356 = arith.index_cast %get3A_2355 : i32 to index
    %get3A_2357 = arith.constant 112 : index
    %get3A_2358 = tpu.vector_load %arg15[%get3A_2356, %get3A_2357] {strides = array<i32>} : memref<4x128xf32, #tpu.memory_space<vmem>>, vector<1x16xf32>,
    %get3A_2359 = vector.shape_cast %get3A_2358 : vector<1x16xf32> to vector<16xf32>
    %get3A_2360 = arith.constant 3 : i32
    %get3A_2361 = arith.index_cast %get3A_2360 : i32 to index
    %get3A_2362 = arith.constant 112 : index
    %get3A_2363 = tpu.vector_load %arg16[%get3A_2361, %get3A_2362] {strides = array<i32>} : memref<4x128xf32, #tpu.memory_space<vmem>>, vector<1x16xf32>,
    %get3A_2364 = vector.shape_cast %get3A_2363 : vector<1x16xf32> to vector<16xf32>
    %add3A_2365 = arith.addf %get3A_2359, %get3A_2364 : vector<16xf32>
    %swap3A_2366 = arith.constant 3 : i32
    %swap3A_2367 = arith.index_cast %swap3A_2366 : i32 to index
    %swap3A_2368 = arith.constant 112 : index
    %swap3A_2369 = tpu.vector_load %arg15[%swap3A_2367, %swap3A_2368] {strides = array<i32>} : memref<4x128xf32, #tpu.memory_space<vmem>>, vector<1x16xf32>,
    %swap3A_2370 = vector.shape_cast %swap3A_2369 : vector<1x16xf32> to vector<16xf32>
    %swap3A_2371 = vector.shape_cast %add3A_2365 : vector<16xf32> to vector<1x16xf32>
    tpu.vector_store %arg15[%swap3A_2367, %swap3A_2368], %swap3A_2371 {strides = array<i32>} : memref<4x128xf32, #tpu.memory_space<vmem>>, vector<1x16xf32>,
    "tpu.region"() ({
      %run_scoped3A_2379 = tpu.sem_alloc : memref<!tpu.dma_semaphore, #tpu.memory_space<semaphore_mem>>
      %dma_start3A_2380 = arith.constant 0 : i32
      %dma_start3A_2381 = tpu.memref_slice %arg8[%mul3A_2, %dma_start3A_2380] : memref<128x128xf32, #tpu.memory_space<hbm>> -> memref<4x128xf32, #tpu.memory_space<hbm>>
      %dma_start3A_2382 = arith.constant 0 : i32
      %dma_start3A_2383 = tpu.memref_slice %arg8[%mul3A_2, %dma_start3A_2382] : memref<128x128xf32, #tpu.memory_space<hbm>> -> memref<4x128xf32, #tpu.memory_space<hbm>>
      tpu.enqueue_dma source(%arg15 : memref<4x128xf32, #tpu.memory_space<vmem>>) target(%dma_start3A_2383 : memref<4x128xf32, #tpu.memory_space<hbm>>) target_semaphore(%run_scoped3A_2379 : memref<!tpu.dma_semaphore, #tpu.memory_space<semaphore_mem>>)
      %dma_wait3A_2384 = arith.constant 0 : i32
      %dma_wait3A_2385 = tpu.memref_slice %arg8[%mul3A_2, %dma_wait3A_2384] : memref<128x128xf32, #tpu.memory_space<hbm>> -> memref<4x128xf32, #tpu.memory_space<hbm>>
      %dma_wait3A_2386 = arith.constant 0 : i32
      %dma_wait3A_2387 = tpu.memref_slice %arg8[%mul3A_2, %dma_wait3A_2386] : memref<128x128xf32, #tpu.memory_space<hbm>> -> memref<4x128xf32, #tpu.memory_space<hbm>>
      tpu.wait_dma2 semaphore(%run_scoped3A_2379 : memref<!tpu.dma_semaphore, #tpu.memory_space<semaphore_mem>>) src(%arg15 : memref<4x128xf32, #tpu.memory_space<vmem>>) dst(%dma_wait3A_2387 : memref<4x128xf32, #tpu.memory_space<hbm>>)
      tpu.yield
    }) : () -> ()
    %add3A_2372 = arith.addf %scan3A_1746#0, %scan3A_1746#1 : vector<16xf32>
    %add3A_2373 = arith.addf %scan3A_1746#2, %scan3A_1746#3 : vector<16xf32>
    %add3A_2374 = arith.addf %add3A_2372, %add3A_2373 : vector<16xf32>
    %swap3A_2375 = arith.constant 0 : index
    %swap3A_2376 = tpu.vector_load %arg17[%swap3A_2375] {strides = array<i32>} : memref<16xf32, #tpu.memory_space<vmem>>, vector<16xf32>,
    %swap3A_2377 = vector.shape_cast %swap3A_2376 : vector<16xf32> to vector<16xf32>
    %swap3A_2378 = vector.shape_cast %add3A_2374 : vector<16xf32> to vector<16xf32>
    tpu.vector_store %arg17[%swap3A_2375], %swap3A_2378 {strides = array<i32>} : memref<16xf32, #tpu.memory_space<vmem>>, vector<16xf32>,
    "tpu.region"() ({
      %run_scoped3A_2379 = tpu.sem_alloc : memref<!tpu.dma_semaphore, #tpu.memory_space<semaphore_mem>>
      %dma_start3A_2380 = arith.constant 0 : i32
      %dma_start3A_2381 = tpu.memref_slice %arg7[%add3A, %dma_start3A_2380] : memref<32x16xf32, #tpu.memory_space<hbm>> -> memref<1x16xf32, #tpu.memory_space<hbm>>
      %dma_start3A_2382 = tpu.memref_squeeze %dma_start3A_2381 : memref<1x16xf32, #tpu.memory_space<hbm>> -> memref<16xf32, #tpu.memory_space<hbm>>
      %dma_start3A_2383 = arith.constant 0 : i32
      %dma_start3A_2384 = tpu.memref_slice %arg7[%add3A, %dma_start3A_2383] : memref<32x16xf32, #tpu.memory_space<hbm>> -> memref<1x16xf32, #tpu.memory_space<hbm>>
      %dma_start3A_2385 = tpu.memref_squeeze %dma_start3A_2384 : memref<1x16xf32, #tpu.memory_space<hbm>> -> memref<16xf32, #tpu.memory_space<hbm>>
      tpu.enqueue_dma source(%arg17 : memref<16xf32, #tpu.memory_space<vmem>>) target(%dma_start3A_2385 : memref<16xf32, #tpu.memory_space<hbm>>) target_semaphore(%run_scoped3A_2379 : memref<!tpu.dma_semaphore, #tpu.memory_space<semaphore_mem>>)
      %dma_wait3A_2386 = arith.constant 0 : i32
      %dma_wait3A_2387 = tpu.memref_slice %arg7[%add3A, %dma_wait3A_2386] : memref<32x16xf32, #tpu.memory_space<hbm>> -> memref<1x16xf32, #tpu.memory_space<hbm>>
      %dma_wait3A_2388 = tpu.memref_squeeze %dma_wait3A_2387 : memref<1x16xf32, #tpu.memory_space<hbm>> -> memref<16xf32, #tpu.memory_space<hbm>>
      %dma_wait3A_2389 = arith.constant 0 : i32
      %dma_wait3A_2390 = tpu.memref_slice %arg7[%add3A, %dma_wait3A_2389] : memref<32x16xf32, #tpu.memory_space<hbm>> -> memref<1x16xf32, #tpu.memory_space<hbm>>
      %dma_wait3A_2391 = tpu.memref_squeeze %dma_wait3A_2390 : memref<1x16xf32, #tpu.memory_space<hbm>> -> memref<16xf32, #tpu.memory_space<hbm>>
      tpu.wait_dma2 semaphore(%run_scoped3A_2379 : memref<!tpu.dma_semaphore, #tpu.memory_space<semaphore_mem>>) src(%arg17 : memref<16xf32, #tpu.memory_space<vmem>>) dst(%dma_wait3A_2391 : memref<16xf32, #tpu.memory_space<hbm>>)
      tpu.yield
    }) : () -> ()
    return
  }
}

module attributes {stable_mosaic.version = 14 : i64} {
  func.func @_tc_finish(%arg0: memref<32x16xf32, #tpu.memory_space<vmem>>, %arg1: memref<128x128xf32, #tpu.memory_space<vmem>>, %arg2: memref<128x128xf32, #tpu.memory_space<vmem>>) attributes {dimension_semantics = [], scalar_prefetch = 0 : i64, scratch_operands = 0 : i64, tpu.core_type = #tpu.core_type<tc>} {
    %get3A = arith.constant 0 : index
    %get3A_0 = arith.constant 0 : index
    %get3A_1 = vector.load %arg0[%get3A, %get3A_0] : memref<32x16xf32, #tpu.memory_space<vmem>>, vector<32x16xf32>
    %reduce_sum3A = vector.shape_cast %get3A_1 : vector<32x16xf32> to vector<1x32x16xf32>
    %reduce_sum3A_2 = arith.constant dense<0.000000e+00> : vector<1xf32>
    %reduce_sum3A_3 = vector.multi_reduction <add>, %reduce_sum3A, %reduce_sum3A_2 [1, 2] : vector<1x32x16xf32> to vector<1xf32>
    %reduce_sum3A_4 = vector.shape_cast %reduce_sum3A_3 : vector<1xf32> to vector<1x1x1xf32>
    %reduce_sum3A_5 = vector.extract %reduce_sum3A_4[0, 0, 0] : f32 from vector<1x1x1xf32>
    %get3A_6 = arith.constant 0 : index
    %get3A_7 = arith.constant 0 : index
    %get3A_8 = vector.load %arg1[%get3A_6, %get3A_7] : memref<128x128xf32, #tpu.memory_space<vmem>>, vector<128x128xf32>
    %add3A = vector.broadcast %reduce_sum3A_5 : f32 to vector<128x128xf32>
    %add3A_9 = arith.addf %get3A_8, %add3A : vector<128x128xf32>
    %logistic3A = arith.negf %add3A_9 : vector<128x128xf32>
    %logistic3A_10 = math.exp %logistic3A : vector<128x128xf32>
    %logistic3A_11 = arith.constant 1.000000e+00 : f32
    %logistic3A_12 = vector.broadcast %logistic3A_11 : f32 to vector<128x128xf32>
    %logistic3A_13 = arith.addf %logistic3A_12, %logistic3A_10 : vector<128x128xf32>
    %logistic3A_14 = arith.divf %logistic3A_12, %logistic3A_13 : vector<128x128xf32>
    %swap3A = arith.constant 0 : index
    %swap3A_15 = arith.constant 0 : index
    %swap3A_16 = vector.load %arg2[%swap3A, %swap3A_15] : memref<128x128xf32, #tpu.memory_space<vmem>>, vector<128x128xf32>
    tpu.vector_store %arg2[%swap3A, %swap3A_15], %logistic3A_14 {strides = array<i32>} : memref<128x128xf32, #tpu.memory_space<vmem>>, vector<128x128xf32>,
    return
  }
}

module attributes {stable_mosaic.version = 14 : i64} {
  func.func @_pack_body(%arg0: i32, %arg1: memref<64x2944xf32, #tpu.memory_space<vmem>>, %arg2: memref<64x2944xf32, #tpu.memory_space<vmem>>, %arg3: memref<64x2944xf32, #tpu.memory_space<vmem>>, %arg4: memref<64x2944xf32, #tpu.memory_space<vmem>>, %arg5: memref<2944x128xf32, #tpu.memory_space<vmem>>, %arg6: memref<2944x128xf32, #tpu.memory_space<vmem>>) attributes {dimension_semantics = [#tpu.dimension_semantics<arbitrary>], iteration_bounds = array<i64: 17>, scalar_prefetch = 0 : i64, scratch_operands = 0 : i64, tpu.core_type = #tpu.core_type<tc>, window_params = [{transform_indices = @transform_0, window_bounds = array<i64: 64, 2944>}, {transform_indices = @transform_1, window_bounds = array<i64: 64, 2944>}, {transform_indices = @transform_2, window_bounds = array<i64: 64, 2944>}, {transform_indices = @transform_3, window_bounds = array<i64: 64, 2944>}, {transform_indices = @transform_4, window_bounds = array<i64: 2944, 128>}, {transform_indices = @transform_5, window_bounds = array<i64: 2944, 128>}]} {
    %iota3A = tpu.iota {dimensions = array<i32: 0>} : vector<128x128xi32>
    %iota3A_0 = tpu.iota {dimensions = array<i32: 1>} : vector<128x128xi32>
    %eq3A = arith.cmpi eq, %iota3A, %iota3A_0 : vector<128x128xi32>
    %convert_element_type3A = arith.extui %eq3A : vector<128x128xi1> to vector<128x128xi32>
    %convert_element_type3A_1 = arith.sitofp %convert_element_type3A : vector<128x128xi32> to vector<128x128xf32>
    %convert_element_type3A_2 = arith.truncf %convert_element_type3A_1 : vector<128x128xf32> to vector<128x128xbf16>
    %get3A = arith.constant 0 : index
    %get3A_3 = arith.constant 0 : index
    %get3A_4 = vector.load %arg1[%get3A, %get3A_3] : memref<64x2944xf32, #tpu.memory_space<vmem>>, vector<64x2944xf32>
    %get3A_5 = arith.constant 0 : index
    %get3A_6 = arith.constant 0 : index
    %get3A_7 = vector.load %arg2[%get3A_5, %get3A_6] : memref<64x2944xf32, #tpu.memory_space<vmem>>, vector<64x2944xf32>
    %concatenate3A = tpu.concatenate %get3A_4, %get3A_7 in 0 : vector<64x2944xf32>, vector<64x2944xf32> -> vector<128x2944xf32>
    %convert_element_type3A_8 = arith.truncf %concatenate3A : vector<128x2944xf32> to vector<128x2944xbf16>
    %convert_element_type3A_9 = arith.extf %convert_element_type3A_8 : vector<128x2944xbf16> to vector<128x2944xf32>
    %sub3A = arith.subf %concatenate3A, %convert_element_type3A_9 : vector<128x2944xf32>
    %convert_element_type3A_10 = arith.truncf %sub3A : vector<128x2944xf32> to vector<128x2944xbf16>
    %convert_element_type3A_11 = arith.extf %convert_element_type3A_10 : vector<128x2944xbf16> to vector<128x2944xf32>
    %sub3A_12 = arith.subf %sub3A, %convert_element_type3A_11 : vector<128x2944xf32>
    %convert_element_type3A_13 = arith.truncf %sub3A_12 : vector<128x2944xf32> to vector<128x2944xbf16>
    %dot_general3A = arith.constant dense<0.000000e+00> : vector<2944x128xf32>
    %dot_general3A_14 = tpu.matmul %convert_element_type3A_8, %convert_element_type3A_2, %dot_general3A {dimension_numbers = #tpu.dot_dimension_numbers<[0], [0], [1], [1], [0, 1, 1, 1], [], []>, transpose_lhs_hint = false} : vector<128x2944xbf16>, vector<128x128xbf16>, vector<2944x128xf32> -> vector<2944x128xf32>
    %dot_general3A_15 = arith.constant dense<0.000000e+00> : vector<2944x128xf32>
    %dot_general3A_16 = tpu.matmul %convert_element_type3A_10, %convert_element_type3A_2, %dot_general3A_15 {dimension_numbers = #tpu.dot_dimension_numbers<[0], [0], [1], [1], [0, 1, 1, 1], [], []>, transpose_lhs_hint = false} : vector<128x2944xbf16>, vector<128x128xbf16>, vector<2944x128xf32> -> vector<2944x128xf32>
    %dot_general3A_17 = arith.constant dense<0.000000e+00> : vector<2944x128xf32>
    %dot_general3A_18 = tpu.matmul %convert_element_type3A_13, %convert_element_type3A_2, %dot_general3A_17 {dimension_numbers = #tpu.dot_dimension_numbers<[0], [0], [1], [1], [0, 1, 1, 1], [], []>, transpose_lhs_hint = false} : vector<128x2944xbf16>, vector<128x128xbf16>, vector<2944x128xf32> -> vector<2944x128xf32>
    %add3A = arith.addf %dot_general3A_14, %dot_general3A_16 : vector<2944x128xf32>
    %add3A_19 = arith.addf %add3A, %dot_general3A_18 : vector<2944x128xf32>
    %swap3A = arith.constant 0 : index
    %swap3A_20 = arith.constant 0 : index
    %swap3A_21 = vector.load %arg5[%swap3A, %swap3A_20] : memref<2944x128xf32, #tpu.memory_space<vmem>>, vector<2944x128xf32>
    tpu.vector_store %arg5[%swap3A, %swap3A_20], %add3A_19 {strides = array<i32>} : memref<2944x128xf32, #tpu.memory_space<vmem>>, vector<2944x128xf32>,
    %get3A_22 = arith.constant 0 : index
    %get3A_23 = arith.constant 0 : index
    %get3A_24 = vector.load %arg3[%get3A_22, %get3A_23] : memref<64x2944xf32, #tpu.memory_space<vmem>>, vector<64x2944xf32>
    %get3A_25 = arith.constant 0 : index
    %get3A_26 = arith.constant 0 : index
    %get3A_27 = vector.load %arg4[%get3A_25, %get3A_26] : memref<64x2944xf32, #tpu.memory_space<vmem>>, vector<64x2944xf32>
    %concatenate3A_28 = tpu.concatenate %get3A_24, %get3A_27 in 0 : vector<64x2944xf32>, vector<64x2944xf32> -> vector<128x2944xf32>
    %convert_element_type3A_29 = arith.truncf %concatenate3A_28 : vector<128x2944xf32> to vector<128x2944xbf16>
    %convert_element_type3A_30 = arith.extf %convert_element_type3A_29 : vector<128x2944xbf16> to vector<128x2944xf32>
    %sub3A_31 = arith.subf %concatenate3A_28, %convert_element_type3A_30 : vector<128x2944xf32>
    %convert_element_type3A_32 = arith.truncf %sub3A_31 : vector<128x2944xf32> to vector<128x2944xbf16>
    %convert_element_type3A_33 = arith.extf %convert_element_type3A_32 : vector<128x2944xbf16> to vector<128x2944xf32>
    %sub3A_34 = arith.subf %sub3A_31, %convert_element_type3A_33 : vector<128x2944xf32>
    %convert_element_type3A_35 = arith.truncf %sub3A_34 : vector<128x2944xf32> to vector<128x2944xbf16>
    %dot_general3A_36 = arith.constant dense<0.000000e+00> : vector<2944x128xf32>
    %dot_general3A_37 = tpu.matmul %convert_element_type3A_29, %convert_element_type3A_2, %dot_general3A_36 {dimension_numbers = #tpu.dot_dimension_numbers<[0], [0], [1], [1], [0, 1, 1, 1], [], []>, transpose_lhs_hint = false} : vector<128x2944xbf16>, vector<128x128xbf16>, vector<2944x128xf32> -> vector<2944x128xf32>
    %dot_general3A_38 = arith.constant dense<0.000000e+00> : vector<2944x128xf32>
    %dot_general3A_39 = tpu.matmul %convert_element_type3A_32, %convert_element_type3A_2, %dot_general3A_38 {dimension_numbers = #tpu.dot_dimension_numbers<[0], [0], [1], [1], [0, 1, 1, 1], [], []>, transpose_lhs_hint = false} : vector<128x2944xbf16>, vector<128x128xbf16>, vector<2944x128xf32> -> vector<2944x128xf32>
    %dot_general3A_40 = arith.constant dense<0.000000e+00> : vector<2944x128xf32>
    %dot_general3A_41 = tpu.matmul %convert_element_type3A_35, %convert_element_type3A_2, %dot_general3A_40 {dimension_numbers = #tpu.dot_dimension_numbers<[0], [0], [1], [1], [0, 1, 1, 1], [], []>, transpose_lhs_hint = false} : vector<128x2944xbf16>, vector<128x128xbf16>, vector<2944x128xf32> -> vector<2944x128xf32>
    %add3A_42 = arith.addf %dot_general3A_37, %dot_general3A_39 : vector<2944x128xf32>
    %add3A_43 = arith.addf %add3A_42, %dot_general3A_41 : vector<2944x128xf32>
    %swap3A_44 = arith.constant 0 : index
    %swap3A_45 = arith.constant 0 : index
    %swap3A_46 = vector.load %arg6[%swap3A_44, %swap3A_45] : memref<2944x128xf32, #tpu.memory_space<vmem>>, vector<2944x128xf32>
    tpu.vector_store %arg6[%swap3A_44, %swap3A_45], %add3A_43 {strides = array<i32>} : memref<2944x128xf32, #tpu.memory_space<vmem>>, vector<2944x128xf32>,
    return
  }
  func.func @transform_0(%arg0: i32) -> (i32, i32) {
    %c0_i32 = arith.constant 0 : i32
    %c0_i32_0 = arith.constant 0 : i32
    return %c0_i32, %arg0 : i32, i32
  }
  func.func @transform_1(%arg0: i32) -> (i32, i32) {
    %add3A = arith.constant 17 : i32
    %add3A_0 = arith.addi %arg0, %add3A : i32
    %c0_i32 = arith.constant 0 : i32
    %c0_i32_1 = arith.constant 0 : i32
    return %c0_i32, %add3A_0 : i32, i32
  }
  func.func @transform_2(%arg0: i32) -> (i32, i32) {
    %c0_i32 = arith.constant 0 : i32
    %c0_i32_0 = arith.constant 0 : i32
    return %c0_i32, %arg0 : i32, i32
  }
  func.func @transform_3(%arg0: i32) -> (i32, i32) {
    %add3A = arith.constant 17 : i32
    %add3A_0 = arith.addi %arg0, %add3A : i32
    %c0_i32 = arith.constant 0 : i32
    %c0_i32_1 = arith.constant 0 : i32
    return %c0_i32, %add3A_0 : i32, i32
  }
  func.func @transform_4(%arg0: i32) -> (i32, i32) {
    %c0_i32 = arith.constant 0 : i32
    %c0_i32_0 = arith.constant 0 : i32
    return %arg0, %c0_i32 : i32, i32
  }
  func.func @transform_5(%arg0: i32) -> (i32, i32) {
    %c0_i32 = arith.constant 0 : i32
    %c0_i32_0 = arith.constant 0 : i32
    return %arg0, %c0_i32 : i32, i32
  }
}

</mosaic_0001>

<sc_bundles>
// kernel: kernel.5.cloned.1.call-start
scs
__scs_entry_jumppad:
0x0: {  	(pc) =	sbr.rel $0x88, $3  }
0x1: {  	(tag) =	ssettag $0x0;
	lr =	simm.s32 $0x1  }
0x2: {  	[smem:$0x3F9C] =	sst lr;
	_ =	strace $0xD0000000  }
0x3: {  	_ = 	snop  }
0x4: {  	_ = 	snop  }
0x5: {  	_ = 	snop  }
0x6: {  	_ = 	snop  }
0x7: {  	_ = 	snop  }
__scs_overlays_trampoline_lowered:
0x8: {  	[smem:$0x3FAB] =	sst s0  }
0x9: {  	[smem:$0x3FAC] =	sst s1  }
0xa: {  	[smem:$0x3FAD] =	sst s2  }
0xb: {  	[smem:$0x3FAE] =	sst s3  }
0xc: {  	[smem:$0x3FAF] =	sst s4  }
0xd: {  	[smem:$0x3FB0] =	sst s5  }
0xe: {  	[smem:$0x3FB1] =	sst s6  }
0xf: {  	[smem:$0x3FB2] =	sst s7  }
0x10: {  	[smem:$0x3FB3] =	sst s8  }
0x11: {  	[smem:$0x3FB4] =	sst s9;
	s0 =	simm.s32 @!p0 $0x0  }
0x12: {  	s1 =	sld [smem:$0x3F9A];
	s0 =	simm.s32 @p0 $0x1  }
0x13: {  	[smem:$0x3FB5] =	sst s0;
	s0 =	simm.s32 @!p1 $0x0  }
0x14: {  	s2 =	sld [smem:$0x3F99];
	s0 =	simm.s32 @p1 $0x1  }
0x15: {  	[smem:$0x3FB6] =	sst s0;
	s0 =	simm.s32 @!p2 $0x0  }
0x16: {  	s3 =	sld [smem:$0x3FDB];
	s0 =	simm.s32 @p2 $0x1  }
0x17: {  	s4 =	simm.s32 $0x1BF5;
	[smem:$0x3FB8] =	sst s0  }
0x18: {  	s0 =	sld [smem:$0x3F9B];
	_ =	swait.ge [sflag:s4], $0x0  }
0x19: {  	s7 =	sld [smem:$0x3F9C]  }
0x1a: {  	s8 =	sadd.s32 $0xFFFFE003, lr  }
0x1b: {  	s9 =	sadd.s32 $0xFFFFFEF7, lr;
	s5 =	simm.s32 $0xFFFFFFFF;
	p2 =	slt.u32 s8, $0xFFFFF086  }
0x1c: {  	p1 =	slt.u32 s9, $0xF7A;
	s5 =	simm.s32 @!p2 $0x0  }
0x1d: {  	s5 =	simm.s32 @p1 $0x1;
	p0 =	seq.s32 s7, s2  }
0x1e: {  	s7 =	smul.u32 @!p0 $0xF7A, s2;
	p2 =	seq.s32 @!p0 s5, $0x0  }
0x1f: {  	s9 =	smul.u32 $0xF7A, s1;
	s8 =	simm.s32 @!p0 $0x1BF5;
	p2 =	por !p2, p0  }
0x20: {  	[sflag:s8] =	ssyncset.s32 @!p0 $0xFFFFF086;
	s6 =	sadd.s32 @!p0 s3, s7;
	s7 =	simm.s32 @!p0 $0x108  }
0x21: {  	s3 =	sadd.s32 s3, s9;
	s6 =	sadd.s32 @!p0 $0x88, s6;
	s7 =	simm.s32 @p2 $0x1082  }
0x22: {  	[simem:s7], [sflag:s8] =	dma.local @!p0 [hbm:s6], $0xF7A  }
0x23: {  	s9 =	sor.u32 $0xD0000000, s2;
	s6 =	simm.s32 $0x108;
	_ =	swait.ge @!p0 [sflag:s8], $0x0  }
0x24: {  	s3 =	sadd.s32 $0x88, s3;
	s6 =	simm.s32 @!p1 $0x1082;
	[sflag:s4] =	ssyncset.s32 $0xFFFFF086  }
0x25: {  	[simem:s6], [sflag:s4] =	dma.local [hbm:s3], $0xF7A  }
0x26: {  	[smem:$0x3F9C] =	sst s1;
	(tag) =	ssettag s2;
	_ =	strace s9  }
0x27: {  	s1 =	sld [smem:$0x3FAC]  }
0x28: {  	s2 =	sld [smem:$0x3FAD]  }
0x29: {  	s4 =	sld [smem:$0x3FAF]  }
0x2a: {  	p0 =	seq.s32 s5, $0x0;
	s5 =	sld [smem:$0x3FB0]  }
0x2b: {  	s6 =	sld [smem:$0x3FB1]  }
0x2c: {  	s7 =	sld [smem:$0x3FB2]  }
0x2d: {  	s3 =	simm.s32 $0x108;
	s8 =	sld [smem:$0x3FB3]  }
0x2e: {  	s3 =	simm.s32 @!p0 $0x1082;
	s9 =	sld [smem:$0x3FB4]  }
0x2f: {  	lr =	sadd.s32 s0, s3;
	s0 =	sld [smem:$0x3FAB]  }
0x30: {  	s3 =	sld [smem:$0x3FAE]  }
0x31: {  	[smem:$0x3FB7] =	sst s10  }
0x32: {  	s10 =	sld [smem:$0x3FB5];
	_ =	sdelay $0x3  }
0x33: {  	p0 =	seq.s32 s10, $0x1;
	s10 =	sld [smem:$0x3FB7];
	_ =	sdelay $0x3  }
0x34: {  	[smem:$0x3FB7] =	sst s10  }
0x35: {  	s10 =	sld [smem:$0x3FB6];
	_ =	sdelay $0x3  }
0x36: {  	p1 =	seq.s32 s10, $0x1;
	s10 =	sld [smem:$0x3FB7];
	_ =	sdelay $0x3  }
0x37: {  	[smem:$0x3FB7] =	sst s10  }
0x38: {  	s10 =	sld [smem:$0x3FB8]  }
0x39: {  	_ = 	snop;
	(pc) =	sbr.ind lr, $3  }
0x3a: {  	_ = 	snop  }
0x3b: {  	_ = 	snop  }
0x3c: {  	p2 =	seq.s32 s10, $0x1;
	s10 =	sld [smem:$0x3FB7]  }
0x3d: {  	_ =	shalt  }
0x3e: {  	_ =	shalt  }
0x3f: {  	_ =	shalt  }
0x40: {  	_ =	shalt  }
0x41: {  	_ =	shalt  }
0x42: {  	_ =	shalt  }
0x43: {  	_ =	shalt  }
0x44: {  	_ =	shalt  }
0x45: {  	_ =	shalt  }
0x46: {  	_ =	shalt  }
0x47: {  	_ =	shalt  }
0x48: {  	_ =	shalt  }
0x49: {  	_ =	shalt  }
0x4a: {  	_ =	shalt  }
0x4b: {  	_ =	shalt  }
0x4c: {  	_ =	shalt  }
0x4d: {  	_ =	shalt  }
0x4e: {  	_ =	shalt  }
0x4f: {  	_ =	shalt  }
0x50: {  	_ =	shalt  }
0x51: {  	_ =	shalt  }
0x52: {  	_ =	shalt  }
0x53: {  	_ =	shalt  }
0x54: {  	_ =	shalt  }
0x55: {  	_ =	shalt  }
0x56: {  	_ =	shalt  }
0x57: {  	_ =	shalt  }
0x58: {  	_ =	shalt  }
0x59: {  	_ =	shalt  }
0x5a: {  	_ =	shalt  }
0x5b: {  	_ =	shalt  }
0x5c: {  	_ =	shalt  }
0x5d: {  	_ =	shalt  }
0x5e: {  	_ =	shalt  }
0x5f: {  	_ =	shalt  }
0x60: {  	_ =	shalt  }
0x61: {  	_ =	shalt  }
0x62: {  	_ =	shalt  }
0x63: {  	_ =	shalt  }
0x64: {  	_ =	shalt  }
0x65: {  	_ =	shalt  }
0x66: {  	_ =	shalt  }
0x67: {  	_ =	shalt  }
0x68: {  	_ =	shalt  }
0x69: {  	_ =	shalt  }
0x6a: {  	_ =	shalt  }
0x6b: {  	_ =	shalt  }
0x6c: {  	_ =	shalt  }
0x6d: {  	_ =	shalt  }
0x6e: {  	_ =	shalt  }
0x6f: {  	_ =	shalt  }
0x70: {  	_ =	shalt  }
0x71: {  	_ =	shalt  }
0x72: {  	_ =	shalt  }
0x73: {  	_ =	shalt  }
0x74: {  	_ =	shalt  }
0x75: {  	_ =	shalt  }
0x76: {  	_ =	shalt  }
0x77: {  	_ =	shalt  }
0x78: {  	_ =	shalt  }
0x79: {  	_ =	shalt  }
0x7a: {  	_ =	shalt  }
0x7b: {  	_ =	shalt  }
0x7c: {  	_ =	shalt  }
0x7d: {  	_ =	shalt  }
0x7e: {  	_ =	shalt  }
0x7f: {  	_ =	shalt  }
0x80: {  	_ =	shalt  }
0x81: {  	_ =	shalt  }
0x82: {  	_ =	shalt  }
0x83: {  	_ =	shalt  }
0x84: {  	_ =	shalt  }
0x85: {  	_ =	shalt  }
0x86: {  	_ =	shalt  }
0x87: {  	_ =	shalt  }
.Lfunc_end0:
.L_simem_size_0:
called_computation_lowered:
.L_overlay_start_0:
0x88: {  	s2 =	sld [smem:$0x3FD9]  }
0x89: {  	s3 =	sld [smem:$0x3FFE];
	_ =	sdelay $0x1  }
0x8a: {  	s1 =	srdreg.scid  }
0x8b: {  	s0 =	sand.u32 $0x1, s1  }
0x8c: {  	s17 =	sshll.u32 s0, $0xA;
	s2 =	sadd.s32 s3, s2  }
0x8d: {  	s2 =	sadd.s32 s2, s17  }
0x8e: {  	[smem:$0x3FC3] =	sst s2  }
0x8f: {  	_ = 	snop  }
0x90: {  	s2 =	sld [smem:$0x3FC9]  }
0x91: {  	s18 =	sld [smem:$0x3FD0];
	(tm) =	ssettm $0x1  }
0x92: {  	s4 =	sld [smem:$0x3FFB];
	_ =	sdelay $0x3  }
0x93: {  	_ =	strace s4  }
0x94: {  	s4 =	sld [smem:$0x3FFC];
	_ =	sdelay $0x3  }
0x95: {  	_ =	strace s4  }
0x96: {  	s4 =	sld [smem:$0x3FFD];
	_ =	sdelay $0x3  }
0x97: {  	_ =	strace s4  }
0x98: {  	_ =	strace $0x8FFFFFFF  }
0x99: {  	s19 =	sld [smem:$0x3FDB];
	_ =	sdelay $0x1  }
0x9a: {  	s5 =	simm.s32 $_scs_section_size  }
0x9b: {  	s6 =	simm.s32 $_size__tile_overlayer_lowered;
	s7 =	simm.s32 $_tile_overlayer_lowered  }
0x9c: {  	s22 =	simm.s32 $0x1BFF;
	s21 =	sshll.u32 s7, $0x1;
	s4 =	sadd.s32 s5, s19  }
0x9d: {  	s8 =	simm.s32 $0x0;
	s20 =	sshll.u32 s6, $0x1;
	s6 =	sadd.s32 s21, s4  }
0x9e: {  	[timem:s8], [sflag:s22] =	dma.local [hbm:s6], s20  }
0x9f: {  	_ =	swait.ge [sflag:s22], s20  }
0xa0: {  	s5 =	ssub.s32 $0x0, s20;
	[sflag:s22] =	ssyncset.done $0x0  }
0xa1: {  	[sflag:s22] =	ssyncadd.s32 s5;
	_ =	sdelay $0x1  }
0xa2: {  	s23 =	simm.s32 $0x1B8B  }
0xa3: {  	_ =	swait.ge [sflag:s23], $0x1  }
0xa4: {  	[sflag:s23] =	ssyncset.done $0x0  }
0xa5: {  	s25 =	simm.s32 $0x1B8E;
	s24 =	sld [smem:$0x3FFE];
	[sflag:s23] =	ssyncadd.s32 $0xFFFFFFFF  }
0xa6: {  	s26 =	simm.s32 $execute0_lowered;
	[smem:$0x3FD2] =	sst s25  }
0xa7: {  	s6 =	sshll.u32 s26, $0x1;
	_ =	strace $0x80000046;
	[dreg:$0x1] =	wrdreg $0xFFFFFFFF  }
0xa8: {  	s28 =	simm.s32 $_size_execute0_lowered;
	s4 =	sadd.s32 s4, s6;
	[dreg:$0x0] =	wrdreg $0x0  }
0xa9: {  	s6 =	sshll.u32 s28, $0x1;
	[dreg:$0x2] =	wrdreg s4  }
0xaa: {  	[dreg:$0x3] =	wrdreg s6  }
0xab: {  	[dreg:$0x4] =	wrdreg $0xC0  }
0xac: {  	_ =	task [dreg:s8], $0x5FFFF  }
0xad: {  	[dreg:$0x1] =	wrdreg $0xFFFFFFFF  }
0xae: {  	[dreg:$0x0] =	wrdreg $0x60  }
0xaf: {  	[dreg:$0x2] =	wrdreg s2  }
0xb0: {  	[dreg:$0x3] =	wrdreg s24  }
0xb1: {  	[dreg:$0x4] =	wrdreg s18  }
0xb2: {  	[dreg:$0x5] =	wrdreg $0x9  }
0xb3: {  	_ =	task.clear_ibuf [dreg:s8], $0x6FFFF;
	_ =	strace $0x90000046  }
0xb4: {  	s29 =	simm.s32 $0x9;
	_ =	strace $0x80000048  }
0xb5: {  	_ =	swait.ge [sflag:s29], $0x1  }
0xb6: {  	[sflag:s29] =	ssyncadd.s32 $0xFFFFFFFF  }
0xb7: {  	_ =	strace $0x90000048  }
0xb8: {  	_ =	sfence  }
0xb9: {  	s30 =	sld [smem:$0x0];
	_ =	sdelay $0x2  }
0xba: {  	s31 =	sshll.u32 s1, $0xD;
	s1 =	sshrl.u32 s1, $0x2  }
0xbb: {  	s3 =	sand.u32 $0x4000, s31;
	s1 =	sadd.s32 s1, s30  }
0xbc: {  	s0 =	sor.u32 s3, s0;
	s1 =	sshll.u32 s1, $0x11  }
0xbd: {  	s0 =	sor.u32 s1, s0  }
0xbe: {  	s0 =	sadd.s32 $0x8F2B, s0  }
0xbf: {  	[sflag:s0] =	ssyncadd.remote.s32 $0x1  }
0xc0: {  	_ =	sfence.sel $0xFFFF  }
0xc1: {  	[dreg:$0x0] =	wrdreg $0xFFFFFFFF;
	(pc) =	sbr.abs _section_cstart, $3  }
0xc2: {  	[dreg:$0x1] =	wrdreg $0xFFFFFFFF  }
0xc3: {  	_ =	task.clear_ibuf [dreg:s8], $0x2FFFF;
	_ =	strace $0x9FFFFFFF  }
0xc4: {  	(tm) =	ssettm $0x7FFFFFFF  }
0xc5: {  	_ =	shalt  }
tec
execute0_lowered:
.L_overlay_start_1:
0x0: {  	(tag) =	ssettag $0x1  }
0x1: {  	s0 =	rddreg [dreg:$0x0]  }
0x2: {  	s1 =	rddreg [dreg:$0x1]  }
0x3: {  	s9 =	rddreg [dreg:$0x2]  }
0x4: {  	s2 =	simm.s32 $0x0;
	s4 =	srdreg.scid;
	s5 =	stileid.u32  }
0x5: {  	s13 =	simm.s32 $0x100;
	s14 =	simm.s32 $0x4;
	s15 =	simm.s32 $0x200  }
0x6: {  	s18 =	simm.s32 $0xC980;
	s19 =	simm.s32 $0x380;
	s20 =	simm.s32 $0xCB80  }
0x7: {  	s21 =	simm.s32 $0x1;
	s22 =	simm.s32 $0x2;
	s23 =	simm.s32 $0x680  }
0x8: {  	s24 =	simm.s32 $0xA800;
	s28 =	simm.s32 $0x700;
	s29 =	simm.s32 $0x780  }
0x9: {  	s30 =	simm.s32 $0x3;
	s31 =	simm.s32 $0xCC00;
	[smem:$0x7FF] =	sst s2  }
0xa: {  	s3 =	sadd.s32 $0x6600, s1;
	s7 =	sand.u32 $0x1, s4;
	s6 =	sshll.u32 s5, $0x1  }
0xb: {  	s4 =	sadd.s32 $0xC9E00, s1;
	s5 =	sadd.s32 $0x200, s1;
	_ =	strace $0x80000047  }
0xc: {  	s8 =	sor.u32 s7, s6;
	s6 =	sadd.s32 $0x3400, s1;
	s7 =	ssub.s32 $0x2, s7  }
0xd: {  	s10 =	sshll.u32 s8, $0x1;
	s25 =	sshrl.u32 s7, $0x1;
	s11 =	sshll.u32 s8, $0x7  }
0xe: {  	s26 =	sshll.u32 s8, $0x6;
	s1 =	sadd.s32 s10, s1;
	s12 =	ssub.s32 s7, s25  }
0xf: {  	s7 =	sadd.s32 s0, s11;
	s9 =	sadd.s32 s9, s26;
	s25 =	simm.s32 $0x8800  }
0x10: {  	s26 =	simm.s32 $0xC800;
	s0 =	simm.s32 $0x0;
	s8 =	sadd.s32 $0x10, s7  }
0x11: {  	v0 =	vimm.s32 $0x0;
	s10 =	sadd.s32 $0x18D600, s1;
	s11 =	smax.u32 s12, $0x1;
	s12 =	simm.s32 $0x80  }
.LBB2_1:
0x12: {  	[tilespmem:s2], [sflag:$0x4] =	stream.strided.gather [hbm4b:s7+s12], $0x200, s13, s12, $0x38;
	[tilespmem:$0xCC10] =	vst v63  }
0x13: {  	_ =	swait.ge [sflag:s14], $0x200  }
0x14: {  	[sflag:s14] =	ssyncset.done $0x0  }
0x15: {  	[sflag:s14] =	ssyncadd.s32 $0xFFFFFE00  }
0x16: {  	[tilespmem:s15], [sflag:$0x4] =	stream.strided.gather [hbm4b:s8+s12], $0x200, s13, s12, $0x38;
	[tilespmem:$0xCC10] =	vst v63  }
0x17: {  	_ =	swait.ge [sflag:s14], $0x200  }
0x18: {  	[sflag:s14] =	ssyncset.done $0x0  }
0x19: {  	[sflag:s14] =	ssyncadd.s32 $0xFFFFFE00  }
0x1a: {  	v1 =	vld [tilespmem:$0x0]  }
0x1b: {  	v2 =	vld [tilespmem:$0x200]  }
0x1c: {  	v3 =	vld [tilespmem:$0x10]  }
0x1d: {  	v4 =	vld [tilespmem:$0x210]  }
0x1e: {  	v5 =	vld [tilespmem:$0x20]  }
0x1f: {  	v8 =	vld [tilespmem:$0x220]  }
0x20: {  	v9 =	vld [tilespmem:$0x230]  }
0x21: {  	v11 =	vld [tilespmem:$0x40]  }
0x22: {  	v12 =	vld [tilespmem:$0x50];
	vm0 =	vgt.s32 v1, $0xC37F;
	vm13 =	vgt.s32 v2, $0xC37F;
	v1 =	vshll.u32 v1, $0x1  }
0x23: {  	v2 =	vshll.u32 v2, $0x1;
	vm14 =	vgt.s32 v3, $0xC37F;
	v3 =	vshll.u32 v3, $0x1  }
0x24: {  	v14 =	vld [tilespmem:$0x250];
	vm15 =	vgt.s32 v4, $0xC37F;
	vm4 =	vgt.s32 v5, $0xC37F;
	v4 =	vshll.u32 v4, $0x1  }
0x25: {  	v5 =	vshll.u32 v5, $0x1;
	vm5 =	vgt.s32 v8, $0xC37F;
	v8 =	vshll.u32 v8, $0x1  }
0x26: {  	vm7 =	vgt.s32 v9, $0xC37F;
	v9 =	vshll.u32 v9, $0x1;
	vm8 =	vgt.s32 v11, $0xC37F  }
0x27: {  	v15 =	vld [tilespmem:$0x260];
	v11 =	vshll.u32 v11, $0x1;
	vm10 =	vgt.s32 v12, $0xC37F;
	v6 =	vsel vm0, $0xFFFE7901, v0  }
0x28: {  	v12 =	vshll.u32 v12, $0x1;
	v7 =	vsel vm13, $0xFFFE7901, v0;
	v1 =	vadd.s32 v1, v6;
	v6 =	vld [tilespmem:$0x30]  }
0x29: {  	vm11 =	vgt.s32 v14, $0xC37F;
	v2 =	vadd.s32 v2, v7;
	v7 =	vsel vm14, $0xFFFE7901, v0  }
0x2a: {  	v18 =	vld [tilespmem:$0x80];
	v14 =	vshll.u32 v14, $0x1;
	v3 =	vadd.s32 v3, v7;
	v7 =	vsel vm15, $0xFFFE7901, v0  }
0x2b: {  	v10 =	vsel vm4, $0xFFFE7901, v0;
	v13 =	vsel vm7, $0xFFFE7901, v0;
	v4 =	vadd.s32 v4, v7;
	v7 =	vld [tilespmem:$0x240]  }
0x2c: {  	v16 =	vsel vm10, $0xFFFE7901, v0;
	vm13 =	vgt.s32 v15, $0xC37F;
	v15 =	vshll.u32 v15, $0x1  }
0x2d: {  	v21 =	vld [tilespmem:$0x290];
	v5 =	vadd.s32 v5, v10;
	v10 =	vsel vm5, $0xFFFE7901, v0;
	vm6 =	vgt.s32 v6, $0xC37F  }
0x2e: {  	v17 =	vld [tilespmem:$0x70];
	v8 =	vadd.s32 v8, v10;
	v6 =	vshll.u32 v6, $0x1;
	v10 =	vsel vm6, $0xFFFE7901, v0  }
0x2f: {  	vm4 =	vgt.s32 v18, $0xC37F;
	v18 =	vshll.u32 v18, $0x1;
	v6 =	vadd.s32 v6, v10;
	v10 =	vld [tilespmem:$0x60]  }
0x30: {  	v9 =	vadd.s32 v9, v13;
	v13 =	vsel vm8, $0xFFFE7901, v0;
	vm9 =	vgt.s32 v7, $0xC37F  }
0x31: {  	v20 =	vld [tilespmem:$0x280];
	v11 =	vadd.s32 v11, v13;
	v7 =	vshll.u32 v7, $0x1;
	v13 =	vsel vm9, $0xFFFE7901, v0  }
0x32: {  	vm7 =	vgt.s32 v21, $0xC37F;
	v12 =	vadd.s32 v12, v16;
	v7 =	vadd.s32 v7, v13;
	v13 =	vld [tilespmem:$0x270]  }
0x33: {  	v16 =	vsel vm11, $0xFFFE7901, v0;
	v19 =	vsel vm13, $0xFFFE7901, v0;
	vm14 =	vgt.s32 v17, $0xC37F  }
0x34: {  	v17 =	vshll.u32 v17, $0x1;
	v22 =	vsel vm4, $0xFFFE7901, v0;
	vm12 =	vgt.s32 v10, $0xC37F  }
0x35: {  	v23 =	vld [tilespmem:$0xA0];
	v14 =	vadd.s32 v14, v16;
	v10 =	vshll.u32 v10, $0x1;
	v16 =	vsel vm12, $0xFFFE7901, v0  }
0x36: {  	vm5 =	vgt.s32 v20, $0xC37F;
	v15 =	vadd.s32 v15, v19;
	v10 =	vadd.s32 v10, v16;
	v16 =	vld [tilespmem:$0x90]  }
0x37: {  	v19 =	vsel vm14, $0xFFFE7901, v0;
	v18 =	vadd.s32 v18, v22;
	[tilespmem:$0x400] =	vst v1;
	v22 =	vld [tilespmem:$0xB0];
	vm15 =	vgt.s32 v13, $0xC37F  }
0x38: {  	v17 =	vadd.s32 v17, v19;
	[tilespmem:$0x610] =	vst v4;
	v4 =	vld [tilespmem:$0xC0];
	v13 =	vshll.u32 v13, $0x1;
	v19 =	vsel vm15, $0xFFFE7901, v0  }
0x39: {  	v1 =	vshll.u32 v20, $0x1;
	v20 =	vsel vm5, $0xFFFE7901, v0;
	[tilespmem:$0x600] =	vst v2;
	v13 =	vadd.s32 v13, v19;
	v19 =	vld [tilespmem:$0x2A0]  }
0x3a: {  	vm8 =	vgt.s32 v23, $0xC37F;
	[tilespmem:$0x420] =	vst v5;
	v5 =	vshll.u32 v23, $0x1;
	v1 =	vadd.s32 v1, v20  }
0x3b: {  	[tilespmem:$0x410] =	vst v3;
	vm6 =	vgt.s32 v16, $0xC37F;
	v3 =	vshll.u32 v16, $0x1;
	v16 =	vshll.u32 v21, $0x1;
	v21 =	vld [tilespmem:$0x2B0]  }
0x3c: {  	[tilespmem:$0x630] =	vst v9;
	v20 =	vsel vm7, $0xFFFE7901, v0;
	vm10 =	vgt.s32 v22, $0xC37F;
	v2 =	vsel vm6, $0xFFFE7901, v0  }
0x3d: {  	[tilespmem:$0x620] =	vst v8;
	vm12 =	vgt.s32 v4, $0xC37F;
	v2 =	vadd.s32 v3, v2;
	v3 =	vadd.s32 v16, v20;
	v20 =	vld [tilespmem:$0x2C0]  }
0x3e: {  	v9 =	vld [tilespmem:$0x2D0];
	[tilespmem:$0x430] =	vst v6;
	v16 =	vsel vm8, $0xFFFE7901, v0;
	vm9 =	vgt.s32 v19, $0xC37F;
	v6 =	vshll.u32 v19, $0x1  }
0x3f: {  	[tilespmem:$0x480] =	vst v18;
	v18 =	vld [tilespmem:$0x110];
	v19 =	vsel vm10, $0xFFFE7901, v0;
	v5 =	vadd.s32 v5, v16;
	v8 =	vsel vm9, $0xFFFE7901, v0  }
0x40: {  	v16 =	vshll.u32 v22, $0x1;
	v22 =	vld [tilespmem:$0xD0];
	v6 =	vadd.s32 v6, v8;
	vm11 =	vgt.s32 v21, $0xC37F  }
0x41: {  	[tilespmem:$0x440] =	vst v11;
	v8 =	vadd.s32 v16, v19;
	v19 =	vld [tilespmem:$0xE0];
	v11 =	vshll.u32 v21, $0x1;
	v16 =	vsel vm11, $0xFFFE7901, v0  }
0x42: {  	[tilespmem:$0x640] =	vst v7;
	v4 =	vshll.u32 v4, $0x1;
	v7 =	vadd.s32 v11, v16;
	vm13 =	vgt.s32 v20, $0xC37F  }
0x43: {  	[tilespmem:$0x450] =	vst v12;
	v11 =	vsel vm12, $0xFFFE7901, v0;
	v12 =	vshll.u32 v20, $0x1;
	v20 =	vld [tilespmem:$0x2E0];
	v16 =	vsel vm13, $0xFFFE7901, v0  }
0x44: {  	[tilespmem:$0x650] =	vst v14;
	vm15 =	vgt.s32 v9, $0xC37F;
	v4 =	vadd.s32 v4, v11;
	v11 =	vadd.s32 v12, v16;
	v12 =	vld [tilespmem:$0xF0]  }
0x45: {  	[tilespmem:$0x660] =	vst v15;
	v9 =	vshll.u32 v9, $0x1;
	vm10 =	vgt.s32 v18, $0xC37F;
	vm14 =	vgt.s32 v22, $0xC37F;
	v16 =	vld [tilespmem:$0x2F0]  }
0x46: {  	[tilespmem:$0x460] =	vst v10;
	v10 =	vshll.u32 v22, $0x1;
	v14 =	vsel vm14, $0xFFFE7901, v0;
	vm4 =	vgt.s32 v19, $0xC37F  }
0x47: {  	[tilespmem:$0x470] =	vst v17;
	v15 =	vshll.u32 v19, $0x1;
	v19 =	vld [tilespmem:$0x100];
	v10 =	vadd.s32 v10, v14;
	v14 =	vsel vm15, $0xFFFE7901, v0  }
0x48: {  	[tilespmem:$0x680] =	vst v1;
	v17 =	vsel vm4, $0xFFFE7901, v0;
	v9 =	vadd.s32 v9, v14;
	vm5 =	vgt.s32 v20, $0xC37F  }
0x49: {  	[tilespmem:$0x670] =	vst v13;
	v13 =	vadd.s32 v15, v17;
	v14 =	vld [tilespmem:$0x300];
	v15 =	vshll.u32 v20, $0x1;
	v17 =	vsel vm5, $0xFFFE7901, v0  }
0x4a: {  	[tilespmem:$0x490] =	vst v2;
	vm6 =	vgt.s32 v12, $0xC37F;
	v1 =	vadd.s32 v15, v17;
	vm7 =	vgt.s32 v16, $0xC37F  }
0x4b: {  	[tilespmem:$0x690] =	vst v3;
	v2 =	vshll.u32 v12, $0x1;
	v12 =	vshll.u32 v16, $0x1;
	v17 =	vld [tilespmem:$0x310];
	v16 =	vsel vm7, $0xFFFE7901, v0  }
0x4c: {  	[tilespmem:$0x4A0] =	vst v5;
	vm8 =	vgt.s32 v19, $0xC37F;
	v15 =	vsel vm6, $0xFFFE7901, v0;
	v3 =	vadd.s32 v12, v16;
	v12 =	vld [tilespmem:$0x120]  }
0x4d: {  	[tilespmem:$0x6A0] =	vst v6;
	v5 =	vshll.u32 v19, $0x1;
	v2 =	vadd.s32 v2, v15;
	v15 =	vsel vm8, $0xFFFE7901, v0;
	v16 =	vld [tilespmem:$0x320]  }
0x4e: {  	[tilespmem:$0x4B0] =	vst v8;
	vm9 =	vgt.s32 v14, $0xC37F;
	v8 =	vshll.u32 v14, $0x1;
	v14 =	vshll.u32 v18, $0x1;
	v18 =	vld [tilespmem:$0x130]  }
0x4f: {  	[tilespmem:$0x6B0] =	vst v7;
	v5 =	vadd.s32 v5, v15;
	v6 =	vsel vm9, $0xFFFE7901, v0;
	v15 =	vsel vm10, $0xFFFE7901, v0  }
0x50: {  	[tilespmem:$0x4C0] =	vst v4;
	v6 =	vadd.s32 v8, v6;
	v7 =	vadd.s32 v14, v15;
	v8 =	vld [tilespmem:$0x330];
	vm11 =	vgt.s32 v17, $0xC37F  }
0x51: {  	[tilespmem:$0x6C0] =	vst v11;
	v15 =	vld [tilespmem:$0x140];
	v4 =	vshll.u32 v17, $0x1;
	v14 =	vsel vm11, $0xFFFE7901, v0;
	vm12 =	vgt.s32 v12, $0xC37F  }
0x52: {  	[tilespmem:$0x4D0] =	vst v10;
	v4 =	vadd.s32 v4, v14;
	vm13 =	vgt.s32 v16, $0xC37F;
	v10 =	vshll.u32 v12, $0x1  }
0x53: {  	[tilespmem:$0x6D0] =	vst v9;
	v12 =	vshll.u32 v16, $0x1;
	v16 =	vld [tilespmem:$0x340];
	vm14 =	vgt.s32 v18, $0xC37F;
	v11 =	vsel vm12, $0xFFFE7901, v0  }
0x54: {  	[tilespmem:$0x4E0] =	vst v13;
	v14 =	vsel vm13, $0xFFFE7901, v0;
	v13 =	vsel vm14, $0xFFFE7901, v0;
	v9 =	vadd.s32 v10, v11;
	v11 =	vld [tilespmem:$0x150]  }
0x55: {  	[tilespmem:$0x6E0] =	vst v1;
	v10 =	vadd.s32 v12, v14;
	v12 =	vshll.u32 v18, $0x1;
	vm15 =	vgt.s32 v8, $0xC37F;
	v14 =	vld [tilespmem:$0x350]  }
0x56: {  	[tilespmem:$0x4F0] =	vst v2;
	vm4 =	vgt.s32 v15, $0xC37F;
	v2 =	vshll.u32 v8, $0x1;
	v8 =	vshll.u32 v15, $0x1;
	v15 =	vld [tilespmem:$0x160]  }
0x57: {  	[tilespmem:$0x6F0] =	vst v3;
	v1 =	vadd.s32 v12, v13;
	v12 =	vsel vm15, $0xFFFE7901, v0;
	v13 =	vsel vm4, $0xFFFE7901, v0  }
0x58: {  	[tilespmem:$0x500] =	vst v5;
	v2 =	vadd.s32 v2, v12;
	v3 =	vadd.s32 v8, v13;
	v8 =	vld [tilespmem:$0x360];
	vm5 =	vgt.s32 v16, $0xC37F  }
0x59: {  	[tilespmem:$0x700] =	vst v6;
	v13 =	vld [tilespmem:$0x170];
	v5 =	vshll.u32 v16, $0x1;
	v12 =	vsel vm5, $0xFFFE7901, v0;
	vm6 =	vgt.s32 v11, $0xC37F  }
0x5a: {  	[tilespmem:$0x510] =	vst v7;
	v5 =	vadd.s32 v5, v12;
	vm7 =	vgt.s32 v14, $0xC37F;
	v7 =	vshll.u32 v11, $0x1  }
0x5b: {  	[tilespmem:$0x710] =	vst v4;
	v11 =	vshll.u32 v14, $0x1;
	v14 =	vld [tilespmem:$0x370];
	vm8 =	vgt.s32 v15, $0xC37F;
	v6 =	vsel vm6, $0xFFFE7901, v0  }
0x5c: {  	[tilespmem:$0x520] =	vst v9;
	v9 =	vshll.u32 v15, $0x1;
	v12 =	vsel vm7, $0xFFFE7901, v0;
	v4 =	vadd.s32 v7, v6;
	v7 =	vld [tilespmem:$0x180]  }
0x5d: {  	[tilespmem:$0x720] =	vst v10;
	v6 =	vadd.s32 v11, v12;
	v11 =	vsel vm8, $0xFFFE7901, v0;
	vm9 =	vgt.s32 v8, $0xC37F;
	v12 =	vld [tilespmem:$0x380]  }
0x5e: {  	[tilespmem:$0x530] =	vst v1;
	vm10 =	vgt.s32 v13, $0xC37F;
	v1 =	vshll.u32 v8, $0x1;
	v8 =	vshll.u32 v13, $0x1;
	v13 =	vld [tilespmem:$0x190]  }
0x5f: {  	v9 =	vadd.s32 v9, v11;
	v10 =	vsel vm9, $0xFFFE7901, v0;
	v11 =	vsel vm10, $0xFFFE7901, v0;
	[tilespmem:$0x750] =	vst v6;
	v6 =	vld [tilespmem:$0x1B0]  }
0x60: {  	[tilespmem:$0x730] =	vst v2;
	v1 =	vadd.s32 v1, v10;
	v2 =	vadd.s32 v8, v11;
	v8 =	vld [tilespmem:$0x390];
	vm11 =	vgt.s32 v14, $0xC37F  }
0x61: {  	[tilespmem:$0x540] =	vst v3;
	v11 =	vld [tilespmem:$0x1A0];
	v3 =	vshll.u32 v14, $0x1;
	v10 =	vsel vm11, $0xFFFE7901, v0;
	vm12 =	vgt.s32 v7, $0xC37F  }
0x62: {  	[tilespmem:$0x550] =	vst v4;
	v3 =	vadd.s32 v3, v10;
	vm13 =	vgt.s32 v12, $0xC37F;
	v4 =	vshll.u32 v7, $0x1  }
0x63: {  	[tilespmem:$0x740] =	vst v5;
	v7 =	vshll.u32 v12, $0x1;
	vm14 =	vgt.s32 v13, $0xC37F;
	v5 =	vsel vm12, $0xFFFE7901, v0  }
0x64: {  	[tilespmem:$0x560] =	vst v9;
	v12 =	vld [tilespmem:$0x3A0];
	v10 =	vsel vm13, $0xFFFE7901, v0;
	v9 =	vsel vm14, $0xFFFE7901, v0;
	vm6 =	vgt.s32 v6, $0xC37F  }
0x65: {  	[tilespmem:$0x760] =	vst v1;
	v4 =	vadd.s32 v4, v5;
	v5 =	vadd.s32 v7, v10;
	v7 =	vshll.u32 v13, $0x1  }
0x66: {  	[tilespmem:$0x570] =	vst v2;
	vm15 =	vgt.s32 v8, $0xC37F;
	v10 =	vld [tilespmem:$0x3B0];
	vm4 =	vgt.s32 v11, $0xC37F;
	v2 =	vshll.u32 v8, $0x1  }
0x67: {  	[tilespmem:$0x770] =	vst v3;
	v8 =	vshll.u32 v11, $0x1;
	v11 =	vld [tilespmem:$0x1C0];
	v1 =	vadd.s32 v7, v9;
	v7 =	vsel vm15, $0xFFFE7901, v0  }
0x68: {  	v9 =	vsel vm4, $0xFFFE7901, v0;
	[tilespmem:$0x780] =	vst v5;
	v5 =	vsel vm6, $0xFFFE7901, v0;
	v2 =	vadd.s32 v2, v7;
	v7 =	vld [tilespmem:$0x3C0]  }
0x69: {  	v3 =	vadd.s32 v8, v9;
	v9 =	vld [tilespmem:$0x1D0];
	[tilespmem:$0x590] =	vst v1;
	v1 =	vshll.u32 v6, $0x1;
	vm5 =	vgt.s32 v12, $0xC37F  }
0x6a: {  	[tilespmem:$0x580] =	vst v4;
	v4 =	vshll.u32 v12, $0x1;
	v1 =	vadd.s32 v1, v5;
	v5 =	vld [tilespmem:$0x1E0];
	v8 =	vsel vm5, $0xFFFE7901, v0  }
0x6b: {  	[tilespmem:$0x790] =	vst v2;
	v4 =	vadd.s32 v4, v8;
	vm7 =	vgt.s32 v10, $0xC37F;
	v6 =	vshll.u32 v10, $0x1;
	v10 =	vld [tilespmem:$0x3D0]  }
0x6c: {  	[tilespmem:$0x5A0] =	vst v3;
	vm8 =	vgt.s32 v11, $0xC37F;
	v3 =	vshll.u32 v11, $0x1;
	v8 =	vsel vm7, $0xFFFE7901, v0  }
0x6d: {  	[tilespmem:$0x5B0] =	vst v1;
	v2 =	vadd.s32 v6, v8;
	v6 =	vsel vm8, $0xFFFE7901, v0;
	vm9 =	vgt.s32 v7, $0xC37F;
	v8 =	vld [tilespmem:$0x3E0]  }
0x6e: {  	[tilespmem:$0x7A0] =	vst v4;
	vm10 =	vgt.s32 v9, $0xC37F;
	v1 =	vshll.u32 v7, $0x1;
	v3 =	vadd.s32 v3, v6  }
0x6f: {  	v4 =	vsel vm9, $0xFFFE7901, v0;
	v6 =	vshll.u32 v9, $0x1;
	v7 =	vsel vm10, $0xFFFE7901, v0;
	v9 =	vld [tilespmem:$0x1F0];
	[tilespmem:$0x7B0] =	vst v2  }
0x70: {  	vm12 =	vgt.s32 v5, $0xC37F;
	v1 =	vadd.s32 v1, v4;
	v4 =	vld [tilespmem:$0x3F0];
	[tilespmem:$0x5C0] =	vst v3;
	vm11 =	vgt.s32 v10, $0xC37F  }
0x71: {  	v2 =	vadd.s32 v6, v7;
	v3 =	vshll.u32 v10, $0x1;
	[tilespmem:$0x7C0] =	vst v1;
	v6 =	vsel vm11, $0xFFFE7901, v0  }
0x72: {  	[tilespmem:$0x5D0] =	vst v2;
	v2 =	vshll.u32 v5, $0x1;
	v1 =	vadd.s32 v3, v6;
	vm13 =	vgt.s32 v8, $0xC37F  }
0x73: {  	v3 =	vsel vm12, $0xFFFE7901, v0;
	v5 =	vshll.u32 v8, $0x1;
	v6 =	vsel vm13, $0xFFFE7901, v0  }
0x74: {  	[tilespmem:$0x7D0] =	vst v1;
	v1 =	vadd.s32 v2, v3;
	vm14 =	vgt.s32 v9, $0xC37F;
	v2 =	vadd.s32 v5, v6  }
0x75: {  	[tilespmem:$0x5E0] =	vst v1;
	v1 =	vshll.u32 v9, $0x1;
	v3 =	vsel vm14, $0xFFFE7901, v0;
	vm15 =	vgt.s32 v4, $0xC37F  }
0x76: {  	[tilespmem:$0x7E0] =	vst v2;
	v1 =	vadd.s32 v1, v3;
	v2 =	vshll.u32 v4, $0x1;
	v3 =	vsel vm15, $0xFFFE7901, v0  }
0x77: {  	[tilespmem:$0x5F0] =	vst v1;
	v1 =	vadd.s32 v2, v3  }
0x78: {  	s1 =	simm.s32 $0x400;
	s16 =	simm.s32 $0x800;
	[tilespmem:$0x7F0] =	vst v1  }
0x79: {  	[tilespmem:s16], [sflag:$0x1] =	stream.indirect.gather [hbm4b:s3+s12], $0x40, s1, s12, $0xb8;
	[tilespmem:$0xCC10] =	vst v63  }
0x7a: {  	s17 =	simm.s32 $0x2800;
	s16 =	simm.s32 $0x480  }
0x7b: {  	[tilespmem:s17], [sflag:$0x1] =	stream.indirect.gather [hbm4b:s3+s12], $0x40, s16, s12, $0xb8;
	[tilespmem:$0xCC10] =	vst v63  }
0x7c: {  	s16 =	simm.s32 $0x500;
	s17 =	simm.s32 $0x4800  }
0x7d: {  	[tilespmem:s17], [sflag:$0x1] =	stream.indirect.gather [hbm4b:s3+s12], $0x40, s16, s12, $0xb8;
	[tilespmem:$0xCC10] =	vst v63  }
0x7e: {  	s16 =	simm.s32 $0x580;
	s17 =	simm.s32 $0x6800  }
0x7f: {  	[tilespmem:s17], [sflag:$0x1] =	stream.indirect.gather [hbm4b:s3+s12], $0x40, s16, s12, $0xb8;
	[tilespmem:$0xCC10] =	vst v63  }
0x80: {  	s17 =	simm.s32 $0x600  }
0x81: {  	[tilespmem:s25], [sflag:$0x2] =	stream.indirect.gather [hbm4b:s4+s12], $0x40, s17, s12, $0xb8;
	[tilespmem:$0xCC10] =	vst v63  }
0x82: {  	_ = 	snop  }
0x83: {  	[tilespmem:s26], [sflag:$0x3] =	stream.indirect.gather [hbm4b:s5+s12], $0x1, s2, s12, $0xb8;
	[tilespmem:$0xCC10] =	vst v63  }
0x84: {  	s16 =	simm.s32 $0xCA00  }
0x85: {  	[tilespmem:s16], [sflag:$0x3] =	stream.indirect.gather [hbm4b:s6+s12], $0x1, s15, s12, $0xb8;
	[tilespmem:$0xCC10] =	vst v63  }
0x86: {  	s17 =	simm.s32 $0xC880  }
0x87: {  	[tilespmem:s17], [sflag:$0x3] =	stream.indirect.gather [hbm4b:s5+s12], $0x1, s12, s12, $0xb8;
	[tilespmem:$0xCC10] =	vst v63  }
0x88: {  	s16 =	simm.s32 $0x280;
	s17 =	simm.s32 $0xCA80  }
0x89: {  	[tilespmem:s17], [sflag:$0x3] =	stream.indirect.gather [hbm4b:s6+s12], $0x1, s16, s12, $0xb8;
	[tilespmem:$0xCC10] =	vst v63  }
0x8a: {  	s17 =	simm.s32 $0xC900  }
0x8b: {  	[tilespmem:s17], [sflag:$0x3] =	stream.indirect.gather [hbm4b:s5+s12], $0x1, s13, s12, $0xb8;
	[tilespmem:$0xCC10] =	vst v63  }
0x8c: {  	s16 =	simm.s32 $0x300;
	s17 =	simm.s32 $0xCB00  }
0x8d: {  	[tilespmem:s17], [sflag:$0x3] =	stream.indirect.gather [hbm4b:s6+s12], $0x1, s16, s12, $0xb8;
	[tilespmem:$0xCC10] =	vst v63  }
0x8e: {  	s16 =	simm.s32 $0x180  }
0x8f: {  	[tilespmem:s18], [sflag:$0x3] =	stream.indirect.gather [hbm4b:s5+s12], $0x1, s16, s12, $0xb8;
	[tilespmem:$0xCC10] =	vst v63  }
0x90: {  	_ = 	snop  }
0x91: {  	[tilespmem:s20], [sflag:$0x3] =	stream.indirect.gather [hbm4b:s6+s12], $0x1, s19, s12, $0xb8;
	[tilespmem:$0xCC10] =	vst v63  }
0x92: {  	_ =	swait.ge [sflag:s21], $0x2000  }
0x93: {  	[sflag:s21] =	ssyncset.done $0x0  }
0x94: {  	[sflag:s21] =	ssyncadd.s32 $0xFFFFE000  }
0x95: {  	_ =	swait.ge [sflag:s22], $0x2000  }
0x96: {  	[sflag:s22] =	ssyncset.done $0x0  }
0x97: {  	s17 =	simm.s32 $0x880;
	[sflag:s22] =	ssyncadd.s32 $0xFFFFE000  }
0x98: {  	[tilespmem:s24], [sflag:$0x2] =	stream.indirect.gather [hbm4b:s4+s12], $0x40, s23, s12, $0xb8;
	[tilespmem:$0xCC10] =	vst v63  }
0x99: {  	s1 =	simm.s32 $0x8880;
	v1 =	vld [tilespmem:s17+$0x40]  }
0x9a: {  	v2 =	vld [tilespmem:s1+$0x40]  }
0x9b: {  	v7 =	vld [tilespmem:s17+$0x50]  }
0x9c: {  	v8 =	vld [tilespmem:s1+$0x50]  }
0x9d: {  	v3 =	vld [tilespmem:s17+$0x60]  }
0x9e: {  	v4 =	vld [tilespmem:s1+$0x60]  }
0x9f: {  	v11 =	vld [tilespmem:s17+$0x0]  }
0xa0: {  	v12 =	vld [tilespmem:s1+$0x0]  }
0xa1: {  	v14 =	vld [tilespmem:s17+$0x10]  }
0xa2: {  	v15 =	vld [tilespmem:s1+$0x10]  }
0xa3: {  	v5 =	vld [tilespmem:s17+$0x20]  }
0xa4: {  	v6 =	vld [tilespmem:s1+$0x20]  }
0xa5: {  	v16 =	vld [tilespmem:s17+$0xFFFFFFC0]  }
0xa6: {  	v18 =	vld [tilespmem:s1+$0xFFFFFFC0]  }
0xa7: {  	v20 =	vld [tilespmem:s17+$0xFFFFFFD0]  }
0xa8: {  	v22 =	vld [tilespmem:s1+$0xFFFFFFD0]  }
0xa9: {  	v23 =	vld [tilespmem:s17+$0xFFFFFFE0]  }
0xaa: {  	v28 =	vld [tilespmem:s1+$0xFFFFFFE0]  }
0xab: {  	v24 =	vld [tilespmem:s17+$0xFFFFFF80]  }
0xac: {  	v25 =	vld [tilespmem:s1+$0xFFFFFF80]  }
0xad: {  	v26 =	vld [tilespmem:s17+$0xFFFFFF90]  }
0xae: {  	v27 =	vld [tilespmem:s1+$0xFFFFFF90]  }
0xaf: {  	v29 =	vld [tilespmem:s17+$0xFFFFFFA0]  }
0xb0: {  	v30 =	vld [tilespmem:s1+$0xFFFFFFA0]  }
0xb1: {  	v31 =	vld [tilespmem:s17+$0xFFFFFFB0]  }
0xb2: {  	v32 =	vld [tilespmem:s1+$0xFFFFFFB0];
	v10 =	vmul.f32 v2, v1  }
0xb3: {  	v17 =	vld [tilespmem:s17+$0xFFFFFFF0];
	v9 =	vmul.f32 v8, v7;
	v13 =	vmul.f32 v12, v11  }
0xb4: {  	v19 =	vld [tilespmem:s1+$0xFFFFFFF0];
	v14 =	vmul.f32 v15, v14;
	v21 =	vmul.f32 v18, v16  }
0xb5: {  	v15 =	vld [tilespmem:s17+$0x30];
	v1 =	vmul.f32 v25, v24;
	v22 =	vmul.f32 v22, v20  }
0xb6: {  	v2 =	vmul.f32 v27, v26;
	v18 =	vld [tilespmem:s1+$0x30];
	v26 =	vmul.f32 v30, v29  }
0xb7: {  	v11 =	vimm.f32 $0.0e+00;
	v27 =	vmul.f32 v32, v31;
	v16 =	vld [tilespmem:s17+$0x70];
	v23 =	vmul.f32 v28, v23  }
0xb8: {  	s16 =	simm.s32 $0x0;
	v20 =	vld [tilespmem:s1+$0x70];
	s17 =	simm.s32 $0x980;
	v12 =	vimm.f32 $0.0e+00;
	v24 =	vadd.f32 v1, v11;
	v25 =	vadd.f32 v2, v11  }
.LBB2_2:
0xb9: {  	v1 =	vld [tilespmem:s17+$0x40];
	v2 =	vadd.f32 v26, v11;
	v7 =	vadd.f32 v27, v12;
	v8 =	vmul.f32 v19, v17;
	s1 =	sadd.s32 $0x100, s1  }
0xba: {  	v5 =	vmul.f32 v6, v5;
	v19 =	vld [tilespmem:s1+$0x40];
	v11 =	vadd.f32 v21, v24;
	v12 =	vadd.f32 v22, v25  }
0xbb: {  	v21 =	vld [tilespmem:s17+$0x50];
	v2 =	vadd.f32 v23, v2;
	v6 =	vadd.f32 v8, v7;
	v7 =	vmul.f32 v18, v15  }
0xbc: {  	v8 =	vld [tilespmem:s1+$0x50];
	v11 =	vadd.f32 v13, v11;
	v12 =	vadd.f32 v14, v12;
	v13 =	vmul.f32 v4, v3  }
0xbd: {  	v3 =	vld [tilespmem:s17+$0x60];
	v2 =	vadd.f32 v5, v2;
	v5 =	vadd.f32 v7, v6;
	v6 =	vmul.f32 v20, v16  }
0xbe: {  	v4 =	vld [tilespmem:s1+$0x60];
	v7 =	vadd.f32 v10, v11;
	v20 =	vadd.f32 v9, v12  }
0xbf: {  	v14 =	vld [tilespmem:s17+$0x0];
	v11 =	vadd.f32 v13, v2;
	v12 =	vadd.f32 v6, v5  }
0xc0: {  	v2 =	vld [tilespmem:s1+$0x0]  }
0xc1: {  	v15 =	vld [tilespmem:s17+$0x10]  }
0xc2: {  	v16 =	vld [tilespmem:s1+$0x10]  }
0xc3: {  	v5 =	vld [tilespmem:s17+$0x20]  }
0xc4: {  	v6 =	vld [tilespmem:s1+$0x20]  }
0xc5: {  	v18 =	vld [tilespmem:s17+$0xFFFFFFC0]  }
0xc6: {  	v22 =	vld [tilespmem:s1+$0xFFFFFFC0]  }
0xc7: {  	v23 =	vld [tilespmem:s17+$0xFFFFFFD0]  }
0xc8: {  	v24 =	vld [tilespmem:s1+$0xFFFFFFD0]  }
0xc9: {  	v28 =	vld [tilespmem:s17+$0xFFFFFFE0]  }
0xca: {  	v29 =	vld [tilespmem:s1+$0xFFFFFFE0]  }
0xcb: {  	v25 =	vld [tilespmem:s17+$0xFFFFFF80]  }
0xcc: {  	v26 =	vld [tilespmem:s1+$0xFFFFFF80]  }
0xcd: {  	v27 =	vld [tilespmem:s17+$0xFFFFFF90]  }
0xce: {  	v30 =	vld [tilespmem:s1+$0xFFFFFF90]  }
0xcf: {  	v31 =	vld [tilespmem:s17+$0xFFFFFFA0]  }
0xd0: {  	v32 =	vld [tilespmem:s1+$0xFFFFFFA0]  }
0xd1: {  	v33 =	vld [tilespmem:s17+$0xFFFFFFB0]  }
0xd2: {  	s16 =	sadd.s32 $0x4, s16;
	v34 =	vld [tilespmem:s1+$0xFFFFFFB0]  }
0xd3: {  	p0 =	slt.u32 s16, $0x7C;
	v10 =	vmul.f32 v19, v1;
	v9 =	vmul.f32 v8, v21;
	v17 =	vld [tilespmem:s17+$0xFFFFFFF0]  }
.Ltmp0:
0xd4: {  	v13 =	vmul.f32 v2, v14;
	v14 =	vmul.f32 v16, v15;
	v19 =	vld [tilespmem:s1+$0xFFFFFFF0];
	(pc) =	sbr.rel @p0 .LBB2_2-.Ltmp0, $4  }
0xd5: {  	v21 =	vmul.f32 v22, v18;
	v22 =	vmul.f32 v24, v23;
	v15 =	vld [tilespmem:s17+$0x30]  }
0xd6: {  	v1 =	vmul.f32 v26, v25;
	v2 =	vmul.f32 v30, v27;
	v18 =	vld [tilespmem:s1+$0x30]  }
0xd7: {  	v26 =	vmul.f32 v32, v31;
	v27 =	vmul.f32 v34, v33;
	v16 =	vld [tilespmem:s17+$0x70]  }
0xd8: {  	v23 =	vmul.f32 v29, v28;
	v24 =	vadd.f32 v1, v7;
	v25 =	vadd.f32 v2, v20;
	s17 =	sadd.s32 $0x100, s17;
	v20 =	vld [tilespmem:s1+$0x70]  }
0xd9: {  	_ =	swait.ge [sflag:s21], $0x2000  }
0xda: {  	[sflag:s21] =	ssyncset.done $0x0  }
0xdb: {  	[sflag:s21] =	ssyncadd.s32 $0xFFFFE000  }
0xdc: {  	_ =	swait.ge [sflag:s22], $0x2000  }
0xdd: {  	[sflag:s22] =	ssyncset.done $0x0  }
0xde: {  	s16 =	simm.s32 $0x28F0;
	[sflag:s22] =	ssyncadd.s32 $0xFFFFE000  }
0xdf: {  	[tilespmem:s25], [sflag:$0x2] =	stream.indirect.gather [hbm4b:s4+s12], $0x40, s28, s12, $0xb8;
	[tilespmem:$0xCC10] =	vst v63  }
0xe0: {  	s1 =	simm.s32 $0xA8F0;
	v28 =	vld [tilespmem:s16+$0xFFFFFFD0]  }
0xe1: {  	v29 =	vld [tilespmem:s1+$0xFFFFFFD0]  }
0xe2: {  	v30 =	vld [tilespmem:s16+$0xFFFFFFE0]  }
0xe3: {  	v31 =	vld [tilespmem:s1+$0xFFFFFFE0]  }
0xe4: {  	v1 =	vld [tilespmem:s16+$0xFFFFFFF0]  }
0xe5: {  	v2 =	vld [tilespmem:s1+$0xFFFFFFF0]  }
0xe6: {  	v32 =	vld [tilespmem:s16+$0xFFFFFF90]  }
0xe7: {  	v33 =	vld [tilespmem:s1+$0xFFFFFF90]  }
0xe8: {  	v34 =	vld [tilespmem:s16+$0xFFFFFFA0]  }
0xe9: {  	v35 =	vld [tilespmem:s1+$0xFFFFFFA0]  }
0xea: {  	v7 =	vld [tilespmem:s16+$0xFFFFFFB0]  }
0xeb: {  	v8 =	vld [tilespmem:s1+$0xFFFFFFB0]  }
0xec: {  	v36 =	vld [tilespmem:s16+$0xFFFFFF50]  }
0xed: {  	v37 =	vld [tilespmem:s1+$0xFFFFFF50]  }
0xee: {  	v38 =	vld [tilespmem:s16+$0xFFFFFF60]  }
0xef: {  	v39 =	vld [tilespmem:s1+$0xFFFFFF60]  }
0xf0: {  	v40 =	vld [tilespmem:s16+$0xFFFFFF70]  }
0xf1: {  	v41 =	vld [tilespmem:s1+$0xFFFFFF70]  }
0xf2: {  	v42 =	vld [tilespmem:s16+$0xFFFFFF10]  }
0xf3: {  	v43 =	vld [tilespmem:s1+$0xFFFFFF10]  }
0xf4: {  	v44 =	vld [tilespmem:s16+$0xFFFFFF20]  }
0xf5: {  	v11 =	vadd.f32 v26, v11;
	v12 =	vadd.f32 v27, v12;
	v26 =	vld [tilespmem:s1+$0xFFFFFF20]  }
0xf6: {  	v17 =	vmul.f32 v19, v17;
	v5 =	vmul.f32 v6, v5;
	v19 =	vadd.f32 v21, v24;
	v24 =	vld [tilespmem:s16+$0xFFFFFF30]  }
0xf7: {  	v27 =	vmul.f32 v4, v3;
	v21 =	vadd.f32 v22, v25;
	v6 =	vadd.f32 v23, v11;
	v25 =	vld [tilespmem:s1+$0xFFFFFF30]  }
0xf8: {  	v11 =	vadd.f32 v17, v12;
	v12 =	vmul.f32 v18, v15;
	v13 =	vadd.f32 v13, v19;
	v18 =	vld [tilespmem:s16+$0xFFFFFF40]  }
0xf9: {  	v14 =	vadd.f32 v14, v21;
	v5 =	vadd.f32 v5, v6;
	v6 =	vmul.f32 v20, v16;
	v45 =	vld [tilespmem:s1+$0xFFFFFF40]  }
0xfa: {  	v12 =	vadd.f32 v12, v11;
	v19 =	vld [tilespmem:s16+$0xFFFFFF80];
	v4 =	vmul.f32 v29, v28;
	v3 =	vmul.f32 v31, v30  }
0xfb: {  	v10 =	vadd.f32 v10, v13;
	v21 =	vld [tilespmem:s1+$0xFFFFFF80];
	v15 =	vmul.f32 v33, v32;
	v16 =	vmul.f32 v35, v34  }
0xfc: {  	v9 =	vadd.f32 v9, v14;
	v17 =	vld [tilespmem:s16+$0xFFFFFFC0];
	v22 =	vmul.f32 v37, v36;
	v23 =	vmul.f32 v39, v38  }
0xfd: {  	v11 =	vadd.f32 v27, v5;
	v20 =	vld [tilespmem:s1+$0xFFFFFFC0];
	v5 =	vmul.f32 v43, v42;
	v13 =	vmul.f32 v26, v44  }
0xfe: {  	v12 =	vadd.f32 v6, v12;
	v28 =	vmul.f32 v25, v24;
	v29 =	vmul.f32 v45, v18;
	v18 =	vld [tilespmem:s16+$0x0]  }
0xff: {  	s17 =	simm.s32 $0x29F0;
	s16 =	simm.s32 $0x0;
	v25 =	vmul.f32 v41, v40;
	v24 =	vld [tilespmem:s1+$0x0];
	v26 =	vadd.f32 v5, v10;
	v27 =	vadd.f32 v13, v9  }
.LBB2_4:
0x100: {  	v5 =	vld [tilespmem:s17+$0xFFFFFFD0];
	v6 =	vadd.f32 v28, v11;
	v9 =	vadd.f32 v29, v12;
	v10 =	vmul.f32 v21, v19;
	s1 =	sadd.s32 $0x100, s1  }
0x101: {  	v7 =	vmul.f32 v8, v7;
	v13 =	vld [tilespmem:s1+$0xFFFFFFD0];
	v11 =	vadd.f32 v22, v26;
	v12 =	vadd.f32 v23, v27  }
0x102: {  	v14 =	vld [tilespmem:s17+$0xFFFFFFE0];
	v6 =	vadd.f32 v25, v6;
	v8 =	vadd.f32 v10, v9;
	v9 =	vmul.f32 v20, v17  }
0x103: {  	v10 =	vld [tilespmem:s1+$0xFFFFFFE0];
	v11 =	vadd.f32 v15, v11;
	v12 =	vadd.f32 v16, v12;
	v15 =	vmul.f32 v2, v1  }
0x104: {  	v1 =	vld [tilespmem:s17+$0xFFFFFFF0];
	v6 =	vadd.f32 v7, v6;
	v7 =	vadd.f32 v9, v8;
	v8 =	vmul.f32 v24, v18  }
0x105: {  	v2 =	vld [tilespmem:s1+$0xFFFFFFF0];
	v9 =	vadd.f32 v4, v11;
	v24 =	vadd.f32 v3, v12  }
0x106: {  	v16 =	vld [tilespmem:s17+$0xFFFFFF90];
	v11 =	vadd.f32 v15, v6;
	v12 =	vadd.f32 v8, v7  }
0x107: {  	v6 =	vld [tilespmem:s1+$0xFFFFFF90]  }
0x108: {  	v17 =	vld [tilespmem:s17+$0xFFFFFFA0]  }
0x109: {  	v18 =	vld [tilespmem:s1+$0xFFFFFFA0]  }
0x10a: {  	v7 =	vld [tilespmem:s17+$0xFFFFFFB0]  }
0x10b: {  	v8 =	vld [tilespmem:s1+$0xFFFFFFB0]  }
0x10c: {  	v20 =	vld [tilespmem:s17+$0xFFFFFF50]  }
0x10d: {  	v22 =	vld [tilespmem:s1+$0xFFFFFF50]  }
0x10e: {  	v23 =	vld [tilespmem:s17+$0xFFFFFF60]  }
0x10f: {  	v25 =	vld [tilespmem:s1+$0xFFFFFF60]  }
0x110: {  	v30 =	vld [tilespmem:s17+$0xFFFFFF70]  }
0x111: {  	v31 =	vld [tilespmem:s1+$0xFFFFFF70]  }
0x112: {  	v26 =	vld [tilespmem:s17+$0xFFFFFF10]  }
0x113: {  	v27 =	vld [tilespmem:s1+$0xFFFFFF10]  }
0x114: {  	v28 =	vld [tilespmem:s17+$0xFFFFFF20]  }
0x115: {  	v29 =	vld [tilespmem:s1+$0xFFFFFF20]  }
0x116: {  	v32 =	vld [tilespmem:s17+$0xFFFFFF30]  }
0x117: {  	v33 =	vld [tilespmem:s1+$0xFFFFFF30]  }
0x118: {  	v34 =	vld [tilespmem:s17+$0xFFFFFF40]  }
0x119: {  	s16 =	sadd.s32 $0x4, s16;
	v35 =	vld [tilespmem:s1+$0xFFFFFF40]  }
0x11a: {  	p0 =	slt.u32 s16, $0x7C;
	v4 =	vmul.f32 v13, v5;
	v3 =	vmul.f32 v10, v14;
	v19 =	vld [tilespmem:s17+$0xFFFFFF80]  }
.Ltmp1:
0x11b: {  	v15 =	vmul.f32 v6, v16;
	v16 =	vmul.f32 v18, v17;
	v21 =	vld [tilespmem:s1+$0xFFFFFF80];
	(pc) =	sbr.rel @p0 .LBB2_4-.Ltmp1, $4  }
0x11c: {  	v22 =	vmul.f32 v22, v20;
	v23 =	vmul.f32 v25, v23;
	v17 =	vld [tilespmem:s17+$0xFFFFFFC0]  }
0x11d: {  	v5 =	vmul.f32 v27, v26;
	v6 =	vmul.f32 v29, v28;
	v20 =	vld [tilespmem:s1+$0xFFFFFFC0]  }
0x11e: {  	v28 =	vmul.f32 v33, v32;
	v29 =	vmul.f32 v35, v34;
	v18 =	vld [tilespmem:s17+$0x0]  }
0x11f: {  	v25 =	vmul.f32 v31, v30;
	v26 =	vadd.f32 v5, v9;
	v27 =	vadd.f32 v6, v24;
	s17 =	sadd.s32 $0x100, s17;
	v24 =	vld [tilespmem:s1+$0x0]  }
0x120: {  	_ =	swait.ge [sflag:s21], $0x2000  }
0x121: {  	[sflag:s21] =	ssyncset.done $0x0  }
0x122: {  	[sflag:s21] =	ssyncadd.s32 $0xFFFFE000  }
0x123: {  	_ =	swait.ge [sflag:s22], $0x2000  }
0x124: {  	[sflag:s22] =	ssyncset.done $0x0  }
0x125: {  	s1 =	simm.s32 $0x0;
	[sflag:s22] =	ssyncadd.s32 $0xFFFFE000  }
0x126: {  	[tilespmem:s24], [sflag:$0x2] =	stream.indirect.gather [hbm4b:s4+s12], $0x40, s29, s12, $0xb8;
	[tilespmem:$0xCC10] =	vst v63  }
0x127: {  	v30 =	vld [tilespmem:s1+$0x48C0]  }
0x128: {  	v31 =	vld [tilespmem:s1+$0x88C0]  }
0x129: {  	v32 =	vld [tilespmem:s1+$0x48D0]  }
0x12a: {  	v33 =	vld [tilespmem:s1+$0x88D0]  }
0x12b: {  	v5 =	vld [tilespmem:s1+$0x48E0]  }
0x12c: {  	v6 =	vld [tilespmem:s1+$0x88E0]  }
0x12d: {  	v34 =	vld [tilespmem:s1+$0x4880]  }
0x12e: {  	v35 =	vld [tilespmem:s1+$0x8880]  }
0x12f: {  	v36 =	vld [tilespmem:s1+$0x4890]  }
0x130: {  	v37 =	vld [tilespmem:s1+$0x8890]  }
0x131: {  	v9 =	vld [tilespmem:s1+$0x48A0]  }
0x132: {  	v10 =	vld [tilespmem:s1+$0x88A0]  }
0x133: {  	v38 =	vld [tilespmem:s1+$0x4840]  }
0x134: {  	v39 =	vld [tilespmem:s1+$0x8840]  }
0x135: {  	v40 =	vld [tilespmem:s1+$0x4850]  }
0x136: {  	v41 =	vld [tilespmem:s1+$0x8850]  }
0x137: {  	v13 =	vld [tilespmem:s1+$0x4860]  }
0x138: {  	v14 =	vld [tilespmem:s1+$0x8860]  }
0x139: {  	v42 =	vld [tilespmem:s1+$0x4800]  }
0x13a: {  	v43 =	vld [tilespmem:s1+$0x8800]  }
0x13b: {  	v44 =	vld [tilespmem:s1+$0x4810]  }
0x13c: {  	v11 =	vadd.f32 v28, v11;
	v12 =	vadd.f32 v29, v12;
	v28 =	vld [tilespmem:s1+$0x8810]  }
0x13d: {  	v19 =	vmul.f32 v21, v19;
	v21 =	vadd.f32 v22, v26;
	v22 =	vadd.f32 v23, v27;
	v23 =	vld [tilespmem:s1+$0x4820]  }
0x13e: {  	v7 =	vmul.f32 v8, v7;
	v1 =	vmul.f32 v2, v1;
	v8 =	vadd.f32 v25, v11;
	v29 =	vld [tilespmem:s1+$0x8820]  }
0x13f: {  	v11 =	vadd.f32 v19, v12;
	v12 =	vmul.f32 v20, v17;
	v15 =	vadd.f32 v15, v21;
	v45 =	vld [tilespmem:s1+$0x4830]  }
0x140: {  	v16 =	vadd.f32 v16, v22;
	v2 =	vadd.f32 v7, v8;
	v7 =	vmul.f32 v24, v18;
	v8 =	vld [tilespmem:s1+$0x8830]  }
0x141: {  	v18 =	vadd.f32 v12, v11;
	v22 =	vld [tilespmem:s1+$0x4870];
	v12 =	vmul.f32 v31, v30;
	v11 =	vmul.f32 v33, v32  }
0x142: {  	v15 =	vadd.f32 v4, v15;
	v25 =	vld [tilespmem:s1+$0x8870];
	v19 =	vmul.f32 v35, v34;
	v20 =	vmul.f32 v37, v36  }
0x143: {  	v17 =	vadd.f32 v3, v16;
	v21 =	vld [tilespmem:s1+$0x48B0];
	v26 =	vmul.f32 v39, v38;
	v27 =	vmul.f32 v41, v40  }
0x144: {  	v16 =	vadd.f32 v1, v2;
	v24 =	vld [tilespmem:s1+$0x88B0];
	v30 =	vmul.f32 v43, v42;
	v31 =	vmul.f32 v28, v44  }
0x145: {  	s16 =	simm.s32 $0x0;
	s17 =	simm.s32 $0x400;
	v18 =	vadd.f32 v7, v18;
	v28 =	vmul.f32 v29, v23;
	v29 =	vmul.f32 v8, v45;
	v23 =	vld [tilespmem:s1+$0x48F0]  }
.LBB2_6:
0x146: {  	v1 =	vadd.f32 v30, v15;
	v2 =	vadd.f32 v31, v17;
	v3 =	vmul.f32 v14, v13;
	v4 =	vld [tilespmem:s1+$0x88F0];
	s1 =	sshra.s32 s17, $0x2  }
0x147: {  	v7 =	vld [tilespmem:s1+$0x48C0];
	v8 =	vadd.f32 v28, v16;
	v13 =	vadd.f32 v29, v18;
	v14 =	vmul.f32 v25, v22  }
0x148: {  	v9 =	vmul.f32 v10, v9;
	v25 =	vld [tilespmem:s1+$0x88C0];
	v1 =	vadd.f32 v26, v1;
	v2 =	vadd.f32 v27, v2  }
0x149: {  	v26 =	vld [tilespmem:s1+$0x48D0];
	v3 =	vadd.f32 v3, v8;
	v8 =	vadd.f32 v14, v13;
	v10 =	vmul.f32 v24, v21  }
0x14a: {  	v13 =	vmul.f32 v6, v5;
	v21 =	vld [tilespmem:s1+$0x88D0];
	v1 =	vadd.f32 v19, v1;
	v2 =	vadd.f32 v20, v2  }
0x14b: {  	v5 =	vld [tilespmem:s1+$0x48E0];
	v3 =	vadd.f32 v9, v3;
	v8 =	vadd.f32 v10, v8;
	v4 =	vmul.f32 v4, v23  }
0x14c: {  	v6 =	vld [tilespmem:s1+$0x88E0];
	v15 =	vadd.f32 v12, v1;
	v17 =	vadd.f32 v11, v2  }
0x14d: {  	v1 =	vld [tilespmem:s1+$0x4880];
	v16 =	vadd.f32 v13, v3;
	v18 =	vadd.f32 v4, v8  }
0x14e: {  	v2 =	vld [tilespmem:s1+$0x8880]  }
0x14f: {  	v3 =	vld [tilespmem:s1+$0x4890]  }
0x150: {  	v4 =	vld [tilespmem:s1+$0x8890]  }
0x151: {  	v9 =	vld [tilespmem:s1+$0x48A0]  }
0x152: {  	v10 =	vld [tilespmem:s1+$0x88A0]  }
0x153: {  	v8 =	vld [tilespmem:s1+$0x4840]  }
0x154: {  	v23 =	vld [tilespmem:s1+$0x8840]  }
0x155: {  	v24 =	vld [tilespmem:s1+$0x4850]  }
0x156: {  	v27 =	vld [tilespmem:s1+$0x8850]  }
0x157: {  	v13 =	vld [tilespmem:s1+$0x4860]  }
0x158: {  	v14 =	vld [tilespmem:s1+$0x8860]  }
0x159: {  	v28 =	vld [tilespmem:s1+$0x4800]  }
0x15a: {  	v29 =	vld [tilespmem:s1+$0x8800]  }
0x15b: {  	v31 =	vld [tilespmem:s1+$0x4810]  }
0x15c: {  	v32 =	vld [tilespmem:s1+$0x8810]  }
0x15d: {  	v33 =	vld [tilespmem:s1+$0x4820]  }
0x15e: {  	v34 =	vld [tilespmem:s1+$0x8820]  }
0x15f: {  	s16 =	sadd.s32 $0x4, s16;
	v35 =	vld [tilespmem:s1+$0x4830]  }
0x160: {  	p0 =	slt.u32 s16, $0x7C;
	v36 =	vld [tilespmem:s1+$0x8830]  }
.Ltmp2:
0x161: {  	v12 =	vmul.f32 v25, v7;
	v11 =	vmul.f32 v21, v26;
	v22 =	vld [tilespmem:s1+$0x4870];
	(pc) =	sbr.rel @p0 .LBB2_6-.Ltmp2, $4  }
0x162: {  	v19 =	vmul.f32 v2, v1;
	v20 =	vmul.f32 v4, v3;
	v25 =	vld [tilespmem:s1+$0x8870]  }
0x163: {  	v26 =	vmul.f32 v23, v8;
	v27 =	vmul.f32 v27, v24;
	v21 =	vld [tilespmem:s1+$0x48B0]  }
0x164: {  	v30 =	vmul.f32 v29, v28;
	v31 =	vmul.f32 v32, v31;
	v24 =	vld [tilespmem:s1+$0x88B0]  }
0x165: {  	s17 =	sadd.s32 $0x400, s17;
	v28 =	vmul.f32 v34, v33;
	v29 =	vmul.f32 v36, v35;
	v23 =	vld [tilespmem:s1+$0x48F0]  }
0x166: {  	v32 =	vld [tilespmem:s1+$0x88F0];
	_ =	swait.ge [sflag:s21], $0x2000  }
0x167: {  	[sflag:s21] =	ssyncset.done $0x0  }
0x168: {  	[sflag:s21] =	ssyncadd.s32 $0xFFFFE000  }
0x169: {  	_ =	swait.ge [sflag:s22], $0x2000  }
0x16a: {  	[sflag:s22] =	ssyncset.done $0x0  }
0x16b: {  	s1 =	simm.s32 $0x0;
	[sflag:s22] =	ssyncadd.s32 $0xFFFFE000  }
0x16c: {  	v33 =	vld [tilespmem:s1+$0x68C0]  }
0x16d: {  	v34 =	vld [tilespmem:s1+$0xA8C0]  }
0x16e: {  	v35 =	vld [tilespmem:s1+$0x68D0]  }
0x16f: {  	v36 =	vld [tilespmem:s1+$0xA8D0]  }
0x170: {  	v1 =	vld [tilespmem:s1+$0x68E0]  }
0x171: {  	v2 =	vld [tilespmem:s1+$0xA8E0]  }
0x172: {  	v37 =	vld [tilespmem:s1+$0x6880]  }
0x173: {  	v38 =	vld [tilespmem:s1+$0xA880]  }
0x174: {  	v39 =	vld [tilespmem:s1+$0x6890]  }
0x175: {  	v40 =	vld [tilespmem:s1+$0xA890]  }
0x176: {  	v3 =	vld [tilespmem:s1+$0x68A0]  }
0x177: {  	v4 =	vld [tilespmem:s1+$0xA8A0]  }
0x178: {  	v41 =	vld [tilespmem:s1+$0x6840]  }
0x179: {  	v42 =	vld [tilespmem:s1+$0xA840]  }
0x17a: {  	v43 =	vld [tilespmem:s1+$0x6850]  }
0x17b: {  	v44 =	vld [tilespmem:s1+$0xA850]  }
0x17c: {  	v7 =	vld [tilespmem:s1+$0x6860]  }
0x17d: {  	v8 =	vld [tilespmem:s1+$0xA860]  }
0x17e: {  	v45 =	vld [tilespmem:s1+$0x6800]  }
0x17f: {  	v46 =	vld [tilespmem:s1+$0xA800]  }
0x180: {  	v15 =	vadd.f32 v30, v15;
	v17 =	vadd.f32 v31, v17;
	v13 =	vmul.f32 v14, v13;
	v59 =	vld [tilespmem:s1+$0x6810]  }
0x181: {  	v14 =	vadd.f32 v28, v16;
	v16 =	vadd.f32 v29, v18;
	v18 =	vmul.f32 v25, v22;
	v22 =	vld [tilespmem:s1+$0xA810]  }
0x182: {  	v15 =	vadd.f32 v26, v15;
	v17 =	vadd.f32 v27, v17;
	v27 =	vld [tilespmem:s1+$0x6820]  }
0x183: {  	v9 =	vmul.f32 v10, v9;
	v10 =	vadd.f32 v13, v14;
	v13 =	vadd.f32 v18, v16;
	v60 =	vld [tilespmem:s1+$0xA820]  }
0x184: {  	v14 =	vmul.f32 v24, v21;
	v15 =	vadd.f32 v19, v15;
	v16 =	vadd.f32 v20, v17;
	v61 =	vld [tilespmem:s1+$0x6830]  }
0x185: {  	v17 =	vmul.f32 v6, v5;
	v24 =	vadd.f32 v9, v10;
	v23 =	vmul.f32 v32, v23;
	v62 =	vld [tilespmem:s1+$0xA830]  }
0x186: {  	v63 =	vadd.f32 v14, v13;
	v18 =	vld [tilespmem:s1+$0x6870];
	v6 =	vmul.f32 v34, v33;
	v5 =	vmul.f32 v36, v35  }
0x187: {  	v13 =	vadd.f32 v12, v15;
	v19 =	vld [tilespmem:s1+$0xA870];
	v10 =	vmul.f32 v38, v37;
	v9 =	vmul.f32 v40, v39  }
0x188: {  	v14 =	vadd.f32 v11, v16;
	v16 =	vld [tilespmem:s1+$0x68B0];
	v21 =	vmul.f32 v42, v41;
	v20 =	vmul.f32 v44, v43  }
0x189: {  	v11 =	vadd.f32 v17, v24;
	v17 =	vld [tilespmem:s1+$0xA8B0];
	v26 =	vmul.f32 v46, v45;
	v25 =	vmul.f32 v22, v59  }
0x18a: {  	s16 =	simm.s32 $0x0;
	s17 =	simm.s32 $0x400;
	v15 =	vld [tilespmem:s1+$0x68F0];
	v12 =	vadd.f32 v23, v63;
	v24 =	vmul.f32 v60, v27;
	v23 =	vmul.f32 v62, v61  }
.LBB2_8:
0x18b: {  	v13 =	vadd.f32 v26, v13;
	v14 =	vadd.f32 v25, v14;
	v7 =	vmul.f32 v8, v7;
	v8 =	vld [tilespmem:s1+$0xA8F0];
	s1 =	sshra.s32 s17, $0x2  }
0x18c: {  	v22 =	vld [tilespmem:s1+$0x68C0];
	v11 =	vadd.f32 v24, v11;
	v12 =	vadd.f32 v23, v12;
	v18 =	vmul.f32 v19, v18  }
0x18d: {  	v3 =	vmul.f32 v4, v3;
	v19 =	vld [tilespmem:s1+$0xA8C0];
	v13 =	vadd.f32 v21, v13;
	v14 =	vadd.f32 v20, v14  }
0x18e: {  	v20 =	vld [tilespmem:s1+$0x68D0];
	v4 =	vadd.f32 v7, v11;
	v7 =	vadd.f32 v18, v12;
	v11 =	vmul.f32 v17, v16  }
0x18f: {  	v12 =	vmul.f32 v2, v1;
	v16 =	vld [tilespmem:s1+$0xA8D0];
	v10 =	vadd.f32 v10, v13;
	v9 =	vadd.f32 v9, v14  }
0x190: {  	v1 =	vld [tilespmem:s1+$0x68E0];
	v3 =	vadd.f32 v3, v4;
	v4 =	vadd.f32 v11, v7;
	v7 =	vmul.f32 v8, v15  }
0x191: {  	v2 =	vld [tilespmem:s1+$0xA8E0];
	v13 =	vadd.f32 v6, v10;
	v14 =	vadd.f32 v5, v9  }
0x192: {  	v9 =	vld [tilespmem:s1+$0x6880];
	v11 =	vadd.f32 v12, v3;
	v12 =	vadd.f32 v7, v4  }
0x193: {  	v10 =	vld [tilespmem:s1+$0xA880]  }
0x194: {  	v15 =	vld [tilespmem:s1+$0x6890]  }
0x195: {  	v17 =	vld [tilespmem:s1+$0xA890]  }
0x196: {  	v3 =	vld [tilespmem:s1+$0x68A0]  }
0x197: {  	v4 =	vld [tilespmem:s1+$0xA8A0]  }
0x198: {  	v21 =	vld [tilespmem:s1+$0x6840]  }
0x199: {  	v23 =	vld [tilespmem:s1+$0xA840]  }
0x19a: {  	v24 =	vld [tilespmem:s1+$0x6850]  }
0x19b: {  	v25 =	vld [tilespmem:s1+$0xA850]  }
0x19c: {  	v7 =	vld [tilespmem:s1+$0x6860]  }
0x19d: {  	v8 =	vld [tilespmem:s1+$0xA860]  }
0x19e: {  	v26 =	vld [tilespmem:s1+$0x6800]  }
0x19f: {  	v27 =	vld [tilespmem:s1+$0xA800]  }
0x1a0: {  	v28 =	vld [tilespmem:s1+$0x6810]  }
0x1a1: {  	v29 =	vld [tilespmem:s1+$0xA810]  }
0x1a2: {  	v30 =	vld [tilespmem:s1+$0x6820]  }
0x1a3: {  	v31 =	vld [tilespmem:s1+$0xA820]  }
0x1a4: {  	s16 =	sadd.s32 $0x4, s16;
	v32 =	vld [tilespmem:s1+$0x6830]  }
0x1a5: {  	p0 =	slt.u32 s16, $0x7C;
	v33 =	vld [tilespmem:s1+$0xA830]  }
.Ltmp3:
0x1a6: {  	v6 =	vmul.f32 v19, v22;
	v5 =	vmul.f32 v16, v20;
	v18 =	vld [tilespmem:s1+$0x6870];
	(pc) =	sbr.rel @p0 .LBB2_8-.Ltmp3, $4  }
0x1a7: {  	v10 =	vmul.f32 v10, v9;
	v9 =	vmul.f32 v17, v15;
	v19 =	vld [tilespmem:s1+$0xA870]  }
0x1a8: {  	v21 =	vmul.f32 v23, v21;
	v20 =	vmul.f32 v25, v24;
	v16 =	vld [tilespmem:s1+$0x68B0]  }
0x1a9: {  	v26 =	vmul.f32 v27, v26;
	v25 =	vmul.f32 v29, v28;
	v17 =	vld [tilespmem:s1+$0xA8B0]  }
0x1aa: {  	s17 =	sadd.s32 $0x400, s17;
	v24 =	vmul.f32 v31, v30;
	v23 =	vmul.f32 v33, v32;
	v15 =	vld [tilespmem:s1+$0x68F0]  }
0x1ab: {  	v22 =	vld [tilespmem:s1+$0xA8F0];
	_ =	swait.ge [sflag:s30], $0x80  }
0x1ac: {  	[sflag:s30] =	ssyncset.done $0x0  }
0x1ad: {  	[sflag:s30] =	ssyncadd.s32 $0xFFFFFF80  }
0x1ae: {  	_ =	swait.ge [sflag:s30], $0x80  }
0x1af: {  	[sflag:s30] =	ssyncset.done $0x0  }
0x1b0: {  	[sflag:s30] =	ssyncadd.s32 $0xFFFFFF80  }
0x1b1: {  	_ =	swait.ge [sflag:s30], $0x80  }
0x1b2: {  	[sflag:s30] =	ssyncset.done $0x0  }
0x1b3: {  	[sflag:s30] =	ssyncadd.s32 $0xFFFFFF80  }
0x1b4: {  	_ =	swait.ge [sflag:s30], $0x80  }
0x1b5: {  	[sflag:s30] =	ssyncset.done $0x0  }
0x1b6: {  	[sflag:s30] =	ssyncadd.s32 $0xFFFFFF80  }
0x1b7: {  	_ =	swait.ge [sflag:s30], $0x80  }
0x1b8: {  	[sflag:s30] =	ssyncset.done $0x0  }
0x1b9: {  	[sflag:s30] =	ssyncadd.s32 $0xFFFFFF80  }
0x1ba: {  	_ =	swait.ge [sflag:s30], $0x80  }
0x1bb: {  	[sflag:s30] =	ssyncset.done $0x0  }
0x1bc: {  	[sflag:s30] =	ssyncadd.s32 $0xFFFFFF80  }
0x1bd: {  	_ =	swait.ge [sflag:s30], $0x80  }
0x1be: {  	[sflag:s30] =	ssyncset.done $0x0  }
0x1bf: {  	[sflag:s30] =	ssyncadd.s32 $0xFFFFFF80  }
0x1c0: {  	_ =	swait.ge [sflag:s30], $0x80  }
0x1c1: {  	[sflag:s30] =	ssyncset.done $0x0  }
0x1c2: {  	[sflag:s30] =	ssyncadd.s32 $0xFFFFFF80  }
0x1c3: {  	v27 =	vld [tilespmem:$0xC800]  }
0x1c4: {  	v28 =	vld [tilespmem:$0xCA00]  }
0x1c5: {  	v29 =	vld [tilespmem:$0xC810]  }
0x1c6: {  	v30 =	vld [tilespmem:$0xCA10]  }
0x1c7: {  	v31 =	vld [tilespmem:$0xC820]  }
0x1c8: {  	v32 =	vld [tilespmem:$0xCA20]  }
0x1c9: {  	v33 =	vld [tilespmem:$0xC830]  }
0x1ca: {  	v34 =	vld [tilespmem:$0xCA30]  }
0x1cb: {  	v35 =	vld [tilespmem:$0xC840]  }
0x1cc: {  	v36 =	vld [tilespmem:$0xCA40]  }
0x1cd: {  	v37 =	vld [tilespmem:$0xC850]  }
0x1ce: {  	v38 =	vld [tilespmem:$0xCA50]  }
0x1cf: {  	v39 =	vld [tilespmem:$0xC860]  }
0x1d0: {  	v40 =	vld [tilespmem:$0xCA60]  }
0x1d1: {  	v41 =	vld [tilespmem:$0xC870]  }
0x1d2: {  	v42 =	vld [tilespmem:$0xCA70]  }
0x1d3: {  	v43 =	vld [tilespmem:$0xC880]  }
0x1d4: {  	v44 =	vld [tilespmem:$0xCA80]  }
0x1d5: {  	v45 =	vld [tilespmem:$0xC890]  }
0x1d6: {  	v46 =	vld [tilespmem:$0xCA90]  }
0x1d7: {  	v47 =	vld [tilespmem:$0xC8A0]  }
0x1d8: {  	v48 =	vld [tilespmem:$0xCAA0]  }
0x1d9: {  	v49 =	vld [tilespmem:$0xC8B0]  }
0x1da: {  	v50 =	vld [tilespmem:$0xCAB0]  }
0x1db: {  	v51 =	vld [tilespmem:$0xC8C0]  }
0x1dc: {  	v52 =	vld [tilespmem:$0xCAC0]  }
0x1dd: {  	v53 =	vld [tilespmem:$0xC8D0]  }
0x1de: {  	v54 =	vld [tilespmem:$0xCAD0]  }
0x1df: {  	v55 =	vld [tilespmem:$0xC8E0]  }
0x1e0: {  	v56 =	vld [tilespmem:$0xCAE0]  }
0x1e1: {  	v57 =	vld [tilespmem:$0xC8F0]  }
0x1e2: {  	v58 =	vld [tilespmem:$0xCAF0]  }
0x1e3: {  	v59 =	vld [tilespmem:$0xC900]  }
0x1e4: {  	v60 =	vld [tilespmem:$0xCB00]  }
0x1e5: {  	v61 =	vld [tilespmem:$0xC910]  }
0x1e6: {  	v62 =	vld [tilespmem:$0xCB10]  }
0x1e7: {  	v63 =	vld [tilespmem:$0xC920]  }
0x1e8: {  	v27 =	vadd.f32 v28, v27;
	v28 =	vld [tilespmem:$0xCB20]  }
0x1e9: {  	v29 =	vadd.f32 v30, v29;
	v30 =	vld [tilespmem:$0xC930]  }
0x1ea: {  	v36 =	vadd.f32 v36, v35;
	v35 =	vld [tilespmem:$0xCB50];
	[tilespmem:$0xC800] =	vst v27  }
0x1eb: {  	v38 =	vadd.f32 v38, v37;
	v40 =	vadd.f32 v40, v39;
	v37 =	vld [tilespmem:$0xCB60];
	[tilespmem:$0xC810] =	vst v29  }
0x1ec: {  	v42 =	vadd.f32 v42, v41;
	v44 =	vadd.f32 v44, v43;
	v39 =	vld [tilespmem:$0xCB70];
	[tilespmem:$0xC840] =	vst v36  }
0x1ed: {  	v47 =	vadd.f32 v48, v47;
	v48 =	vadd.f32 v50, v49;
	v50 =	vld [tilespmem:$0xCB80];
	[tilespmem:$0xC850] =	vst v38  }
0x1ee: {  	v49 =	vadd.f32 v52, v51;
	v51 =	vadd.f32 v54, v53;
	v53 =	vld [tilespmem:$0xCB90];
	[tilespmem:$0xC860] =	vst v40  }
0x1ef: {  	v46 =	vadd.f32 v46, v45;
	v52 =	vadd.f32 v56, v55;
	v55 =	vld [tilespmem:$0xC9A0];
	[tilespmem:$0xC870] =	vst v42  }
0x1f0: {  	v54 =	vadd.f32 v58, v57;
	v57 =	vld [tilespmem:$0xCBA0];
	[tilespmem:$0xC880] =	vst v44  }
0x1f1: {  	v56 =	vadd.f32 v60, v59;
	v59 =	vld [tilespmem:$0xC9B0];
	[tilespmem:$0xC890] =	vst v46  }
0x1f2: {  	v58 =	vadd.f32 v62, v61;
	v61 =	vld [tilespmem:$0xCBB0];
	[tilespmem:$0xC8A0] =	vst v47  }
0x1f3: {  	v27 =	vadd.f32 v32, v31;
	v31 =	vld [tilespmem:$0xCB30];
	[tilespmem:$0xC8B0] =	vst v48  }
0x1f4: {  	v32 =	vld [tilespmem:$0xC940];
	[tilespmem:$0xC8C0] =	vst v49  }
0x1f5: {  	v29 =	vadd.f32 v34, v33;
	v33 =	vld [tilespmem:$0xCB40];
	[tilespmem:$0xC8D0] =	vst v51  }
0x1f6: {  	v34 =	vld [tilespmem:$0xC950];
	[tilespmem:$0xC8E0] =	vst v52  }
0x1f7: {  	v36 =	vld [tilespmem:$0xC960];
	[tilespmem:$0xC8F0] =	vst v54  }
0x1f8: {  	v38 =	vld [tilespmem:$0xC970];
	[tilespmem:$0xC900] =	vst v56  }
0x1f9: {  	v40 =	vld [tilespmem:$0xC980];
	[tilespmem:$0xC910] =	vst v58  }
0x1fa: {  	v13 =	vadd.f32 v26, v13;
	v42 =	vld [tilespmem:$0xC990];
	[tilespmem:$0xC820] =	vst v27;
	v60 =	vadd.f32 v28, v63  }
0x1fb: {  	v14 =	vadd.f32 v25, v14;
	v47 =	vld [tilespmem:$0xCBD0];
	[tilespmem:$0xC830] =	vst v29;
	v55 =	vadd.f32 v57, v55  }
0x1fc: {  	v11 =	vadd.f32 v24, v11;
	v49 =	vld [tilespmem:$0xC9E0];
	v58 =	vadd.f32 v61, v59;
	[tilespmem:$0xC920] =	vst v60  }
0x1fd: {  	v7 =	vmul.f32 v8, v7;
	v12 =	vadd.f32 v23, v12;
	v51 =	vld [tilespmem:$0xCBE0];
	v62 =	vadd.f32 v31, v30;
	[tilespmem:$0xC9A0] =	vst v55  }
0x1fe: {  	v18 =	vmul.f32 v19, v18;
	v14 =	vadd.f32 v20, v14;
	v56 =	vld [tilespmem:$0xCBF0];
	v31 =	vadd.f32 v33, v32;
	[tilespmem:$0xC9B0] =	vst v58  }
0x1ff: {  	v7 =	vadd.f32 v7, v11;
	v63 =	vld [tilespmem:$0xC9C0];
	v33 =	vadd.f32 v35, v34;
	[tilespmem:$0xC930] =	vst v62  }
0x200: {  	v12 =	vadd.f32 v18, v12;
	v32 =	vld [tilespmem:$0xCBC0];
	v37 =	vadd.f32 v37, v36;
	[tilespmem:$0xC940] =	vst v31  }
0x201: {  	v3 =	vmul.f32 v4, v3;
	v9 =	vadd.f32 v9, v14;
	v34 =	vld [tilespmem:$0xC9D0];
	v48 =	vadd.f32 v39, v38;
	[tilespmem:$0xC950] =	vst v33  }
0x202: {  	v50 =	vadd.f32 v50, v40;
	v52 =	vadd.f32 v53, v42;
	v53 =	vld [tilespmem:$0xC9F0];
	[tilespmem:$0xC960] =	vst v37  }
0x203: {  	v3 =	vadd.f32 v3, v7;
	v5 =	vadd.f32 v5, v9;
	v57 =	vmul.f32 v17, v16;
	[tilespmem:$0xC970] =	vst v48  }
0x204: {  	v35 =	vadd.f32 v21, v13;
	[tilespmem:$0xC980] =	vst v50;
	v62 =	vadd.f32 v51, v49  }
0x205: {  	v1 =	vmul.f32 v2, v1;
	v2 =	vadd.f32 v57, v12;
	[tilespmem:$0xC990] =	vst v52;
	v59 =	vadd.f32 v32, v63  }
0x206: {  	v61 =	vmul.f32 v22, v15;
	v54 =	vadd.f32 v10, v35;
	[tilespmem:$0xC9E0] =	vst v62;
	v60 =	vadd.f32 v47, v34  }
0x207: {  	v1 =	vadd.f32 v1, v3;
	v63 =	vadd.f32 v56, v53;
	[tilespmem:$0xC9C0] =	vst v59  }
0x208: {  	v2 =	vadd.f32 v61, v2;
	v4 =	vadd.f32 v6, v54;
	[tilespmem:$0xC9D0] =	vst v60  }
0x209: {  	[tilespmem:$0xC9F0] =	vst v63  }
0x20a: {  	v1 =	vadd.f32 v2, v1;
	v3 =	vadd.f32 v5, v4;
	[hbm4b:s9+s2] =	stream.linear.scatter [tilespmem:s26], [sflag:$0x4], $0x200, $0x38;
	[tilespmem:$0xCC10] =	vst v63  }
0x20b: {  	_ =	swait.ge [sflag:s14], $0x200  }
0x20c: {  	s0 =	sadd.s32 $0x1, s0;
	v1 =	vadd.f32 v1, v3;
	[sflag:s14] =	ssyncset.done $0x0  }
0x20d: {  	p0 =	sne.s32 s0, s11;
	[sflag:s14] =	ssyncadd.s32 $0xFFFFFE00  }
.Ltmp4:
0x20e: {  	[tilespmem:$0xCC00] =	vst v1;
	(pc) =	sbr.rel @p0 .LBB2_1-.Ltmp4, $4  }
0x20f: {  	[hbm4b:s10+s2] =	stream.linear.scatter [tilespmem:s31], [sflag:$0x4], $0x10, $0x38;
	[tilespmem:$0xCC10] =	vst v63  }
0x210: {  	_ =	swait.ge [sflag:s14], $0x10  }
0x211: {  	[sflag:s14] =	ssyncset.done $0x0  }
0x212: {  	[sflag:s14] =	ssyncadd.s32 $0xFFFFFFF0  }
0x213: {  	_ =	sfence.sel $0x180000  }
0x214: {  	[bflag:$0x0] =	sbarrier.arrive $0xFFFF  }
0x215: {  	_ =	strace $0x90000047  }
0x216: {  	s0 =	stileid.u32;
	[bflag:$0x2] =	sbarrier.arrive $0xFFFF  }
0x217: {  	p0 =	sne.s32 s0, $0x0;
	s0 =	rddreg [dreg:$0x3]  }
0x218: {  	s0 =	sadd.s32 @!p0 $0x100000, s0  }
0x219: {  	[sflag:s0] =	ssyncadd.tile.s32 @!p0 $0x1;
	_ =	shalt  }
.Lfunc_end2:
_tile_overlayer_lowered:
.L_overlay_start_2:
0x21a: {  	(tag) =	ssettag $0x2  }
0x21b: {  	s0 =	rddreg [dreg:$0x0];
	s2 =	stileid.u32  }
0x21c: {  	s1 =	rddreg [dreg:$0x1];
	p0 =	sne.s32 s2, $0x0  }
0x21d: {  	s3 =	rddreg [dreg:$0x2];
	[bflag:$0x3] =	sbarrier.arrive $0xFFFF;
	s2 =	simm.s32 @!p0 $0x1C04  }
0x21e: {  	[timem:s3], [sflag:s2] =	dma.local @!p0 [hbm:s0], s1  }
0x21f: {  	s0 =	simm.s32 @!p0 $0x4  }
0x220: {  	_ =	swait.ge @!p0 [sflag:s0], s1  }
0x221: {  	s1 =	ssub.s32 @!p0 $0x0, s1;
	[sflag:s0] =	ssyncset.done @!p0 $0x0  }
0x222: {  	[sflag:s0] =	ssyncadd.s32 @!p0 s1  }
0x223: {  	[bflag:$0x3] =	sbarrier.arrive $0xFFFF  }
0x224: {  	_ =	shalt  }

</sc_bundles>
